<compile_context>
chip_gen: v7x
topology: tpu7x:2x2x1
jax: 0.10.2.dev20260603
libtpu: 0.0.44.dev20260713+nightly
codegen_flags: <defaults>
</compile_context>

<pallas_src>
import jax
import jax.numpy as jnp
from jax import lax
from jax.experimental import pallas as pl
from jax.experimental.pallas import tpu as pltpu
from jax.experimental.pallas import tpu_sc as plsc

N_FIELDS = 26
VOCAB = 100000
D_MODEL = 64
BATCH = 4096
NC, NS, L = 2, 16, 16
NW = NC * NS
B_TOTAL = N_FIELDS * BATCH

SUP = 4096
W = 512
WPS = SUP // W
SPF = (VOCAB + SUP - 1) // SUP
NSUP = N_FIELDS * SPF
ROUNDS = (NSUP + NW - 1) // NW
TAIL0 = (VOCAB // 128) * 128
WCLAMP = TAIL0 - W
NTAIL = VOCAB - TAIL0
RING = 64
NBUF = 3
VMASK = (1 << 17) - 1


def _wait_row(out_hbm, rows_v, osem):
    pltpu.make_async_copy(
        rows_v.at[pl.ds(0, D_MODEL)],
        out_hbm.at[pl.ds(0, D_MODEL)], osem).wait()


def _body(xs_hbm, tab_hbm, tail_hbm, out_hbm,
          idx_f, tabw, tailw, hitp, subp, rows_v, sem0, sem1, sem2, osem):
    wsems = (sem0, sem1, sem2)
    wid = lax.axis_index("s") * NC + lax.axis_index("c")
    lane = lax.iota(jnp.int32, L)
    d_vecs = [lane + kk * L for kk in range(D_MODEL // L)]
    blane = lane * (1 << 17)

    def emit_rows(cnt_w, outst, fbase, gather_col):
        def drain_n(n):
            def dbody(i, c):
                _wait_row(out_hbm, rows_v, osem)
                return c
            lax.fori_loop(0, n, dbody, 0)

        def hit_body(j, c):
            p = subp[pl.ds(j, L)][0]
            vv = p & VMASK
            b = lax.shift_right_logical(p, 17)
            jr = lax.rem(j, RING)
            slot = jr * D_MODEL
            for k in range(D_MODEL // L):
                col = gather_col(vv, k)
                rows_v[pl.ds(slot + k * L, L)] = col
            pltpu.async_copy(
                rows_v.at[pl.ds(slot, D_MODEL)],
                out_hbm.at[pl.ds(fbase + b * D_MODEL, D_MODEL)], osem)

            @pl.when(jr == RING - 1)
            def _():
                drain_n(RING)

            return c

        lax.fori_loop(0, cnt_w, hit_body, 0)
        drain_n(lax.rem(cnt_w, RING))
        return outst

    def sub_scan(cnt, wlo, whi):
        def sbody(jv, c):
            p = hitp[pl.ds(jv * L, L)]
            v = p & VMASK
            m = (v >= wlo) & (v < whi)
            pc = plsc.all_reduce_population_count(m)
            plsc.store_compressed(subp.at[pl.ds(c, L)], p, mask=m)
            return c + pc[0]

        nv = lax.div(cnt + (L - 1), L)
        return lax.fori_loop(0, nv, sbody, 0)

    def wstart(f, k, s0):
        w0c = jnp.minimum(s0 + k * W, WCLAMP)
        pltpu.async_copy(
            tab_hbm.at[f, :, pl.ds(w0c, W)], tabw.at[k % NBUF], wsems[k % NBUF])
        return w0c

    def wwait(f, k, s0, w0c):
        pltpu.make_async_copy(
            tab_hbm.at[f, :, pl.ds(w0c, W)], tabw.at[k % NBUF],
            wsems[k % NBUF]).wait()

    def round_fn(sid, outst):
        f = lax.div(sid, SPF)
        si = lax.rem(sid, SPF)
        s0 = si * SUP
        fbase = f * (BATCH * D_MODEL)
        islast = si == (SPF - 1)

        pltpu.sync_copy(xs_hbm.at[pl.ds(f * BATCH, BATCH)], idx_f)
        w_pend = [wstart(f, 0, s0), wstart(f, 1, s0)]

        def scan_body(k, c):
            v = idx_f[pl.ds(k * L, L)]
            m = lax.bitcast_convert_type(v - s0, jnp.uint32) < jnp.uint32(SUP)
            pc = plsc.all_reduce_population_count(m)
            plsc.store_compressed(
                hitp.at[pl.ds(c, L)], v + blane + (k * (L << 17)), mask=m)
            return c + pc[0]

        cnt = lax.fori_loop(0, BATCH // L, scan_body, 0)
        hitp[pl.ds(cnt, L)] = jnp.full((L,), VMASK, jnp.int32)

        for k in range(WPS):
            wlo = s0 + k * W
            whi = jnp.minimum(wlo + W, TAIL0)
            cnt_w = sub_scan(cnt, wlo, whi)
            w0c = w_pend[0]
            wwait(f, k, s0, w0c)
            w_pend = [w_pend[1],
                      wstart(f, k + 2, s0) if k + 2 < WPS else None]

            def gather_win(vv, kk, _w0c=w0c, _k=k):
                vv_vec = jnp.full((L,), vv, jnp.int32) - _w0c
                return plsc.load_gather(tabw.at[_k % NBUF],
                                        [d_vecs[kk], vv_vec])

            outst = emit_rows(cnt_w, outst, fbase, gather_win)

        def tail_fn(o):
            pltpu.sync_copy(
                tail_hbm.at[pl.ds(f * (NTAIL * D_MODEL), NTAIL * D_MODEL)],
                tailw)
            cnt_t = sub_scan(cnt, TAIL0, VOCAB)

            def gather_tail(vv, kk):
                idx = (vv - TAIL0) * D_MODEL + d_vecs[kk]
                return plsc.load_gather(tailw, [idx])

            return emit_rows(cnt_t, o, fbase, gather_tail)

        return lax.cond(islast, tail_fn, lambda o: o, outst)

    def one_round(r, outst):
        sid = wid + r * NW
        return lax.cond(sid < NSUP, round_fn, lambda s, o: o, sid, outst)

    lax.fori_loop(0, ROUNDS, one_round, 0)


def kernel(xs, tables):
    xs_flat = xs.reshape(B_TOTAL)
    tab_v = jnp.swapaxes(tables, 1, 2)
    tail = tables[:, TAIL0:, :].reshape(-1)
    fn = pl.kernel(
        _body,
        mesh=plsc.VectorSubcoreMesh(core_axis_name="c", subcore_axis_name="s"),
        compiler_params=pltpu.CompilerParams(
            use_tc_tiling_on_sc=True, needs_layout_passes=False),
        out_type=jax.ShapeDtypeStruct((B_TOTAL * D_MODEL,), jnp.float32),
        scratch_types=[
            pltpu.VMEM((BATCH,), jnp.int32),
            pltpu.VMEM((NBUF, D_MODEL, W), jnp.float32),
            pltpu.VMEM((NTAIL * D_MODEL,), jnp.float32),
            pltpu.VMEM((BATCH + L,), jnp.int32),
            pltpu.VMEM((BATCH + L,), jnp.int32),
            pltpu.VMEM((RING * D_MODEL,), jnp.float32),
            pltpu.SemaphoreType.DMA,
            pltpu.SemaphoreType.DMA,
            pltpu.SemaphoreType.DMA,
            pltpu.SemaphoreType.DMA,
        ],
    )
    out = fn(xs_flat, tab_v, tail)
    return out.reshape(N_FIELDS, BATCH, D_MODEL)

# --- scband reference (transcript-rebuilt; emitter-appended) ---
"""Pipeline reference for scband-client-embedding-20495583937267 (READ-ONLY COPY).

The authoritative reference and input builder live on the scoring server;
editing this copy changes nothing except your own understanding.
"""

import jax, jax.numpy as jnp
import numpy as np

N_FIELDS = 26
VOCAB = 100000
D_MODEL = 64
BATCH = 4096


def setup_inputs(seed: int = 0) -> dict:
    key = jax.random.key(seed)
    k_idx, k_tab = jax.random.split(key)
    # forward input: xs is a stack of per-field index vectors [n_fields, batch]
    xs = jax.random.randint(k_idx, (N_FIELDS, BATCH), 0, VOCAB, dtype=jnp.int32)
    # learned parameters: one embedding table per field, stacked [n_fields, vocab, d_model]
    tables = jax.random.normal(k_tab, (N_FIELDS, VOCAB, D_MODEL), dtype=jnp.float32) * 0.02
    return {"xs": xs, "tables": tables}


def reference(xs, tables):
    # ClientEmbedding.forward: iterate over fields, look up each field's
    # indices in its own TokenEmbedding table, collect the results.
    hs = []
    for i in range(N_FIELDS):
        tok_emb = jnp.take(tables[i], xs[i], axis=0)  # embedding gather
        hs.append(tok_emb)
    # original returns a python list of tensors; stack for a single array output
    return jnp.stack(hs, axis=0)  # [n_fields, batch, d_model]

if __name__ == "__main__":
    import jax
    _d = setup_inputs()
    print(jax.jit(kernel)(*tuple(_d.values())))

</pallas_src>

<mosaic_0001>
#map = affine_map<(d0, d1) -> (0)>
#map1 = affine_map<(d0, d1) -> (0, 0, 0)>
module attributes {stable_mosaic.version = 14 : i64} {
  func.func @_body(%arg0: i32, %arg1: i32, %arg2: memref<106496xi32, #tpu.memory_space<hbm>>, %arg3: memref<26x64x100000xf32, #tpu.memory_space<hbm>>, %arg4: memref<53248xf32, #tpu.memory_space<hbm>>, %arg5: memref<6815744xf32, #tpu.memory_space<hbm>>, %arg6: memref<4096xi32, #tpu.memory_space<vmem>>, %arg7: memref<3x64x512xf32, #tpu.memory_space<vmem>>, %arg8: memref<2048xf32, #tpu.memory_space<vmem>>, %arg9: memref<4112xi32, #tpu.memory_space<vmem>>, %arg10: memref<4112xi32, #tpu.memory_space<vmem>>, %arg11: memref<4096xf32, #tpu.memory_space<vmem>>, %arg12: memref<!tpu.dma_semaphore, #tpu.memory_space<semaphore_mem>>, %arg13: memref<!tpu.dma_semaphore, #tpu.memory_space<semaphore_mem>>, %arg14: memref<!tpu.dma_semaphore, #tpu.memory_space<semaphore_mem>>, %arg15: memref<!tpu.dma_semaphore, #tpu.memory_space<semaphore_mem>>) attributes {dimension_semantics = [#tpu.dimension_semantics<core_parallel>, #tpu.dimension_semantics<subcore_parallel>], iteration_bounds = array<i64: 2, 16>, scalar_prefetch = 0 : i64, scratch_operands = 10 : i64, tpu.core_type = #tpu.core_type<sc_vector_subcore>, window_params = [{transform_indices = #map}, {transform_indices = #map1}, {transform_indices = #map}, {transform_indices = #map}]} {
    %mul3A = arith.constant 2 : i32
    %mul3A_0 = arith.muli %arg1, %mul3A : i32
    %add3A = arith.addi %mul3A_0, %arg0 : i32
    %iota3A = tpu.iota {dimensions = array<i32: 0>} : vector<16xi32>
    %add3A_1 = arith.constant 0 : i32
    %add3A_2 = vector.broadcast %add3A_1 : i32 to vector<16xi32>
    %add3A_3 = arith.addi %iota3A, %add3A_2 : vector<16xi32>
    %add3A_4 = arith.constant 16 : i32
    %add3A_5 = vector.broadcast %add3A_4 : i32 to vector<16xi32>
    %add3A_6 = arith.addi %iota3A, %add3A_5 : vector<16xi32>
    %add3A_7 = arith.constant 32 : i32
    %add3A_8 = vector.broadcast %add3A_7 : i32 to vector<16xi32>
    %add3A_9 = arith.addi %iota3A, %add3A_8 : vector<16xi32>
    %add3A_10 = arith.constant 48 : i32
    %add3A_11 = vector.broadcast %add3A_10 : i32 to vector<16xi32>
    %add3A_12 = arith.addi %iota3A, %add3A_11 : vector<16xi32>
    %mul3A_13 = arith.constant 131072 : i32
    %mul3A_14 = vector.broadcast %mul3A_13 : i32 to vector<16xi32>
    %mul3A_15 = arith.muli %iota3A, %mul3A_14 : vector<16xi32>
    %scan3A = arith.constant 0 : i32
    %scan3A_16 = arith.constant 0 : i32
    %scan3A_17 = arith.constant 21 : i32
    %scan3A_18 = arith.addi %scan3A_16, %scan3A_17 : i32
    %scan3A_19 = arith.constant 1 : i32
    scf.for %scan3A_21 = %scan3A_16 to %scan3A_18 step %scan3A_19  : i32 {
      %mul3A_22 = arith.constant 32 : i32
      %mul3A_23 = arith.muli %scan3A_21, %mul3A_22 : i32
      %add3A_24 = arith.addi %add3A, %mul3A_23 : i32
      %lt3A = arith.constant 650 : i32
      %lt3A_25 = arith.cmpi slt, %add3A_24, %lt3A : i32
      %convert_element_type3A = arith.extui %lt3A_25 : i1 to i32
      %cond3A = arith.constant 0 : i32
      %cond3A_26 = arith.cmpi ne, %convert_element_type3A, %cond3A : i32
      scf.if %cond3A_26 {
        %div3A = arith.constant 25 : i32
        %div3A_27 = arith.divsi %add3A_24, %div3A : i32
        %rem3A = arith.constant 25 : i32
        %rem3A_28 = arith.remsi %add3A_24, %rem3A : i32
        %mul3A_29 = arith.constant 4096 : i32
        %mul3A_30 = arith.muli %rem3A_28, %mul3A_29 : i32
        %mul3A_31 = arith.constant 262144 : i32
        %mul3A_32 = arith.muli %div3A_27, %mul3A_31 : i32
        %eq3A = arith.constant 24 : i32
        %eq3A_33 = arith.cmpi eq, %rem3A_28, %eq3A : i32
        %mul3A_34 = arith.constant 4096 : i32
        %mul3A_35 = arith.muli %div3A_27, %mul3A_34 : i32
        "tpu.region"() ({
          %run_scoped3A = tpu.sem_alloc : memref<!tpu.dma_semaphore, #tpu.memory_space<semaphore_mem>>
          %dma_start3A_668 = tpu.memref_slice %arg2[%mul3A_35] : memref<106496xi32, #tpu.memory_space<hbm>> -> memref<4096xi32, #tpu.memory_space<hbm>>
          %dma_start3A_669 = tpu.memref_slice %arg2[%mul3A_35] : memref<106496xi32, #tpu.memory_space<hbm>> -> memref<4096xi32, #tpu.memory_space<hbm>>
          tpu.enqueue_dma source(%dma_start3A_669 : memref<4096xi32, #tpu.memory_space<hbm>>) target(%arg6 : memref<4096xi32, #tpu.memory_space<vmem>>) target_semaphore(%run_scoped3A : memref<!tpu.dma_semaphore, #tpu.memory_space<semaphore_mem>>)
          %dma_wait3A_670 = tpu.memref_slice %arg2[%mul3A_35] : memref<106496xi32, #tpu.memory_space<hbm>> -> memref<4096xi32, #tpu.memory_space<hbm>>
          %dma_wait3A_671 = tpu.memref_slice %arg2[%mul3A_35] : memref<106496xi32, #tpu.memory_space<hbm>> -> memref<4096xi32, #tpu.memory_space<hbm>>
          tpu.wait_dma2 semaphore(%run_scoped3A : memref<!tpu.dma_semaphore, #tpu.memory_space<semaphore_mem>>) src(%dma_wait3A_671 : memref<4096xi32, #tpu.memory_space<hbm>>) dst(%arg6 : memref<4096xi32, #tpu.memory_space<vmem>>)
          tpu.yield
        }) : () -> ()
        %add3A_36 = arith.constant 0 : i32
        %add3A_37 = arith.addi %mul3A_30, %add3A_36 : i32
        %min3A = arith.constant 99456 : i32
        %min3A_38 = arith.minsi %add3A_37, %min3A : i32
        %dma_start3A = arith.constant 0 : i32
        %dma_start3A_39 = arith.constant 0 : i32
        %dma_start3A_40 = arith.constant 0 : i32
        %dma_start3A_41 = tpu.memref_slice %arg7[%dma_start3A, %dma_start3A_39, %dma_start3A_40] : memref<3x64x512xf32, #tpu.memory_space<vmem>> -> memref<1x64x512xf32, #tpu.memory_space<vmem>>
        %dma_start3A_42 = tpu.memref_squeeze %dma_start3A_41 : memref<1x64x512xf32, #tpu.memory_space<vmem>> -> memref<64x512xf32, #tpu.memory_space<vmem>>
        %dma_start3A_43 = arith.constant 0 : i32
        %dma_start3A_44 = tpu.memref_slice %arg3[%div3A_27, %dma_start3A_43, %min3A_38] : memref<26x64x100000xf32, #tpu.memory_space<hbm>> -> memref<1x64x512xf32, #tpu.memory_space<hbm>>
        %dma_start3A_45 = tpu.memref_squeeze %dma_start3A_44 : memref<1x64x512xf32, #tpu.memory_space<hbm>> -> memref<64x512xf32, #tpu.memory_space<hbm>>
        %dma_start3A_46 = arith.constant 0 : i32
        %dma_start3A_47 = arith.constant 0 : i32
        %dma_start3A_48 = tpu.memref_slice %arg7[%dma_start3A, %dma_start3A_46, %dma_start3A_47] : memref<3x64x512xf32, #tpu.memory_space<vmem>> -> memref<1x64x512xf32, #tpu.memory_space<vmem>>
        %dma_start3A_49 = tpu.memref_squeeze %dma_start3A_48 : memref<1x64x512xf32, #tpu.memory_space<vmem>> -> memref<64x512xf32, #tpu.memory_space<vmem>>
        %dma_start3A_50 = arith.constant 0 : i32
        %dma_start3A_51 = tpu.memref_slice %arg3[%div3A_27, %dma_start3A_50, %min3A_38] : memref<26x64x100000xf32, #tpu.memory_space<hbm>> -> memref<1x64x512xf32, #tpu.memory_space<hbm>>
        %dma_start3A_52 = tpu.memref_squeeze %dma_start3A_51 : memref<1x64x512xf32, #tpu.memory_space<hbm>> -> memref<64x512xf32, #tpu.memory_space<hbm>>
        tpu.enqueue_dma source(%dma_start3A_52 : memref<64x512xf32, #tpu.memory_space<hbm>>) target(%dma_start3A_49 : memref<64x512xf32, #tpu.memory_space<vmem>>) target_semaphore(%arg12 : memref<!tpu.dma_semaphore, #tpu.memory_space<semaphore_mem>>)
        %add3A_53 = arith.constant 512 : i32
        %add3A_54 = arith.addi %mul3A_30, %add3A_53 : i32
        %min3A_55 = arith.constant 99456 : i32
        %min3A_56 = arith.minsi %add3A_54, %min3A_55 : i32
        %dma_start3A_57 = arith.constant 1 : i32
        %dma_start3A_58 = arith.constant 0 : i32
        %dma_start3A_59 = arith.constant 0 : i32
        %dma_start3A_60 = tpu.memref_slice %arg7[%dma_start3A_57, %dma_start3A_58, %dma_start3A_59] : memref<3x64x512xf32, #tpu.memory_space<vmem>> -> memref<1x64x512xf32, #tpu.memory_space<vmem>>
        %dma_start3A_61 = tpu.memref_squeeze %dma_start3A_60 : memref<1x64x512xf32, #tpu.memory_space<vmem>> -> memref<64x512xf32, #tpu.memory_space<vmem>>
        %dma_start3A_62 = arith.constant 0 : i32
        %dma_start3A_63 = tpu.memref_slice %arg3[%div3A_27, %dma_start3A_62, %min3A_56] : memref<26x64x100000xf32, #tpu.memory_space<hbm>> -> memref<1x64x512xf32, #tpu.memory_space<hbm>>
        %dma_start3A_64 = tpu.memref_squeeze %dma_start3A_63 : memref<1x64x512xf32, #tpu.memory_space<hbm>> -> memref<64x512xf32, #tpu.memory_space<hbm>>
        %dma_start3A_65 = arith.constant 0 : i32
        %dma_start3A_66 = arith.constant 0 : i32
        %dma_start3A_67 = tpu.memref_slice %arg7[%dma_start3A_57, %dma_start3A_65, %dma_start3A_66] : memref<3x64x512xf32, #tpu.memory_space<vmem>> -> memref<1x64x512xf32, #tpu.memory_space<vmem>>
        %dma_start3A_68 = tpu.memref_squeeze %dma_start3A_67 : memref<1x64x512xf32, #tpu.memory_space<vmem>> -> memref<64x512xf32, #tpu.memory_space<vmem>>
        %dma_start3A_69 = arith.constant 0 : i32
        %dma_start3A_70 = tpu.memref_slice %arg3[%div3A_27, %dma_start3A_69, %min3A_56] : memref<26x64x100000xf32, #tpu.memory_space<hbm>> -> memref<1x64x512xf32, #tpu.memory_space<hbm>>
        %dma_start3A_71 = tpu.memref_squeeze %dma_start3A_70 : memref<1x64x512xf32, #tpu.memory_space<hbm>> -> memref<64x512xf32, #tpu.memory_space<hbm>>
        tpu.enqueue_dma source(%dma_start3A_71 : memref<64x512xf32, #tpu.memory_space<hbm>>) target(%dma_start3A_68 : memref<64x512xf32, #tpu.memory_space<vmem>>) target_semaphore(%arg13 : memref<!tpu.dma_semaphore, #tpu.memory_space<semaphore_mem>>)
        %scan3A_72 = arith.constant 0 : i32
        %scan3A_73 = arith.constant 0 : i32
        %scan3A_74 = arith.constant 256 : i32
        %scan3A_75 = arith.addi %scan3A_73, %scan3A_74 : i32
        %scan3A_76 = arith.constant 1 : i32
        %scan3A_77 = scf.for %scan3A_668 = %scan3A_73 to %scan3A_75 step %scan3A_76 iter_args(%scan3A_669 = %scan3A_72) -> (i32)  : i32 {
          %mul3A_670 = arith.constant 16 : i32
          %mul3A_671 = arith.muli %scan3A_668, %mul3A_670 : i32
          %get3A = arith.index_cast %mul3A_671 : i32 to index
          %get3A_672 = tpu.vector_load %arg6[%get3A] {strides = array<i32>} : memref<4096xi32, #tpu.memory_space<vmem>>, vector<16xi32>,
          %sub3A = vector.broadcast %mul3A_30 : i32 to vector<16xi32>
          %sub3A_673 = arith.subi %get3A_672, %sub3A : vector<16xi32>
          %bitcast_convert_type3A = tpu.bitcast %sub3A_673 : vector<16xi32> -> vector<16xi32>
          %lt3A_674 = arith.constant 4096 : i32
          %lt3A_675 = vector.broadcast %lt3A_674 : i32 to vector<16xi32>
          %lt3A_676 = arith.cmpi ult, %bitcast_convert_type3A, %lt3A_675 : vector<16xi32>
          %all_reduce_population_count3A = tpu.all_reduce %lt3A_676 {dim = 0 : i64, kind = #tpu.reduction_kind<sum>} : vector<16xi1> -> vector<16xi32>
          %add3A_677 = arith.addi %get3A_672, %mul3A_15 : vector<16xi32>
          %mul3A_678 = arith.constant 2097152 : i32
          %mul3A_679 = arith.muli %scan3A_668, %mul3A_678 : i32
          %add3A_680 = vector.broadcast %mul3A_679 : i32 to vector<16xi32>
          %add3A_681 = arith.addi %add3A_677, %add3A_680 : vector<16xi32>
          %swap3A_682 = arith.index_cast %scan3A_669 : i32 to index
          %swap3A_683 = tpu.vector_load %arg9[%swap3A_682] masked %lt3A_676 {strides = array<i32>} : memref<4112xi32, #tpu.memory_space<vmem>>, vector<16xi32>, vector<16xi1>
          tpu.vector_store %arg9[%swap3A_682], %add3A_681 masked %lt3A_676 {strides = array<i32>} : memref<4112xi32, #tpu.memory_space<vmem>>, vector<16xi32>, vector<16xi1>
          %slice3A = vector.extract_strided_slice %all_reduce_population_count3A {offsets = [0], sizes = [1], strides = [1]} : vector<16xi32> to vector<1xi32>
          %squeeze3A = vector.extract %slice3A[0] : i32 from vector<1xi32>
          %add3A_684 = arith.addi %scan3A_669, %squeeze3A : i32
          scf.yield %add3A_684 : i32
        }
        %scan3A_78 = arith.constant 256 : i32
        %broadcast_in_dim3A = arith.constant 131071 : i32
        %broadcast_in_dim3A_79 = vector.broadcast %broadcast_in_dim3A : i32 to vector<16xi32>
        %swap3A = arith.index_cast %scan3A_77 : i32 to index
        %swap3A_80 = tpu.vector_load %arg9[%swap3A] {strides = array<i32>} : memref<4112xi32, #tpu.memory_space<vmem>>, vector<16xi32>,
        tpu.vector_store %arg9[%swap3A], %broadcast_in_dim3A_79 {strides = array<i32>} : memref<4112xi32, #tpu.memory_space<vmem>>, vector<16xi32>,
        %add3A_81 = arith.constant 0 : i32
        %add3A_82 = arith.addi %mul3A_30, %add3A_81 : i32
        %add3A_83 = arith.constant 512 : i32
        %add3A_84 = arith.addi %add3A_82, %add3A_83 : i32
        %min3A_85 = arith.constant 99968 : i32
        %min3A_86 = arith.minsi %add3A_84, %min3A_85 : i32
        %add3A_87 = arith.constant 15 : i32
        %add3A_88 = arith.addi %scan3A_77, %add3A_87 : i32
        %div3A_89 = arith.constant 16 : i32
        %div3A_90 = arith.divsi %add3A_88, %div3A_89 : i32
        %while3A = arith.constant 0 : i32
        %while3A_91 = arith.constant 0 : i32
        %while3A_92 = arith.subi %div3A_90, %while3A : i32
        %while3A_93 = arith.addi %while3A, %while3A_92 : i32
        %while3A_94 = arith.constant 1 : i32
        %while3A_95 = arith.divsi %while3A_92, %while3A_94 : i32
        %while3A_96 = arith.muli %while3A_95, %while3A_94 : i32
        %while3A_97 = arith.addi %while3A, %while3A_96 : i32
        %while3A_98 = arith.constant 1 : i32
        %while3A_99 = scf.for %while3A_668 = %while3A to %while3A_97 step %while3A_98 iter_args(%while3A_669 = %while3A_91) -> (i32)  : i32 {
          %mul3A_670 = arith.constant 16 : i32
          %mul3A_671 = arith.muli %while3A_668, %mul3A_670 : i32
          %get3A = arith.index_cast %mul3A_671 : i32 to index
          %get3A_672 = tpu.vector_load %arg9[%get3A] {strides = array<i32>} : memref<4112xi32, #tpu.memory_space<vmem>>, vector<16xi32>,
          %and3A = arith.constant 131071 : i32
          %and3A_673 = vector.broadcast %and3A : i32 to vector<16xi32>
          %and3A_674 = arith.andi %get3A_672, %and3A_673 : vector<16xi32>
          %ge3A = vector.broadcast %add3A_82 : i32 to vector<16xi32>
          %ge3A_675 = arith.cmpi sge, %and3A_674, %ge3A : vector<16xi32>
          %lt3A_676 = vector.broadcast %min3A_86 : i32 to vector<16xi32>
          %lt3A_677 = arith.cmpi slt, %and3A_674, %lt3A_676 : vector<16xi32>
          %and3A_678 = arith.andi %ge3A_675, %lt3A_677 : vector<16xi1>
          %all_reduce_population_count3A = tpu.all_reduce %and3A_678 {dim = 0 : i64, kind = #tpu.reduction_kind<sum>} : vector<16xi1> -> vector<16xi32>
          %swap3A_679 = arith.index_cast %while3A_669 : i32 to index
          %swap3A_680 = tpu.vector_load %arg10[%swap3A_679] masked %and3A_678 {strides = array<i32>} : memref<4112xi32, #tpu.memory_space<vmem>>, vector<16xi32>, vector<16xi1>
          tpu.vector_store %arg10[%swap3A_679], %get3A_672 masked %and3A_678 {strides = array<i32>} : memref<4112xi32, #tpu.memory_space<vmem>>, vector<16xi32>, vector<16xi1>
          %slice3A = vector.extract_strided_slice %all_reduce_population_count3A {offsets = [0], sizes = [1], strides = [1]} : vector<16xi32> to vector<1xi32>
          %squeeze3A = vector.extract %slice3A[0] : i32 from vector<1xi32>
          %add3A_681 = arith.addi %while3A_669, %squeeze3A : i32
          scf.yield %add3A_681 : i32
        }
        %while3A_100 = arith.constant 1 : i32
        %while3A_101 = scf.for %while3A_668 = %while3A_97 to %while3A_93 step %while3A_100 iter_args(%while3A_669 = %while3A_99) -> (i32)  : i32 {
          %mul3A_670 = arith.constant 16 : i32
          %mul3A_671 = arith.muli %while3A_668, %mul3A_670 : i32
          %get3A = arith.index_cast %mul3A_671 : i32 to index
          %get3A_672 = tpu.vector_load %arg9[%get3A] {strides = array<i32>} : memref<4112xi32, #tpu.memory_space<vmem>>, vector<16xi32>,
          %and3A = arith.constant 131071 : i32
          %and3A_673 = vector.broadcast %and3A : i32 to vector<16xi32>
          %and3A_674 = arith.andi %get3A_672, %and3A_673 : vector<16xi32>
          %ge3A = vector.broadcast %add3A_82 : i32 to vector<16xi32>
          %ge3A_675 = arith.cmpi sge, %and3A_674, %ge3A : vector<16xi32>
          %lt3A_676 = vector.broadcast %min3A_86 : i32 to vector<16xi32>
          %lt3A_677 = arith.cmpi slt, %and3A_674, %lt3A_676 : vector<16xi32>
          %and3A_678 = arith.andi %ge3A_675, %lt3A_677 : vector<16xi1>
          %all_reduce_population_count3A = tpu.all_reduce %and3A_678 {dim = 0 : i64, kind = #tpu.reduction_kind<sum>} : vector<16xi1> -> vector<16xi32>
          %swap3A_679 = arith.index_cast %while3A_669 : i32 to index
          %swap3A_680 = tpu.vector_load %arg10[%swap3A_679] masked %and3A_678 {strides = array<i32>} : memref<4112xi32, #tpu.memory_space<vmem>>, vector<16xi32>, vector<16xi1>
          tpu.vector_store %arg10[%swap3A_679], %get3A_672 masked %and3A_678 {strides = array<i32>} : memref<4112xi32, #tpu.memory_space<vmem>>, vector<16xi32>, vector<16xi1>
          %slice3A = vector.extract_strided_slice %all_reduce_population_count3A {offsets = [0], sizes = [1], strides = [1]} : vector<16xi32> to vector<1xi32>
          %squeeze3A = vector.extract %slice3A[0] : i32 from vector<1xi32>
          %add3A_681 = arith.addi %while3A_669, %squeeze3A : i32
          scf.yield %add3A_681 : i32
        }
        %dma_wait3A = arith.constant 0 : i32
        %dma_wait3A_102 = arith.constant 0 : i32
        %dma_wait3A_103 = arith.constant 0 : i32
        %dma_wait3A_104 = tpu.memref_slice %arg7[%dma_wait3A, %dma_wait3A_102, %dma_wait3A_103] : memref<3x64x512xf32, #tpu.memory_space<vmem>> -> memref<1x64x512xf32, #tpu.memory_space<vmem>>
        %dma_wait3A_105 = tpu.memref_squeeze %dma_wait3A_104 : memref<1x64x512xf32, #tpu.memory_space<vmem>> -> memref<64x512xf32, #tpu.memory_space<vmem>>
        %dma_wait3A_106 = arith.constant 0 : i32
        %dma_wait3A_107 = tpu.memref_slice %arg3[%div3A_27, %dma_wait3A_106, %min3A_38] : memref<26x64x100000xf32, #tpu.memory_space<hbm>> -> memref<1x64x512xf32, #tpu.memory_space<hbm>>
        %dma_wait3A_108 = tpu.memref_squeeze %dma_wait3A_107 : memref<1x64x512xf32, #tpu.memory_space<hbm>> -> memref<64x512xf32, #tpu.memory_space<hbm>>
        %dma_wait3A_109 = arith.constant 0 : i32
        %dma_wait3A_110 = arith.constant 0 : i32
        %dma_wait3A_111 = tpu.memref_slice %arg7[%dma_wait3A, %dma_wait3A_109, %dma_wait3A_110] : memref<3x64x512xf32, #tpu.memory_space<vmem>> -> memref<1x64x512xf32, #tpu.memory_space<vmem>>
        %dma_wait3A_112 = tpu.memref_squeeze %dma_wait3A_111 : memref<1x64x512xf32, #tpu.memory_space<vmem>> -> memref<64x512xf32, #tpu.memory_space<vmem>>
        %dma_wait3A_113 = arith.constant 0 : i32
        %dma_wait3A_114 = tpu.memref_slice %arg3[%div3A_27, %dma_wait3A_113, %min3A_38] : memref<26x64x100000xf32, #tpu.memory_space<hbm>> -> memref<1x64x512xf32, #tpu.memory_space<hbm>>
        %dma_wait3A_115 = tpu.memref_squeeze %dma_wait3A_114 : memref<1x64x512xf32, #tpu.memory_space<hbm>> -> memref<64x512xf32, #tpu.memory_space<hbm>>
        tpu.wait_dma2 semaphore(%arg12 : memref<!tpu.dma_semaphore, #tpu.memory_space<semaphore_mem>>) src(%dma_wait3A_115 : memref<64x512xf32, #tpu.memory_space<hbm>>) dst(%dma_wait3A_112 : memref<64x512xf32, #tpu.memory_space<vmem>>)
        %add3A_116 = arith.constant 1024 : i32
        %add3A_117 = arith.addi %mul3A_30, %add3A_116 : i32
        %min3A_118 = arith.constant 99456 : i32
        %min3A_119 = arith.minsi %add3A_117, %min3A_118 : i32
        %dma_start3A_120 = arith.constant 2 : i32
        %dma_start3A_121 = arith.constant 0 : i32
        %dma_start3A_122 = arith.constant 0 : i32
        %dma_start3A_123 = tpu.memref_slice %arg7[%dma_start3A_120, %dma_start3A_121, %dma_start3A_122] : memref<3x64x512xf32, #tpu.memory_space<vmem>> -> memref<1x64x512xf32, #tpu.memory_space<vmem>>
        %dma_start3A_124 = tpu.memref_squeeze %dma_start3A_123 : memref<1x64x512xf32, #tpu.memory_space<vmem>> -> memref<64x512xf32, #tpu.memory_space<vmem>>
        %dma_start3A_125 = arith.constant 0 : i32
        %dma_start3A_126 = tpu.memref_slice %arg3[%div3A_27, %dma_start3A_125, %min3A_119] : memref<26x64x100000xf32, #tpu.memory_space<hbm>> -> memref<1x64x512xf32, #tpu.memory_space<hbm>>
        %dma_start3A_127 = tpu.memref_squeeze %dma_start3A_126 : memref<1x64x512xf32, #tpu.memory_space<hbm>> -> memref<64x512xf32, #tpu.memory_space<hbm>>
        %dma_start3A_128 = arith.constant 0 : i32
        %dma_start3A_129 = arith.constant 0 : i32
        %dma_start3A_130 = tpu.memref_slice %arg7[%dma_start3A_120, %dma_start3A_128, %dma_start3A_129] : memref<3x64x512xf32, #tpu.memory_space<vmem>> -> memref<1x64x512xf32, #tpu.memory_space<vmem>>
        %dma_start3A_131 = tpu.memref_squeeze %dma_start3A_130 : memref<1x64x512xf32, #tpu.memory_space<vmem>> -> memref<64x512xf32, #tpu.memory_space<vmem>>
        %dma_start3A_132 = arith.constant 0 : i32
        %dma_start3A_133 = tpu.memref_slice %arg3[%div3A_27, %dma_start3A_132, %min3A_119] : memref<26x64x100000xf32, #tpu.memory_space<hbm>> -> memref<1x64x512xf32, #tpu.memory_space<hbm>>
        %dma_start3A_134 = tpu.memref_squeeze %dma_start3A_133 : memref<1x64x512xf32, #tpu.memory_space<hbm>> -> memref<64x512xf32, #tpu.memory_space<hbm>>
        tpu.enqueue_dma source(%dma_start3A_134 : memref<64x512xf32, #tpu.memory_space<hbm>>) target(%dma_start3A_131 : memref<64x512xf32, #tpu.memory_space<vmem>>) target_semaphore(%arg14 : memref<!tpu.dma_semaphore, #tpu.memory_space<semaphore_mem>>)
        %while3A_135 = arith.constant 0 : i32
        %while3A_136 = arith.constant 0 : i32
        %while3A_137 = arith.subi %while3A_101, %while3A_136 : i32
        %while3A_138 = arith.addi %while3A_136, %while3A_137 : i32
        %while3A_139 = arith.constant 1 : i32
        %while3A_140 = arith.divsi %while3A_137, %while3A_139 : i32
        %while3A_141 = arith.muli %while3A_140, %while3A_139 : i32
        %while3A_142 = arith.addi %while3A_136, %while3A_141 : i32
        %while3A_143 = arith.constant 1 : i32
        scf.for %while3A_668 = %while3A_136 to %while3A_142 step %while3A_143  : i32 {
          %get3A = arith.index_cast %while3A_668 : i32 to index
          %get3A_669 = tpu.vector_load %arg10[%get3A] {strides = array<i32>} : memref<4112xi32, #tpu.memory_space<vmem>>, vector<16xi32>,
          %slice3A = vector.extract_strided_slice %get3A_669 {offsets = [0], sizes = [1], strides = [1]} : vector<16xi32> to vector<1xi32>
          %squeeze3A = vector.extract %slice3A[0] : i32 from vector<1xi32>
          %and3A = arith.constant 131071 : i32
          %and3A_670 = arith.andi %squeeze3A, %and3A : i32
          %shift_right_logical3A = arith.constant 17 : i32
          %shift_right_logical3A_671 = arith.shrui %squeeze3A, %shift_right_logical3A : i32
          %rem3A_672 = arith.constant 64 : i32
          %rem3A_673 = arith.remsi %while3A_668, %rem3A_672 : i32
          %mul3A_674 = arith.constant 64 : i32
          %mul3A_675 = arith.muli %rem3A_673, %mul3A_674 : i32
          %broadcast_in_dim3A_676 = vector.broadcast %and3A_670 : i32 to vector<16xi32>
          %sub3A = vector.broadcast %min3A_38 : i32 to vector<16xi32>
          %sub3A_677 = arith.subi %broadcast_in_dim3A_676, %sub3A : vector<16xi32>
          %gather3A = arith.constant 0 : i32
          %gather3A_678 = arith.constant 0 : i32
          %gather3A_679 = arith.constant 0 : i32
          %gather3A_680 = tpu.memref_slice %arg7[%gather3A, %gather3A_678, %gather3A_679] : memref<3x64x512xf32, #tpu.memory_space<vmem>> -> memref<1x64x512xf32, #tpu.memory_space<vmem>>
          %gather3A_681 = tpu.memref_squeeze %gather3A_680 : memref<1x64x512xf32, #tpu.memory_space<vmem>> -> memref<64x512xf32, #tpu.memory_space<vmem>>
          %gather3A_682 = tpu.vector_load_idx %gather3A_681[%add3A_3, %sub3A_677] : memref<64x512xf32, #tpu.memory_space<vmem>>[vector<16xi32>, vector<16xi32>], vector<16xf32>,
          %add3A_683 = arith.constant 0 : i32
          %add3A_684 = arith.addi %mul3A_675, %add3A_683 : i32
          %swap3A_685 = arith.index_cast %add3A_684 : i32 to index
          %swap3A_686 = tpu.vector_load %arg11[%swap3A_685] {strides = array<i32>} : memref<4096xf32, #tpu.memory_space<vmem>>, vector<16xf32>,
          tpu.vector_store %arg11[%swap3A_685], %gather3A_682 {strides = array<i32>} : memref<4096xf32, #tpu.memory_space<vmem>>, vector<16xf32>,
          %broadcast_in_dim3A_687 = vector.broadcast %and3A_670 : i32 to vector<16xi32>
          %sub3A_688 = vector.broadcast %min3A_38 : i32 to vector<16xi32>
          %sub3A_689 = arith.subi %broadcast_in_dim3A_687, %sub3A_688 : vector<16xi32>
          %gather3A_690 = arith.constant 0 : i32
          %gather3A_691 = arith.constant 0 : i32
          %gather3A_692 = arith.constant 0 : i32
          %gather3A_693 = tpu.memref_slice %arg7[%gather3A_690, %gather3A_691, %gather3A_692] : memref<3x64x512xf32, #tpu.memory_space<vmem>> -> memref<1x64x512xf32, #tpu.memory_space<vmem>>
          %gather3A_694 = tpu.memref_squeeze %gather3A_693 : memref<1x64x512xf32, #tpu.memory_space<vmem>> -> memref<64x512xf32, #tpu.memory_space<vmem>>
          %gather3A_695 = tpu.vector_load_idx %gather3A_694[%add3A_6, %sub3A_689] : memref<64x512xf32, #tpu.memory_space<vmem>>[vector<16xi32>, vector<16xi32>], vector<16xf32>,
          %add3A_696 = arith.constant 16 : i32
          %add3A_697 = arith.addi %mul3A_675, %add3A_696 : i32
          %swap3A_698 = arith.index_cast %add3A_697 : i32 to index
          %swap3A_699 = tpu.vector_load %arg11[%swap3A_698] {strides = array<i32>} : memref<4096xf32, #tpu.memory_space<vmem>>, vector<16xf32>,
          tpu.vector_store %arg11[%swap3A_698], %gather3A_695 {strides = array<i32>} : memref<4096xf32, #tpu.memory_space<vmem>>, vector<16xf32>,
          %broadcast_in_dim3A_700 = vector.broadcast %and3A_670 : i32 to vector<16xi32>
          %sub3A_701 = vector.broadcast %min3A_38 : i32 to vector<16xi32>
          %sub3A_702 = arith.subi %broadcast_in_dim3A_700, %sub3A_701 : vector<16xi32>
          %gather3A_703 = arith.constant 0 : i32
          %gather3A_704 = arith.constant 0 : i32
          %gather3A_705 = arith.constant 0 : i32
          %gather3A_706 = tpu.memref_slice %arg7[%gather3A_703, %gather3A_704, %gather3A_705] : memref<3x64x512xf32, #tpu.memory_space<vmem>> -> memref<1x64x512xf32, #tpu.memory_space<vmem>>
          %gather3A_707 = tpu.memref_squeeze %gather3A_706 : memref<1x64x512xf32, #tpu.memory_space<vmem>> -> memref<64x512xf32, #tpu.memory_space<vmem>>
          %gather3A_708 = tpu.vector_load_idx %gather3A_707[%add3A_9, %sub3A_702] : memref<64x512xf32, #tpu.memory_space<vmem>>[vector<16xi32>, vector<16xi32>], vector<16xf32>,
          %add3A_709 = arith.constant 32 : i32
          %add3A_710 = arith.addi %mul3A_675, %add3A_709 : i32
          %swap3A_711 = arith.index_cast %add3A_710 : i32 to index
          %swap3A_712 = tpu.vector_load %arg11[%swap3A_711] {strides = array<i32>} : memref<4096xf32, #tpu.memory_space<vmem>>, vector<16xf32>,
          tpu.vector_store %arg11[%swap3A_711], %gather3A_708 {strides = array<i32>} : memref<4096xf32, #tpu.memory_space<vmem>>, vector<16xf32>,
          %broadcast_in_dim3A_713 = vector.broadcast %and3A_670 : i32 to vector<16xi32>
          %sub3A_714 = vector.broadcast %min3A_38 : i32 to vector<16xi32>
          %sub3A_715 = arith.subi %broadcast_in_dim3A_713, %sub3A_714 : vector<16xi32>
          %gather3A_716 = arith.constant 0 : i32
          %gather3A_717 = arith.constant 0 : i32
          %gather3A_718 = arith.constant 0 : i32
          %gather3A_719 = tpu.memref_slice %arg7[%gather3A_716, %gather3A_717, %gather3A_718] : memref<3x64x512xf32, #tpu.memory_space<vmem>> -> memref<1x64x512xf32, #tpu.memory_space<vmem>>
          %gather3A_720 = tpu.memref_squeeze %gather3A_719 : memref<1x64x512xf32, #tpu.memory_space<vmem>> -> memref<64x512xf32, #tpu.memory_space<vmem>>
          %gather3A_721 = tpu.vector_load_idx %gather3A_720[%add3A_12, %sub3A_715] : memref<64x512xf32, #tpu.memory_space<vmem>>[vector<16xi32>, vector<16xi32>], vector<16xf32>,
          %add3A_722 = arith.constant 48 : i32
          %add3A_723 = arith.addi %mul3A_675, %add3A_722 : i32
          %swap3A_724 = arith.index_cast %add3A_723 : i32 to index
          %swap3A_725 = tpu.vector_load %arg11[%swap3A_724] {strides = array<i32>} : memref<4096xf32, #tpu.memory_space<vmem>>, vector<16xf32>,
          tpu.vector_store %arg11[%swap3A_724], %gather3A_721 {strides = array<i32>} : memref<4096xf32, #tpu.memory_space<vmem>>, vector<16xf32>,
          %mul3A_726 = arith.constant 64 : i32
          %mul3A_727 = arith.muli %shift_right_logical3A_671, %mul3A_726 : i32
          %add3A_728 = arith.addi %mul3A_32, %mul3A_727 : i32
          %dma_start3A_729 = tpu.memref_slice %arg11[%mul3A_675] : memref<4096xf32, #tpu.memory_space<vmem>> -> memref<64xf32, #tpu.memory_space<vmem>>
          %dma_start3A_730 = tpu.memref_slice %arg5[%add3A_728] : memref<6815744xf32, #tpu.memory_space<hbm>> -> memref<64xf32, #tpu.memory_space<hbm>>
          %dma_start3A_731 = tpu.memref_slice %arg5[%add3A_728] : memref<6815744xf32, #tpu.memory_space<hbm>> -> memref<64xf32, #tpu.memory_space<hbm>>
          %dma_start3A_732 = tpu.memref_slice %arg11[%mul3A_675] : memref<4096xf32, #tpu.memory_space<vmem>> -> memref<64xf32, #tpu.memory_space<vmem>>
          tpu.enqueue_dma source(%dma_start3A_732 : memref<64xf32, #tpu.memory_space<vmem>>) target(%dma_start3A_731 : memref<64xf32, #tpu.memory_space<hbm>>) target_semaphore(%arg15 : memref<!tpu.dma_semaphore, #tpu.memory_space<semaphore_mem>>)
          %eq3A_733 = arith.constant 63 : i32
          %eq3A_734 = arith.cmpi eq, %rem3A_673, %eq3A_733 : i32
          %convert_element_type3A_735 = arith.extui %eq3A_734 : i1 to i32
          %cond3A_736 = arith.constant 0 : i32
          %cond3A_737 = arith.cmpi ne, %convert_element_type3A_735, %cond3A_736 : i32
          scf.if %cond3A_737 {
            %scan3A_738 = arith.constant 0 : i32
            %scan3A_739 = arith.constant 0 : i32
            %scan3A_740 = arith.constant 64 : i32
            %scan3A_741 = arith.addi %scan3A_739, %scan3A_740 : i32
            %scan3A_742 = arith.constant 1 : i32
            scf.for %scan3A_744 = %scan3A_739 to %scan3A_741 step %scan3A_742  : i32 {
              %dma_wait3A_745 = arith.constant 0 : i32
              %dma_wait3A_746 = tpu.memref_slice %arg11[%dma_wait3A_745] : memref<4096xf32, #tpu.memory_space<vmem>> -> memref<64xf32, #tpu.memory_space<vmem>>
              %dma_wait3A_747 = arith.constant 0 : i32
              %dma_wait3A_748 = tpu.memref_slice %arg5[%dma_wait3A_747] : memref<6815744xf32, #tpu.memory_space<hbm>> -> memref<64xf32, #tpu.memory_space<hbm>>
              %dma_wait3A_749 = arith.constant 0 : i32
              %dma_wait3A_750 = tpu.memref_slice %arg5[%dma_wait3A_749] : memref<6815744xf32, #tpu.memory_space<hbm>> -> memref<64xf32, #tpu.memory_space<hbm>>
              %dma_wait3A_751 = arith.constant 0 : i32
              %dma_wait3A_752 = tpu.memref_slice %arg11[%dma_wait3A_751] : memref<4096xf32, #tpu.memory_space<vmem>> -> memref<64xf32, #tpu.memory_space<vmem>>
              tpu.wait_dma2 semaphore(%arg15 : memref<!tpu.dma_semaphore, #tpu.memory_space<semaphore_mem>>) src(%dma_wait3A_752 : memref<64xf32, #tpu.memory_space<vmem>>) dst(%dma_wait3A_750 : memref<64xf32, #tpu.memory_space<hbm>>)
            }
            %scan3A_743 = arith.constant 64 : i32
          } else {
          }
        }
        %while3A_144 = arith.constant 1 : i32
        scf.for %while3A_668 = %while3A_142 to %while3A_138 step %while3A_144  : i32 {
          %get3A = arith.index_cast %while3A_668 : i32 to index
          %get3A_669 = tpu.vector_load %arg10[%get3A] {strides = array<i32>} : memref<4112xi32, #tpu.memory_space<vmem>>, vector<16xi32>,
          %slice3A = vector.extract_strided_slice %get3A_669 {offsets = [0], sizes = [1], strides = [1]} : vector<16xi32> to vector<1xi32>
          %squeeze3A = vector.extract %slice3A[0] : i32 from vector<1xi32>
          %and3A = arith.constant 131071 : i32
          %and3A_670 = arith.andi %squeeze3A, %and3A : i32
          %shift_right_logical3A = arith.constant 17 : i32
          %shift_right_logical3A_671 = arith.shrui %squeeze3A, %shift_right_logical3A : i32
          %rem3A_672 = arith.constant 64 : i32
          %rem3A_673 = arith.remsi %while3A_668, %rem3A_672 : i32
          %mul3A_674 = arith.constant 64 : i32
          %mul3A_675 = arith.muli %rem3A_673, %mul3A_674 : i32
          %broadcast_in_dim3A_676 = vector.broadcast %and3A_670 : i32 to vector<16xi32>
          %sub3A = vector.broadcast %min3A_38 : i32 to vector<16xi32>
          %sub3A_677 = arith.subi %broadcast_in_dim3A_676, %sub3A : vector<16xi32>
          %gather3A = arith.constant 0 : i32
          %gather3A_678 = arith.constant 0 : i32
          %gather3A_679 = arith.constant 0 : i32
          %gather3A_680 = tpu.memref_slice %arg7[%gather3A, %gather3A_678, %gather3A_679] : memref<3x64x512xf32, #tpu.memory_space<vmem>> -> memref<1x64x512xf32, #tpu.memory_space<vmem>>
          %gather3A_681 = tpu.memref_squeeze %gather3A_680 : memref<1x64x512xf32, #tpu.memory_space<vmem>> -> memref<64x512xf32, #tpu.memory_space<vmem>>
          %gather3A_682 = tpu.vector_load_idx %gather3A_681[%add3A_3, %sub3A_677] : memref<64x512xf32, #tpu.memory_space<vmem>>[vector<16xi32>, vector<16xi32>], vector<16xf32>,
          %add3A_683 = arith.constant 0 : i32
          %add3A_684 = arith.addi %mul3A_675, %add3A_683 : i32
          %swap3A_685 = arith.index_cast %add3A_684 : i32 to index
          %swap3A_686 = tpu.vector_load %arg11[%swap3A_685] {strides = array<i32>} : memref<4096xf32, #tpu.memory_space<vmem>>, vector<16xf32>,
          tpu.vector_store %arg11[%swap3A_685], %gather3A_682 {strides = array<i32>} : memref<4096xf32, #tpu.memory_space<vmem>>, vector<16xf32>,
          %broadcast_in_dim3A_687 = vector.broadcast %and3A_670 : i32 to vector<16xi32>
          %sub3A_688 = vector.broadcast %min3A_38 : i32 to vector<16xi32>
          %sub3A_689 = arith.subi %broadcast_in_dim3A_687, %sub3A_688 : vector<16xi32>
          %gather3A_690 = arith.constant 0 : i32
          %gather3A_691 = arith.constant 0 : i32
          %gather3A_692 = arith.constant 0 : i32
          %gather3A_693 = tpu.memref_slice %arg7[%gather3A_690, %gather3A_691, %gather3A_692] : memref<3x64x512xf32, #tpu.memory_space<vmem>> -> memref<1x64x512xf32, #tpu.memory_space<vmem>>
          %gather3A_694 = tpu.memref_squeeze %gather3A_693 : memref<1x64x512xf32, #tpu.memory_space<vmem>> -> memref<64x512xf32, #tpu.memory_space<vmem>>
          %gather3A_695 = tpu.vector_load_idx %gather3A_694[%add3A_6, %sub3A_689] : memref<64x512xf32, #tpu.memory_space<vmem>>[vector<16xi32>, vector<16xi32>], vector<16xf32>,
          %add3A_696 = arith.constant 16 : i32
          %add3A_697 = arith.addi %mul3A_675, %add3A_696 : i32
          %swap3A_698 = arith.index_cast %add3A_697 : i32 to index
          %swap3A_699 = tpu.vector_load %arg11[%swap3A_698] {strides = array<i32>} : memref<4096xf32, #tpu.memory_space<vmem>>, vector<16xf32>,
          tpu.vector_store %arg11[%swap3A_698], %gather3A_695 {strides = array<i32>} : memref<4096xf32, #tpu.memory_space<vmem>>, vector<16xf32>,
          %broadcast_in_dim3A_700 = vector.broadcast %and3A_670 : i32 to vector<16xi32>
          %sub3A_701 = vector.broadcast %min3A_38 : i32 to vector<16xi32>
          %sub3A_702 = arith.subi %broadcast_in_dim3A_700, %sub3A_701 : vector<16xi32>
          %gather3A_703 = arith.constant 0 : i32
          %gather3A_704 = arith.constant 0 : i32
          %gather3A_705 = arith.constant 0 : i32
          %gather3A_706 = tpu.memref_slice %arg7[%gather3A_703, %gather3A_704, %gather3A_705] : memref<3x64x512xf32, #tpu.memory_space<vmem>> -> memref<1x64x512xf32, #tpu.memory_space<vmem>>
          %gather3A_707 = tpu.memref_squeeze %gather3A_706 : memref<1x64x512xf32, #tpu.memory_space<vmem>> -> memref<64x512xf32, #tpu.memory_space<vmem>>
          %gather3A_708 = tpu.vector_load_idx %gather3A_707[%add3A_9, %sub3A_702] : memref<64x512xf32, #tpu.memory_space<vmem>>[vector<16xi32>, vector<16xi32>], vector<16xf32>,
          %add3A_709 = arith.constant 32 : i32
          %add3A_710 = arith.addi %mul3A_675, %add3A_709 : i32
          %swap3A_711 = arith.index_cast %add3A_710 : i32 to index
          %swap3A_712 = tpu.vector_load %arg11[%swap3A_711] {strides = array<i32>} : memref<4096xf32, #tpu.memory_space<vmem>>, vector<16xf32>,
          tpu.vector_store %arg11[%swap3A_711], %gather3A_708 {strides = array<i32>} : memref<4096xf32, #tpu.memory_space<vmem>>, vector<16xf32>,
          %broadcast_in_dim3A_713 = vector.broadcast %and3A_670 : i32 to vector<16xi32>
          %sub3A_714 = vector.broadcast %min3A_38 : i32 to vector<16xi32>
          %sub3A_715 = arith.subi %broadcast_in_dim3A_713, %sub3A_714 : vector<16xi32>
          %gather3A_716 = arith.constant 0 : i32
          %gather3A_717 = arith.constant 0 : i32
          %gather3A_718 = arith.constant 0 : i32
          %gather3A_719 = tpu.memref_slice %arg7[%gather3A_716, %gather3A_717, %gather3A_718] : memref<3x64x512xf32, #tpu.memory_space<vmem>> -> memref<1x64x512xf32, #tpu.memory_space<vmem>>
          %gather3A_720 = tpu.memref_squeeze %gather3A_719 : memref<1x64x512xf32, #tpu.memory_space<vmem>> -> memref<64x512xf32, #tpu.memory_space<vmem>>
          %gather3A_721 = tpu.vector_load_idx %gather3A_720[%add3A_12, %sub3A_715] : memref<64x512xf32, #tpu.memory_space<vmem>>[vector<16xi32>, vector<16xi32>], vector<16xf32>,
          %add3A_722 = arith.constant 48 : i32
          %add3A_723 = arith.addi %mul3A_675, %add3A_722 : i32
          %swap3A_724 = arith.index_cast %add3A_723 : i32 to index
          %swap3A_725 = tpu.vector_load %arg11[%swap3A_724] {strides = array<i32>} : memref<4096xf32, #tpu.memory_space<vmem>>, vector<16xf32>,
          tpu.vector_store %arg11[%swap3A_724], %gather3A_721 {strides = array<i32>} : memref<4096xf32, #tpu.memory_space<vmem>>, vector<16xf32>,
          %mul3A_726 = arith.constant 64 : i32
          %mul3A_727 = arith.muli %shift_right_logical3A_671, %mul3A_726 : i32
          %add3A_728 = arith.addi %mul3A_32, %mul3A_727 : i32
          %dma_start3A_729 = tpu.memref_slice %arg11[%mul3A_675] : memref<4096xf32, #tpu.memory_space<vmem>> -> memref<64xf32, #tpu.memory_space<vmem>>
          %dma_start3A_730 = tpu.memref_slice %arg5[%add3A_728] : memref<6815744xf32, #tpu.memory_space<hbm>> -> memref<64xf32, #tpu.memory_space<hbm>>
          %dma_start3A_731 = tpu.memref_slice %arg5[%add3A_728] : memref<6815744xf32, #tpu.memory_space<hbm>> -> memref<64xf32, #tpu.memory_space<hbm>>
          %dma_start3A_732 = tpu.memref_slice %arg11[%mul3A_675] : memref<4096xf32, #tpu.memory_space<vmem>> -> memref<64xf32, #tpu.memory_space<vmem>>
          tpu.enqueue_dma source(%dma_start3A_732 : memref<64xf32, #tpu.memory_space<vmem>>) target(%dma_start3A_731 : memref<64xf32, #tpu.memory_space<hbm>>) target_semaphore(%arg15 : memref<!tpu.dma_semaphore, #tpu.memory_space<semaphore_mem>>)
          %eq3A_733 = arith.constant 63 : i32
          %eq3A_734 = arith.cmpi eq, %rem3A_673, %eq3A_733 : i32
          %convert_element_type3A_735 = arith.extui %eq3A_734 : i1 to i32
          %cond3A_736 = arith.constant 0 : i32
          %cond3A_737 = arith.cmpi ne, %convert_element_type3A_735, %cond3A_736 : i32
          scf.if %cond3A_737 {
            %scan3A_738 = arith.constant 0 : i32
            %scan3A_739 = arith.constant 0 : i32
            %scan3A_740 = arith.constant 64 : i32
            %scan3A_741 = arith.addi %scan3A_739, %scan3A_740 : i32
            %scan3A_742 = arith.constant 1 : i32
            scf.for %scan3A_744 = %scan3A_739 to %scan3A_741 step %scan3A_742  : i32 {
              %dma_wait3A_745 = arith.constant 0 : i32
              %dma_wait3A_746 = tpu.memref_slice %arg11[%dma_wait3A_745] : memref<4096xf32, #tpu.memory_space<vmem>> -> memref<64xf32, #tpu.memory_space<vmem>>
              %dma_wait3A_747 = arith.constant 0 : i32
              %dma_wait3A_748 = tpu.memref_slice %arg5[%dma_wait3A_747] : memref<6815744xf32, #tpu.memory_space<hbm>> -> memref<64xf32, #tpu.memory_space<hbm>>
              %dma_wait3A_749 = arith.constant 0 : i32
              %dma_wait3A_750 = tpu.memref_slice %arg5[%dma_wait3A_749] : memref<6815744xf32, #tpu.memory_space<hbm>> -> memref<64xf32, #tpu.memory_space<hbm>>
              %dma_wait3A_751 = arith.constant 0 : i32
              %dma_wait3A_752 = tpu.memref_slice %arg11[%dma_wait3A_751] : memref<4096xf32, #tpu.memory_space<vmem>> -> memref<64xf32, #tpu.memory_space<vmem>>
              tpu.wait_dma2 semaphore(%arg15 : memref<!tpu.dma_semaphore, #tpu.memory_space<semaphore_mem>>) src(%dma_wait3A_752 : memref<64xf32, #tpu.memory_space<vmem>>) dst(%dma_wait3A_750 : memref<64xf32, #tpu.memory_space<hbm>>)
            }
            %scan3A_743 = arith.constant 64 : i32
          } else {
          }
        }
        %rem3A_145 = arith.constant 64 : i32
        %rem3A_146 = arith.remsi %while3A_101, %rem3A_145 : i32
        %while3A_147 = arith.constant 0 : i32
        %while3A_148 = arith.constant 0 : i32
        %while3A_149 = arith.subi %rem3A_146, %while3A_148 : i32
        %while3A_150 = arith.addi %while3A_148, %while3A_149 : i32
        %while3A_151 = arith.constant 1 : i32
        %while3A_152 = arith.divsi %while3A_149, %while3A_151 : i32
        %while3A_153 = arith.muli %while3A_152, %while3A_151 : i32
        %while3A_154 = arith.addi %while3A_148, %while3A_153 : i32
        %while3A_155 = arith.constant 1 : i32
        scf.for %while3A_668 = %while3A_148 to %while3A_154 step %while3A_155  : i32 {
          %dma_wait3A_669 = arith.constant 0 : i32
          %dma_wait3A_670 = tpu.memref_slice %arg11[%dma_wait3A_669] : memref<4096xf32, #tpu.memory_space<vmem>> -> memref<64xf32, #tpu.memory_space<vmem>>
          %dma_wait3A_671 = arith.constant 0 : i32
          %dma_wait3A_672 = tpu.memref_slice %arg5[%dma_wait3A_671] : memref<6815744xf32, #tpu.memory_space<hbm>> -> memref<64xf32, #tpu.memory_space<hbm>>
          %dma_wait3A_673 = arith.constant 0 : i32
          %dma_wait3A_674 = tpu.memref_slice %arg5[%dma_wait3A_673] : memref<6815744xf32, #tpu.memory_space<hbm>> -> memref<64xf32, #tpu.memory_space<hbm>>
          %dma_wait3A_675 = arith.constant 0 : i32
          %dma_wait3A_676 = tpu.memref_slice %arg11[%dma_wait3A_675] : memref<4096xf32, #tpu.memory_space<vmem>> -> memref<64xf32, #tpu.memory_space<vmem>>
          tpu.wait_dma2 semaphore(%arg15 : memref<!tpu.dma_semaphore, #tpu.memory_space<semaphore_mem>>) src(%dma_wait3A_676 : memref<64xf32, #tpu.memory_space<vmem>>) dst(%dma_wait3A_674 : memref<64xf32, #tpu.memory_space<hbm>>)
        }
        %while3A_156 = arith.constant 1 : i32
        scf.for %while3A_668 = %while3A_154 to %while3A_150 step %while3A_156  : i32 {
          %dma_wait3A_669 = arith.constant 0 : i32
          %dma_wait3A_670 = tpu.memref_slice %arg11[%dma_wait3A_669] : memref<4096xf32, #tpu.memory_space<vmem>> -> memref<64xf32, #tpu.memory_space<vmem>>
          %dma_wait3A_671 = arith.constant 0 : i32
          %dma_wait3A_672 = tpu.memref_slice %arg5[%dma_wait3A_671] : memref<6815744xf32, #tpu.memory_space<hbm>> -> memref<64xf32, #tpu.memory_space<hbm>>
          %dma_wait3A_673 = arith.constant 0 : i32
          %dma_wait3A_674 = tpu.memref_slice %arg5[%dma_wait3A_673] : memref<6815744xf32, #tpu.memory_space<hbm>> -> memref<64xf32, #tpu.memory_space<hbm>>
          %dma_wait3A_675 = arith.constant 0 : i32
          %dma_wait3A_676 = tpu.memref_slice %arg11[%dma_wait3A_675] : memref<4096xf32, #tpu.memory_space<vmem>> -> memref<64xf32, #tpu.memory_space<vmem>>
          tpu.wait_dma2 semaphore(%arg15 : memref<!tpu.dma_semaphore, #tpu.memory_space<semaphore_mem>>) src(%dma_wait3A_676 : memref<64xf32, #tpu.memory_space<vmem>>) dst(%dma_wait3A_674 : memref<64xf32, #tpu.memory_space<hbm>>)
        }
        %add3A_157 = arith.constant 512 : i32
        %add3A_158 = arith.addi %mul3A_30, %add3A_157 : i32
        %add3A_159 = arith.constant 512 : i32
        %add3A_160 = arith.addi %add3A_158, %add3A_159 : i32
        %min3A_161 = arith.constant 99968 : i32
        %min3A_162 = arith.minsi %add3A_160, %min3A_161 : i32
        %add3A_163 = arith.constant 15 : i32
        %add3A_164 = arith.addi %scan3A_77, %add3A_163 : i32
        %div3A_165 = arith.constant 16 : i32
        %div3A_166 = arith.divsi %add3A_164, %div3A_165 : i32
        %while3A_167 = arith.constant 0 : i32
        %while3A_168 = arith.constant 0 : i32
        %while3A_169 = arith.subi %div3A_166, %while3A_167 : i32
        %while3A_170 = arith.addi %while3A_167, %while3A_169 : i32
        %while3A_171 = arith.constant 1 : i32
        %while3A_172 = arith.divsi %while3A_169, %while3A_171 : i32
        %while3A_173 = arith.muli %while3A_172, %while3A_171 : i32
        %while3A_174 = arith.addi %while3A_167, %while3A_173 : i32
        %while3A_175 = arith.constant 1 : i32
        %while3A_176 = scf.for %while3A_668 = %while3A_167 to %while3A_174 step %while3A_175 iter_args(%while3A_669 = %while3A_168) -> (i32)  : i32 {
          %mul3A_670 = arith.constant 16 : i32
          %mul3A_671 = arith.muli %while3A_668, %mul3A_670 : i32
          %get3A = arith.index_cast %mul3A_671 : i32 to index
          %get3A_672 = tpu.vector_load %arg9[%get3A] {strides = array<i32>} : memref<4112xi32, #tpu.memory_space<vmem>>, vector<16xi32>,
          %and3A = arith.constant 131071 : i32
          %and3A_673 = vector.broadcast %and3A : i32 to vector<16xi32>
          %and3A_674 = arith.andi %get3A_672, %and3A_673 : vector<16xi32>
          %ge3A = vector.broadcast %add3A_158 : i32 to vector<16xi32>
          %ge3A_675 = arith.cmpi sge, %and3A_674, %ge3A : vector<16xi32>
          %lt3A_676 = vector.broadcast %min3A_162 : i32 to vector<16xi32>
          %lt3A_677 = arith.cmpi slt, %and3A_674, %lt3A_676 : vector<16xi32>
          %and3A_678 = arith.andi %ge3A_675, %lt3A_677 : vector<16xi1>
          %all_reduce_population_count3A = tpu.all_reduce %and3A_678 {dim = 0 : i64, kind = #tpu.reduction_kind<sum>} : vector<16xi1> -> vector<16xi32>
          %swap3A_679 = arith.index_cast %while3A_669 : i32 to index
          %swap3A_680 = tpu.vector_load %arg10[%swap3A_679] masked %and3A_678 {strides = array<i32>} : memref<4112xi32, #tpu.memory_space<vmem>>, vector<16xi32>, vector<16xi1>
          tpu.vector_store %arg10[%swap3A_679], %get3A_672 masked %and3A_678 {strides = array<i32>} : memref<4112xi32, #tpu.memory_space<vmem>>, vector<16xi32>, vector<16xi1>
          %slice3A = vector.extract_strided_slice %all_reduce_population_count3A {offsets = [0], sizes = [1], strides = [1]} : vector<16xi32> to vector<1xi32>
          %squeeze3A = vector.extract %slice3A[0] : i32 from vector<1xi32>
          %add3A_681 = arith.addi %while3A_669, %squeeze3A : i32
          scf.yield %add3A_681 : i32
        }
        %while3A_177 = arith.constant 1 : i32
        %while3A_178 = scf.for %while3A_668 = %while3A_174 to %while3A_170 step %while3A_177 iter_args(%while3A_669 = %while3A_176) -> (i32)  : i32 {
          %mul3A_670 = arith.constant 16 : i32
          %mul3A_671 = arith.muli %while3A_668, %mul3A_670 : i32
          %get3A = arith.index_cast %mul3A_671 : i32 to index
          %get3A_672 = tpu.vector_load %arg9[%get3A] {strides = array<i32>} : memref<4112xi32, #tpu.memory_space<vmem>>, vector<16xi32>,
          %and3A = arith.constant 131071 : i32
          %and3A_673 = vector.broadcast %and3A : i32 to vector<16xi32>
          %and3A_674 = arith.andi %get3A_672, %and3A_673 : vector<16xi32>
          %ge3A = vector.broadcast %add3A_158 : i32 to vector<16xi32>
          %ge3A_675 = arith.cmpi sge, %and3A_674, %ge3A : vector<16xi32>
          %lt3A_676 = vector.broadcast %min3A_162 : i32 to vector<16xi32>
          %lt3A_677 = arith.cmpi slt, %and3A_674, %lt3A_676 : vector<16xi32>
          %and3A_678 = arith.andi %ge3A_675, %lt3A_677 : vector<16xi1>
          %all_reduce_population_count3A = tpu.all_reduce %and3A_678 {dim = 0 : i64, kind = #tpu.reduction_kind<sum>} : vector<16xi1> -> vector<16xi32>
          %swap3A_679 = arith.index_cast %while3A_669 : i32 to index
          %swap3A_680 = tpu.vector_load %arg10[%swap3A_679] masked %and3A_678 {strides = array<i32>} : memref<4112xi32, #tpu.memory_space<vmem>>, vector<16xi32>, vector<16xi1>
          tpu.vector_store %arg10[%swap3A_679], %get3A_672 masked %and3A_678 {strides = array<i32>} : memref<4112xi32, #tpu.memory_space<vmem>>, vector<16xi32>, vector<16xi1>
          %slice3A = vector.extract_strided_slice %all_reduce_population_count3A {offsets = [0], sizes = [1], strides = [1]} : vector<16xi32> to vector<1xi32>
          %squeeze3A = vector.extract %slice3A[0] : i32 from vector<1xi32>
          %add3A_681 = arith.addi %while3A_669, %squeeze3A : i32
          scf.yield %add3A_681 : i32
        }
        %dma_wait3A_179 = arith.constant 1 : i32
        %dma_wait3A_180 = arith.constant 0 : i32
        %dma_wait3A_181 = arith.constant 0 : i32
        %dma_wait3A_182 = tpu.memref_slice %arg7[%dma_wait3A_179, %dma_wait3A_180, %dma_wait3A_181] : memref<3x64x512xf32, #tpu.memory_space<vmem>> -> memref<1x64x512xf32, #tpu.memory_space<vmem>>
        %dma_wait3A_183 = tpu.memref_squeeze %dma_wait3A_182 : memref<1x64x512xf32, #tpu.memory_space<vmem>> -> memref<64x512xf32, #tpu.memory_space<vmem>>
        %dma_wait3A_184 = arith.constant 0 : i32
        %dma_wait3A_185 = tpu.memref_slice %arg3[%div3A_27, %dma_wait3A_184, %min3A_56] : memref<26x64x100000xf32, #tpu.memory_space<hbm>> -> memref<1x64x512xf32, #tpu.memory_space<hbm>>
        %dma_wait3A_186 = tpu.memref_squeeze %dma_wait3A_185 : memref<1x64x512xf32, #tpu.memory_space<hbm>> -> memref<64x512xf32, #tpu.memory_space<hbm>>
        %dma_wait3A_187 = arith.constant 0 : i32
        %dma_wait3A_188 = arith.constant 0 : i32
        %dma_wait3A_189 = tpu.memref_slice %arg7[%dma_wait3A_179, %dma_wait3A_187, %dma_wait3A_188] : memref<3x64x512xf32, #tpu.memory_space<vmem>> -> memref<1x64x512xf32, #tpu.memory_space<vmem>>
        %dma_wait3A_190 = tpu.memref_squeeze %dma_wait3A_189 : memref<1x64x512xf32, #tpu.memory_space<vmem>> -> memref<64x512xf32, #tpu.memory_space<vmem>>
        %dma_wait3A_191 = arith.constant 0 : i32
        %dma_wait3A_192 = tpu.memref_slice %arg3[%div3A_27, %dma_wait3A_191, %min3A_56] : memref<26x64x100000xf32, #tpu.memory_space<hbm>> -> memref<1x64x512xf32, #tpu.memory_space<hbm>>
        %dma_wait3A_193 = tpu.memref_squeeze %dma_wait3A_192 : memref<1x64x512xf32, #tpu.memory_space<hbm>> -> memref<64x512xf32, #tpu.memory_space<hbm>>
        tpu.wait_dma2 semaphore(%arg13 : memref<!tpu.dma_semaphore, #tpu.memory_space<semaphore_mem>>) src(%dma_wait3A_193 : memref<64x512xf32, #tpu.memory_space<hbm>>) dst(%dma_wait3A_190 : memref<64x512xf32, #tpu.memory_space<vmem>>)
        %add3A_194 = arith.constant 1536 : i32
        %add3A_195 = arith.addi %mul3A_30, %add3A_194 : i32
        %min3A_196 = arith.constant 99456 : i32
        %min3A_197 = arith.minsi %add3A_195, %min3A_196 : i32
        %dma_start3A_198 = arith.constant 0 : i32
        %dma_start3A_199 = arith.constant 0 : i32
        %dma_start3A_200 = arith.constant 0 : i32
        %dma_start3A_201 = tpu.memref_slice %arg7[%dma_start3A_198, %dma_start3A_199, %dma_start3A_200] : memref<3x64x512xf32, #tpu.memory_space<vmem>> -> memref<1x64x512xf32, #tpu.memory_space<vmem>>
        %dma_start3A_202 = tpu.memref_squeeze %dma_start3A_201 : memref<1x64x512xf32, #tpu.memory_space<vmem>> -> memref<64x512xf32, #tpu.memory_space<vmem>>
        %dma_start3A_203 = arith.constant 0 : i32
        %dma_start3A_204 = tpu.memref_slice %arg3[%div3A_27, %dma_start3A_203, %min3A_197] : memref<26x64x100000xf32, #tpu.memory_space<hbm>> -> memref<1x64x512xf32, #tpu.memory_space<hbm>>
        %dma_start3A_205 = tpu.memref_squeeze %dma_start3A_204 : memref<1x64x512xf32, #tpu.memory_space<hbm>> -> memref<64x512xf32, #tpu.memory_space<hbm>>
        %dma_start3A_206 = arith.constant 0 : i32
        %dma_start3A_207 = arith.constant 0 : i32
        %dma_start3A_208 = tpu.memref_slice %arg7[%dma_start3A_198, %dma_start3A_206, %dma_start3A_207] : memref<3x64x512xf32, #tpu.memory_space<vmem>> -> memref<1x64x512xf32, #tpu.memory_space<vmem>>
        %dma_start3A_209 = tpu.memref_squeeze %dma_start3A_208 : memref<1x64x512xf32, #tpu.memory_space<vmem>> -> memref<64x512xf32, #tpu.memory_space<vmem>>
        %dma_start3A_210 = arith.constant 0 : i32
        %dma_start3A_211 = tpu.memref_slice %arg3[%div3A_27, %dma_start3A_210, %min3A_197] : memref<26x64x100000xf32, #tpu.memory_space<hbm>> -> memref<1x64x512xf32, #tpu.memory_space<hbm>>
        %dma_start3A_212 = tpu.memref_squeeze %dma_start3A_211 : memref<1x64x512xf32, #tpu.memory_space<hbm>> -> memref<64x512xf32, #tpu.memory_space<hbm>>
        tpu.enqueue_dma source(%dma_start3A_212 : memref<64x512xf32, #tpu.memory_space<hbm>>) target(%dma_start3A_209 : memref<64x512xf32, #tpu.memory_space<vmem>>) target_semaphore(%arg12 : memref<!tpu.dma_semaphore, #tpu.memory_space<semaphore_mem>>)
        %while3A_213 = arith.constant 0 : i32
        %while3A_214 = arith.constant 0 : i32
        %while3A_215 = arith.subi %while3A_178, %while3A_214 : i32
        %while3A_216 = arith.addi %while3A_214, %while3A_215 : i32
        %while3A_217 = arith.constant 1 : i32
        %while3A_218 = arith.divsi %while3A_215, %while3A_217 : i32
        %while3A_219 = arith.muli %while3A_218, %while3A_217 : i32
        %while3A_220 = arith.addi %while3A_214, %while3A_219 : i32
        %while3A_221 = arith.constant 1 : i32
        scf.for %while3A_668 = %while3A_214 to %while3A_220 step %while3A_221  : i32 {
          %get3A = arith.index_cast %while3A_668 : i32 to index
          %get3A_669 = tpu.vector_load %arg10[%get3A] {strides = array<i32>} : memref<4112xi32, #tpu.memory_space<vmem>>, vector<16xi32>,
          %slice3A = vector.extract_strided_slice %get3A_669 {offsets = [0], sizes = [1], strides = [1]} : vector<16xi32> to vector<1xi32>
          %squeeze3A = vector.extract %slice3A[0] : i32 from vector<1xi32>
          %and3A = arith.constant 131071 : i32
          %and3A_670 = arith.andi %squeeze3A, %and3A : i32
          %shift_right_logical3A = arith.constant 17 : i32
          %shift_right_logical3A_671 = arith.shrui %squeeze3A, %shift_right_logical3A : i32
          %rem3A_672 = arith.constant 64 : i32
          %rem3A_673 = arith.remsi %while3A_668, %rem3A_672 : i32
          %mul3A_674 = arith.constant 64 : i32
          %mul3A_675 = arith.muli %rem3A_673, %mul3A_674 : i32
          %broadcast_in_dim3A_676 = vector.broadcast %and3A_670 : i32 to vector<16xi32>
          %sub3A = vector.broadcast %min3A_56 : i32 to vector<16xi32>
          %sub3A_677 = arith.subi %broadcast_in_dim3A_676, %sub3A : vector<16xi32>
          %gather3A = arith.constant 1 : i32
          %gather3A_678 = arith.constant 0 : i32
          %gather3A_679 = arith.constant 0 : i32
          %gather3A_680 = tpu.memref_slice %arg7[%gather3A, %gather3A_678, %gather3A_679] : memref<3x64x512xf32, #tpu.memory_space<vmem>> -> memref<1x64x512xf32, #tpu.memory_space<vmem>>
          %gather3A_681 = tpu.memref_squeeze %gather3A_680 : memref<1x64x512xf32, #tpu.memory_space<vmem>> -> memref<64x512xf32, #tpu.memory_space<vmem>>
          %gather3A_682 = tpu.vector_load_idx %gather3A_681[%add3A_3, %sub3A_677] : memref<64x512xf32, #tpu.memory_space<vmem>>[vector<16xi32>, vector<16xi32>], vector<16xf32>,
          %add3A_683 = arith.constant 0 : i32
          %add3A_684 = arith.addi %mul3A_675, %add3A_683 : i32
          %swap3A_685 = arith.index_cast %add3A_684 : i32 to index
          %swap3A_686 = tpu.vector_load %arg11[%swap3A_685] {strides = array<i32>} : memref<4096xf32, #tpu.memory_space<vmem>>, vector<16xf32>,
          tpu.vector_store %arg11[%swap3A_685], %gather3A_682 {strides = array<i32>} : memref<4096xf32, #tpu.memory_space<vmem>>, vector<16xf32>,
          %broadcast_in_dim3A_687 = vector.broadcast %and3A_670 : i32 to vector<16xi32>
          %sub3A_688 = vector.broadcast %min3A_56 : i32 to vector<16xi32>
          %sub3A_689 = arith.subi %broadcast_in_dim3A_687, %sub3A_688 : vector<16xi32>
          %gather3A_690 = arith.constant 1 : i32
          %gather3A_691 = arith.constant 0 : i32
          %gather3A_692 = arith.constant 0 : i32
          %gather3A_693 = tpu.memref_slice %arg7[%gather3A_690, %gather3A_691, %gather3A_692] : memref<3x64x512xf32, #tpu.memory_space<vmem>> -> memref<1x64x512xf32, #tpu.memory_space<vmem>>
          %gather3A_694 = tpu.memref_squeeze %gather3A_693 : memref<1x64x512xf32, #tpu.memory_space<vmem>> -> memref<64x512xf32, #tpu.memory_space<vmem>>
          %gather3A_695 = tpu.vector_load_idx %gather3A_694[%add3A_6, %sub3A_689] : memref<64x512xf32, #tpu.memory_space<vmem>>[vector<16xi32>, vector<16xi32>], vector<16xf32>,
          %add3A_696 = arith.constant 16 : i32
          %add3A_697 = arith.addi %mul3A_675, %add3A_696 : i32
          %swap3A_698 = arith.index_cast %add3A_697 : i32 to index
          %swap3A_699 = tpu.vector_load %arg11[%swap3A_698] {strides = array<i32>} : memref<4096xf32, #tpu.memory_space<vmem>>, vector<16xf32>,
          tpu.vector_store %arg11[%swap3A_698], %gather3A_695 {strides = array<i32>} : memref<4096xf32, #tpu.memory_space<vmem>>, vector<16xf32>,
          %broadcast_in_dim3A_700 = vector.broadcast %and3A_670 : i32 to vector<16xi32>
          %sub3A_701 = vector.broadcast %min3A_56 : i32 to vector<16xi32>
          %sub3A_702 = arith.subi %broadcast_in_dim3A_700, %sub3A_701 : vector<16xi32>
          %gather3A_703 = arith.constant 1 : i32
          %gather3A_704 = arith.constant 0 : i32
          %gather3A_705 = arith.constant 0 : i32
          %gather3A_706 = tpu.memref_slice %arg7[%gather3A_703, %gather3A_704, %gather3A_705] : memref<3x64x512xf32, #tpu.memory_space<vmem>> -> memref<1x64x512xf32, #tpu.memory_space<vmem>>
          %gather3A_707 = tpu.memref_squeeze %gather3A_706 : memref<1x64x512xf32, #tpu.memory_space<vmem>> -> memref<64x512xf32, #tpu.memory_space<vmem>>
          %gather3A_708 = tpu.vector_load_idx %gather3A_707[%add3A_9, %sub3A_702] : memref<64x512xf32, #tpu.memory_space<vmem>>[vector<16xi32>, vector<16xi32>], vector<16xf32>,
          %add3A_709 = arith.constant 32 : i32
          %add3A_710 = arith.addi %mul3A_675, %add3A_709 : i32
          %swap3A_711 = arith.index_cast %add3A_710 : i32 to index
          %swap3A_712 = tpu.vector_load %arg11[%swap3A_711] {strides = array<i32>} : memref<4096xf32, #tpu.memory_space<vmem>>, vector<16xf32>,
          tpu.vector_store %arg11[%swap3A_711], %gather3A_708 {strides = array<i32>} : memref<4096xf32, #tpu.memory_space<vmem>>, vector<16xf32>,
          %broadcast_in_dim3A_713 = vector.broadcast %and3A_670 : i32 to vector<16xi32>
          %sub3A_714 = vector.broadcast %min3A_56 : i32 to vector<16xi32>
          %sub3A_715 = arith.subi %broadcast_in_dim3A_713, %sub3A_714 : vector<16xi32>
          %gather3A_716 = arith.constant 1 : i32
          %gather3A_717 = arith.constant 0 : i32
          %gather3A_718 = arith.constant 0 : i32
          %gather3A_719 = tpu.memref_slice %arg7[%gather3A_716, %gather3A_717, %gather3A_718] : memref<3x64x512xf32, #tpu.memory_space<vmem>> -> memref<1x64x512xf32, #tpu.memory_space<vmem>>
          %gather3A_720 = tpu.memref_squeeze %gather3A_719 : memref<1x64x512xf32, #tpu.memory_space<vmem>> -> memref<64x512xf32, #tpu.memory_space<vmem>>
          %gather3A_721 = tpu.vector_load_idx %gather3A_720[%add3A_12, %sub3A_715] : memref<64x512xf32, #tpu.memory_space<vmem>>[vector<16xi32>, vector<16xi32>], vector<16xf32>,
          %add3A_722 = arith.constant 48 : i32
          %add3A_723 = arith.addi %mul3A_675, %add3A_722 : i32
          %swap3A_724 = arith.index_cast %add3A_723 : i32 to index
          %swap3A_725 = tpu.vector_load %arg11[%swap3A_724] {strides = array<i32>} : memref<4096xf32, #tpu.memory_space<vmem>>, vector<16xf32>,
          tpu.vector_store %arg11[%swap3A_724], %gather3A_721 {strides = array<i32>} : memref<4096xf32, #tpu.memory_space<vmem>>, vector<16xf32>,
          %mul3A_726 = arith.constant 64 : i32
          %mul3A_727 = arith.muli %shift_right_logical3A_671, %mul3A_726 : i32
          %add3A_728 = arith.addi %mul3A_32, %mul3A_727 : i32
          %dma_start3A_729 = tpu.memref_slice %arg11[%mul3A_675] : memref<4096xf32, #tpu.memory_space<vmem>> -> memref<64xf32, #tpu.memory_space<vmem>>
          %dma_start3A_730 = tpu.memref_slice %arg5[%add3A_728] : memref<6815744xf32, #tpu.memory_space<hbm>> -> memref<64xf32, #tpu.memory_space<hbm>>
          %dma_start3A_731 = tpu.memref_slice %arg5[%add3A_728] : memref<6815744xf32, #tpu.memory_space<hbm>> -> memref<64xf32, #tpu.memory_space<hbm>>
          %dma_start3A_732 = tpu.memref_slice %arg11[%mul3A_675] : memref<4096xf32, #tpu.memory_space<vmem>> -> memref<64xf32, #tpu.memory_space<vmem>>
          tpu.enqueue_dma source(%dma_start3A_732 : memref<64xf32, #tpu.memory_space<vmem>>) target(%dma_start3A_731 : memref<64xf32, #tpu.memory_space<hbm>>) target_semaphore(%arg15 : memref<!tpu.dma_semaphore, #tpu.memory_space<semaphore_mem>>)
          %eq3A_733 = arith.constant 63 : i32
          %eq3A_734 = arith.cmpi eq, %rem3A_673, %eq3A_733 : i32
          %convert_element_type3A_735 = arith.extui %eq3A_734 : i1 to i32
          %cond3A_736 = arith.constant 0 : i32
          %cond3A_737 = arith.cmpi ne, %convert_element_type3A_735, %cond3A_736 : i32
          scf.if %cond3A_737 {
            %scan3A_738 = arith.constant 0 : i32
            %scan3A_739 = arith.constant 0 : i32
            %scan3A_740 = arith.constant 64 : i32
            %scan3A_741 = arith.addi %scan3A_739, %scan3A_740 : i32
            %scan3A_742 = arith.constant 1 : i32
            scf.for %scan3A_744 = %scan3A_739 to %scan3A_741 step %scan3A_742  : i32 {
              %dma_wait3A_745 = arith.constant 0 : i32
              %dma_wait3A_746 = tpu.memref_slice %arg11[%dma_wait3A_745] : memref<4096xf32, #tpu.memory_space<vmem>> -> memref<64xf32, #tpu.memory_space<vmem>>
              %dma_wait3A_747 = arith.constant 0 : i32
              %dma_wait3A_748 = tpu.memref_slice %arg5[%dma_wait3A_747] : memref<6815744xf32, #tpu.memory_space<hbm>> -> memref<64xf32, #tpu.memory_space<hbm>>
              %dma_wait3A_749 = arith.constant 0 : i32
              %dma_wait3A_750 = tpu.memref_slice %arg5[%dma_wait3A_749] : memref<6815744xf32, #tpu.memory_space<hbm>> -> memref<64xf32, #tpu.memory_space<hbm>>
              %dma_wait3A_751 = arith.constant 0 : i32
              %dma_wait3A_752 = tpu.memref_slice %arg11[%dma_wait3A_751] : memref<4096xf32, #tpu.memory_space<vmem>> -> memref<64xf32, #tpu.memory_space<vmem>>
              tpu.wait_dma2 semaphore(%arg15 : memref<!tpu.dma_semaphore, #tpu.memory_space<semaphore_mem>>) src(%dma_wait3A_752 : memref<64xf32, #tpu.memory_space<vmem>>) dst(%dma_wait3A_750 : memref<64xf32, #tpu.memory_space<hbm>>)
            }
            %scan3A_743 = arith.constant 64 : i32
          } else {
          }
        }
        %while3A_222 = arith.constant 1 : i32
        scf.for %while3A_668 = %while3A_220 to %while3A_216 step %while3A_222  : i32 {
          %get3A = arith.index_cast %while3A_668 : i32 to index
          %get3A_669 = tpu.vector_load %arg10[%get3A] {strides = array<i32>} : memref<4112xi32, #tpu.memory_space<vmem>>, vector<16xi32>,
          %slice3A = vector.extract_strided_slice %get3A_669 {offsets = [0], sizes = [1], strides = [1]} : vector<16xi32> to vector<1xi32>
          %squeeze3A = vector.extract %slice3A[0] : i32 from vector<1xi32>
          %and3A = arith.constant 131071 : i32
          %and3A_670 = arith.andi %squeeze3A, %and3A : i32
          %shift_right_logical3A = arith.constant 17 : i32
          %shift_right_logical3A_671 = arith.shrui %squeeze3A, %shift_right_logical3A : i32
          %rem3A_672 = arith.constant 64 : i32
          %rem3A_673 = arith.remsi %while3A_668, %rem3A_672 : i32
          %mul3A_674 = arith.constant 64 : i32
          %mul3A_675 = arith.muli %rem3A_673, %mul3A_674 : i32
          %broadcast_in_dim3A_676 = vector.broadcast %and3A_670 : i32 to vector<16xi32>
          %sub3A = vector.broadcast %min3A_56 : i32 to vector<16xi32>
          %sub3A_677 = arith.subi %broadcast_in_dim3A_676, %sub3A : vector<16xi32>
          %gather3A = arith.constant 1 : i32
          %gather3A_678 = arith.constant 0 : i32
          %gather3A_679 = arith.constant 0 : i32
          %gather3A_680 = tpu.memref_slice %arg7[%gather3A, %gather3A_678, %gather3A_679] : memref<3x64x512xf32, #tpu.memory_space<vmem>> -> memref<1x64x512xf32, #tpu.memory_space<vmem>>
          %gather3A_681 = tpu.memref_squeeze %gather3A_680 : memref<1x64x512xf32, #tpu.memory_space<vmem>> -> memref<64x512xf32, #tpu.memory_space<vmem>>
          %gather3A_682 = tpu.vector_load_idx %gather3A_681[%add3A_3, %sub3A_677] : memref<64x512xf32, #tpu.memory_space<vmem>>[vector<16xi32>, vector<16xi32>], vector<16xf32>,
          %add3A_683 = arith.constant 0 : i32
          %add3A_684 = arith.addi %mul3A_675, %add3A_683 : i32
          %swap3A_685 = arith.index_cast %add3A_684 : i32 to index
          %swap3A_686 = tpu.vector_load %arg11[%swap3A_685] {strides = array<i32>} : memref<4096xf32, #tpu.memory_space<vmem>>, vector<16xf32>,
          tpu.vector_store %arg11[%swap3A_685], %gather3A_682 {strides = array<i32>} : memref<4096xf32, #tpu.memory_space<vmem>>, vector<16xf32>,
          %broadcast_in_dim3A_687 = vector.broadcast %and3A_670 : i32 to vector<16xi32>
          %sub3A_688 = vector.broadcast %min3A_56 : i32 to vector<16xi32>
          %sub3A_689 = arith.subi %broadcast_in_dim3A_687, %sub3A_688 : vector<16xi32>
          %gather3A_690 = arith.constant 1 : i32
          %gather3A_691 = arith.constant 0 : i32
          %gather3A_692 = arith.constant 0 : i32
          %gather3A_693 = tpu.memref_slice %arg7[%gather3A_690, %gather3A_691, %gather3A_692] : memref<3x64x512xf32, #tpu.memory_space<vmem>> -> memref<1x64x512xf32, #tpu.memory_space<vmem>>
          %gather3A_694 = tpu.memref_squeeze %gather3A_693 : memref<1x64x512xf32, #tpu.memory_space<vmem>> -> memref<64x512xf32, #tpu.memory_space<vmem>>
          %gather3A_695 = tpu.vector_load_idx %gather3A_694[%add3A_6, %sub3A_689] : memref<64x512xf32, #tpu.memory_space<vmem>>[vector<16xi32>, vector<16xi32>], vector<16xf32>,
          %add3A_696 = arith.constant 16 : i32
          %add3A_697 = arith.addi %mul3A_675, %add3A_696 : i32
          %swap3A_698 = arith.index_cast %add3A_697 : i32 to index
          %swap3A_699 = tpu.vector_load %arg11[%swap3A_698] {strides = array<i32>} : memref<4096xf32, #tpu.memory_space<vmem>>, vector<16xf32>,
          tpu.vector_store %arg11[%swap3A_698], %gather3A_695 {strides = array<i32>} : memref<4096xf32, #tpu.memory_space<vmem>>, vector<16xf32>,
          %broadcast_in_dim3A_700 = vector.broadcast %and3A_670 : i32 to vector<16xi32>
          %sub3A_701 = vector.broadcast %min3A_56 : i32 to vector<16xi32>
          %sub3A_702 = arith.subi %broadcast_in_dim3A_700, %sub3A_701 : vector<16xi32>
          %gather3A_703 = arith.constant 1 : i32
          %gather3A_704 = arith.constant 0 : i32
          %gather3A_705 = arith.constant 0 : i32
          %gather3A_706 = tpu.memref_slice %arg7[%gather3A_703, %gather3A_704, %gather3A_705] : memref<3x64x512xf32, #tpu.memory_space<vmem>> -> memref<1x64x512xf32, #tpu.memory_space<vmem>>
          %gather3A_707 = tpu.memref_squeeze %gather3A_706 : memref<1x64x512xf32, #tpu.memory_space<vmem>> -> memref<64x512xf32, #tpu.memory_space<vmem>>
          %gather3A_708 = tpu.vector_load_idx %gather3A_707[%add3A_9, %sub3A_702] : memref<64x512xf32, #tpu.memory_space<vmem>>[vector<16xi32>, vector<16xi32>], vector<16xf32>,
          %add3A_709 = arith.constant 32 : i32
          %add3A_710 = arith.addi %mul3A_675, %add3A_709 : i32
          %swap3A_711 = arith.index_cast %add3A_710 : i32 to index
          %swap3A_712 = tpu.vector_load %arg11[%swap3A_711] {strides = array<i32>} : memref<4096xf32, #tpu.memory_space<vmem>>, vector<16xf32>,
          tpu.vector_store %arg11[%swap3A_711], %gather3A_708 {strides = array<i32>} : memref<4096xf32, #tpu.memory_space<vmem>>, vector<16xf32>,
          %broadcast_in_dim3A_713 = vector.broadcast %and3A_670 : i32 to vector<16xi32>
          %sub3A_714 = vector.broadcast %min3A_56 : i32 to vector<16xi32>
          %sub3A_715 = arith.subi %broadcast_in_dim3A_713, %sub3A_714 : vector<16xi32>
          %gather3A_716 = arith.constant 1 : i32
          %gather3A_717 = arith.constant 0 : i32
          %gather3A_718 = arith.constant 0 : i32
          %gather3A_719 = tpu.memref_slice %arg7[%gather3A_716, %gather3A_717, %gather3A_718] : memref<3x64x512xf32, #tpu.memory_space<vmem>> -> memref<1x64x512xf32, #tpu.memory_space<vmem>>
          %gather3A_720 = tpu.memref_squeeze %gather3A_719 : memref<1x64x512xf32, #tpu.memory_space<vmem>> -> memref<64x512xf32, #tpu.memory_space<vmem>>
          %gather3A_721 = tpu.vector_load_idx %gather3A_720[%add3A_12, %sub3A_715] : memref<64x512xf32, #tpu.memory_space<vmem>>[vector<16xi32>, vector<16xi32>], vector<16xf32>,
          %add3A_722 = arith.constant 48 : i32
          %add3A_723 = arith.addi %mul3A_675, %add3A_722 : i32
          %swap3A_724 = arith.index_cast %add3A_723 : i32 to index
          %swap3A_725 = tpu.vector_load %arg11[%swap3A_724] {strides = array<i32>} : memref<4096xf32, #tpu.memory_space<vmem>>, vector<16xf32>,
          tpu.vector_store %arg11[%swap3A_724], %gather3A_721 {strides = array<i32>} : memref<4096xf32, #tpu.memory_space<vmem>>, vector<16xf32>,
          %mul3A_726 = arith.constant 64 : i32
          %mul3A_727 = arith.muli %shift_right_logical3A_671, %mul3A_726 : i32
          %add3A_728 = arith.addi %mul3A_32, %mul3A_727 : i32
          %dma_start3A_729 = tpu.memref_slice %arg11[%mul3A_675] : memref<4096xf32, #tpu.memory_space<vmem>> -> memref<64xf32, #tpu.memory_space<vmem>>
          %dma_start3A_730 = tpu.memref_slice %arg5[%add3A_728] : memref<6815744xf32, #tpu.memory_space<hbm>> -> memref<64xf32, #tpu.memory_space<hbm>>
          %dma_start3A_731 = tpu.memref_slice %arg5[%add3A_728] : memref<6815744xf32, #tpu.memory_space<hbm>> -> memref<64xf32, #tpu.memory_space<hbm>>
          %dma_start3A_732 = tpu.memref_slice %arg11[%mul3A_675] : memref<4096xf32, #tpu.memory_space<vmem>> -> memref<64xf32, #tpu.memory_space<vmem>>
          tpu.enqueue_dma source(%dma_start3A_732 : memref<64xf32, #tpu.memory_space<vmem>>) target(%dma_start3A_731 : memref<64xf32, #tpu.memory_space<hbm>>) target_semaphore(%arg15 : memref<!tpu.dma_semaphore, #tpu.memory_space<semaphore_mem>>)
          %eq3A_733 = arith.constant 63 : i32
          %eq3A_734 = arith.cmpi eq, %rem3A_673, %eq3A_733 : i32
          %convert_element_type3A_735 = arith.extui %eq3A_734 : i1 to i32
          %cond3A_736 = arith.constant 0 : i32
          %cond3A_737 = arith.cmpi ne, %convert_element_type3A_735, %cond3A_736 : i32
          scf.if %cond3A_737 {
            %scan3A_738 = arith.constant 0 : i32
            %scan3A_739 = arith.constant 0 : i32
            %scan3A_740 = arith.constant 64 : i32
            %scan3A_741 = arith.addi %scan3A_739, %scan3A_740 : i32
            %scan3A_742 = arith.constant 1 : i32
            scf.for %scan3A_744 = %scan3A_739 to %scan3A_741 step %scan3A_742  : i32 {
              %dma_wait3A_745 = arith.constant 0 : i32
              %dma_wait3A_746 = tpu.memref_slice %arg11[%dma_wait3A_745] : memref<4096xf32, #tpu.memory_space<vmem>> -> memref<64xf32, #tpu.memory_space<vmem>>
              %dma_wait3A_747 = arith.constant 0 : i32
              %dma_wait3A_748 = tpu.memref_slice %arg5[%dma_wait3A_747] : memref<6815744xf32, #tpu.memory_space<hbm>> -> memref<64xf32, #tpu.memory_space<hbm>>
              %dma_wait3A_749 = arith.constant 0 : i32
              %dma_wait3A_750 = tpu.memref_slice %arg5[%dma_wait3A_749] : memref<6815744xf32, #tpu.memory_space<hbm>> -> memref<64xf32, #tpu.memory_space<hbm>>
              %dma_wait3A_751 = arith.constant 0 : i32
              %dma_wait3A_752 = tpu.memref_slice %arg11[%dma_wait3A_751] : memref<4096xf32, #tpu.memory_space<vmem>> -> memref<64xf32, #tpu.memory_space<vmem>>
              tpu.wait_dma2 semaphore(%arg15 : memref<!tpu.dma_semaphore, #tpu.memory_space<semaphore_mem>>) src(%dma_wait3A_752 : memref<64xf32, #tpu.memory_space<vmem>>) dst(%dma_wait3A_750 : memref<64xf32, #tpu.memory_space<hbm>>)
            }
            %scan3A_743 = arith.constant 64 : i32
          } else {
          }
        }
        %rem3A_223 = arith.constant 64 : i32
        %rem3A_224 = arith.remsi %while3A_178, %rem3A_223 : i32
        %while3A_225 = arith.constant 0 : i32
        %while3A_226 = arith.constant 0 : i32
        %while3A_227 = arith.subi %rem3A_224, %while3A_226 : i32
        %while3A_228 = arith.addi %while3A_226, %while3A_227 : i32
        %while3A_229 = arith.constant 1 : i32
        %while3A_230 = arith.divsi %while3A_227, %while3A_229 : i32
        %while3A_231 = arith.muli %while3A_230, %while3A_229 : i32
        %while3A_232 = arith.addi %while3A_226, %while3A_231 : i32
        %while3A_233 = arith.constant 1 : i32
        scf.for %while3A_668 = %while3A_226 to %while3A_232 step %while3A_233  : i32 {
          %dma_wait3A_669 = arith.constant 0 : i32
          %dma_wait3A_670 = tpu.memref_slice %arg11[%dma_wait3A_669] : memref<4096xf32, #tpu.memory_space<vmem>> -> memref<64xf32, #tpu.memory_space<vmem>>
          %dma_wait3A_671 = arith.constant 0 : i32
          %dma_wait3A_672 = tpu.memref_slice %arg5[%dma_wait3A_671] : memref<6815744xf32, #tpu.memory_space<hbm>> -> memref<64xf32, #tpu.memory_space<hbm>>
          %dma_wait3A_673 = arith.constant 0 : i32
          %dma_wait3A_674 = tpu.memref_slice %arg5[%dma_wait3A_673] : memref<6815744xf32, #tpu.memory_space<hbm>> -> memref<64xf32, #tpu.memory_space<hbm>>
          %dma_wait3A_675 = arith.constant 0 : i32
          %dma_wait3A_676 = tpu.memref_slice %arg11[%dma_wait3A_675] : memref<4096xf32, #tpu.memory_space<vmem>> -> memref<64xf32, #tpu.memory_space<vmem>>
          tpu.wait_dma2 semaphore(%arg15 : memref<!tpu.dma_semaphore, #tpu.memory_space<semaphore_mem>>) src(%dma_wait3A_676 : memref<64xf32, #tpu.memory_space<vmem>>) dst(%dma_wait3A_674 : memref<64xf32, #tpu.memory_space<hbm>>)
        }
        %while3A_234 = arith.constant 1 : i32
        scf.for %while3A_668 = %while3A_232 to %while3A_228 step %while3A_234  : i32 {
          %dma_wait3A_669 = arith.constant 0 : i32
          %dma_wait3A_670 = tpu.memref_slice %arg11[%dma_wait3A_669] : memref<4096xf32, #tpu.memory_space<vmem>> -> memref<64xf32, #tpu.memory_space<vmem>>
          %dma_wait3A_671 = arith.constant 0 : i32
          %dma_wait3A_672 = tpu.memref_slice %arg5[%dma_wait3A_671] : memref<6815744xf32, #tpu.memory_space<hbm>> -> memref<64xf32, #tpu.memory_space<hbm>>
          %dma_wait3A_673 = arith.constant 0 : i32
          %dma_wait3A_674 = tpu.memref_slice %arg5[%dma_wait3A_673] : memref<6815744xf32, #tpu.memory_space<hbm>> -> memref<64xf32, #tpu.memory_space<hbm>>
          %dma_wait3A_675 = arith.constant 0 : i32
          %dma_wait3A_676 = tpu.memref_slice %arg11[%dma_wait3A_675] : memref<4096xf32, #tpu.memory_space<vmem>> -> memref<64xf32, #tpu.memory_space<vmem>>
          tpu.wait_dma2 semaphore(%arg15 : memref<!tpu.dma_semaphore, #tpu.memory_space<semaphore_mem>>) src(%dma_wait3A_676 : memref<64xf32, #tpu.memory_space<vmem>>) dst(%dma_wait3A_674 : memref<64xf32, #tpu.memory_space<hbm>>)
        }
        %add3A_235 = arith.constant 1024 : i32
        %add3A_236 = arith.addi %mul3A_30, %add3A_235 : i32
        %add3A_237 = arith.constant 512 : i32
        %add3A_238 = arith.addi %add3A_236, %add3A_237 : i32
        %min3A_239 = arith.constant 99968 : i32
        %min3A_240 = arith.minsi %add3A_238, %min3A_239 : i32
        %add3A_241 = arith.constant 15 : i32
        %add3A_242 = arith.addi %scan3A_77, %add3A_241 : i32
        %div3A_243 = arith.constant 16 : i32
        %div3A_244 = arith.divsi %add3A_242, %div3A_243 : i32
        %while3A_245 = arith.constant 0 : i32
        %while3A_246 = arith.constant 0 : i32
        %while3A_247 = arith.subi %div3A_244, %while3A_245 : i32
        %while3A_248 = arith.addi %while3A_245, %while3A_247 : i32
        %while3A_249 = arith.constant 1 : i32
        %while3A_250 = arith.divsi %while3A_247, %while3A_249 : i32
        %while3A_251 = arith.muli %while3A_250, %while3A_249 : i32
        %while3A_252 = arith.addi %while3A_245, %while3A_251 : i32
        %while3A_253 = arith.constant 1 : i32
        %while3A_254 = scf.for %while3A_668 = %while3A_245 to %while3A_252 step %while3A_253 iter_args(%while3A_669 = %while3A_246) -> (i32)  : i32 {
          %mul3A_670 = arith.constant 16 : i32
          %mul3A_671 = arith.muli %while3A_668, %mul3A_670 : i32
          %get3A = arith.index_cast %mul3A_671 : i32 to index
          %get3A_672 = tpu.vector_load %arg9[%get3A] {strides = array<i32>} : memref<4112xi32, #tpu.memory_space<vmem>>, vector<16xi32>,
          %and3A = arith.constant 131071 : i32
          %and3A_673 = vector.broadcast %and3A : i32 to vector<16xi32>
          %and3A_674 = arith.andi %get3A_672, %and3A_673 : vector<16xi32>
          %ge3A = vector.broadcast %add3A_236 : i32 to vector<16xi32>
          %ge3A_675 = arith.cmpi sge, %and3A_674, %ge3A : vector<16xi32>
          %lt3A_676 = vector.broadcast %min3A_240 : i32 to vector<16xi32>
          %lt3A_677 = arith.cmpi slt, %and3A_674, %lt3A_676 : vector<16xi32>
          %and3A_678 = arith.andi %ge3A_675, %lt3A_677 : vector<16xi1>
          %all_reduce_population_count3A = tpu.all_reduce %and3A_678 {dim = 0 : i64, kind = #tpu.reduction_kind<sum>} : vector<16xi1> -> vector<16xi32>
          %swap3A_679 = arith.index_cast %while3A_669 : i32 to index
          %swap3A_680 = tpu.vector_load %arg10[%swap3A_679] masked %and3A_678 {strides = array<i32>} : memref<4112xi32, #tpu.memory_space<vmem>>, vector<16xi32>, vector<16xi1>
          tpu.vector_store %arg10[%swap3A_679], %get3A_672 masked %and3A_678 {strides = array<i32>} : memref<4112xi32, #tpu.memory_space<vmem>>, vector<16xi32>, vector<16xi1>
          %slice3A = vector.extract_strided_slice %all_reduce_population_count3A {offsets = [0], sizes = [1], strides = [1]} : vector<16xi32> to vector<1xi32>
          %squeeze3A = vector.extract %slice3A[0] : i32 from vector<1xi32>
          %add3A_681 = arith.addi %while3A_669, %squeeze3A : i32
          scf.yield %add3A_681 : i32
        }
        %while3A_255 = arith.constant 1 : i32
        %while3A_256 = scf.for %while3A_668 = %while3A_252 to %while3A_248 step %while3A_255 iter_args(%while3A_669 = %while3A_254) -> (i32)  : i32 {
          %mul3A_670 = arith.constant 16 : i32
          %mul3A_671 = arith.muli %while3A_668, %mul3A_670 : i32
          %get3A = arith.index_cast %mul3A_671 : i32 to index
          %get3A_672 = tpu.vector_load %arg9[%get3A] {strides = array<i32>} : memref<4112xi32, #tpu.memory_space<vmem>>, vector<16xi32>,
          %and3A = arith.constant 131071 : i32
          %and3A_673 = vector.broadcast %and3A : i32 to vector<16xi32>
          %and3A_674 = arith.andi %get3A_672, %and3A_673 : vector<16xi32>
          %ge3A = vector.broadcast %add3A_236 : i32 to vector<16xi32>
          %ge3A_675 = arith.cmpi sge, %and3A_674, %ge3A : vector<16xi32>
          %lt3A_676 = vector.broadcast %min3A_240 : i32 to vector<16xi32>
          %lt3A_677 = arith.cmpi slt, %and3A_674, %lt3A_676 : vector<16xi32>
          %and3A_678 = arith.andi %ge3A_675, %lt3A_677 : vector<16xi1>
          %all_reduce_population_count3A = tpu.all_reduce %and3A_678 {dim = 0 : i64, kind = #tpu.reduction_kind<sum>} : vector<16xi1> -> vector<16xi32>
          %swap3A_679 = arith.index_cast %while3A_669 : i32 to index
          %swap3A_680 = tpu.vector_load %arg10[%swap3A_679] masked %and3A_678 {strides = array<i32>} : memref<4112xi32, #tpu.memory_space<vmem>>, vector<16xi32>, vector<16xi1>
          tpu.vector_store %arg10[%swap3A_679], %get3A_672 masked %and3A_678 {strides = array<i32>} : memref<4112xi32, #tpu.memory_space<vmem>>, vector<16xi32>, vector<16xi1>
          %slice3A = vector.extract_strided_slice %all_reduce_population_count3A {offsets = [0], sizes = [1], strides = [1]} : vector<16xi32> to vector<1xi32>
          %squeeze3A = vector.extract %slice3A[0] : i32 from vector<1xi32>
          %add3A_681 = arith.addi %while3A_669, %squeeze3A : i32
          scf.yield %add3A_681 : i32
        }
        %dma_wait3A_257 = arith.constant 2 : i32
        %dma_wait3A_258 = arith.constant 0 : i32
        %dma_wait3A_259 = arith.constant 0 : i32
        %dma_wait3A_260 = tpu.memref_slice %arg7[%dma_wait3A_257, %dma_wait3A_258, %dma_wait3A_259] : memref<3x64x512xf32, #tpu.memory_space<vmem>> -> memref<1x64x512xf32, #tpu.memory_space<vmem>>
        %dma_wait3A_261 = tpu.memref_squeeze %dma_wait3A_260 : memref<1x64x512xf32, #tpu.memory_space<vmem>> -> memref<64x512xf32, #tpu.memory_space<vmem>>
        %dma_wait3A_262 = arith.constant 0 : i32
        %dma_wait3A_263 = tpu.memref_slice %arg3[%div3A_27, %dma_wait3A_262, %min3A_119] : memref<26x64x100000xf32, #tpu.memory_space<hbm>> -> memref<1x64x512xf32, #tpu.memory_space<hbm>>
        %dma_wait3A_264 = tpu.memref_squeeze %dma_wait3A_263 : memref<1x64x512xf32, #tpu.memory_space<hbm>> -> memref<64x512xf32, #tpu.memory_space<hbm>>
        %dma_wait3A_265 = arith.constant 0 : i32
        %dma_wait3A_266 = arith.constant 0 : i32
        %dma_wait3A_267 = tpu.memref_slice %arg7[%dma_wait3A_257, %dma_wait3A_265, %dma_wait3A_266] : memref<3x64x512xf32, #tpu.memory_space<vmem>> -> memref<1x64x512xf32, #tpu.memory_space<vmem>>
        %dma_wait3A_268 = tpu.memref_squeeze %dma_wait3A_267 : memref<1x64x512xf32, #tpu.memory_space<vmem>> -> memref<64x512xf32, #tpu.memory_space<vmem>>
        %dma_wait3A_269 = arith.constant 0 : i32
        %dma_wait3A_270 = tpu.memref_slice %arg3[%div3A_27, %dma_wait3A_269, %min3A_119] : memref<26x64x100000xf32, #tpu.memory_space<hbm>> -> memref<1x64x512xf32, #tpu.memory_space<hbm>>
        %dma_wait3A_271 = tpu.memref_squeeze %dma_wait3A_270 : memref<1x64x512xf32, #tpu.memory_space<hbm>> -> memref<64x512xf32, #tpu.memory_space<hbm>>
        tpu.wait_dma2 semaphore(%arg14 : memref<!tpu.dma_semaphore, #tpu.memory_space<semaphore_mem>>) src(%dma_wait3A_271 : memref<64x512xf32, #tpu.memory_space<hbm>>) dst(%dma_wait3A_268 : memref<64x512xf32, #tpu.memory_space<vmem>>)
        %add3A_272 = arith.constant 2048 : i32
        %add3A_273 = arith.addi %mul3A_30, %add3A_272 : i32
        %min3A_274 = arith.constant 99456 : i32
        %min3A_275 = arith.minsi %add3A_273, %min3A_274 : i32
        %dma_start3A_276 = arith.constant 1 : i32
        %dma_start3A_277 = arith.constant 0 : i32
        %dma_start3A_278 = arith.constant 0 : i32
        %dma_start3A_279 = tpu.memref_slice %arg7[%dma_start3A_276, %dma_start3A_277, %dma_start3A_278] : memref<3x64x512xf32, #tpu.memory_space<vmem>> -> memref<1x64x512xf32, #tpu.memory_space<vmem>>
        %dma_start3A_280 = tpu.memref_squeeze %dma_start3A_279 : memref<1x64x512xf32, #tpu.memory_space<vmem>> -> memref<64x512xf32, #tpu.memory_space<vmem>>
        %dma_start3A_281 = arith.constant 0 : i32
        %dma_start3A_282 = tpu.memref_slice %arg3[%div3A_27, %dma_start3A_281, %min3A_275] : memref<26x64x100000xf32, #tpu.memory_space<hbm>> -> memref<1x64x512xf32, #tpu.memory_space<hbm>>
        %dma_start3A_283 = tpu.memref_squeeze %dma_start3A_282 : memref<1x64x512xf32, #tpu.memory_space<hbm>> -> memref<64x512xf32, #tpu.memory_space<hbm>>
        %dma_start3A_284 = arith.constant 0 : i32
        %dma_start3A_285 = arith.constant 0 : i32
        %dma_start3A_286 = tpu.memref_slice %arg7[%dma_start3A_276, %dma_start3A_284, %dma_start3A_285] : memref<3x64x512xf32, #tpu.memory_space<vmem>> -> memref<1x64x512xf32, #tpu.memory_space<vmem>>
        %dma_start3A_287 = tpu.memref_squeeze %dma_start3A_286 : memref<1x64x512xf32, #tpu.memory_space<vmem>> -> memref<64x512xf32, #tpu.memory_space<vmem>>
        %dma_start3A_288 = arith.constant 0 : i32
        %dma_start3A_289 = tpu.memref_slice %arg3[%div3A_27, %dma_start3A_288, %min3A_275] : memref<26x64x100000xf32, #tpu.memory_space<hbm>> -> memref<1x64x512xf32, #tpu.memory_space<hbm>>
        %dma_start3A_290 = tpu.memref_squeeze %dma_start3A_289 : memref<1x64x512xf32, #tpu.memory_space<hbm>> -> memref<64x512xf32, #tpu.memory_space<hbm>>
        tpu.enqueue_dma source(%dma_start3A_290 : memref<64x512xf32, #tpu.memory_space<hbm>>) target(%dma_start3A_287 : memref<64x512xf32, #tpu.memory_space<vmem>>) target_semaphore(%arg13 : memref<!tpu.dma_semaphore, #tpu.memory_space<semaphore_mem>>)
        %while3A_291 = arith.constant 0 : i32
        %while3A_292 = arith.constant 0 : i32
        %while3A_293 = arith.subi %while3A_256, %while3A_292 : i32
        %while3A_294 = arith.addi %while3A_292, %while3A_293 : i32
        %while3A_295 = arith.constant 1 : i32
        %while3A_296 = arith.divsi %while3A_293, %while3A_295 : i32
        %while3A_297 = arith.muli %while3A_296, %while3A_295 : i32
        %while3A_298 = arith.addi %while3A_292, %while3A_297 : i32
        %while3A_299 = arith.constant 1 : i32
        scf.for %while3A_668 = %while3A_292 to %while3A_298 step %while3A_299  : i32 {
          %get3A = arith.index_cast %while3A_668 : i32 to index
          %get3A_669 = tpu.vector_load %arg10[%get3A] {strides = array<i32>} : memref<4112xi32, #tpu.memory_space<vmem>>, vector<16xi32>,
          %slice3A = vector.extract_strided_slice %get3A_669 {offsets = [0], sizes = [1], strides = [1]} : vector<16xi32> to vector<1xi32>
          %squeeze3A = vector.extract %slice3A[0] : i32 from vector<1xi32>
          %and3A = arith.constant 131071 : i32
          %and3A_670 = arith.andi %squeeze3A, %and3A : i32
          %shift_right_logical3A = arith.constant 17 : i32
          %shift_right_logical3A_671 = arith.shrui %squeeze3A, %shift_right_logical3A : i32
          %rem3A_672 = arith.constant 64 : i32
          %rem3A_673 = arith.remsi %while3A_668, %rem3A_672 : i32
          %mul3A_674 = arith.constant 64 : i32
          %mul3A_675 = arith.muli %rem3A_673, %mul3A_674 : i32
          %broadcast_in_dim3A_676 = vector.broadcast %and3A_670 : i32 to vector<16xi32>
          %sub3A = vector.broadcast %min3A_119 : i32 to vector<16xi32>
          %sub3A_677 = arith.subi %broadcast_in_dim3A_676, %sub3A : vector<16xi32>
          %gather3A = arith.constant 2 : i32
          %gather3A_678 = arith.constant 0 : i32
          %gather3A_679 = arith.constant 0 : i32
          %gather3A_680 = tpu.memref_slice %arg7[%gather3A, %gather3A_678, %gather3A_679] : memref<3x64x512xf32, #tpu.memory_space<vmem>> -> memref<1x64x512xf32, #tpu.memory_space<vmem>>
          %gather3A_681 = tpu.memref_squeeze %gather3A_680 : memref<1x64x512xf32, #tpu.memory_space<vmem>> -> memref<64x512xf32, #tpu.memory_space<vmem>>
          %gather3A_682 = tpu.vector_load_idx %gather3A_681[%add3A_3, %sub3A_677] : memref<64x512xf32, #tpu.memory_space<vmem>>[vector<16xi32>, vector<16xi32>], vector<16xf32>,
          %add3A_683 = arith.constant 0 : i32
          %add3A_684 = arith.addi %mul3A_675, %add3A_683 : i32
          %swap3A_685 = arith.index_cast %add3A_684 : i32 to index
          %swap3A_686 = tpu.vector_load %arg11[%swap3A_685] {strides = array<i32>} : memref<4096xf32, #tpu.memory_space<vmem>>, vector<16xf32>,
          tpu.vector_store %arg11[%swap3A_685], %gather3A_682 {strides = array<i32>} : memref<4096xf32, #tpu.memory_space<vmem>>, vector<16xf32>,
          %broadcast_in_dim3A_687 = vector.broadcast %and3A_670 : i32 to vector<16xi32>
          %sub3A_688 = vector.broadcast %min3A_119 : i32 to vector<16xi32>
          %sub3A_689 = arith.subi %broadcast_in_dim3A_687, %sub3A_688 : vector<16xi32>
          %gather3A_690 = arith.constant 2 : i32
          %gather3A_691 = arith.constant 0 : i32
          %gather3A_692 = arith.constant 0 : i32
          %gather3A_693 = tpu.memref_slice %arg7[%gather3A_690, %gather3A_691, %gather3A_692] : memref<3x64x512xf32, #tpu.memory_space<vmem>> -> memref<1x64x512xf32, #tpu.memory_space<vmem>>
          %gather3A_694 = tpu.memref_squeeze %gather3A_693 : memref<1x64x512xf32, #tpu.memory_space<vmem>> -> memref<64x512xf32, #tpu.memory_space<vmem>>
          %gather3A_695 = tpu.vector_load_idx %gather3A_694[%add3A_6, %sub3A_689] : memref<64x512xf32, #tpu.memory_space<vmem>>[vector<16xi32>, vector<16xi32>], vector<16xf32>,
          %add3A_696 = arith.constant 16 : i32
          %add3A_697 = arith.addi %mul3A_675, %add3A_696 : i32
          %swap3A_698 = arith.index_cast %add3A_697 : i32 to index
          %swap3A_699 = tpu.vector_load %arg11[%swap3A_698] {strides = array<i32>} : memref<4096xf32, #tpu.memory_space<vmem>>, vector<16xf32>,
          tpu.vector_store %arg11[%swap3A_698], %gather3A_695 {strides = array<i32>} : memref<4096xf32, #tpu.memory_space<vmem>>, vector<16xf32>,
          %broadcast_in_dim3A_700 = vector.broadcast %and3A_670 : i32 to vector<16xi32>
          %sub3A_701 = vector.broadcast %min3A_119 : i32 to vector<16xi32>
          %sub3A_702 = arith.subi %broadcast_in_dim3A_700, %sub3A_701 : vector<16xi32>
          %gather3A_703 = arith.constant 2 : i32
          %gather3A_704 = arith.constant 0 : i32
          %gather3A_705 = arith.constant 0 : i32
          %gather3A_706 = tpu.memref_slice %arg7[%gather3A_703, %gather3A_704, %gather3A_705] : memref<3x64x512xf32, #tpu.memory_space<vmem>> -> memref<1x64x512xf32, #tpu.memory_space<vmem>>
          %gather3A_707 = tpu.memref_squeeze %gather3A_706 : memref<1x64x512xf32, #tpu.memory_space<vmem>> -> memref<64x512xf32, #tpu.memory_space<vmem>>
          %gather3A_708 = tpu.vector_load_idx %gather3A_707[%add3A_9, %sub3A_702] : memref<64x512xf32, #tpu.memory_space<vmem>>[vector<16xi32>, vector<16xi32>], vector<16xf32>,
          %add3A_709 = arith.constant 32 : i32
          %add3A_710 = arith.addi %mul3A_675, %add3A_709 : i32
          %swap3A_711 = arith.index_cast %add3A_710 : i32 to index
          %swap3A_712 = tpu.vector_load %arg11[%swap3A_711] {strides = array<i32>} : memref<4096xf32, #tpu.memory_space<vmem>>, vector<16xf32>,
          tpu.vector_store %arg11[%swap3A_711], %gather3A_708 {strides = array<i32>} : memref<4096xf32, #tpu.memory_space<vmem>>, vector<16xf32>,
          %broadcast_in_dim3A_713 = vector.broadcast %and3A_670 : i32 to vector<16xi32>
          %sub3A_714 = vector.broadcast %min3A_119 : i32 to vector<16xi32>
          %sub3A_715 = arith.subi %broadcast_in_dim3A_713, %sub3A_714 : vector<16xi32>
          %gather3A_716 = arith.constant 2 : i32
          %gather3A_717 = arith.constant 0 : i32
          %gather3A_718 = arith.constant 0 : i32
          %gather3A_719 = tpu.memref_slice %arg7[%gather3A_716, %gather3A_717, %gather3A_718] : memref<3x64x512xf32, #tpu.memory_space<vmem>> -> memref<1x64x512xf32, #tpu.memory_space<vmem>>
          %gather3A_720 = tpu.memref_squeeze %gather3A_719 : memref<1x64x512xf32, #tpu.memory_space<vmem>> -> memref<64x512xf32, #tpu.memory_space<vmem>>
          %gather3A_721 = tpu.vector_load_idx %gather3A_720[%add3A_12, %sub3A_715] : memref<64x512xf32, #tpu.memory_space<vmem>>[vector<16xi32>, vector<16xi32>], vector<16xf32>,
          %add3A_722 = arith.constant 48 : i32
          %add3A_723 = arith.addi %mul3A_675, %add3A_722 : i32
          %swap3A_724 = arith.index_cast %add3A_723 : i32 to index
          %swap3A_725 = tpu.vector_load %arg11[%swap3A_724] {strides = array<i32>} : memref<4096xf32, #tpu.memory_space<vmem>>, vector<16xf32>,
          tpu.vector_store %arg11[%swap3A_724], %gather3A_721 {strides = array<i32>} : memref<4096xf32, #tpu.memory_space<vmem>>, vector<16xf32>,
          %mul3A_726 = arith.constant 64 : i32
          %mul3A_727 = arith.muli %shift_right_logical3A_671, %mul3A_726 : i32
          %add3A_728 = arith.addi %mul3A_32, %mul3A_727 : i32
          %dma_start3A_729 = tpu.memref_slice %arg11[%mul3A_675] : memref<4096xf32, #tpu.memory_space<vmem>> -> memref<64xf32, #tpu.memory_space<vmem>>
          %dma_start3A_730 = tpu.memref_slice %arg5[%add3A_728] : memref<6815744xf32, #tpu.memory_space<hbm>> -> memref<64xf32, #tpu.memory_space<hbm>>
          %dma_start3A_731 = tpu.memref_slice %arg5[%add3A_728] : memref<6815744xf32, #tpu.memory_space<hbm>> -> memref<64xf32, #tpu.memory_space<hbm>>
          %dma_start3A_732 = tpu.memref_slice %arg11[%mul3A_675] : memref<4096xf32, #tpu.memory_space<vmem>> -> memref<64xf32, #tpu.memory_space<vmem>>
          tpu.enqueue_dma source(%dma_start3A_732 : memref<64xf32, #tpu.memory_space<vmem>>) target(%dma_start3A_731 : memref<64xf32, #tpu.memory_space<hbm>>) target_semaphore(%arg15 : memref<!tpu.dma_semaphore, #tpu.memory_space<semaphore_mem>>)
          %eq3A_733 = arith.constant 63 : i32
          %eq3A_734 = arith.cmpi eq, %rem3A_673, %eq3A_733 : i32
          %convert_element_type3A_735 = arith.extui %eq3A_734 : i1 to i32
          %cond3A_736 = arith.constant 0 : i32
          %cond3A_737 = arith.cmpi ne, %convert_element_type3A_735, %cond3A_736 : i32
          scf.if %cond3A_737 {
            %scan3A_738 = arith.constant 0 : i32
            %scan3A_739 = arith.constant 0 : i32
            %scan3A_740 = arith.constant 64 : i32
            %scan3A_741 = arith.addi %scan3A_739, %scan3A_740 : i32
            %scan3A_742 = arith.constant 1 : i32
            scf.for %scan3A_744 = %scan3A_739 to %scan3A_741 step %scan3A_742  : i32 {
              %dma_wait3A_745 = arith.constant 0 : i32
              %dma_wait3A_746 = tpu.memref_slice %arg11[%dma_wait3A_745] : memref<4096xf32, #tpu.memory_space<vmem>> -> memref<64xf32, #tpu.memory_space<vmem>>
              %dma_wait3A_747 = arith.constant 0 : i32
              %dma_wait3A_748 = tpu.memref_slice %arg5[%dma_wait3A_747] : memref<6815744xf32, #tpu.memory_space<hbm>> -> memref<64xf32, #tpu.memory_space<hbm>>
              %dma_wait3A_749 = arith.constant 0 : i32
              %dma_wait3A_750 = tpu.memref_slice %arg5[%dma_wait3A_749] : memref<6815744xf32, #tpu.memory_space<hbm>> -> memref<64xf32, #tpu.memory_space<hbm>>
              %dma_wait3A_751 = arith.constant 0 : i32
              %dma_wait3A_752 = tpu.memref_slice %arg11[%dma_wait3A_751] : memref<4096xf32, #tpu.memory_space<vmem>> -> memref<64xf32, #tpu.memory_space<vmem>>
              tpu.wait_dma2 semaphore(%arg15 : memref<!tpu.dma_semaphore, #tpu.memory_space<semaphore_mem>>) src(%dma_wait3A_752 : memref<64xf32, #tpu.memory_space<vmem>>) dst(%dma_wait3A_750 : memref<64xf32, #tpu.memory_space<hbm>>)
            }
            %scan3A_743 = arith.constant 64 : i32
          } else {
          }
        }
        %while3A_300 = arith.constant 1 : i32
        scf.for %while3A_668 = %while3A_298 to %while3A_294 step %while3A_300  : i32 {
          %get3A = arith.index_cast %while3A_668 : i32 to index
          %get3A_669 = tpu.vector_load %arg10[%get3A] {strides = array<i32>} : memref<4112xi32, #tpu.memory_space<vmem>>, vector<16xi32>,
          %slice3A = vector.extract_strided_slice %get3A_669 {offsets = [0], sizes = [1], strides = [1]} : vector<16xi32> to vector<1xi32>
          %squeeze3A = vector.extract %slice3A[0] : i32 from vector<1xi32>
          %and3A = arith.constant 131071 : i32
          %and3A_670 = arith.andi %squeeze3A, %and3A : i32
          %shift_right_logical3A = arith.constant 17 : i32
          %shift_right_logical3A_671 = arith.shrui %squeeze3A, %shift_right_logical3A : i32
          %rem3A_672 = arith.constant 64 : i32
          %rem3A_673 = arith.remsi %while3A_668, %rem3A_672 : i32
          %mul3A_674 = arith.constant 64 : i32
          %mul3A_675 = arith.muli %rem3A_673, %mul3A_674 : i32
          %broadcast_in_dim3A_676 = vector.broadcast %and3A_670 : i32 to vector<16xi32>
          %sub3A = vector.broadcast %min3A_119 : i32 to vector<16xi32>
          %sub3A_677 = arith.subi %broadcast_in_dim3A_676, %sub3A : vector<16xi32>
          %gather3A = arith.constant 2 : i32
          %gather3A_678 = arith.constant 0 : i32
          %gather3A_679 = arith.constant 0 : i32
          %gather3A_680 = tpu.memref_slice %arg7[%gather3A, %gather3A_678, %gather3A_679] : memref<3x64x512xf32, #tpu.memory_space<vmem>> -> memref<1x64x512xf32, #tpu.memory_space<vmem>>
          %gather3A_681 = tpu.memref_squeeze %gather3A_680 : memref<1x64x512xf32, #tpu.memory_space<vmem>> -> memref<64x512xf32, #tpu.memory_space<vmem>>
          %gather3A_682 = tpu.vector_load_idx %gather3A_681[%add3A_3, %sub3A_677] : memref<64x512xf32, #tpu.memory_space<vmem>>[vector<16xi32>, vector<16xi32>], vector<16xf32>,
          %add3A_683 = arith.constant 0 : i32
          %add3A_684 = arith.addi %mul3A_675, %add3A_683 : i32
          %swap3A_685 = arith.index_cast %add3A_684 : i32 to index
          %swap3A_686 = tpu.vector_load %arg11[%swap3A_685] {strides = array<i32>} : memref<4096xf32, #tpu.memory_space<vmem>>, vector<16xf32>,
          tpu.vector_store %arg11[%swap3A_685], %gather3A_682 {strides = array<i32>} : memref<4096xf32, #tpu.memory_space<vmem>>, vector<16xf32>,
          %broadcast_in_dim3A_687 = vector.broadcast %and3A_670 : i32 to vector<16xi32>
          %sub3A_688 = vector.broadcast %min3A_119 : i32 to vector<16xi32>
          %sub3A_689 = arith.subi %broadcast_in_dim3A_687, %sub3A_688 : vector<16xi32>
          %gather3A_690 = arith.constant 2 : i32
          %gather3A_691 = arith.constant 0 : i32
          %gather3A_692 = arith.constant 0 : i32
          %gather3A_693 = tpu.memref_slice %arg7[%gather3A_690, %gather3A_691, %gather3A_692] : memref<3x64x512xf32, #tpu.memory_space<vmem>> -> memref<1x64x512xf32, #tpu.memory_space<vmem>>
          %gather3A_694 = tpu.memref_squeeze %gather3A_693 : memref<1x64x512xf32, #tpu.memory_space<vmem>> -> memref<64x512xf32, #tpu.memory_space<vmem>>
          %gather3A_695 = tpu.vector_load_idx %gather3A_694[%add3A_6, %sub3A_689] : memref<64x512xf32, #tpu.memory_space<vmem>>[vector<16xi32>, vector<16xi32>], vector<16xf32>,
          %add3A_696 = arith.constant 16 : i32
          %add3A_697 = arith.addi %mul3A_675, %add3A_696 : i32
          %swap3A_698 = arith.index_cast %add3A_697 : i32 to index
          %swap3A_699 = tpu.vector_load %arg11[%swap3A_698] {strides = array<i32>} : memref<4096xf32, #tpu.memory_space<vmem>>, vector<16xf32>,
          tpu.vector_store %arg11[%swap3A_698], %gather3A_695 {strides = array<i32>} : memref<4096xf32, #tpu.memory_space<vmem>>, vector<16xf32>,
          %broadcast_in_dim3A_700 = vector.broadcast %and3A_670 : i32 to vector<16xi32>
          %sub3A_701 = vector.broadcast %min3A_119 : i32 to vector<16xi32>
          %sub3A_702 = arith.subi %broadcast_in_dim3A_700, %sub3A_701 : vector<16xi32>
          %gather3A_703 = arith.constant 2 : i32
          %gather3A_704 = arith.constant 0 : i32
          %gather3A_705 = arith.constant 0 : i32
          %gather3A_706 = tpu.memref_slice %arg7[%gather3A_703, %gather3A_704, %gather3A_705] : memref<3x64x512xf32, #tpu.memory_space<vmem>> -> memref<1x64x512xf32, #tpu.memory_space<vmem>>
          %gather3A_707 = tpu.memref_squeeze %gather3A_706 : memref<1x64x512xf32, #tpu.memory_space<vmem>> -> memref<64x512xf32, #tpu.memory_space<vmem>>
          %gather3A_708 = tpu.vector_load_idx %gather3A_707[%add3A_9, %sub3A_702] : memref<64x512xf32, #tpu.memory_space<vmem>>[vector<16xi32>, vector<16xi32>], vector<16xf32>,
          %add3A_709 = arith.constant 32 : i32
          %add3A_710 = arith.addi %mul3A_675, %add3A_709 : i32
          %swap3A_711 = arith.index_cast %add3A_710 : i32 to index
          %swap3A_712 = tpu.vector_load %arg11[%swap3A_711] {strides = array<i32>} : memref<4096xf32, #tpu.memory_space<vmem>>, vector<16xf32>,
          tpu.vector_store %arg11[%swap3A_711], %gather3A_708 {strides = array<i32>} : memref<4096xf32, #tpu.memory_space<vmem>>, vector<16xf32>,
          %broadcast_in_dim3A_713 = vector.broadcast %and3A_670 : i32 to vector<16xi32>
          %sub3A_714 = vector.broadcast %min3A_119 : i32 to vector<16xi32>
          %sub3A_715 = arith.subi %broadcast_in_dim3A_713, %sub3A_714 : vector<16xi32>
          %gather3A_716 = arith.constant 2 : i32
          %gather3A_717 = arith.constant 0 : i32
          %gather3A_718 = arith.constant 0 : i32
          %gather3A_719 = tpu.memref_slice %arg7[%gather3A_716, %gather3A_717, %gather3A_718] : memref<3x64x512xf32, #tpu.memory_space<vmem>> -> memref<1x64x512xf32, #tpu.memory_space<vmem>>
          %gather3A_720 = tpu.memref_squeeze %gather3A_719 : memref<1x64x512xf32, #tpu.memory_space<vmem>> -> memref<64x512xf32, #tpu.memory_space<vmem>>
          %gather3A_721 = tpu.vector_load_idx %gather3A_720[%add3A_12, %sub3A_715] : memref<64x512xf32, #tpu.memory_space<vmem>>[vector<16xi32>, vector<16xi32>], vector<16xf32>,
          %add3A_722 = arith.constant 48 : i32
          %add3A_723 = arith.addi %mul3A_675, %add3A_722 : i32
          %swap3A_724 = arith.index_cast %add3A_723 : i32 to index
          %swap3A_725 = tpu.vector_load %arg11[%swap3A_724] {strides = array<i32>} : memref<4096xf32, #tpu.memory_space<vmem>>, vector<16xf32>,
          tpu.vector_store %arg11[%swap3A_724], %gather3A_721 {strides = array<i32>} : memref<4096xf32, #tpu.memory_space<vmem>>, vector<16xf32>,
          %mul3A_726 = arith.constant 64 : i32
          %mul3A_727 = arith.muli %shift_right_logical3A_671, %mul3A_726 : i32
          %add3A_728 = arith.addi %mul3A_32, %mul3A_727 : i32
          %dma_start3A_729 = tpu.memref_slice %arg11[%mul3A_675] : memref<4096xf32, #tpu.memory_space<vmem>> -> memref<64xf32, #tpu.memory_space<vmem>>
          %dma_start3A_730 = tpu.memref_slice %arg5[%add3A_728] : memref<6815744xf32, #tpu.memory_space<hbm>> -> memref<64xf32, #tpu.memory_space<hbm>>
          %dma_start3A_731 = tpu.memref_slice %arg5[%add3A_728] : memref<6815744xf32, #tpu.memory_space<hbm>> -> memref<64xf32, #tpu.memory_space<hbm>>
          %dma_start3A_732 = tpu.memref_slice %arg11[%mul3A_675] : memref<4096xf32, #tpu.memory_space<vmem>> -> memref<64xf32, #tpu.memory_space<vmem>>
          tpu.enqueue_dma source(%dma_start3A_732 : memref<64xf32, #tpu.memory_space<vmem>>) target(%dma_start3A_731 : memref<64xf32, #tpu.memory_space<hbm>>) target_semaphore(%arg15 : memref<!tpu.dma_semaphore, #tpu.memory_space<semaphore_mem>>)
          %eq3A_733 = arith.constant 63 : i32
          %eq3A_734 = arith.cmpi eq, %rem3A_673, %eq3A_733 : i32
          %convert_element_type3A_735 = arith.extui %eq3A_734 : i1 to i32
          %cond3A_736 = arith.constant 0 : i32
          %cond3A_737 = arith.cmpi ne, %convert_element_type3A_735, %cond3A_736 : i32
          scf.if %cond3A_737 {
            %scan3A_738 = arith.constant 0 : i32
            %scan3A_739 = arith.constant 0 : i32
            %scan3A_740 = arith.constant 64 : i32
            %scan3A_741 = arith.addi %scan3A_739, %scan3A_740 : i32
            %scan3A_742 = arith.constant 1 : i32
            scf.for %scan3A_744 = %scan3A_739 to %scan3A_741 step %scan3A_742  : i32 {
              %dma_wait3A_745 = arith.constant 0 : i32
              %dma_wait3A_746 = tpu.memref_slice %arg11[%dma_wait3A_745] : memref<4096xf32, #tpu.memory_space<vmem>> -> memref<64xf32, #tpu.memory_space<vmem>>
              %dma_wait3A_747 = arith.constant 0 : i32
              %dma_wait3A_748 = tpu.memref_slice %arg5[%dma_wait3A_747] : memref<6815744xf32, #tpu.memory_space<hbm>> -> memref<64xf32, #tpu.memory_space<hbm>>
              %dma_wait3A_749 = arith.constant 0 : i32
              %dma_wait3A_750 = tpu.memref_slice %arg5[%dma_wait3A_749] : memref<6815744xf32, #tpu.memory_space<hbm>> -> memref<64xf32, #tpu.memory_space<hbm>>
              %dma_wait3A_751 = arith.constant 0 : i32
              %dma_wait3A_752 = tpu.memref_slice %arg11[%dma_wait3A_751] : memref<4096xf32, #tpu.memory_space<vmem>> -> memref<64xf32, #tpu.memory_space<vmem>>
              tpu.wait_dma2 semaphore(%arg15 : memref<!tpu.dma_semaphore, #tpu.memory_space<semaphore_mem>>) src(%dma_wait3A_752 : memref<64xf32, #tpu.memory_space<vmem>>) dst(%dma_wait3A_750 : memref<64xf32, #tpu.memory_space<hbm>>)
            }
            %scan3A_743 = arith.constant 64 : i32
          } else {
          }
        }
        %rem3A_301 = arith.constant 64 : i32
        %rem3A_302 = arith.remsi %while3A_256, %rem3A_301 : i32
        %while3A_303 = arith.constant 0 : i32
        %while3A_304 = arith.constant 0 : i32
        %while3A_305 = arith.subi %rem3A_302, %while3A_304 : i32
        %while3A_306 = arith.addi %while3A_304, %while3A_305 : i32
        %while3A_307 = arith.constant 1 : i32
        %while3A_308 = arith.divsi %while3A_305, %while3A_307 : i32
        %while3A_309 = arith.muli %while3A_308, %while3A_307 : i32
        %while3A_310 = arith.addi %while3A_304, %while3A_309 : i32
        %while3A_311 = arith.constant 1 : i32
        scf.for %while3A_668 = %while3A_304 to %while3A_310 step %while3A_311  : i32 {
          %dma_wait3A_669 = arith.constant 0 : i32
          %dma_wait3A_670 = tpu.memref_slice %arg11[%dma_wait3A_669] : memref<4096xf32, #tpu.memory_space<vmem>> -> memref<64xf32, #tpu.memory_space<vmem>>
          %dma_wait3A_671 = arith.constant 0 : i32
          %dma_wait3A_672 = tpu.memref_slice %arg5[%dma_wait3A_671] : memref<6815744xf32, #tpu.memory_space<hbm>> -> memref<64xf32, #tpu.memory_space<hbm>>
          %dma_wait3A_673 = arith.constant 0 : i32
          %dma_wait3A_674 = tpu.memref_slice %arg5[%dma_wait3A_673] : memref<6815744xf32, #tpu.memory_space<hbm>> -> memref<64xf32, #tpu.memory_space<hbm>>
          %dma_wait3A_675 = arith.constant 0 : i32
          %dma_wait3A_676 = tpu.memref_slice %arg11[%dma_wait3A_675] : memref<4096xf32, #tpu.memory_space<vmem>> -> memref<64xf32, #tpu.memory_space<vmem>>
          tpu.wait_dma2 semaphore(%arg15 : memref<!tpu.dma_semaphore, #tpu.memory_space<semaphore_mem>>) src(%dma_wait3A_676 : memref<64xf32, #tpu.memory_space<vmem>>) dst(%dma_wait3A_674 : memref<64xf32, #tpu.memory_space<hbm>>)
        }
        %while3A_312 = arith.constant 1 : i32
        scf.for %while3A_668 = %while3A_310 to %while3A_306 step %while3A_312  : i32 {
          %dma_wait3A_669 = arith.constant 0 : i32
          %dma_wait3A_670 = tpu.memref_slice %arg11[%dma_wait3A_669] : memref<4096xf32, #tpu.memory_space<vmem>> -> memref<64xf32, #tpu.memory_space<vmem>>
          %dma_wait3A_671 = arith.constant 0 : i32
          %dma_wait3A_672 = tpu.memref_slice %arg5[%dma_wait3A_671] : memref<6815744xf32, #tpu.memory_space<hbm>> -> memref<64xf32, #tpu.memory_space<hbm>>
          %dma_wait3A_673 = arith.constant 0 : i32
          %dma_wait3A_674 = tpu.memref_slice %arg5[%dma_wait3A_673] : memref<6815744xf32, #tpu.memory_space<hbm>> -> memref<64xf32, #tpu.memory_space<hbm>>
          %dma_wait3A_675 = arith.constant 0 : i32
          %dma_wait3A_676 = tpu.memref_slice %arg11[%dma_wait3A_675] : memref<4096xf32, #tpu.memory_space<vmem>> -> memref<64xf32, #tpu.memory_space<vmem>>
          tpu.wait_dma2 semaphore(%arg15 : memref<!tpu.dma_semaphore, #tpu.memory_space<semaphore_mem>>) src(%dma_wait3A_676 : memref<64xf32, #tpu.memory_space<vmem>>) dst(%dma_wait3A_674 : memref<64xf32, #tpu.memory_space<hbm>>)
        }
        %add3A_313 = arith.constant 1536 : i32
        %add3A_314 = arith.addi %mul3A_30, %add3A_313 : i32
        %add3A_315 = arith.constant 512 : i32
        %add3A_316 = arith.addi %add3A_314, %add3A_315 : i32
        %min3A_317 = arith.constant 99968 : i32
        %min3A_318 = arith.minsi %add3A_316, %min3A_317 : i32
        %add3A_319 = arith.constant 15 : i32
        %add3A_320 = arith.addi %scan3A_77, %add3A_319 : i32
        %div3A_321 = arith.constant 16 : i32
        %div3A_322 = arith.divsi %add3A_320, %div3A_321 : i32
        %while3A_323 = arith.constant 0 : i32
        %while3A_324 = arith.constant 0 : i32
        %while3A_325 = arith.subi %div3A_322, %while3A_323 : i32
        %while3A_326 = arith.addi %while3A_323, %while3A_325 : i32
        %while3A_327 = arith.constant 1 : i32
        %while3A_328 = arith.divsi %while3A_325, %while3A_327 : i32
        %while3A_329 = arith.muli %while3A_328, %while3A_327 : i32
        %while3A_330 = arith.addi %while3A_323, %while3A_329 : i32
        %while3A_331 = arith.constant 1 : i32
        %while3A_332 = scf.for %while3A_668 = %while3A_323 to %while3A_330 step %while3A_331 iter_args(%while3A_669 = %while3A_324) -> (i32)  : i32 {
          %mul3A_670 = arith.constant 16 : i32
          %mul3A_671 = arith.muli %while3A_668, %mul3A_670 : i32
          %get3A = arith.index_cast %mul3A_671 : i32 to index
          %get3A_672 = tpu.vector_load %arg9[%get3A] {strides = array<i32>} : memref<4112xi32, #tpu.memory_space<vmem>>, vector<16xi32>,
          %and3A = arith.constant 131071 : i32
          %and3A_673 = vector.broadcast %and3A : i32 to vector<16xi32>
          %and3A_674 = arith.andi %get3A_672, %and3A_673 : vector<16xi32>
          %ge3A = vector.broadcast %add3A_314 : i32 to vector<16xi32>
          %ge3A_675 = arith.cmpi sge, %and3A_674, %ge3A : vector<16xi32>
          %lt3A_676 = vector.broadcast %min3A_318 : i32 to vector<16xi32>
          %lt3A_677 = arith.cmpi slt, %and3A_674, %lt3A_676 : vector<16xi32>
          %and3A_678 = arith.andi %ge3A_675, %lt3A_677 : vector<16xi1>
          %all_reduce_population_count3A = tpu.all_reduce %and3A_678 {dim = 0 : i64, kind = #tpu.reduction_kind<sum>} : vector<16xi1> -> vector<16xi32>
          %swap3A_679 = arith.index_cast %while3A_669 : i32 to index
          %swap3A_680 = tpu.vector_load %arg10[%swap3A_679] masked %and3A_678 {strides = array<i32>} : memref<4112xi32, #tpu.memory_space<vmem>>, vector<16xi32>, vector<16xi1>
          tpu.vector_store %arg10[%swap3A_679], %get3A_672 masked %and3A_678 {strides = array<i32>} : memref<4112xi32, #tpu.memory_space<vmem>>, vector<16xi32>, vector<16xi1>
          %slice3A = vector.extract_strided_slice %all_reduce_population_count3A {offsets = [0], sizes = [1], strides = [1]} : vector<16xi32> to vector<1xi32>
          %squeeze3A = vector.extract %slice3A[0] : i32 from vector<1xi32>
          %add3A_681 = arith.addi %while3A_669, %squeeze3A : i32
          scf.yield %add3A_681 : i32
        }
        %while3A_333 = arith.constant 1 : i32
        %while3A_334 = scf.for %while3A_668 = %while3A_330 to %while3A_326 step %while3A_333 iter_args(%while3A_669 = %while3A_332) -> (i32)  : i32 {
          %mul3A_670 = arith.constant 16 : i32
          %mul3A_671 = arith.muli %while3A_668, %mul3A_670 : i32
          %get3A = arith.index_cast %mul3A_671 : i32 to index
          %get3A_672 = tpu.vector_load %arg9[%get3A] {strides = array<i32>} : memref<4112xi32, #tpu.memory_space<vmem>>, vector<16xi32>,
          %and3A = arith.constant 131071 : i32
          %and3A_673 = vector.broadcast %and3A : i32 to vector<16xi32>
          %and3A_674 = arith.andi %get3A_672, %and3A_673 : vector<16xi32>
          %ge3A = vector.broadcast %add3A_314 : i32 to vector<16xi32>
          %ge3A_675 = arith.cmpi sge, %and3A_674, %ge3A : vector<16xi32>
          %lt3A_676 = vector.broadcast %min3A_318 : i32 to vector<16xi32>
          %lt3A_677 = arith.cmpi slt, %and3A_674, %lt3A_676 : vector<16xi32>
          %and3A_678 = arith.andi %ge3A_675, %lt3A_677 : vector<16xi1>
          %all_reduce_population_count3A = tpu.all_reduce %and3A_678 {dim = 0 : i64, kind = #tpu.reduction_kind<sum>} : vector<16xi1> -> vector<16xi32>
          %swap3A_679 = arith.index_cast %while3A_669 : i32 to index
          %swap3A_680 = tpu.vector_load %arg10[%swap3A_679] masked %and3A_678 {strides = array<i32>} : memref<4112xi32, #tpu.memory_space<vmem>>, vector<16xi32>, vector<16xi1>
          tpu.vector_store %arg10[%swap3A_679], %get3A_672 masked %and3A_678 {strides = array<i32>} : memref<4112xi32, #tpu.memory_space<vmem>>, vector<16xi32>, vector<16xi1>
          %slice3A = vector.extract_strided_slice %all_reduce_population_count3A {offsets = [0], sizes = [1], strides = [1]} : vector<16xi32> to vector<1xi32>
          %squeeze3A = vector.extract %slice3A[0] : i32 from vector<1xi32>
          %add3A_681 = arith.addi %while3A_669, %squeeze3A : i32
          scf.yield %add3A_681 : i32
        }
        %dma_wait3A_335 = arith.constant 0 : i32
        %dma_wait3A_336 = arith.constant 0 : i32
        %dma_wait3A_337 = arith.constant 0 : i32
        %dma_wait3A_338 = tpu.memref_slice %arg7[%dma_wait3A_335, %dma_wait3A_336, %dma_wait3A_337] : memref<3x64x512xf32, #tpu.memory_space<vmem>> -> memref<1x64x512xf32, #tpu.memory_space<vmem>>
        %dma_wait3A_339 = tpu.memref_squeeze %dma_wait3A_338 : memref<1x64x512xf32, #tpu.memory_space<vmem>> -> memref<64x512xf32, #tpu.memory_space<vmem>>
        %dma_wait3A_340 = arith.constant 0 : i32
        %dma_wait3A_341 = tpu.memref_slice %arg3[%div3A_27, %dma_wait3A_340, %min3A_197] : memref<26x64x100000xf32, #tpu.memory_space<hbm>> -> memref<1x64x512xf32, #tpu.memory_space<hbm>>
        %dma_wait3A_342 = tpu.memref_squeeze %dma_wait3A_341 : memref<1x64x512xf32, #tpu.memory_space<hbm>> -> memref<64x512xf32, #tpu.memory_space<hbm>>
        %dma_wait3A_343 = arith.constant 0 : i32
        %dma_wait3A_344 = arith.constant 0 : i32
        %dma_wait3A_345 = tpu.memref_slice %arg7[%dma_wait3A_335, %dma_wait3A_343, %dma_wait3A_344] : memref<3x64x512xf32, #tpu.memory_space<vmem>> -> memref<1x64x512xf32, #tpu.memory_space<vmem>>
        %dma_wait3A_346 = tpu.memref_squeeze %dma_wait3A_345 : memref<1x64x512xf32, #tpu.memory_space<vmem>> -> memref<64x512xf32, #tpu.memory_space<vmem>>
        %dma_wait3A_347 = arith.constant 0 : i32
        %dma_wait3A_348 = tpu.memref_slice %arg3[%div3A_27, %dma_wait3A_347, %min3A_197] : memref<26x64x100000xf32, #tpu.memory_space<hbm>> -> memref<1x64x512xf32, #tpu.memory_space<hbm>>
        %dma_wait3A_349 = tpu.memref_squeeze %dma_wait3A_348 : memref<1x64x512xf32, #tpu.memory_space<hbm>> -> memref<64x512xf32, #tpu.memory_space<hbm>>
        tpu.wait_dma2 semaphore(%arg12 : memref<!tpu.dma_semaphore, #tpu.memory_space<semaphore_mem>>) src(%dma_wait3A_349 : memref<64x512xf32, #tpu.memory_space<hbm>>) dst(%dma_wait3A_346 : memref<64x512xf32, #tpu.memory_space<vmem>>)
        %add3A_350 = arith.constant 2560 : i32
        %add3A_351 = arith.addi %mul3A_30, %add3A_350 : i32
        %min3A_352 = arith.constant 99456 : i32
        %min3A_353 = arith.minsi %add3A_351, %min3A_352 : i32
        %dma_start3A_354 = arith.constant 2 : i32
        %dma_start3A_355 = arith.constant 0 : i32
        %dma_start3A_356 = arith.constant 0 : i32
        %dma_start3A_357 = tpu.memref_slice %arg7[%dma_start3A_354, %dma_start3A_355, %dma_start3A_356] : memref<3x64x512xf32, #tpu.memory_space<vmem>> -> memref<1x64x512xf32, #tpu.memory_space<vmem>>
        %dma_start3A_358 = tpu.memref_squeeze %dma_start3A_357 : memref<1x64x512xf32, #tpu.memory_space<vmem>> -> memref<64x512xf32, #tpu.memory_space<vmem>>
        %dma_start3A_359 = arith.constant 0 : i32
        %dma_start3A_360 = tpu.memref_slice %arg3[%div3A_27, %dma_start3A_359, %min3A_353] : memref<26x64x100000xf32, #tpu.memory_space<hbm>> -> memref<1x64x512xf32, #tpu.memory_space<hbm>>
        %dma_start3A_361 = tpu.memref_squeeze %dma_start3A_360 : memref<1x64x512xf32, #tpu.memory_space<hbm>> -> memref<64x512xf32, #tpu.memory_space<hbm>>
        %dma_start3A_362 = arith.constant 0 : i32
        %dma_start3A_363 = arith.constant 0 : i32
        %dma_start3A_364 = tpu.memref_slice %arg7[%dma_start3A_354, %dma_start3A_362, %dma_start3A_363] : memref<3x64x512xf32, #tpu.memory_space<vmem>> -> memref<1x64x512xf32, #tpu.memory_space<vmem>>
        %dma_start3A_365 = tpu.memref_squeeze %dma_start3A_364 : memref<1x64x512xf32, #tpu.memory_space<vmem>> -> memref<64x512xf32, #tpu.memory_space<vmem>>
        %dma_start3A_366 = arith.constant 0 : i32
        %dma_start3A_367 = tpu.memref_slice %arg3[%div3A_27, %dma_start3A_366, %min3A_353] : memref<26x64x100000xf32, #tpu.memory_space<hbm>> -> memref<1x64x512xf32, #tpu.memory_space<hbm>>
        %dma_start3A_368 = tpu.memref_squeeze %dma_start3A_367 : memref<1x64x512xf32, #tpu.memory_space<hbm>> -> memref<64x512xf32, #tpu.memory_space<hbm>>
        tpu.enqueue_dma source(%dma_start3A_368 : memref<64x512xf32, #tpu.memory_space<hbm>>) target(%dma_start3A_365 : memref<64x512xf32, #tpu.memory_space<vmem>>) target_semaphore(%arg14 : memref<!tpu.dma_semaphore, #tpu.memory_space<semaphore_mem>>)
        %while3A_369 = arith.constant 0 : i32
        %while3A_370 = arith.constant 0 : i32
        %while3A_371 = arith.subi %while3A_334, %while3A_370 : i32
        %while3A_372 = arith.addi %while3A_370, %while3A_371 : i32
        %while3A_373 = arith.constant 1 : i32
        %while3A_374 = arith.divsi %while3A_371, %while3A_373 : i32
        %while3A_375 = arith.muli %while3A_374, %while3A_373 : i32
        %while3A_376 = arith.addi %while3A_370, %while3A_375 : i32
        %while3A_377 = arith.constant 1 : i32
        scf.for %while3A_668 = %while3A_370 to %while3A_376 step %while3A_377  : i32 {
          %get3A = arith.index_cast %while3A_668 : i32 to index
          %get3A_669 = tpu.vector_load %arg10[%get3A] {strides = array<i32>} : memref<4112xi32, #tpu.memory_space<vmem>>, vector<16xi32>,
          %slice3A = vector.extract_strided_slice %get3A_669 {offsets = [0], sizes = [1], strides = [1]} : vector<16xi32> to vector<1xi32>
          %squeeze3A = vector.extract %slice3A[0] : i32 from vector<1xi32>
          %and3A = arith.constant 131071 : i32
          %and3A_670 = arith.andi %squeeze3A, %and3A : i32
          %shift_right_logical3A = arith.constant 17 : i32
          %shift_right_logical3A_671 = arith.shrui %squeeze3A, %shift_right_logical3A : i32
          %rem3A_672 = arith.constant 64 : i32
          %rem3A_673 = arith.remsi %while3A_668, %rem3A_672 : i32
          %mul3A_674 = arith.constant 64 : i32
          %mul3A_675 = arith.muli %rem3A_673, %mul3A_674 : i32
          %broadcast_in_dim3A_676 = vector.broadcast %and3A_670 : i32 to vector<16xi32>
          %sub3A = vector.broadcast %min3A_197 : i32 to vector<16xi32>
          %sub3A_677 = arith.subi %broadcast_in_dim3A_676, %sub3A : vector<16xi32>
          %gather3A = arith.constant 0 : i32
          %gather3A_678 = arith.constant 0 : i32
          %gather3A_679 = arith.constant 0 : i32
          %gather3A_680 = tpu.memref_slice %arg7[%gather3A, %gather3A_678, %gather3A_679] : memref<3x64x512xf32, #tpu.memory_space<vmem>> -> memref<1x64x512xf32, #tpu.memory_space<vmem>>
          %gather3A_681 = tpu.memref_squeeze %gather3A_680 : memref<1x64x512xf32, #tpu.memory_space<vmem>> -> memref<64x512xf32, #tpu.memory_space<vmem>>
          %gather3A_682 = tpu.vector_load_idx %gather3A_681[%add3A_3, %sub3A_677] : memref<64x512xf32, #tpu.memory_space<vmem>>[vector<16xi32>, vector<16xi32>], vector<16xf32>,
          %add3A_683 = arith.constant 0 : i32
          %add3A_684 = arith.addi %mul3A_675, %add3A_683 : i32
          %swap3A_685 = arith.index_cast %add3A_684 : i32 to index
          %swap3A_686 = tpu.vector_load %arg11[%swap3A_685] {strides = array<i32>} : memref<4096xf32, #tpu.memory_space<vmem>>, vector<16xf32>,
          tpu.vector_store %arg11[%swap3A_685], %gather3A_682 {strides = array<i32>} : memref<4096xf32, #tpu.memory_space<vmem>>, vector<16xf32>,
          %broadcast_in_dim3A_687 = vector.broadcast %and3A_670 : i32 to vector<16xi32>
          %sub3A_688 = vector.broadcast %min3A_197 : i32 to vector<16xi32>
          %sub3A_689 = arith.subi %broadcast_in_dim3A_687, %sub3A_688 : vector<16xi32>
          %gather3A_690 = arith.constant 0 : i32
          %gather3A_691 = arith.constant 0 : i32
          %gather3A_692 = arith.constant 0 : i32
          %gather3A_693 = tpu.memref_slice %arg7[%gather3A_690, %gather3A_691, %gather3A_692] : memref<3x64x512xf32, #tpu.memory_space<vmem>> -> memref<1x64x512xf32, #tpu.memory_space<vmem>>
          %gather3A_694 = tpu.memref_squeeze %gather3A_693 : memref<1x64x512xf32, #tpu.memory_space<vmem>> -> memref<64x512xf32, #tpu.memory_space<vmem>>
          %gather3A_695 = tpu.vector_load_idx %gather3A_694[%add3A_6, %sub3A_689] : memref<64x512xf32, #tpu.memory_space<vmem>>[vector<16xi32>, vector<16xi32>], vector<16xf32>,
          %add3A_696 = arith.constant 16 : i32
          %add3A_697 = arith.addi %mul3A_675, %add3A_696 : i32
          %swap3A_698 = arith.index_cast %add3A_697 : i32 to index
          %swap3A_699 = tpu.vector_load %arg11[%swap3A_698] {strides = array<i32>} : memref<4096xf32, #tpu.memory_space<vmem>>, vector<16xf32>,
          tpu.vector_store %arg11[%swap3A_698], %gather3A_695 {strides = array<i32>} : memref<4096xf32, #tpu.memory_space<vmem>>, vector<16xf32>,
          %broadcast_in_dim3A_700 = vector.broadcast %and3A_670 : i32 to vector<16xi32>
          %sub3A_701 = vector.broadcast %min3A_197 : i32 to vector<16xi32>
          %sub3A_702 = arith.subi %broadcast_in_dim3A_700, %sub3A_701 : vector<16xi32>
          %gather3A_703 = arith.constant 0 : i32
          %gather3A_704 = arith.constant 0 : i32
          %gather3A_705 = arith.constant 0 : i32
          %gather3A_706 = tpu.memref_slice %arg7[%gather3A_703, %gather3A_704, %gather3A_705] : memref<3x64x512xf32, #tpu.memory_space<vmem>> -> memref<1x64x512xf32, #tpu.memory_space<vmem>>
          %gather3A_707 = tpu.memref_squeeze %gather3A_706 : memref<1x64x512xf32, #tpu.memory_space<vmem>> -> memref<64x512xf32, #tpu.memory_space<vmem>>
          %gather3A_708 = tpu.vector_load_idx %gather3A_707[%add3A_9, %sub3A_702] : memref<64x512xf32, #tpu.memory_space<vmem>>[vector<16xi32>, vector<16xi32>], vector<16xf32>,
          %add3A_709 = arith.constant 32 : i32
          %add3A_710 = arith.addi %mul3A_675, %add3A_709 : i32
          %swap3A_711 = arith.index_cast %add3A_710 : i32 to index
          %swap3A_712 = tpu.vector_load %arg11[%swap3A_711] {strides = array<i32>} : memref<4096xf32, #tpu.memory_space<vmem>>, vector<16xf32>,
          tpu.vector_store %arg11[%swap3A_711], %gather3A_708 {strides = array<i32>} : memref<4096xf32, #tpu.memory_space<vmem>>, vector<16xf32>,
          %broadcast_in_dim3A_713 = vector.broadcast %and3A_670 : i32 to vector<16xi32>
          %sub3A_714 = vector.broadcast %min3A_197 : i32 to vector<16xi32>
          %sub3A_715 = arith.subi %broadcast_in_dim3A_713, %sub3A_714 : vector<16xi32>
          %gather3A_716 = arith.constant 0 : i32
          %gather3A_717 = arith.constant 0 : i32
          %gather3A_718 = arith.constant 0 : i32
          %gather3A_719 = tpu.memref_slice %arg7[%gather3A_716, %gather3A_717, %gather3A_718] : memref<3x64x512xf32, #tpu.memory_space<vmem>> -> memref<1x64x512xf32, #tpu.memory_space<vmem>>
          %gather3A_720 = tpu.memref_squeeze %gather3A_719 : memref<1x64x512xf32, #tpu.memory_space<vmem>> -> memref<64x512xf32, #tpu.memory_space<vmem>>
          %gather3A_721 = tpu.vector_load_idx %gather3A_720[%add3A_12, %sub3A_715] : memref<64x512xf32, #tpu.memory_space<vmem>>[vector<16xi32>, vector<16xi32>], vector<16xf32>,
          %add3A_722 = arith.constant 48 : i32
          %add3A_723 = arith.addi %mul3A_675, %add3A_722 : i32
          %swap3A_724 = arith.index_cast %add3A_723 : i32 to index
          %swap3A_725 = tpu.vector_load %arg11[%swap3A_724] {strides = array<i32>} : memref<4096xf32, #tpu.memory_space<vmem>>, vector<16xf32>,
          tpu.vector_store %arg11[%swap3A_724], %gather3A_721 {strides = array<i32>} : memref<4096xf32, #tpu.memory_space<vmem>>, vector<16xf32>,
          %mul3A_726 = arith.constant 64 : i32
          %mul3A_727 = arith.muli %shift_right_logical3A_671, %mul3A_726 : i32
          %add3A_728 = arith.addi %mul3A_32, %mul3A_727 : i32
          %dma_start3A_729 = tpu.memref_slice %arg11[%mul3A_675] : memref<4096xf32, #tpu.memory_space<vmem>> -> memref<64xf32, #tpu.memory_space<vmem>>
          %dma_start3A_730 = tpu.memref_slice %arg5[%add3A_728] : memref<6815744xf32, #tpu.memory_space<hbm>> -> memref<64xf32, #tpu.memory_space<hbm>>
          %dma_start3A_731 = tpu.memref_slice %arg5[%add3A_728] : memref<6815744xf32, #tpu.memory_space<hbm>> -> memref<64xf32, #tpu.memory_space<hbm>>
          %dma_start3A_732 = tpu.memref_slice %arg11[%mul3A_675] : memref<4096xf32, #tpu.memory_space<vmem>> -> memref<64xf32, #tpu.memory_space<vmem>>
          tpu.enqueue_dma source(%dma_start3A_732 : memref<64xf32, #tpu.memory_space<vmem>>) target(%dma_start3A_731 : memref<64xf32, #tpu.memory_space<hbm>>) target_semaphore(%arg15 : memref<!tpu.dma_semaphore, #tpu.memory_space<semaphore_mem>>)
          %eq3A_733 = arith.constant 63 : i32
          %eq3A_734 = arith.cmpi eq, %rem3A_673, %eq3A_733 : i32
          %convert_element_type3A_735 = arith.extui %eq3A_734 : i1 to i32
          %cond3A_736 = arith.constant 0 : i32
          %cond3A_737 = arith.cmpi ne, %convert_element_type3A_735, %cond3A_736 : i32
          scf.if %cond3A_737 {
            %scan3A_738 = arith.constant 0 : i32
            %scan3A_739 = arith.constant 0 : i32
            %scan3A_740 = arith.constant 64 : i32
            %scan3A_741 = arith.addi %scan3A_739, %scan3A_740 : i32
            %scan3A_742 = arith.constant 1 : i32
            scf.for %scan3A_744 = %scan3A_739 to %scan3A_741 step %scan3A_742  : i32 {
              %dma_wait3A_745 = arith.constant 0 : i32
              %dma_wait3A_746 = tpu.memref_slice %arg11[%dma_wait3A_745] : memref<4096xf32, #tpu.memory_space<vmem>> -> memref<64xf32, #tpu.memory_space<vmem>>
              %dma_wait3A_747 = arith.constant 0 : i32
              %dma_wait3A_748 = tpu.memref_slice %arg5[%dma_wait3A_747] : memref<6815744xf32, #tpu.memory_space<hbm>> -> memref<64xf32, #tpu.memory_space<hbm>>
              %dma_wait3A_749 = arith.constant 0 : i32
              %dma_wait3A_750 = tpu.memref_slice %arg5[%dma_wait3A_749] : memref<6815744xf32, #tpu.memory_space<hbm>> -> memref<64xf32, #tpu.memory_space<hbm>>
              %dma_wait3A_751 = arith.constant 0 : i32
              %dma_wait3A_752 = tpu.memref_slice %arg11[%dma_wait3A_751] : memref<4096xf32, #tpu.memory_space<vmem>> -> memref<64xf32, #tpu.memory_space<vmem>>
              tpu.wait_dma2 semaphore(%arg15 : memref<!tpu.dma_semaphore, #tpu.memory_space<semaphore_mem>>) src(%dma_wait3A_752 : memref<64xf32, #tpu.memory_space<vmem>>) dst(%dma_wait3A_750 : memref<64xf32, #tpu.memory_space<hbm>>)
            }
            %scan3A_743 = arith.constant 64 : i32
          } else {
          }
        }
        %while3A_378 = arith.constant 1 : i32
        scf.for %while3A_668 = %while3A_376 to %while3A_372 step %while3A_378  : i32 {
          %get3A = arith.index_cast %while3A_668 : i32 to index
          %get3A_669 = tpu.vector_load %arg10[%get3A] {strides = array<i32>} : memref<4112xi32, #tpu.memory_space<vmem>>, vector<16xi32>,
          %slice3A = vector.extract_strided_slice %get3A_669 {offsets = [0], sizes = [1], strides = [1]} : vector<16xi32> to vector<1xi32>
          %squeeze3A = vector.extract %slice3A[0] : i32 from vector<1xi32>
          %and3A = arith.constant 131071 : i32
          %and3A_670 = arith.andi %squeeze3A, %and3A : i32
          %shift_right_logical3A = arith.constant 17 : i32
          %shift_right_logical3A_671 = arith.shrui %squeeze3A, %shift_right_logical3A : i32
          %rem3A_672 = arith.constant 64 : i32
          %rem3A_673 = arith.remsi %while3A_668, %rem3A_672 : i32
          %mul3A_674 = arith.constant 64 : i32
          %mul3A_675 = arith.muli %rem3A_673, %mul3A_674 : i32
          %broadcast_in_dim3A_676 = vector.broadcast %and3A_670 : i32 to vector<16xi32>
          %sub3A = vector.broadcast %min3A_197 : i32 to vector<16xi32>
          %sub3A_677 = arith.subi %broadcast_in_dim3A_676, %sub3A : vector<16xi32>
          %gather3A = arith.constant 0 : i32
          %gather3A_678 = arith.constant 0 : i32
          %gather3A_679 = arith.constant 0 : i32
          %gather3A_680 = tpu.memref_slice %arg7[%gather3A, %gather3A_678, %gather3A_679] : memref<3x64x512xf32, #tpu.memory_space<vmem>> -> memref<1x64x512xf32, #tpu.memory_space<vmem>>
          %gather3A_681 = tpu.memref_squeeze %gather3A_680 : memref<1x64x512xf32, #tpu.memory_space<vmem>> -> memref<64x512xf32, #tpu.memory_space<vmem>>
          %gather3A_682 = tpu.vector_load_idx %gather3A_681[%add3A_3, %sub3A_677] : memref<64x512xf32, #tpu.memory_space<vmem>>[vector<16xi32>, vector<16xi32>], vector<16xf32>,
          %add3A_683 = arith.constant 0 : i32
          %add3A_684 = arith.addi %mul3A_675, %add3A_683 : i32
          %swap3A_685 = arith.index_cast %add3A_684 : i32 to index
          %swap3A_686 = tpu.vector_load %arg11[%swap3A_685] {strides = array<i32>} : memref<4096xf32, #tpu.memory_space<vmem>>, vector<16xf32>,
          tpu.vector_store %arg11[%swap3A_685], %gather3A_682 {strides = array<i32>} : memref<4096xf32, #tpu.memory_space<vmem>>, vector<16xf32>,
          %broadcast_in_dim3A_687 = vector.broadcast %and3A_670 : i32 to vector<16xi32>
          %sub3A_688 = vector.broadcast %min3A_197 : i32 to vector<16xi32>
          %sub3A_689 = arith.subi %broadcast_in_dim3A_687, %sub3A_688 : vector<16xi32>
          %gather3A_690 = arith.constant 0 : i32
          %gather3A_691 = arith.constant 0 : i32
          %gather3A_692 = arith.constant 0 : i32
          %gather3A_693 = tpu.memref_slice %arg7[%gather3A_690, %gather3A_691, %gather3A_692] : memref<3x64x512xf32, #tpu.memory_space<vmem>> -> memref<1x64x512xf32, #tpu.memory_space<vmem>>
          %gather3A_694 = tpu.memref_squeeze %gather3A_693 : memref<1x64x512xf32, #tpu.memory_space<vmem>> -> memref<64x512xf32, #tpu.memory_space<vmem>>
          %gather3A_695 = tpu.vector_load_idx %gather3A_694[%add3A_6, %sub3A_689] : memref<64x512xf32, #tpu.memory_space<vmem>>[vector<16xi32>, vector<16xi32>], vector<16xf32>,
          %add3A_696 = arith.constant 16 : i32
          %add3A_697 = arith.addi %mul3A_675, %add3A_696 : i32
          %swap3A_698 = arith.index_cast %add3A_697 : i32 to index
          %swap3A_699 = tpu.vector_load %arg11[%swap3A_698] {strides = array<i32>} : memref<4096xf32, #tpu.memory_space<vmem>>, vector<16xf32>,
          tpu.vector_store %arg11[%swap3A_698], %gather3A_695 {strides = array<i32>} : memref<4096xf32, #tpu.memory_space<vmem>>, vector<16xf32>,
          %broadcast_in_dim3A_700 = vector.broadcast %and3A_670 : i32 to vector<16xi32>
          %sub3A_701 = vector.broadcast %min3A_197 : i32 to vector<16xi32>
          %sub3A_702 = arith.subi %broadcast_in_dim3A_700, %sub3A_701 : vector<16xi32>
          %gather3A_703 = arith.constant 0 : i32
          %gather3A_704 = arith.constant 0 : i32
          %gather3A_705 = arith.constant 0 : i32
          %gather3A_706 = tpu.memref_slice %arg7[%gather3A_703, %gather3A_704, %gather3A_705] : memref<3x64x512xf32, #tpu.memory_space<vmem>> -> memref<1x64x512xf32, #tpu.memory_space<vmem>>
          %gather3A_707 = tpu.memref_squeeze %gather3A_706 : memref<1x64x512xf32, #tpu.memory_space<vmem>> -> memref<64x512xf32, #tpu.memory_space<vmem>>
          %gather3A_708 = tpu.vector_load_idx %gather3A_707[%add3A_9, %sub3A_702] : memref<64x512xf32, #tpu.memory_space<vmem>>[vector<16xi32>, vector<16xi32>], vector<16xf32>,
          %add3A_709 = arith.constant 32 : i32
          %add3A_710 = arith.addi %mul3A_675, %add3A_709 : i32
          %swap3A_711 = arith.index_cast %add3A_710 : i32 to index
          %swap3A_712 = tpu.vector_load %arg11[%swap3A_711] {strides = array<i32>} : memref<4096xf32, #tpu.memory_space<vmem>>, vector<16xf32>,
          tpu.vector_store %arg11[%swap3A_711], %gather3A_708 {strides = array<i32>} : memref<4096xf32, #tpu.memory_space<vmem>>, vector<16xf32>,
          %broadcast_in_dim3A_713 = vector.broadcast %and3A_670 : i32 to vector<16xi32>
          %sub3A_714 = vector.broadcast %min3A_197 : i32 to vector<16xi32>
          %sub3A_715 = arith.subi %broadcast_in_dim3A_713, %sub3A_714 : vector<16xi32>
          %gather3A_716 = arith.constant 0 : i32
          %gather3A_717 = arith.constant 0 : i32
          %gather3A_718 = arith.constant 0 : i32
          %gather3A_719 = tpu.memref_slice %arg7[%gather3A_716, %gather3A_717, %gather3A_718] : memref<3x64x512xf32, #tpu.memory_space<vmem>> -> memref<1x64x512xf32, #tpu.memory_space<vmem>>
          %gather3A_720 = tpu.memref_squeeze %gather3A_719 : memref<1x64x512xf32, #tpu.memory_space<vmem>> -> memref<64x512xf32, #tpu.memory_space<vmem>>
          %gather3A_721 = tpu.vector_load_idx %gather3A_720[%add3A_12, %sub3A_715] : memref<64x512xf32, #tpu.memory_space<vmem>>[vector<16xi32>, vector<16xi32>], vector<16xf32>,
          %add3A_722 = arith.constant 48 : i32
          %add3A_723 = arith.addi %mul3A_675, %add3A_722 : i32
          %swap3A_724 = arith.index_cast %add3A_723 : i32 to index
          %swap3A_725 = tpu.vector_load %arg11[%swap3A_724] {strides = array<i32>} : memref<4096xf32, #tpu.memory_space<vmem>>, vector<16xf32>,
          tpu.vector_store %arg11[%swap3A_724], %gather3A_721 {strides = array<i32>} : memref<4096xf32, #tpu.memory_space<vmem>>, vector<16xf32>,
          %mul3A_726 = arith.constant 64 : i32
          %mul3A_727 = arith.muli %shift_right_logical3A_671, %mul3A_726 : i32
          %add3A_728 = arith.addi %mul3A_32, %mul3A_727 : i32
          %dma_start3A_729 = tpu.memref_slice %arg11[%mul3A_675] : memref<4096xf32, #tpu.memory_space<vmem>> -> memref<64xf32, #tpu.memory_space<vmem>>
          %dma_start3A_730 = tpu.memref_slice %arg5[%add3A_728] : memref<6815744xf32, #tpu.memory_space<hbm>> -> memref<64xf32, #tpu.memory_space<hbm>>
          %dma_start3A_731 = tpu.memref_slice %arg5[%add3A_728] : memref<6815744xf32, #tpu.memory_space<hbm>> -> memref<64xf32, #tpu.memory_space<hbm>>
          %dma_start3A_732 = tpu.memref_slice %arg11[%mul3A_675] : memref<4096xf32, #tpu.memory_space<vmem>> -> memref<64xf32, #tpu.memory_space<vmem>>
          tpu.enqueue_dma source(%dma_start3A_732 : memref<64xf32, #tpu.memory_space<vmem>>) target(%dma_start3A_731 : memref<64xf32, #tpu.memory_space<hbm>>) target_semaphore(%arg15 : memref<!tpu.dma_semaphore, #tpu.memory_space<semaphore_mem>>)
          %eq3A_733 = arith.constant 63 : i32
          %eq3A_734 = arith.cmpi eq, %rem3A_673, %eq3A_733 : i32
          %convert_element_type3A_735 = arith.extui %eq3A_734 : i1 to i32
          %cond3A_736 = arith.constant 0 : i32
          %cond3A_737 = arith.cmpi ne, %convert_element_type3A_735, %cond3A_736 : i32
          scf.if %cond3A_737 {
            %scan3A_738 = arith.constant 0 : i32
            %scan3A_739 = arith.constant 0 : i32
            %scan3A_740 = arith.constant 64 : i32
            %scan3A_741 = arith.addi %scan3A_739, %scan3A_740 : i32
            %scan3A_742 = arith.constant 1 : i32
            scf.for %scan3A_744 = %scan3A_739 to %scan3A_741 step %scan3A_742  : i32 {
              %dma_wait3A_745 = arith.constant 0 : i32
              %dma_wait3A_746 = tpu.memref_slice %arg11[%dma_wait3A_745] : memref<4096xf32, #tpu.memory_space<vmem>> -> memref<64xf32, #tpu.memory_space<vmem>>
              %dma_wait3A_747 = arith.constant 0 : i32
              %dma_wait3A_748 = tpu.memref_slice %arg5[%dma_wait3A_747] : memref<6815744xf32, #tpu.memory_space<hbm>> -> memref<64xf32, #tpu.memory_space<hbm>>
              %dma_wait3A_749 = arith.constant 0 : i32
              %dma_wait3A_750 = tpu.memref_slice %arg5[%dma_wait3A_749] : memref<6815744xf32, #tpu.memory_space<hbm>> -> memref<64xf32, #tpu.memory_space<hbm>>
              %dma_wait3A_751 = arith.constant 0 : i32
              %dma_wait3A_752 = tpu.memref_slice %arg11[%dma_wait3A_751] : memref<4096xf32, #tpu.memory_space<vmem>> -> memref<64xf32, #tpu.memory_space<vmem>>
              tpu.wait_dma2 semaphore(%arg15 : memref<!tpu.dma_semaphore, #tpu.memory_space<semaphore_mem>>) src(%dma_wait3A_752 : memref<64xf32, #tpu.memory_space<vmem>>) dst(%dma_wait3A_750 : memref<64xf32, #tpu.memory_space<hbm>>)
            }
            %scan3A_743 = arith.constant 64 : i32
          } else {
          }
        }
        %rem3A_379 = arith.constant 64 : i32
        %rem3A_380 = arith.remsi %while3A_334, %rem3A_379 : i32
        %while3A_381 = arith.constant 0 : i32
        %while3A_382 = arith.constant 0 : i32
        %while3A_383 = arith.subi %rem3A_380, %while3A_382 : i32
        %while3A_384 = arith.addi %while3A_382, %while3A_383 : i32
        %while3A_385 = arith.constant 1 : i32
        %while3A_386 = arith.divsi %while3A_383, %while3A_385 : i32
        %while3A_387 = arith.muli %while3A_386, %while3A_385 : i32
        %while3A_388 = arith.addi %while3A_382, %while3A_387 : i32
        %while3A_389 = arith.constant 1 : i32
        scf.for %while3A_668 = %while3A_382 to %while3A_388 step %while3A_389  : i32 {
          %dma_wait3A_669 = arith.constant 0 : i32
          %dma_wait3A_670 = tpu.memref_slice %arg11[%dma_wait3A_669] : memref<4096xf32, #tpu.memory_space<vmem>> -> memref<64xf32, #tpu.memory_space<vmem>>
          %dma_wait3A_671 = arith.constant 0 : i32
          %dma_wait3A_672 = tpu.memref_slice %arg5[%dma_wait3A_671] : memref<6815744xf32, #tpu.memory_space<hbm>> -> memref<64xf32, #tpu.memory_space<hbm>>
          %dma_wait3A_673 = arith.constant 0 : i32
          %dma_wait3A_674 = tpu.memref_slice %arg5[%dma_wait3A_673] : memref<6815744xf32, #tpu.memory_space<hbm>> -> memref<64xf32, #tpu.memory_space<hbm>>
          %dma_wait3A_675 = arith.constant 0 : i32
          %dma_wait3A_676 = tpu.memref_slice %arg11[%dma_wait3A_675] : memref<4096xf32, #tpu.memory_space<vmem>> -> memref<64xf32, #tpu.memory_space<vmem>>
          tpu.wait_dma2 semaphore(%arg15 : memref<!tpu.dma_semaphore, #tpu.memory_space<semaphore_mem>>) src(%dma_wait3A_676 : memref<64xf32, #tpu.memory_space<vmem>>) dst(%dma_wait3A_674 : memref<64xf32, #tpu.memory_space<hbm>>)
        }
        %while3A_390 = arith.constant 1 : i32
        scf.for %while3A_668 = %while3A_388 to %while3A_384 step %while3A_390  : i32 {
          %dma_wait3A_669 = arith.constant 0 : i32
          %dma_wait3A_670 = tpu.memref_slice %arg11[%dma_wait3A_669] : memref<4096xf32, #tpu.memory_space<vmem>> -> memref<64xf32, #tpu.memory_space<vmem>>
          %dma_wait3A_671 = arith.constant 0 : i32
          %dma_wait3A_672 = tpu.memref_slice %arg5[%dma_wait3A_671] : memref<6815744xf32, #tpu.memory_space<hbm>> -> memref<64xf32, #tpu.memory_space<hbm>>
          %dma_wait3A_673 = arith.constant 0 : i32
          %dma_wait3A_674 = tpu.memref_slice %arg5[%dma_wait3A_673] : memref<6815744xf32, #tpu.memory_space<hbm>> -> memref<64xf32, #tpu.memory_space<hbm>>
          %dma_wait3A_675 = arith.constant 0 : i32
          %dma_wait3A_676 = tpu.memref_slice %arg11[%dma_wait3A_675] : memref<4096xf32, #tpu.memory_space<vmem>> -> memref<64xf32, #tpu.memory_space<vmem>>
          tpu.wait_dma2 semaphore(%arg15 : memref<!tpu.dma_semaphore, #tpu.memory_space<semaphore_mem>>) src(%dma_wait3A_676 : memref<64xf32, #tpu.memory_space<vmem>>) dst(%dma_wait3A_674 : memref<64xf32, #tpu.memory_space<hbm>>)
        }
        %add3A_391 = arith.constant 2048 : i32
        %add3A_392 = arith.addi %mul3A_30, %add3A_391 : i32
        %add3A_393 = arith.constant 512 : i32
        %add3A_394 = arith.addi %add3A_392, %add3A_393 : i32
        %min3A_395 = arith.constant 99968 : i32
        %min3A_396 = arith.minsi %add3A_394, %min3A_395 : i32
        %add3A_397 = arith.constant 15 : i32
        %add3A_398 = arith.addi %scan3A_77, %add3A_397 : i32
        %div3A_399 = arith.constant 16 : i32
        %div3A_400 = arith.divsi %add3A_398, %div3A_399 : i32
        %while3A_401 = arith.constant 0 : i32
        %while3A_402 = arith.constant 0 : i32
        %while3A_403 = arith.subi %div3A_400, %while3A_401 : i32
        %while3A_404 = arith.addi %while3A_401, %while3A_403 : i32
        %while3A_405 = arith.constant 1 : i32
        %while3A_406 = arith.divsi %while3A_403, %while3A_405 : i32
        %while3A_407 = arith.muli %while3A_406, %while3A_405 : i32
        %while3A_408 = arith.addi %while3A_401, %while3A_407 : i32
        %while3A_409 = arith.constant 1 : i32
        %while3A_410 = scf.for %while3A_668 = %while3A_401 to %while3A_408 step %while3A_409 iter_args(%while3A_669 = %while3A_402) -> (i32)  : i32 {
          %mul3A_670 = arith.constant 16 : i32
          %mul3A_671 = arith.muli %while3A_668, %mul3A_670 : i32
          %get3A = arith.index_cast %mul3A_671 : i32 to index
          %get3A_672 = tpu.vector_load %arg9[%get3A] {strides = array<i32>} : memref<4112xi32, #tpu.memory_space<vmem>>, vector<16xi32>,
          %and3A = arith.constant 131071 : i32
          %and3A_673 = vector.broadcast %and3A : i32 to vector<16xi32>
          %and3A_674 = arith.andi %get3A_672, %and3A_673 : vector<16xi32>
          %ge3A = vector.broadcast %add3A_392 : i32 to vector<16xi32>
          %ge3A_675 = arith.cmpi sge, %and3A_674, %ge3A : vector<16xi32>
          %lt3A_676 = vector.broadcast %min3A_396 : i32 to vector<16xi32>
          %lt3A_677 = arith.cmpi slt, %and3A_674, %lt3A_676 : vector<16xi32>
          %and3A_678 = arith.andi %ge3A_675, %lt3A_677 : vector<16xi1>
          %all_reduce_population_count3A = tpu.all_reduce %and3A_678 {dim = 0 : i64, kind = #tpu.reduction_kind<sum>} : vector<16xi1> -> vector<16xi32>
          %swap3A_679 = arith.index_cast %while3A_669 : i32 to index
          %swap3A_680 = tpu.vector_load %arg10[%swap3A_679] masked %and3A_678 {strides = array<i32>} : memref<4112xi32, #tpu.memory_space<vmem>>, vector<16xi32>, vector<16xi1>
          tpu.vector_store %arg10[%swap3A_679], %get3A_672 masked %and3A_678 {strides = array<i32>} : memref<4112xi32, #tpu.memory_space<vmem>>, vector<16xi32>, vector<16xi1>
          %slice3A = vector.extract_strided_slice %all_reduce_population_count3A {offsets = [0], sizes = [1], strides = [1]} : vector<16xi32> to vector<1xi32>
          %squeeze3A = vector.extract %slice3A[0] : i32 from vector<1xi32>
          %add3A_681 = arith.addi %while3A_669, %squeeze3A : i32
          scf.yield %add3A_681 : i32
        }
        %while3A_411 = arith.constant 1 : i32
        %while3A_412 = scf.for %while3A_668 = %while3A_408 to %while3A_404 step %while3A_411 iter_args(%while3A_669 = %while3A_410) -> (i32)  : i32 {
          %mul3A_670 = arith.constant 16 : i32
          %mul3A_671 = arith.muli %while3A_668, %mul3A_670 : i32
          %get3A = arith.index_cast %mul3A_671 : i32 to index
          %get3A_672 = tpu.vector_load %arg9[%get3A] {strides = array<i32>} : memref<4112xi32, #tpu.memory_space<vmem>>, vector<16xi32>,
          %and3A = arith.constant 131071 : i32
          %and3A_673 = vector.broadcast %and3A : i32 to vector<16xi32>
          %and3A_674 = arith.andi %get3A_672, %and3A_673 : vector<16xi32>
          %ge3A = vector.broadcast %add3A_392 : i32 to vector<16xi32>
          %ge3A_675 = arith.cmpi sge, %and3A_674, %ge3A : vector<16xi32>
          %lt3A_676 = vector.broadcast %min3A_396 : i32 to vector<16xi32>
          %lt3A_677 = arith.cmpi slt, %and3A_674, %lt3A_676 : vector<16xi32>
          %and3A_678 = arith.andi %ge3A_675, %lt3A_677 : vector<16xi1>
          %all_reduce_population_count3A = tpu.all_reduce %and3A_678 {dim = 0 : i64, kind = #tpu.reduction_kind<sum>} : vector<16xi1> -> vector<16xi32>
          %swap3A_679 = arith.index_cast %while3A_669 : i32 to index
          %swap3A_680 = tpu.vector_load %arg10[%swap3A_679] masked %and3A_678 {strides = array<i32>} : memref<4112xi32, #tpu.memory_space<vmem>>, vector<16xi32>, vector<16xi1>
          tpu.vector_store %arg10[%swap3A_679], %get3A_672 masked %and3A_678 {strides = array<i32>} : memref<4112xi32, #tpu.memory_space<vmem>>, vector<16xi32>, vector<16xi1>
          %slice3A = vector.extract_strided_slice %all_reduce_population_count3A {offsets = [0], sizes = [1], strides = [1]} : vector<16xi32> to vector<1xi32>
          %squeeze3A = vector.extract %slice3A[0] : i32 from vector<1xi32>
          %add3A_681 = arith.addi %while3A_669, %squeeze3A : i32
          scf.yield %add3A_681 : i32
        }
        %dma_wait3A_413 = arith.constant 1 : i32
        %dma_wait3A_414 = arith.constant 0 : i32
        %dma_wait3A_415 = arith.constant 0 : i32
        %dma_wait3A_416 = tpu.memref_slice %arg7[%dma_wait3A_413, %dma_wait3A_414, %dma_wait3A_415] : memref<3x64x512xf32, #tpu.memory_space<vmem>> -> memref<1x64x512xf32, #tpu.memory_space<vmem>>
        %dma_wait3A_417 = tpu.memref_squeeze %dma_wait3A_416 : memref<1x64x512xf32, #tpu.memory_space<vmem>> -> memref<64x512xf32, #tpu.memory_space<vmem>>
        %dma_wait3A_418 = arith.constant 0 : i32
        %dma_wait3A_419 = tpu.memref_slice %arg3[%div3A_27, %dma_wait3A_418, %min3A_275] : memref<26x64x100000xf32, #tpu.memory_space<hbm>> -> memref<1x64x512xf32, #tpu.memory_space<hbm>>
        %dma_wait3A_420 = tpu.memref_squeeze %dma_wait3A_419 : memref<1x64x512xf32, #tpu.memory_space<hbm>> -> memref<64x512xf32, #tpu.memory_space<hbm>>
        %dma_wait3A_421 = arith.constant 0 : i32
        %dma_wait3A_422 = arith.constant 0 : i32
        %dma_wait3A_423 = tpu.memref_slice %arg7[%dma_wait3A_413, %dma_wait3A_421, %dma_wait3A_422] : memref<3x64x512xf32, #tpu.memory_space<vmem>> -> memref<1x64x512xf32, #tpu.memory_space<vmem>>
        %dma_wait3A_424 = tpu.memref_squeeze %dma_wait3A_423 : memref<1x64x512xf32, #tpu.memory_space<vmem>> -> memref<64x512xf32, #tpu.memory_space<vmem>>
        %dma_wait3A_425 = arith.constant 0 : i32
        %dma_wait3A_426 = tpu.memref_slice %arg3[%div3A_27, %dma_wait3A_425, %min3A_275] : memref<26x64x100000xf32, #tpu.memory_space<hbm>> -> memref<1x64x512xf32, #tpu.memory_space<hbm>>
        %dma_wait3A_427 = tpu.memref_squeeze %dma_wait3A_426 : memref<1x64x512xf32, #tpu.memory_space<hbm>> -> memref<64x512xf32, #tpu.memory_space<hbm>>
        tpu.wait_dma2 semaphore(%arg13 : memref<!tpu.dma_semaphore, #tpu.memory_space<semaphore_mem>>) src(%dma_wait3A_427 : memref<64x512xf32, #tpu.memory_space<hbm>>) dst(%dma_wait3A_424 : memref<64x512xf32, #tpu.memory_space<vmem>>)
        %add3A_428 = arith.constant 3072 : i32
        %add3A_429 = arith.addi %mul3A_30, %add3A_428 : i32
        %min3A_430 = arith.constant 99456 : i32
        %min3A_431 = arith.minsi %add3A_429, %min3A_430 : i32
        %dma_start3A_432 = arith.constant 0 : i32
        %dma_start3A_433 = arith.constant 0 : i32
        %dma_start3A_434 = arith.constant 0 : i32
        %dma_start3A_435 = tpu.memref_slice %arg7[%dma_start3A_432, %dma_start3A_433, %dma_start3A_434] : memref<3x64x512xf32, #tpu.memory_space<vmem>> -> memref<1x64x512xf32, #tpu.memory_space<vmem>>
        %dma_start3A_436 = tpu.memref_squeeze %dma_start3A_435 : memref<1x64x512xf32, #tpu.memory_space<vmem>> -> memref<64x512xf32, #tpu.memory_space<vmem>>
        %dma_start3A_437 = arith.constant 0 : i32
        %dma_start3A_438 = tpu.memref_slice %arg3[%div3A_27, %dma_start3A_437, %min3A_431] : memref<26x64x100000xf32, #tpu.memory_space<hbm>> -> memref<1x64x512xf32, #tpu.memory_space<hbm>>
        %dma_start3A_439 = tpu.memref_squeeze %dma_start3A_438 : memref<1x64x512xf32, #tpu.memory_space<hbm>> -> memref<64x512xf32, #tpu.memory_space<hbm>>
        %dma_start3A_440 = arith.constant 0 : i32
        %dma_start3A_441 = arith.constant 0 : i32
        %dma_start3A_442 = tpu.memref_slice %arg7[%dma_start3A_432, %dma_start3A_440, %dma_start3A_441] : memref<3x64x512xf32, #tpu.memory_space<vmem>> -> memref<1x64x512xf32, #tpu.memory_space<vmem>>
        %dma_start3A_443 = tpu.memref_squeeze %dma_start3A_442 : memref<1x64x512xf32, #tpu.memory_space<vmem>> -> memref<64x512xf32, #tpu.memory_space<vmem>>
        %dma_start3A_444 = arith.constant 0 : i32
        %dma_start3A_445 = tpu.memref_slice %arg3[%div3A_27, %dma_start3A_444, %min3A_431] : memref<26x64x100000xf32, #tpu.memory_space<hbm>> -> memref<1x64x512xf32, #tpu.memory_space<hbm>>
        %dma_start3A_446 = tpu.memref_squeeze %dma_start3A_445 : memref<1x64x512xf32, #tpu.memory_space<hbm>> -> memref<64x512xf32, #tpu.memory_space<hbm>>
        tpu.enqueue_dma source(%dma_start3A_446 : memref<64x512xf32, #tpu.memory_space<hbm>>) target(%dma_start3A_443 : memref<64x512xf32, #tpu.memory_space<vmem>>) target_semaphore(%arg12 : memref<!tpu.dma_semaphore, #tpu.memory_space<semaphore_mem>>)
        %while3A_447 = arith.constant 0 : i32
        %while3A_448 = arith.constant 0 : i32
        %while3A_449 = arith.subi %while3A_412, %while3A_448 : i32
        %while3A_450 = arith.addi %while3A_448, %while3A_449 : i32
        %while3A_451 = arith.constant 1 : i32
        %while3A_452 = arith.divsi %while3A_449, %while3A_451 : i32
        %while3A_453 = arith.muli %while3A_452, %while3A_451 : i32
        %while3A_454 = arith.addi %while3A_448, %while3A_453 : i32
        %while3A_455 = arith.constant 1 : i32
        scf.for %while3A_668 = %while3A_448 to %while3A_454 step %while3A_455  : i32 {
          %get3A = arith.index_cast %while3A_668 : i32 to index
          %get3A_669 = tpu.vector_load %arg10[%get3A] {strides = array<i32>} : memref<4112xi32, #tpu.memory_space<vmem>>, vector<16xi32>,
          %slice3A = vector.extract_strided_slice %get3A_669 {offsets = [0], sizes = [1], strides = [1]} : vector<16xi32> to vector<1xi32>
          %squeeze3A = vector.extract %slice3A[0] : i32 from vector<1xi32>
          %and3A = arith.constant 131071 : i32
          %and3A_670 = arith.andi %squeeze3A, %and3A : i32
          %shift_right_logical3A = arith.constant 17 : i32
          %shift_right_logical3A_671 = arith.shrui %squeeze3A, %shift_right_logical3A : i32
          %rem3A_672 = arith.constant 64 : i32
          %rem3A_673 = arith.remsi %while3A_668, %rem3A_672 : i32
          %mul3A_674 = arith.constant 64 : i32
          %mul3A_675 = arith.muli %rem3A_673, %mul3A_674 : i32
          %broadcast_in_dim3A_676 = vector.broadcast %and3A_670 : i32 to vector<16xi32>
          %sub3A = vector.broadcast %min3A_275 : i32 to vector<16xi32>
          %sub3A_677 = arith.subi %broadcast_in_dim3A_676, %sub3A : vector<16xi32>
          %gather3A = arith.constant 1 : i32
          %gather3A_678 = arith.constant 0 : i32
          %gather3A_679 = arith.constant 0 : i32
          %gather3A_680 = tpu.memref_slice %arg7[%gather3A, %gather3A_678, %gather3A_679] : memref<3x64x512xf32, #tpu.memory_space<vmem>> -> memref<1x64x512xf32, #tpu.memory_space<vmem>>
          %gather3A_681 = tpu.memref_squeeze %gather3A_680 : memref<1x64x512xf32, #tpu.memory_space<vmem>> -> memref<64x512xf32, #tpu.memory_space<vmem>>
          %gather3A_682 = tpu.vector_load_idx %gather3A_681[%add3A_3, %sub3A_677] : memref<64x512xf32, #tpu.memory_space<vmem>>[vector<16xi32>, vector<16xi32>], vector<16xf32>,
          %add3A_683 = arith.constant 0 : i32
          %add3A_684 = arith.addi %mul3A_675, %add3A_683 : i32
          %swap3A_685 = arith.index_cast %add3A_684 : i32 to index
          %swap3A_686 = tpu.vector_load %arg11[%swap3A_685] {strides = array<i32>} : memref<4096xf32, #tpu.memory_space<vmem>>, vector<16xf32>,
          tpu.vector_store %arg11[%swap3A_685], %gather3A_682 {strides = array<i32>} : memref<4096xf32, #tpu.memory_space<vmem>>, vector<16xf32>,
          %broadcast_in_dim3A_687 = vector.broadcast %and3A_670 : i32 to vector<16xi32>
          %sub3A_688 = vector.broadcast %min3A_275 : i32 to vector<16xi32>
          %sub3A_689 = arith.subi %broadcast_in_dim3A_687, %sub3A_688 : vector<16xi32>
          %gather3A_690 = arith.constant 1 : i32
          %gather3A_691 = arith.constant 0 : i32
          %gather3A_692 = arith.constant 0 : i32
          %gather3A_693 = tpu.memref_slice %arg7[%gather3A_690, %gather3A_691, %gather3A_692] : memref<3x64x512xf32, #tpu.memory_space<vmem>> -> memref<1x64x512xf32, #tpu.memory_space<vmem>>
          %gather3A_694 = tpu.memref_squeeze %gather3A_693 : memref<1x64x512xf32, #tpu.memory_space<vmem>> -> memref<64x512xf32, #tpu.memory_space<vmem>>
          %gather3A_695 = tpu.vector_load_idx %gather3A_694[%add3A_6, %sub3A_689] : memref<64x512xf32, #tpu.memory_space<vmem>>[vector<16xi32>, vector<16xi32>], vector<16xf32>,
          %add3A_696 = arith.constant 16 : i32
          %add3A_697 = arith.addi %mul3A_675, %add3A_696 : i32
          %swap3A_698 = arith.index_cast %add3A_697 : i32 to index
          %swap3A_699 = tpu.vector_load %arg11[%swap3A_698] {strides = array<i32>} : memref<4096xf32, #tpu.memory_space<vmem>>, vector<16xf32>,
          tpu.vector_store %arg11[%swap3A_698], %gather3A_695 {strides = array<i32>} : memref<4096xf32, #tpu.memory_space<vmem>>, vector<16xf32>,
          %broadcast_in_dim3A_700 = vector.broadcast %and3A_670 : i32 to vector<16xi32>
          %sub3A_701 = vector.broadcast %min3A_275 : i32 to vector<16xi32>
          %sub3A_702 = arith.subi %broadcast_in_dim3A_700, %sub3A_701 : vector<16xi32>
          %gather3A_703 = arith.constant 1 : i32
          %gather3A_704 = arith.constant 0 : i32
          %gather3A_705 = arith.constant 0 : i32
          %gather3A_706 = tpu.memref_slice %arg7[%gather3A_703, %gather3A_704, %gather3A_705] : memref<3x64x512xf32, #tpu.memory_space<vmem>> -> memref<1x64x512xf32, #tpu.memory_space<vmem>>
          %gather3A_707 = tpu.memref_squeeze %gather3A_706 : memref<1x64x512xf32, #tpu.memory_space<vmem>> -> memref<64x512xf32, #tpu.memory_space<vmem>>
          %gather3A_708 = tpu.vector_load_idx %gather3A_707[%add3A_9, %sub3A_702] : memref<64x512xf32, #tpu.memory_space<vmem>>[vector<16xi32>, vector<16xi32>], vector<16xf32>,
          %add3A_709 = arith.constant 32 : i32
          %add3A_710 = arith.addi %mul3A_675, %add3A_709 : i32
          %swap3A_711 = arith.index_cast %add3A_710 : i32 to index
          %swap3A_712 = tpu.vector_load %arg11[%swap3A_711] {strides = array<i32>} : memref<4096xf32, #tpu.memory_space<vmem>>, vector<16xf32>,
          tpu.vector_store %arg11[%swap3A_711], %gather3A_708 {strides = array<i32>} : memref<4096xf32, #tpu.memory_space<vmem>>, vector<16xf32>,
          %broadcast_in_dim3A_713 = vector.broadcast %and3A_670 : i32 to vector<16xi32>
          %sub3A_714 = vector.broadcast %min3A_275 : i32 to vector<16xi32>
          %sub3A_715 = arith.subi %broadcast_in_dim3A_713, %sub3A_714 : vector<16xi32>
          %gather3A_716 = arith.constant 1 : i32
          %gather3A_717 = arith.constant 0 : i32
          %gather3A_718 = arith.constant 0 : i32
          %gather3A_719 = tpu.memref_slice %arg7[%gather3A_716, %gather3A_717, %gather3A_718] : memref<3x64x512xf32, #tpu.memory_space<vmem>> -> memref<1x64x512xf32, #tpu.memory_space<vmem>>
          %gather3A_720 = tpu.memref_squeeze %gather3A_719 : memref<1x64x512xf32, #tpu.memory_space<vmem>> -> memref<64x512xf32, #tpu.memory_space<vmem>>
          %gather3A_721 = tpu.vector_load_idx %gather3A_720[%add3A_12, %sub3A_715] : memref<64x512xf32, #tpu.memory_space<vmem>>[vector<16xi32>, vector<16xi32>], vector<16xf32>,
          %add3A_722 = arith.constant 48 : i32
          %add3A_723 = arith.addi %mul3A_675, %add3A_722 : i32
          %swap3A_724 = arith.index_cast %add3A_723 : i32 to index
          %swap3A_725 = tpu.vector_load %arg11[%swap3A_724] {strides = array<i32>} : memref<4096xf32, #tpu.memory_space<vmem>>, vector<16xf32>,
          tpu.vector_store %arg11[%swap3A_724], %gather3A_721 {strides = array<i32>} : memref<4096xf32, #tpu.memory_space<vmem>>, vector<16xf32>,
          %mul3A_726 = arith.constant 64 : i32
          %mul3A_727 = arith.muli %shift_right_logical3A_671, %mul3A_726 : i32
          %add3A_728 = arith.addi %mul3A_32, %mul3A_727 : i32
          %dma_start3A_729 = tpu.memref_slice %arg11[%mul3A_675] : memref<4096xf32, #tpu.memory_space<vmem>> -> memref<64xf32, #tpu.memory_space<vmem>>
          %dma_start3A_730 = tpu.memref_slice %arg5[%add3A_728] : memref<6815744xf32, #tpu.memory_space<hbm>> -> memref<64xf32, #tpu.memory_space<hbm>>
          %dma_start3A_731 = tpu.memref_slice %arg5[%add3A_728] : memref<6815744xf32, #tpu.memory_space<hbm>> -> memref<64xf32, #tpu.memory_space<hbm>>
          %dma_start3A_732 = tpu.memref_slice %arg11[%mul3A_675] : memref<4096xf32, #tpu.memory_space<vmem>> -> memref<64xf32, #tpu.memory_space<vmem>>
          tpu.enqueue_dma source(%dma_start3A_732 : memref<64xf32, #tpu.memory_space<vmem>>) target(%dma_start3A_731 : memref<64xf32, #tpu.memory_space<hbm>>) target_semaphore(%arg15 : memref<!tpu.dma_semaphore, #tpu.memory_space<semaphore_mem>>)
          %eq3A_733 = arith.constant 63 : i32
          %eq3A_734 = arith.cmpi eq, %rem3A_673, %eq3A_733 : i32
          %convert_element_type3A_735 = arith.extui %eq3A_734 : i1 to i32
          %cond3A_736 = arith.constant 0 : i32
          %cond3A_737 = arith.cmpi ne, %convert_element_type3A_735, %cond3A_736 : i32
          scf.if %cond3A_737 {
            %scan3A_738 = arith.constant 0 : i32
            %scan3A_739 = arith.constant 0 : i32
            %scan3A_740 = arith.constant 64 : i32
            %scan3A_741 = arith.addi %scan3A_739, %scan3A_740 : i32
            %scan3A_742 = arith.constant 1 : i32
            scf.for %scan3A_744 = %scan3A_739 to %scan3A_741 step %scan3A_742  : i32 {
              %dma_wait3A_745 = arith.constant 0 : i32
              %dma_wait3A_746 = tpu.memref_slice %arg11[%dma_wait3A_745] : memref<4096xf32, #tpu.memory_space<vmem>> -> memref<64xf32, #tpu.memory_space<vmem>>
              %dma_wait3A_747 = arith.constant 0 : i32
              %dma_wait3A_748 = tpu.memref_slice %arg5[%dma_wait3A_747] : memref<6815744xf32, #tpu.memory_space<hbm>> -> memref<64xf32, #tpu.memory_space<hbm>>
              %dma_wait3A_749 = arith.constant 0 : i32
              %dma_wait3A_750 = tpu.memref_slice %arg5[%dma_wait3A_749] : memref<6815744xf32, #tpu.memory_space<hbm>> -> memref<64xf32, #tpu.memory_space<hbm>>
              %dma_wait3A_751 = arith.constant 0 : i32
              %dma_wait3A_752 = tpu.memref_slice %arg11[%dma_wait3A_751] : memref<4096xf32, #tpu.memory_space<vmem>> -> memref<64xf32, #tpu.memory_space<vmem>>
              tpu.wait_dma2 semaphore(%arg15 : memref<!tpu.dma_semaphore, #tpu.memory_space<semaphore_mem>>) src(%dma_wait3A_752 : memref<64xf32, #tpu.memory_space<vmem>>) dst(%dma_wait3A_750 : memref<64xf32, #tpu.memory_space<hbm>>)
            }
            %scan3A_743 = arith.constant 64 : i32
          } else {
          }
        }
        %while3A_456 = arith.constant 1 : i32
        scf.for %while3A_668 = %while3A_454 to %while3A_450 step %while3A_456  : i32 {
          %get3A = arith.index_cast %while3A_668 : i32 to index
          %get3A_669 = tpu.vector_load %arg10[%get3A] {strides = array<i32>} : memref<4112xi32, #tpu.memory_space<vmem>>, vector<16xi32>,
          %slice3A = vector.extract_strided_slice %get3A_669 {offsets = [0], sizes = [1], strides = [1]} : vector<16xi32> to vector<1xi32>
          %squeeze3A = vector.extract %slice3A[0] : i32 from vector<1xi32>
          %and3A = arith.constant 131071 : i32
          %and3A_670 = arith.andi %squeeze3A, %and3A : i32
          %shift_right_logical3A = arith.constant 17 : i32
          %shift_right_logical3A_671 = arith.shrui %squeeze3A, %shift_right_logical3A : i32
          %rem3A_672 = arith.constant 64 : i32
          %rem3A_673 = arith.remsi %while3A_668, %rem3A_672 : i32
          %mul3A_674 = arith.constant 64 : i32
          %mul3A_675 = arith.muli %rem3A_673, %mul3A_674 : i32
          %broadcast_in_dim3A_676 = vector.broadcast %and3A_670 : i32 to vector<16xi32>
          %sub3A = vector.broadcast %min3A_275 : i32 to vector<16xi32>
          %sub3A_677 = arith.subi %broadcast_in_dim3A_676, %sub3A : vector<16xi32>
          %gather3A = arith.constant 1 : i32
          %gather3A_678 = arith.constant 0 : i32
          %gather3A_679 = arith.constant 0 : i32
          %gather3A_680 = tpu.memref_slice %arg7[%gather3A, %gather3A_678, %gather3A_679] : memref<3x64x512xf32, #tpu.memory_space<vmem>> -> memref<1x64x512xf32, #tpu.memory_space<vmem>>
          %gather3A_681 = tpu.memref_squeeze %gather3A_680 : memref<1x64x512xf32, #tpu.memory_space<vmem>> -> memref<64x512xf32, #tpu.memory_space<vmem>>
          %gather3A_682 = tpu.vector_load_idx %gather3A_681[%add3A_3, %sub3A_677] : memref<64x512xf32, #tpu.memory_space<vmem>>[vector<16xi32>, vector<16xi32>], vector<16xf32>,
          %add3A_683 = arith.constant 0 : i32
          %add3A_684 = arith.addi %mul3A_675, %add3A_683 : i32
          %swap3A_685 = arith.index_cast %add3A_684 : i32 to index
          %swap3A_686 = tpu.vector_load %arg11[%swap3A_685] {strides = array<i32>} : memref<4096xf32, #tpu.memory_space<vmem>>, vector<16xf32>,
          tpu.vector_store %arg11[%swap3A_685], %gather3A_682 {strides = array<i32>} : memref<4096xf32, #tpu.memory_space<vmem>>, vector<16xf32>,
          %broadcast_in_dim3A_687 = vector.broadcast %and3A_670 : i32 to vector<16xi32>
          %sub3A_688 = vector.broadcast %min3A_275 : i32 to vector<16xi32>
          %sub3A_689 = arith.subi %broadcast_in_dim3A_687, %sub3A_688 : vector<16xi32>
          %gather3A_690 = arith.constant 1 : i32
          %gather3A_691 = arith.constant 0 : i32
          %gather3A_692 = arith.constant 0 : i32
          %gather3A_693 = tpu.memref_slice %arg7[%gather3A_690, %gather3A_691, %gather3A_692] : memref<3x64x512xf32, #tpu.memory_space<vmem>> -> memref<1x64x512xf32, #tpu.memory_space<vmem>>
          %gather3A_694 = tpu.memref_squeeze %gather3A_693 : memref<1x64x512xf32, #tpu.memory_space<vmem>> -> memref<64x512xf32, #tpu.memory_space<vmem>>
          %gather3A_695 = tpu.vector_load_idx %gather3A_694[%add3A_6, %sub3A_689] : memref<64x512xf32, #tpu.memory_space<vmem>>[vector<16xi32>, vector<16xi32>], vector<16xf32>,
          %add3A_696 = arith.constant 16 : i32
          %add3A_697 = arith.addi %mul3A_675, %add3A_696 : i32
          %swap3A_698 = arith.index_cast %add3A_697 : i32 to index
          %swap3A_699 = tpu.vector_load %arg11[%swap3A_698] {strides = array<i32>} : memref<4096xf32, #tpu.memory_space<vmem>>, vector<16xf32>,
          tpu.vector_store %arg11[%swap3A_698], %gather3A_695 {strides = array<i32>} : memref<4096xf32, #tpu.memory_space<vmem>>, vector<16xf32>,
          %broadcast_in_dim3A_700 = vector.broadcast %and3A_670 : i32 to vector<16xi32>
          %sub3A_701 = vector.broadcast %min3A_275 : i32 to vector<16xi32>
          %sub3A_702 = arith.subi %broadcast_in_dim3A_700, %sub3A_701 : vector<16xi32>
          %gather3A_703 = arith.constant 1 : i32
          %gather3A_704 = arith.constant 0 : i32
          %gather3A_705 = arith.constant 0 : i32
          %gather3A_706 = tpu.memref_slice %arg7[%gather3A_703, %gather3A_704, %gather3A_705] : memref<3x64x512xf32, #tpu.memory_space<vmem>> -> memref<1x64x512xf32, #tpu.memory_space<vmem>>
          %gather3A_707 = tpu.memref_squeeze %gather3A_706 : memref<1x64x512xf32, #tpu.memory_space<vmem>> -> memref<64x512xf32, #tpu.memory_space<vmem>>
          %gather3A_708 = tpu.vector_load_idx %gather3A_707[%add3A_9, %sub3A_702] : memref<64x512xf32, #tpu.memory_space<vmem>>[vector<16xi32>, vector<16xi32>], vector<16xf32>,
          %add3A_709 = arith.constant 32 : i32
          %add3A_710 = arith.addi %mul3A_675, %add3A_709 : i32
          %swap3A_711 = arith.index_cast %add3A_710 : i32 to index
          %swap3A_712 = tpu.vector_load %arg11[%swap3A_711] {strides = array<i32>} : memref<4096xf32, #tpu.memory_space<vmem>>, vector<16xf32>,
          tpu.vector_store %arg11[%swap3A_711], %gather3A_708 {strides = array<i32>} : memref<4096xf32, #tpu.memory_space<vmem>>, vector<16xf32>,
          %broadcast_in_dim3A_713 = vector.broadcast %and3A_670 : i32 to vector<16xi32>
          %sub3A_714 = vector.broadcast %min3A_275 : i32 to vector<16xi32>
          %sub3A_715 = arith.subi %broadcast_in_dim3A_713, %sub3A_714 : vector<16xi32>
          %gather3A_716 = arith.constant 1 : i32
          %gather3A_717 = arith.constant 0 : i32
          %gather3A_718 = arith.constant 0 : i32
          %gather3A_719 = tpu.memref_slice %arg7[%gather3A_716, %gather3A_717, %gather3A_718] : memref<3x64x512xf32, #tpu.memory_space<vmem>> -> memref<1x64x512xf32, #tpu.memory_space<vmem>>
          %gather3A_720 = tpu.memref_squeeze %gather3A_719 : memref<1x64x512xf32, #tpu.memory_space<vmem>> -> memref<64x512xf32, #tpu.memory_space<vmem>>
          %gather3A_721 = tpu.vector_load_idx %gather3A_720[%add3A_12, %sub3A_715] : memref<64x512xf32, #tpu.memory_space<vmem>>[vector<16xi32>, vector<16xi32>], vector<16xf32>,
          %add3A_722 = arith.constant 48 : i32
          %add3A_723 = arith.addi %mul3A_675, %add3A_722 : i32
          %swap3A_724 = arith.index_cast %add3A_723 : i32 to index
          %swap3A_725 = tpu.vector_load %arg11[%swap3A_724] {strides = array<i32>} : memref<4096xf32, #tpu.memory_space<vmem>>, vector<16xf32>,
          tpu.vector_store %arg11[%swap3A_724], %gather3A_721 {strides = array<i32>} : memref<4096xf32, #tpu.memory_space<vmem>>, vector<16xf32>,
          %mul3A_726 = arith.constant 64 : i32
          %mul3A_727 = arith.muli %shift_right_logical3A_671, %mul3A_726 : i32
          %add3A_728 = arith.addi %mul3A_32, %mul3A_727 : i32
          %dma_start3A_729 = tpu.memref_slice %arg11[%mul3A_675] : memref<4096xf32, #tpu.memory_space<vmem>> -> memref<64xf32, #tpu.memory_space<vmem>>
          %dma_start3A_730 = tpu.memref_slice %arg5[%add3A_728] : memref<6815744xf32, #tpu.memory_space<hbm>> -> memref<64xf32, #tpu.memory_space<hbm>>
          %dma_start3A_731 = tpu.memref_slice %arg5[%add3A_728] : memref<6815744xf32, #tpu.memory_space<hbm>> -> memref<64xf32, #tpu.memory_space<hbm>>
          %dma_start3A_732 = tpu.memref_slice %arg11[%mul3A_675] : memref<4096xf32, #tpu.memory_space<vmem>> -> memref<64xf32, #tpu.memory_space<vmem>>
          tpu.enqueue_dma source(%dma_start3A_732 : memref<64xf32, #tpu.memory_space<vmem>>) target(%dma_start3A_731 : memref<64xf32, #tpu.memory_space<hbm>>) target_semaphore(%arg15 : memref<!tpu.dma_semaphore, #tpu.memory_space<semaphore_mem>>)
          %eq3A_733 = arith.constant 63 : i32
          %eq3A_734 = arith.cmpi eq, %rem3A_673, %eq3A_733 : i32
          %convert_element_type3A_735 = arith.extui %eq3A_734 : i1 to i32
          %cond3A_736 = arith.constant 0 : i32
          %cond3A_737 = arith.cmpi ne, %convert_element_type3A_735, %cond3A_736 : i32
          scf.if %cond3A_737 {
            %scan3A_738 = arith.constant 0 : i32
            %scan3A_739 = arith.constant 0 : i32
            %scan3A_740 = arith.constant 64 : i32
            %scan3A_741 = arith.addi %scan3A_739, %scan3A_740 : i32
            %scan3A_742 = arith.constant 1 : i32
            scf.for %scan3A_744 = %scan3A_739 to %scan3A_741 step %scan3A_742  : i32 {
              %dma_wait3A_745 = arith.constant 0 : i32
              %dma_wait3A_746 = tpu.memref_slice %arg11[%dma_wait3A_745] : memref<4096xf32, #tpu.memory_space<vmem>> -> memref<64xf32, #tpu.memory_space<vmem>>
              %dma_wait3A_747 = arith.constant 0 : i32
              %dma_wait3A_748 = tpu.memref_slice %arg5[%dma_wait3A_747] : memref<6815744xf32, #tpu.memory_space<hbm>> -> memref<64xf32, #tpu.memory_space<hbm>>
              %dma_wait3A_749 = arith.constant 0 : i32
              %dma_wait3A_750 = tpu.memref_slice %arg5[%dma_wait3A_749] : memref<6815744xf32, #tpu.memory_space<hbm>> -> memref<64xf32, #tpu.memory_space<hbm>>
              %dma_wait3A_751 = arith.constant 0 : i32
              %dma_wait3A_752 = tpu.memref_slice %arg11[%dma_wait3A_751] : memref<4096xf32, #tpu.memory_space<vmem>> -> memref<64xf32, #tpu.memory_space<vmem>>
              tpu.wait_dma2 semaphore(%arg15 : memref<!tpu.dma_semaphore, #tpu.memory_space<semaphore_mem>>) src(%dma_wait3A_752 : memref<64xf32, #tpu.memory_space<vmem>>) dst(%dma_wait3A_750 : memref<64xf32, #tpu.memory_space<hbm>>)
            }
            %scan3A_743 = arith.constant 64 : i32
          } else {
          }
        }
        %rem3A_457 = arith.constant 64 : i32
        %rem3A_458 = arith.remsi %while3A_412, %rem3A_457 : i32
        %while3A_459 = arith.constant 0 : i32
        %while3A_460 = arith.constant 0 : i32
        %while3A_461 = arith.subi %rem3A_458, %while3A_460 : i32
        %while3A_462 = arith.addi %while3A_460, %while3A_461 : i32
        %while3A_463 = arith.constant 1 : i32
        %while3A_464 = arith.divsi %while3A_461, %while3A_463 : i32
        %while3A_465 = arith.muli %while3A_464, %while3A_463 : i32
        %while3A_466 = arith.addi %while3A_460, %while3A_465 : i32
        %while3A_467 = arith.constant 1 : i32
        scf.for %while3A_668 = %while3A_460 to %while3A_466 step %while3A_467  : i32 {
          %dma_wait3A_669 = arith.constant 0 : i32
          %dma_wait3A_670 = tpu.memref_slice %arg11[%dma_wait3A_669] : memref<4096xf32, #tpu.memory_space<vmem>> -> memref<64xf32, #tpu.memory_space<vmem>>
          %dma_wait3A_671 = arith.constant 0 : i32
          %dma_wait3A_672 = tpu.memref_slice %arg5[%dma_wait3A_671] : memref<6815744xf32, #tpu.memory_space<hbm>> -> memref<64xf32, #tpu.memory_space<hbm>>
          %dma_wait3A_673 = arith.constant 0 : i32
          %dma_wait3A_674 = tpu.memref_slice %arg5[%dma_wait3A_673] : memref<6815744xf32, #tpu.memory_space<hbm>> -> memref<64xf32, #tpu.memory_space<hbm>>
          %dma_wait3A_675 = arith.constant 0 : i32
          %dma_wait3A_676 = tpu.memref_slice %arg11[%dma_wait3A_675] : memref<4096xf32, #tpu.memory_space<vmem>> -> memref<64xf32, #tpu.memory_space<vmem>>
          tpu.wait_dma2 semaphore(%arg15 : memref<!tpu.dma_semaphore, #tpu.memory_space<semaphore_mem>>) src(%dma_wait3A_676 : memref<64xf32, #tpu.memory_space<vmem>>) dst(%dma_wait3A_674 : memref<64xf32, #tpu.memory_space<hbm>>)
        }
        %while3A_468 = arith.constant 1 : i32
        scf.for %while3A_668 = %while3A_466 to %while3A_462 step %while3A_468  : i32 {
          %dma_wait3A_669 = arith.constant 0 : i32
          %dma_wait3A_670 = tpu.memref_slice %arg11[%dma_wait3A_669] : memref<4096xf32, #tpu.memory_space<vmem>> -> memref<64xf32, #tpu.memory_space<vmem>>
          %dma_wait3A_671 = arith.constant 0 : i32
          %dma_wait3A_672 = tpu.memref_slice %arg5[%dma_wait3A_671] : memref<6815744xf32, #tpu.memory_space<hbm>> -> memref<64xf32, #tpu.memory_space<hbm>>
          %dma_wait3A_673 = arith.constant 0 : i32
          %dma_wait3A_674 = tpu.memref_slice %arg5[%dma_wait3A_673] : memref<6815744xf32, #tpu.memory_space<hbm>> -> memref<64xf32, #tpu.memory_space<hbm>>
          %dma_wait3A_675 = arith.constant 0 : i32
          %dma_wait3A_676 = tpu.memref_slice %arg11[%dma_wait3A_675] : memref<4096xf32, #tpu.memory_space<vmem>> -> memref<64xf32, #tpu.memory_space<vmem>>
          tpu.wait_dma2 semaphore(%arg15 : memref<!tpu.dma_semaphore, #tpu.memory_space<semaphore_mem>>) src(%dma_wait3A_676 : memref<64xf32, #tpu.memory_space<vmem>>) dst(%dma_wait3A_674 : memref<64xf32, #tpu.memory_space<hbm>>)
        }
        %add3A_469 = arith.constant 2560 : i32
        %add3A_470 = arith.addi %mul3A_30, %add3A_469 : i32
        %add3A_471 = arith.constant 512 : i32
        %add3A_472 = arith.addi %add3A_470, %add3A_471 : i32
        %min3A_473 = arith.constant 99968 : i32
        %min3A_474 = arith.minsi %add3A_472, %min3A_473 : i32
        %add3A_475 = arith.constant 15 : i32
        %add3A_476 = arith.addi %scan3A_77, %add3A_475 : i32
        %div3A_477 = arith.constant 16 : i32
        %div3A_478 = arith.divsi %add3A_476, %div3A_477 : i32
        %while3A_479 = arith.constant 0 : i32
        %while3A_480 = arith.constant 0 : i32
        %while3A_481 = arith.subi %div3A_478, %while3A_479 : i32
        %while3A_482 = arith.addi %while3A_479, %while3A_481 : i32
        %while3A_483 = arith.constant 1 : i32
        %while3A_484 = arith.divsi %while3A_481, %while3A_483 : i32
        %while3A_485 = arith.muli %while3A_484, %while3A_483 : i32
        %while3A_486 = arith.addi %while3A_479, %while3A_485 : i32
        %while3A_487 = arith.constant 1 : i32
        %while3A_488 = scf.for %while3A_668 = %while3A_479 to %while3A_486 step %while3A_487 iter_args(%while3A_669 = %while3A_480) -> (i32)  : i32 {
          %mul3A_670 = arith.constant 16 : i32
          %mul3A_671 = arith.muli %while3A_668, %mul3A_670 : i32
          %get3A = arith.index_cast %mul3A_671 : i32 to index
          %get3A_672 = tpu.vector_load %arg9[%get3A] {strides = array<i32>} : memref<4112xi32, #tpu.memory_space<vmem>>, vector<16xi32>,
          %and3A = arith.constant 131071 : i32
          %and3A_673 = vector.broadcast %and3A : i32 to vector<16xi32>
          %and3A_674 = arith.andi %get3A_672, %and3A_673 : vector<16xi32>
          %ge3A = vector.broadcast %add3A_470 : i32 to vector<16xi32>
          %ge3A_675 = arith.cmpi sge, %and3A_674, %ge3A : vector<16xi32>
          %lt3A_676 = vector.broadcast %min3A_474 : i32 to vector<16xi32>
          %lt3A_677 = arith.cmpi slt, %and3A_674, %lt3A_676 : vector<16xi32>
          %and3A_678 = arith.andi %ge3A_675, %lt3A_677 : vector<16xi1>
          %all_reduce_population_count3A = tpu.all_reduce %and3A_678 {dim = 0 : i64, kind = #tpu.reduction_kind<sum>} : vector<16xi1> -> vector<16xi32>
          %swap3A_679 = arith.index_cast %while3A_669 : i32 to index
          %swap3A_680 = tpu.vector_load %arg10[%swap3A_679] masked %and3A_678 {strides = array<i32>} : memref<4112xi32, #tpu.memory_space<vmem>>, vector<16xi32>, vector<16xi1>
          tpu.vector_store %arg10[%swap3A_679], %get3A_672 masked %and3A_678 {strides = array<i32>} : memref<4112xi32, #tpu.memory_space<vmem>>, vector<16xi32>, vector<16xi1>
          %slice3A = vector.extract_strided_slice %all_reduce_population_count3A {offsets = [0], sizes = [1], strides = [1]} : vector<16xi32> to vector<1xi32>
          %squeeze3A = vector.extract %slice3A[0] : i32 from vector<1xi32>
          %add3A_681 = arith.addi %while3A_669, %squeeze3A : i32
          scf.yield %add3A_681 : i32
        }
        %while3A_489 = arith.constant 1 : i32
        %while3A_490 = scf.for %while3A_668 = %while3A_486 to %while3A_482 step %while3A_489 iter_args(%while3A_669 = %while3A_488) -> (i32)  : i32 {
          %mul3A_670 = arith.constant 16 : i32
          %mul3A_671 = arith.muli %while3A_668, %mul3A_670 : i32
          %get3A = arith.index_cast %mul3A_671 : i32 to index
          %get3A_672 = tpu.vector_load %arg9[%get3A] {strides = array<i32>} : memref<4112xi32, #tpu.memory_space<vmem>>, vector<16xi32>,
          %and3A = arith.constant 131071 : i32
          %and3A_673 = vector.broadcast %and3A : i32 to vector<16xi32>
          %and3A_674 = arith.andi %get3A_672, %and3A_673 : vector<16xi32>
          %ge3A = vector.broadcast %add3A_470 : i32 to vector<16xi32>
          %ge3A_675 = arith.cmpi sge, %and3A_674, %ge3A : vector<16xi32>
          %lt3A_676 = vector.broadcast %min3A_474 : i32 to vector<16xi32>
          %lt3A_677 = arith.cmpi slt, %and3A_674, %lt3A_676 : vector<16xi32>
          %and3A_678 = arith.andi %ge3A_675, %lt3A_677 : vector<16xi1>
          %all_reduce_population_count3A = tpu.all_reduce %and3A_678 {dim = 0 : i64, kind = #tpu.reduction_kind<sum>} : vector<16xi1> -> vector<16xi32>
          %swap3A_679 = arith.index_cast %while3A_669 : i32 to index
          %swap3A_680 = tpu.vector_load %arg10[%swap3A_679] masked %and3A_678 {strides = array<i32>} : memref<4112xi32, #tpu.memory_space<vmem>>, vector<16xi32>, vector<16xi1>
          tpu.vector_store %arg10[%swap3A_679], %get3A_672 masked %and3A_678 {strides = array<i32>} : memref<4112xi32, #tpu.memory_space<vmem>>, vector<16xi32>, vector<16xi1>
          %slice3A = vector.extract_strided_slice %all_reduce_population_count3A {offsets = [0], sizes = [1], strides = [1]} : vector<16xi32> to vector<1xi32>
          %squeeze3A = vector.extract %slice3A[0] : i32 from vector<1xi32>
          %add3A_681 = arith.addi %while3A_669, %squeeze3A : i32
          scf.yield %add3A_681 : i32
        }
        %dma_wait3A_491 = arith.constant 2 : i32
        %dma_wait3A_492 = arith.constant 0 : i32
        %dma_wait3A_493 = arith.constant 0 : i32
        %dma_wait3A_494 = tpu.memref_slice %arg7[%dma_wait3A_491, %dma_wait3A_492, %dma_wait3A_493] : memref<3x64x512xf32, #tpu.memory_space<vmem>> -> memref<1x64x512xf32, #tpu.memory_space<vmem>>
        %dma_wait3A_495 = tpu.memref_squeeze %dma_wait3A_494 : memref<1x64x512xf32, #tpu.memory_space<vmem>> -> memref<64x512xf32, #tpu.memory_space<vmem>>
        %dma_wait3A_496 = arith.constant 0 : i32
        %dma_wait3A_497 = tpu.memref_slice %arg3[%div3A_27, %dma_wait3A_496, %min3A_353] : memref<26x64x100000xf32, #tpu.memory_space<hbm>> -> memref<1x64x512xf32, #tpu.memory_space<hbm>>
        %dma_wait3A_498 = tpu.memref_squeeze %dma_wait3A_497 : memref<1x64x512xf32, #tpu.memory_space<hbm>> -> memref<64x512xf32, #tpu.memory_space<hbm>>
        %dma_wait3A_499 = arith.constant 0 : i32
        %dma_wait3A_500 = arith.constant 0 : i32
        %dma_wait3A_501 = tpu.memref_slice %arg7[%dma_wait3A_491, %dma_wait3A_499, %dma_wait3A_500] : memref<3x64x512xf32, #tpu.memory_space<vmem>> -> memref<1x64x512xf32, #tpu.memory_space<vmem>>
        %dma_wait3A_502 = tpu.memref_squeeze %dma_wait3A_501 : memref<1x64x512xf32, #tpu.memory_space<vmem>> -> memref<64x512xf32, #tpu.memory_space<vmem>>
        %dma_wait3A_503 = arith.constant 0 : i32
        %dma_wait3A_504 = tpu.memref_slice %arg3[%div3A_27, %dma_wait3A_503, %min3A_353] : memref<26x64x100000xf32, #tpu.memory_space<hbm>> -> memref<1x64x512xf32, #tpu.memory_space<hbm>>
        %dma_wait3A_505 = tpu.memref_squeeze %dma_wait3A_504 : memref<1x64x512xf32, #tpu.memory_space<hbm>> -> memref<64x512xf32, #tpu.memory_space<hbm>>
        tpu.wait_dma2 semaphore(%arg14 : memref<!tpu.dma_semaphore, #tpu.memory_space<semaphore_mem>>) src(%dma_wait3A_505 : memref<64x512xf32, #tpu.memory_space<hbm>>) dst(%dma_wait3A_502 : memref<64x512xf32, #tpu.memory_space<vmem>>)
        %add3A_506 = arith.constant 3584 : i32
        %add3A_507 = arith.addi %mul3A_30, %add3A_506 : i32
        %min3A_508 = arith.constant 99456 : i32
        %min3A_509 = arith.minsi %add3A_507, %min3A_508 : i32
        %dma_start3A_510 = arith.constant 1 : i32
        %dma_start3A_511 = arith.constant 0 : i32
        %dma_start3A_512 = arith.constant 0 : i32
        %dma_start3A_513 = tpu.memref_slice %arg7[%dma_start3A_510, %dma_start3A_511, %dma_start3A_512] : memref<3x64x512xf32, #tpu.memory_space<vmem>> -> memref<1x64x512xf32, #tpu.memory_space<vmem>>
        %dma_start3A_514 = tpu.memref_squeeze %dma_start3A_513 : memref<1x64x512xf32, #tpu.memory_space<vmem>> -> memref<64x512xf32, #tpu.memory_space<vmem>>
        %dma_start3A_515 = arith.constant 0 : i32
        %dma_start3A_516 = tpu.memref_slice %arg3[%div3A_27, %dma_start3A_515, %min3A_509] : memref<26x64x100000xf32, #tpu.memory_space<hbm>> -> memref<1x64x512xf32, #tpu.memory_space<hbm>>
        %dma_start3A_517 = tpu.memref_squeeze %dma_start3A_516 : memref<1x64x512xf32, #tpu.memory_space<hbm>> -> memref<64x512xf32, #tpu.memory_space<hbm>>
        %dma_start3A_518 = arith.constant 0 : i32
        %dma_start3A_519 = arith.constant 0 : i32
        %dma_start3A_520 = tpu.memref_slice %arg7[%dma_start3A_510, %dma_start3A_518, %dma_start3A_519] : memref<3x64x512xf32, #tpu.memory_space<vmem>> -> memref<1x64x512xf32, #tpu.memory_space<vmem>>
        %dma_start3A_521 = tpu.memref_squeeze %dma_start3A_520 : memref<1x64x512xf32, #tpu.memory_space<vmem>> -> memref<64x512xf32, #tpu.memory_space<vmem>>
        %dma_start3A_522 = arith.constant 0 : i32
        %dma_start3A_523 = tpu.memref_slice %arg3[%div3A_27, %dma_start3A_522, %min3A_509] : memref<26x64x100000xf32, #tpu.memory_space<hbm>> -> memref<1x64x512xf32, #tpu.memory_space<hbm>>
        %dma_start3A_524 = tpu.memref_squeeze %dma_start3A_523 : memref<1x64x512xf32, #tpu.memory_space<hbm>> -> memref<64x512xf32, #tpu.memory_space<hbm>>
        tpu.enqueue_dma source(%dma_start3A_524 : memref<64x512xf32, #tpu.memory_space<hbm>>) target(%dma_start3A_521 : memref<64x512xf32, #tpu.memory_space<vmem>>) target_semaphore(%arg13 : memref<!tpu.dma_semaphore, #tpu.memory_space<semaphore_mem>>)
        %while3A_525 = arith.constant 0 : i32
        %while3A_526 = arith.constant 0 : i32
        %while3A_527 = arith.subi %while3A_490, %while3A_526 : i32
        %while3A_528 = arith.addi %while3A_526, %while3A_527 : i32
        %while3A_529 = arith.constant 1 : i32
        %while3A_530 = arith.divsi %while3A_527, %while3A_529 : i32
        %while3A_531 = arith.muli %while3A_530, %while3A_529 : i32
        %while3A_532 = arith.addi %while3A_526, %while3A_531 : i32
        %while3A_533 = arith.constant 1 : i32
        scf.for %while3A_668 = %while3A_526 to %while3A_532 step %while3A_533  : i32 {
          %get3A = arith.index_cast %while3A_668 : i32 to index
          %get3A_669 = tpu.vector_load %arg10[%get3A] {strides = array<i32>} : memref<4112xi32, #tpu.memory_space<vmem>>, vector<16xi32>,
          %slice3A = vector.extract_strided_slice %get3A_669 {offsets = [0], sizes = [1], strides = [1]} : vector<16xi32> to vector<1xi32>
          %squeeze3A = vector.extract %slice3A[0] : i32 from vector<1xi32>
          %and3A = arith.constant 131071 : i32
          %and3A_670 = arith.andi %squeeze3A, %and3A : i32
          %shift_right_logical3A = arith.constant 17 : i32
          %shift_right_logical3A_671 = arith.shrui %squeeze3A, %shift_right_logical3A : i32
          %rem3A_672 = arith.constant 64 : i32
          %rem3A_673 = arith.remsi %while3A_668, %rem3A_672 : i32
          %mul3A_674 = arith.constant 64 : i32
          %mul3A_675 = arith.muli %rem3A_673, %mul3A_674 : i32
          %broadcast_in_dim3A_676 = vector.broadcast %and3A_670 : i32 to vector<16xi32>
          %sub3A = vector.broadcast %min3A_353 : i32 to vector<16xi32>
          %sub3A_677 = arith.subi %broadcast_in_dim3A_676, %sub3A : vector<16xi32>
          %gather3A = arith.constant 2 : i32
          %gather3A_678 = arith.constant 0 : i32
          %gather3A_679 = arith.constant 0 : i32
          %gather3A_680 = tpu.memref_slice %arg7[%gather3A, %gather3A_678, %gather3A_679] : memref<3x64x512xf32, #tpu.memory_space<vmem>> -> memref<1x64x512xf32, #tpu.memory_space<vmem>>
          %gather3A_681 = tpu.memref_squeeze %gather3A_680 : memref<1x64x512xf32, #tpu.memory_space<vmem>> -> memref<64x512xf32, #tpu.memory_space<vmem>>
          %gather3A_682 = tpu.vector_load_idx %gather3A_681[%add3A_3, %sub3A_677] : memref<64x512xf32, #tpu.memory_space<vmem>>[vector<16xi32>, vector<16xi32>], vector<16xf32>,
          %add3A_683 = arith.constant 0 : i32
          %add3A_684 = arith.addi %mul3A_675, %add3A_683 : i32
          %swap3A_685 = arith.index_cast %add3A_684 : i32 to index
          %swap3A_686 = tpu.vector_load %arg11[%swap3A_685] {strides = array<i32>} : memref<4096xf32, #tpu.memory_space<vmem>>, vector<16xf32>,
          tpu.vector_store %arg11[%swap3A_685], %gather3A_682 {strides = array<i32>} : memref<4096xf32, #tpu.memory_space<vmem>>, vector<16xf32>,
          %broadcast_in_dim3A_687 = vector.broadcast %and3A_670 : i32 to vector<16xi32>
          %sub3A_688 = vector.broadcast %min3A_353 : i32 to vector<16xi32>
          %sub3A_689 = arith.subi %broadcast_in_dim3A_687, %sub3A_688 : vector<16xi32>
          %gather3A_690 = arith.constant 2 : i32
          %gather3A_691 = arith.constant 0 : i32
          %gather3A_692 = arith.constant 0 : i32
          %gather3A_693 = tpu.memref_slice %arg7[%gather3A_690, %gather3A_691, %gather3A_692] : memref<3x64x512xf32, #tpu.memory_space<vmem>> -> memref<1x64x512xf32, #tpu.memory_space<vmem>>
          %gather3A_694 = tpu.memref_squeeze %gather3A_693 : memref<1x64x512xf32, #tpu.memory_space<vmem>> -> memref<64x512xf32, #tpu.memory_space<vmem>>
          %gather3A_695 = tpu.vector_load_idx %gather3A_694[%add3A_6, %sub3A_689] : memref<64x512xf32, #tpu.memory_space<vmem>>[vector<16xi32>, vector<16xi32>], vector<16xf32>,
          %add3A_696 = arith.constant 16 : i32
          %add3A_697 = arith.addi %mul3A_675, %add3A_696 : i32
          %swap3A_698 = arith.index_cast %add3A_697 : i32 to index
          %swap3A_699 = tpu.vector_load %arg11[%swap3A_698] {strides = array<i32>} : memref<4096xf32, #tpu.memory_space<vmem>>, vector<16xf32>,
          tpu.vector_store %arg11[%swap3A_698], %gather3A_695 {strides = array<i32>} : memref<4096xf32, #tpu.memory_space<vmem>>, vector<16xf32>,
          %broadcast_in_dim3A_700 = vector.broadcast %and3A_670 : i32 to vector<16xi32>
          %sub3A_701 = vector.broadcast %min3A_353 : i32 to vector<16xi32>
          %sub3A_702 = arith.subi %broadcast_in_dim3A_700, %sub3A_701 : vector<16xi32>
          %gather3A_703 = arith.constant 2 : i32
          %gather3A_704 = arith.constant 0 : i32
          %gather3A_705 = arith.constant 0 : i32
          %gather3A_706 = tpu.memref_slice %arg7[%gather3A_703, %gather3A_704, %gather3A_705] : memref<3x64x512xf32, #tpu.memory_space<vmem>> -> memref<1x64x512xf32, #tpu.memory_space<vmem>>
          %gather3A_707 = tpu.memref_squeeze %gather3A_706 : memref<1x64x512xf32, #tpu.memory_space<vmem>> -> memref<64x512xf32, #tpu.memory_space<vmem>>
          %gather3A_708 = tpu.vector_load_idx %gather3A_707[%add3A_9, %sub3A_702] : memref<64x512xf32, #tpu.memory_space<vmem>>[vector<16xi32>, vector<16xi32>], vector<16xf32>,
          %add3A_709 = arith.constant 32 : i32
          %add3A_710 = arith.addi %mul3A_675, %add3A_709 : i32
          %swap3A_711 = arith.index_cast %add3A_710 : i32 to index
          %swap3A_712 = tpu.vector_load %arg11[%swap3A_711] {strides = array<i32>} : memref<4096xf32, #tpu.memory_space<vmem>>, vector<16xf32>,
          tpu.vector_store %arg11[%swap3A_711], %gather3A_708 {strides = array<i32>} : memref<4096xf32, #tpu.memory_space<vmem>>, vector<16xf32>,
          %broadcast_in_dim3A_713 = vector.broadcast %and3A_670 : i32 to vector<16xi32>
          %sub3A_714 = vector.broadcast %min3A_353 : i32 to vector<16xi32>
          %sub3A_715 = arith.subi %broadcast_in_dim3A_713, %sub3A_714 : vector<16xi32>
          %gather3A_716 = arith.constant 2 : i32
          %gather3A_717 = arith.constant 0 : i32
          %gather3A_718 = arith.constant 0 : i32
          %gather3A_719 = tpu.memref_slice %arg7[%gather3A_716, %gather3A_717, %gather3A_718] : memref<3x64x512xf32, #tpu.memory_space<vmem>> -> memref<1x64x512xf32, #tpu.memory_space<vmem>>
          %gather3A_720 = tpu.memref_squeeze %gather3A_719 : memref<1x64x512xf32, #tpu.memory_space<vmem>> -> memref<64x512xf32, #tpu.memory_space<vmem>>
          %gather3A_721 = tpu.vector_load_idx %gather3A_720[%add3A_12, %sub3A_715] : memref<64x512xf32, #tpu.memory_space<vmem>>[vector<16xi32>, vector<16xi32>], vector<16xf32>,
          %add3A_722 = arith.constant 48 : i32
          %add3A_723 = arith.addi %mul3A_675, %add3A_722 : i32
          %swap3A_724 = arith.index_cast %add3A_723 : i32 to index
          %swap3A_725 = tpu.vector_load %arg11[%swap3A_724] {strides = array<i32>} : memref<4096xf32, #tpu.memory_space<vmem>>, vector<16xf32>,
          tpu.vector_store %arg11[%swap3A_724], %gather3A_721 {strides = array<i32>} : memref<4096xf32, #tpu.memory_space<vmem>>, vector<16xf32>,
          %mul3A_726 = arith.constant 64 : i32
          %mul3A_727 = arith.muli %shift_right_logical3A_671, %mul3A_726 : i32
          %add3A_728 = arith.addi %mul3A_32, %mul3A_727 : i32
          %dma_start3A_729 = tpu.memref_slice %arg11[%mul3A_675] : memref<4096xf32, #tpu.memory_space<vmem>> -> memref<64xf32, #tpu.memory_space<vmem>>
          %dma_start3A_730 = tpu.memref_slice %arg5[%add3A_728] : memref<6815744xf32, #tpu.memory_space<hbm>> -> memref<64xf32, #tpu.memory_space<hbm>>
          %dma_start3A_731 = tpu.memref_slice %arg5[%add3A_728] : memref<6815744xf32, #tpu.memory_space<hbm>> -> memref<64xf32, #tpu.memory_space<hbm>>
          %dma_start3A_732 = tpu.memref_slice %arg11[%mul3A_675] : memref<4096xf32, #tpu.memory_space<vmem>> -> memref<64xf32, #tpu.memory_space<vmem>>
          tpu.enqueue_dma source(%dma_start3A_732 : memref<64xf32, #tpu.memory_space<vmem>>) target(%dma_start3A_731 : memref<64xf32, #tpu.memory_space<hbm>>) target_semaphore(%arg15 : memref<!tpu.dma_semaphore, #tpu.memory_space<semaphore_mem>>)
          %eq3A_733 = arith.constant 63 : i32
          %eq3A_734 = arith.cmpi eq, %rem3A_673, %eq3A_733 : i32
          %convert_element_type3A_735 = arith.extui %eq3A_734 : i1 to i32
          %cond3A_736 = arith.constant 0 : i32
          %cond3A_737 = arith.cmpi ne, %convert_element_type3A_735, %cond3A_736 : i32
          scf.if %cond3A_737 {
            %scan3A_738 = arith.constant 0 : i32
            %scan3A_739 = arith.constant 0 : i32
            %scan3A_740 = arith.constant 64 : i32
            %scan3A_741 = arith.addi %scan3A_739, %scan3A_740 : i32
            %scan3A_742 = arith.constant 1 : i32
            scf.for %scan3A_744 = %scan3A_739 to %scan3A_741 step %scan3A_742  : i32 {
              %dma_wait3A_745 = arith.constant 0 : i32
              %dma_wait3A_746 = tpu.memref_slice %arg11[%dma_wait3A_745] : memref<4096xf32, #tpu.memory_space<vmem>> -> memref<64xf32, #tpu.memory_space<vmem>>
              %dma_wait3A_747 = arith.constant 0 : i32
              %dma_wait3A_748 = tpu.memref_slice %arg5[%dma_wait3A_747] : memref<6815744xf32, #tpu.memory_space<hbm>> -> memref<64xf32, #tpu.memory_space<hbm>>
              %dma_wait3A_749 = arith.constant 0 : i32
              %dma_wait3A_750 = tpu.memref_slice %arg5[%dma_wait3A_749] : memref<6815744xf32, #tpu.memory_space<hbm>> -> memref<64xf32, #tpu.memory_space<hbm>>
              %dma_wait3A_751 = arith.constant 0 : i32
              %dma_wait3A_752 = tpu.memref_slice %arg11[%dma_wait3A_751] : memref<4096xf32, #tpu.memory_space<vmem>> -> memref<64xf32, #tpu.memory_space<vmem>>
              tpu.wait_dma2 semaphore(%arg15 : memref<!tpu.dma_semaphore, #tpu.memory_space<semaphore_mem>>) src(%dma_wait3A_752 : memref<64xf32, #tpu.memory_space<vmem>>) dst(%dma_wait3A_750 : memref<64xf32, #tpu.memory_space<hbm>>)
            }
            %scan3A_743 = arith.constant 64 : i32
          } else {
          }
        }
        %while3A_534 = arith.constant 1 : i32
        scf.for %while3A_668 = %while3A_532 to %while3A_528 step %while3A_534  : i32 {
          %get3A = arith.index_cast %while3A_668 : i32 to index
          %get3A_669 = tpu.vector_load %arg10[%get3A] {strides = array<i32>} : memref<4112xi32, #tpu.memory_space<vmem>>, vector<16xi32>,
          %slice3A = vector.extract_strided_slice %get3A_669 {offsets = [0], sizes = [1], strides = [1]} : vector<16xi32> to vector<1xi32>
          %squeeze3A = vector.extract %slice3A[0] : i32 from vector<1xi32>
          %and3A = arith.constant 131071 : i32
          %and3A_670 = arith.andi %squeeze3A, %and3A : i32
          %shift_right_logical3A = arith.constant 17 : i32
          %shift_right_logical3A_671 = arith.shrui %squeeze3A, %shift_right_logical3A : i32
          %rem3A_672 = arith.constant 64 : i32
          %rem3A_673 = arith.remsi %while3A_668, %rem3A_672 : i32
          %mul3A_674 = arith.constant 64 : i32
          %mul3A_675 = arith.muli %rem3A_673, %mul3A_674 : i32
          %broadcast_in_dim3A_676 = vector.broadcast %and3A_670 : i32 to vector<16xi32>
          %sub3A = vector.broadcast %min3A_353 : i32 to vector<16xi32>
          %sub3A_677 = arith.subi %broadcast_in_dim3A_676, %sub3A : vector<16xi32>
          %gather3A = arith.constant 2 : i32
          %gather3A_678 = arith.constant 0 : i32
          %gather3A_679 = arith.constant 0 : i32
          %gather3A_680 = tpu.memref_slice %arg7[%gather3A, %gather3A_678, %gather3A_679] : memref<3x64x512xf32, #tpu.memory_space<vmem>> -> memref<1x64x512xf32, #tpu.memory_space<vmem>>
          %gather3A_681 = tpu.memref_squeeze %gather3A_680 : memref<1x64x512xf32, #tpu.memory_space<vmem>> -> memref<64x512xf32, #tpu.memory_space<vmem>>
          %gather3A_682 = tpu.vector_load_idx %gather3A_681[%add3A_3, %sub3A_677] : memref<64x512xf32, #tpu.memory_space<vmem>>[vector<16xi32>, vector<16xi32>], vector<16xf32>,
          %add3A_683 = arith.constant 0 : i32
          %add3A_684 = arith.addi %mul3A_675, %add3A_683 : i32
          %swap3A_685 = arith.index_cast %add3A_684 : i32 to index
          %swap3A_686 = tpu.vector_load %arg11[%swap3A_685] {strides = array<i32>} : memref<4096xf32, #tpu.memory_space<vmem>>, vector<16xf32>,
          tpu.vector_store %arg11[%swap3A_685], %gather3A_682 {strides = array<i32>} : memref<4096xf32, #tpu.memory_space<vmem>>, vector<16xf32>,
          %broadcast_in_dim3A_687 = vector.broadcast %and3A_670 : i32 to vector<16xi32>
          %sub3A_688 = vector.broadcast %min3A_353 : i32 to vector<16xi32>
          %sub3A_689 = arith.subi %broadcast_in_dim3A_687, %sub3A_688 : vector<16xi32>
          %gather3A_690 = arith.constant 2 : i32
          %gather3A_691 = arith.constant 0 : i32
          %gather3A_692 = arith.constant 0 : i32
          %gather3A_693 = tpu.memref_slice %arg7[%gather3A_690, %gather3A_691, %gather3A_692] : memref<3x64x512xf32, #tpu.memory_space<vmem>> -> memref<1x64x512xf32, #tpu.memory_space<vmem>>
          %gather3A_694 = tpu.memref_squeeze %gather3A_693 : memref<1x64x512xf32, #tpu.memory_space<vmem>> -> memref<64x512xf32, #tpu.memory_space<vmem>>
          %gather3A_695 = tpu.vector_load_idx %gather3A_694[%add3A_6, %sub3A_689] : memref<64x512xf32, #tpu.memory_space<vmem>>[vector<16xi32>, vector<16xi32>], vector<16xf32>,
          %add3A_696 = arith.constant 16 : i32
          %add3A_697 = arith.addi %mul3A_675, %add3A_696 : i32
          %swap3A_698 = arith.index_cast %add3A_697 : i32 to index
          %swap3A_699 = tpu.vector_load %arg11[%swap3A_698] {strides = array<i32>} : memref<4096xf32, #tpu.memory_space<vmem>>, vector<16xf32>,
          tpu.vector_store %arg11[%swap3A_698], %gather3A_695 {strides = array<i32>} : memref<4096xf32, #tpu.memory_space<vmem>>, vector<16xf32>,
          %broadcast_in_dim3A_700 = vector.broadcast %and3A_670 : i32 to vector<16xi32>
          %sub3A_701 = vector.broadcast %min3A_353 : i32 to vector<16xi32>
          %sub3A_702 = arith.subi %broadcast_in_dim3A_700, %sub3A_701 : vector<16xi32>
          %gather3A_703 = arith.constant 2 : i32
          %gather3A_704 = arith.constant 0 : i32
          %gather3A_705 = arith.constant 0 : i32
          %gather3A_706 = tpu.memref_slice %arg7[%gather3A_703, %gather3A_704, %gather3A_705] : memref<3x64x512xf32, #tpu.memory_space<vmem>> -> memref<1x64x512xf32, #tpu.memory_space<vmem>>
          %gather3A_707 = tpu.memref_squeeze %gather3A_706 : memref<1x64x512xf32, #tpu.memory_space<vmem>> -> memref<64x512xf32, #tpu.memory_space<vmem>>
          %gather3A_708 = tpu.vector_load_idx %gather3A_707[%add3A_9, %sub3A_702] : memref<64x512xf32, #tpu.memory_space<vmem>>[vector<16xi32>, vector<16xi32>], vector<16xf32>,
          %add3A_709 = arith.constant 32 : i32
          %add3A_710 = arith.addi %mul3A_675, %add3A_709 : i32
          %swap3A_711 = arith.index_cast %add3A_710 : i32 to index
          %swap3A_712 = tpu.vector_load %arg11[%swap3A_711] {strides = array<i32>} : memref<4096xf32, #tpu.memory_space<vmem>>, vector<16xf32>,
          tpu.vector_store %arg11[%swap3A_711], %gather3A_708 {strides = array<i32>} : memref<4096xf32, #tpu.memory_space<vmem>>, vector<16xf32>,
          %broadcast_in_dim3A_713 = vector.broadcast %and3A_670 : i32 to vector<16xi32>
          %sub3A_714 = vector.broadcast %min3A_353 : i32 to vector<16xi32>
          %sub3A_715 = arith.subi %broadcast_in_dim3A_713, %sub3A_714 : vector<16xi32>
          %gather3A_716 = arith.constant 2 : i32
          %gather3A_717 = arith.constant 0 : i32
          %gather3A_718 = arith.constant 0 : i32
          %gather3A_719 = tpu.memref_slice %arg7[%gather3A_716, %gather3A_717, %gather3A_718] : memref<3x64x512xf32, #tpu.memory_space<vmem>> -> memref<1x64x512xf32, #tpu.memory_space<vmem>>
          %gather3A_720 = tpu.memref_squeeze %gather3A_719 : memref<1x64x512xf32, #tpu.memory_space<vmem>> -> memref<64x512xf32, #tpu.memory_space<vmem>>
          %gather3A_721 = tpu.vector_load_idx %gather3A_720[%add3A_12, %sub3A_715] : memref<64x512xf32, #tpu.memory_space<vmem>>[vector<16xi32>, vector<16xi32>], vector<16xf32>,
          %add3A_722 = arith.constant 48 : i32
          %add3A_723 = arith.addi %mul3A_675, %add3A_722 : i32
          %swap3A_724 = arith.index_cast %add3A_723 : i32 to index
          %swap3A_725 = tpu.vector_load %arg11[%swap3A_724] {strides = array<i32>} : memref<4096xf32, #tpu.memory_space<vmem>>, vector<16xf32>,
          tpu.vector_store %arg11[%swap3A_724], %gather3A_721 {strides = array<i32>} : memref<4096xf32, #tpu.memory_space<vmem>>, vector<16xf32>,
          %mul3A_726 = arith.constant 64 : i32
          %mul3A_727 = arith.muli %shift_right_logical3A_671, %mul3A_726 : i32
          %add3A_728 = arith.addi %mul3A_32, %mul3A_727 : i32
          %dma_start3A_729 = tpu.memref_slice %arg11[%mul3A_675] : memref<4096xf32, #tpu.memory_space<vmem>> -> memref<64xf32, #tpu.memory_space<vmem>>
          %dma_start3A_730 = tpu.memref_slice %arg5[%add3A_728] : memref<6815744xf32, #tpu.memory_space<hbm>> -> memref<64xf32, #tpu.memory_space<hbm>>
          %dma_start3A_731 = tpu.memref_slice %arg5[%add3A_728] : memref<6815744xf32, #tpu.memory_space<hbm>> -> memref<64xf32, #tpu.memory_space<hbm>>
          %dma_start3A_732 = tpu.memref_slice %arg11[%mul3A_675] : memref<4096xf32, #tpu.memory_space<vmem>> -> memref<64xf32, #tpu.memory_space<vmem>>
          tpu.enqueue_dma source(%dma_start3A_732 : memref<64xf32, #tpu.memory_space<vmem>>) target(%dma_start3A_731 : memref<64xf32, #tpu.memory_space<hbm>>) target_semaphore(%arg15 : memref<!tpu.dma_semaphore, #tpu.memory_space<semaphore_mem>>)
          %eq3A_733 = arith.constant 63 : i32
          %eq3A_734 = arith.cmpi eq, %rem3A_673, %eq3A_733 : i32
          %convert_element_type3A_735 = arith.extui %eq3A_734 : i1 to i32
          %cond3A_736 = arith.constant 0 : i32
          %cond3A_737 = arith.cmpi ne, %convert_element_type3A_735, %cond3A_736 : i32
          scf.if %cond3A_737 {
            %scan3A_738 = arith.constant 0 : i32
            %scan3A_739 = arith.constant 0 : i32
            %scan3A_740 = arith.constant 64 : i32
            %scan3A_741 = arith.addi %scan3A_739, %scan3A_740 : i32
            %scan3A_742 = arith.constant 1 : i32
            scf.for %scan3A_744 = %scan3A_739 to %scan3A_741 step %scan3A_742  : i32 {
              %dma_wait3A_745 = arith.constant 0 : i32
              %dma_wait3A_746 = tpu.memref_slice %arg11[%dma_wait3A_745] : memref<4096xf32, #tpu.memory_space<vmem>> -> memref<64xf32, #tpu.memory_space<vmem>>
              %dma_wait3A_747 = arith.constant 0 : i32
              %dma_wait3A_748 = tpu.memref_slice %arg5[%dma_wait3A_747] : memref<6815744xf32, #tpu.memory_space<hbm>> -> memref<64xf32, #tpu.memory_space<hbm>>
              %dma_wait3A_749 = arith.constant 0 : i32
              %dma_wait3A_750 = tpu.memref_slice %arg5[%dma_wait3A_749] : memref<6815744xf32, #tpu.memory_space<hbm>> -> memref<64xf32, #tpu.memory_space<hbm>>
              %dma_wait3A_751 = arith.constant 0 : i32
              %dma_wait3A_752 = tpu.memref_slice %arg11[%dma_wait3A_751] : memref<4096xf32, #tpu.memory_space<vmem>> -> memref<64xf32, #tpu.memory_space<vmem>>
              tpu.wait_dma2 semaphore(%arg15 : memref<!tpu.dma_semaphore, #tpu.memory_space<semaphore_mem>>) src(%dma_wait3A_752 : memref<64xf32, #tpu.memory_space<vmem>>) dst(%dma_wait3A_750 : memref<64xf32, #tpu.memory_space<hbm>>)
            }
            %scan3A_743 = arith.constant 64 : i32
          } else {
          }
        }
        %rem3A_535 = arith.constant 64 : i32
        %rem3A_536 = arith.remsi %while3A_490, %rem3A_535 : i32
        %while3A_537 = arith.constant 0 : i32
        %while3A_538 = arith.constant 0 : i32
        %while3A_539 = arith.subi %rem3A_536, %while3A_538 : i32
        %while3A_540 = arith.addi %while3A_538, %while3A_539 : i32
        %while3A_541 = arith.constant 1 : i32
        %while3A_542 = arith.divsi %while3A_539, %while3A_541 : i32
        %while3A_543 = arith.muli %while3A_542, %while3A_541 : i32
        %while3A_544 = arith.addi %while3A_538, %while3A_543 : i32
        %while3A_545 = arith.constant 1 : i32
        scf.for %while3A_668 = %while3A_538 to %while3A_544 step %while3A_545  : i32 {
          %dma_wait3A_669 = arith.constant 0 : i32
          %dma_wait3A_670 = tpu.memref_slice %arg11[%dma_wait3A_669] : memref<4096xf32, #tpu.memory_space<vmem>> -> memref<64xf32, #tpu.memory_space<vmem>>
          %dma_wait3A_671 = arith.constant 0 : i32
          %dma_wait3A_672 = tpu.memref_slice %arg5[%dma_wait3A_671] : memref<6815744xf32, #tpu.memory_space<hbm>> -> memref<64xf32, #tpu.memory_space<hbm>>
          %dma_wait3A_673 = arith.constant 0 : i32
          %dma_wait3A_674 = tpu.memref_slice %arg5[%dma_wait3A_673] : memref<6815744xf32, #tpu.memory_space<hbm>> -> memref<64xf32, #tpu.memory_space<hbm>>
          %dma_wait3A_675 = arith.constant 0 : i32
          %dma_wait3A_676 = tpu.memref_slice %arg11[%dma_wait3A_675] : memref<4096xf32, #tpu.memory_space<vmem>> -> memref<64xf32, #tpu.memory_space<vmem>>
          tpu.wait_dma2 semaphore(%arg15 : memref<!tpu.dma_semaphore, #tpu.memory_space<semaphore_mem>>) src(%dma_wait3A_676 : memref<64xf32, #tpu.memory_space<vmem>>) dst(%dma_wait3A_674 : memref<64xf32, #tpu.memory_space<hbm>>)
        }
        %while3A_546 = arith.constant 1 : i32
        scf.for %while3A_668 = %while3A_544 to %while3A_540 step %while3A_546  : i32 {
          %dma_wait3A_669 = arith.constant 0 : i32
          %dma_wait3A_670 = tpu.memref_slice %arg11[%dma_wait3A_669] : memref<4096xf32, #tpu.memory_space<vmem>> -> memref<64xf32, #tpu.memory_space<vmem>>
          %dma_wait3A_671 = arith.constant 0 : i32
          %dma_wait3A_672 = tpu.memref_slice %arg5[%dma_wait3A_671] : memref<6815744xf32, #tpu.memory_space<hbm>> -> memref<64xf32, #tpu.memory_space<hbm>>
          %dma_wait3A_673 = arith.constant 0 : i32
          %dma_wait3A_674 = tpu.memref_slice %arg5[%dma_wait3A_673] : memref<6815744xf32, #tpu.memory_space<hbm>> -> memref<64xf32, #tpu.memory_space<hbm>>
          %dma_wait3A_675 = arith.constant 0 : i32
          %dma_wait3A_676 = tpu.memref_slice %arg11[%dma_wait3A_675] : memref<4096xf32, #tpu.memory_space<vmem>> -> memref<64xf32, #tpu.memory_space<vmem>>
          tpu.wait_dma2 semaphore(%arg15 : memref<!tpu.dma_semaphore, #tpu.memory_space<semaphore_mem>>) src(%dma_wait3A_676 : memref<64xf32, #tpu.memory_space<vmem>>) dst(%dma_wait3A_674 : memref<64xf32, #tpu.memory_space<hbm>>)
        }
        %add3A_547 = arith.constant 3072 : i32
        %add3A_548 = arith.addi %mul3A_30, %add3A_547 : i32
        %add3A_549 = arith.constant 512 : i32
        %add3A_550 = arith.addi %add3A_548, %add3A_549 : i32
        %min3A_551 = arith.constant 99968 : i32
        %min3A_552 = arith.minsi %add3A_550, %min3A_551 : i32
        %add3A_553 = arith.constant 15 : i32
        %add3A_554 = arith.addi %scan3A_77, %add3A_553 : i32
        %div3A_555 = arith.constant 16 : i32
        %div3A_556 = arith.divsi %add3A_554, %div3A_555 : i32
        %while3A_557 = arith.constant 0 : i32
        %while3A_558 = arith.constant 0 : i32
        %while3A_559 = arith.subi %div3A_556, %while3A_557 : i32
        %while3A_560 = arith.addi %while3A_557, %while3A_559 : i32
        %while3A_561 = arith.constant 1 : i32
        %while3A_562 = arith.divsi %while3A_559, %while3A_561 : i32
        %while3A_563 = arith.muli %while3A_562, %while3A_561 : i32
        %while3A_564 = arith.addi %while3A_557, %while3A_563 : i32
        %while3A_565 = arith.constant 1 : i32
        %while3A_566 = scf.for %while3A_668 = %while3A_557 to %while3A_564 step %while3A_565 iter_args(%while3A_669 = %while3A_558) -> (i32)  : i32 {
          %mul3A_670 = arith.constant 16 : i32
          %mul3A_671 = arith.muli %while3A_668, %mul3A_670 : i32
          %get3A = arith.index_cast %mul3A_671 : i32 to index
          %get3A_672 = tpu.vector_load %arg9[%get3A] {strides = array<i32>} : memref<4112xi32, #tpu.memory_space<vmem>>, vector<16xi32>,
          %and3A = arith.constant 131071 : i32
          %and3A_673 = vector.broadcast %and3A : i32 to vector<16xi32>
          %and3A_674 = arith.andi %get3A_672, %and3A_673 : vector<16xi32>
          %ge3A = vector.broadcast %add3A_548 : i32 to vector<16xi32>
          %ge3A_675 = arith.cmpi sge, %and3A_674, %ge3A : vector<16xi32>
          %lt3A_676 = vector.broadcast %min3A_552 : i32 to vector<16xi32>
          %lt3A_677 = arith.cmpi slt, %and3A_674, %lt3A_676 : vector<16xi32>
          %and3A_678 = arith.andi %ge3A_675, %lt3A_677 : vector<16xi1>
          %all_reduce_population_count3A = tpu.all_reduce %and3A_678 {dim = 0 : i64, kind = #tpu.reduction_kind<sum>} : vector<16xi1> -> vector<16xi32>
          %swap3A_679 = arith.index_cast %while3A_669 : i32 to index
          %swap3A_680 = tpu.vector_load %arg10[%swap3A_679] masked %and3A_678 {strides = array<i32>} : memref<4112xi32, #tpu.memory_space<vmem>>, vector<16xi32>, vector<16xi1>
          tpu.vector_store %arg10[%swap3A_679], %get3A_672 masked %and3A_678 {strides = array<i32>} : memref<4112xi32, #tpu.memory_space<vmem>>, vector<16xi32>, vector<16xi1>
          %slice3A = vector.extract_strided_slice %all_reduce_population_count3A {offsets = [0], sizes = [1], strides = [1]} : vector<16xi32> to vector<1xi32>
          %squeeze3A = vector.extract %slice3A[0] : i32 from vector<1xi32>
          %add3A_681 = arith.addi %while3A_669, %squeeze3A : i32
          scf.yield %add3A_681 : i32
        }
        %while3A_567 = arith.constant 1 : i32
        %while3A_568 = scf.for %while3A_668 = %while3A_564 to %while3A_560 step %while3A_567 iter_args(%while3A_669 = %while3A_566) -> (i32)  : i32 {
          %mul3A_670 = arith.constant 16 : i32
          %mul3A_671 = arith.muli %while3A_668, %mul3A_670 : i32
          %get3A = arith.index_cast %mul3A_671 : i32 to index
          %get3A_672 = tpu.vector_load %arg9[%get3A] {strides = array<i32>} : memref<4112xi32, #tpu.memory_space<vmem>>, vector<16xi32>,
          %and3A = arith.constant 131071 : i32
          %and3A_673 = vector.broadcast %and3A : i32 to vector<16xi32>
          %and3A_674 = arith.andi %get3A_672, %and3A_673 : vector<16xi32>
          %ge3A = vector.broadcast %add3A_548 : i32 to vector<16xi32>
          %ge3A_675 = arith.cmpi sge, %and3A_674, %ge3A : vector<16xi32>
          %lt3A_676 = vector.broadcast %min3A_552 : i32 to vector<16xi32>
          %lt3A_677 = arith.cmpi slt, %and3A_674, %lt3A_676 : vector<16xi32>
          %and3A_678 = arith.andi %ge3A_675, %lt3A_677 : vector<16xi1>
          %all_reduce_population_count3A = tpu.all_reduce %and3A_678 {dim = 0 : i64, kind = #tpu.reduction_kind<sum>} : vector<16xi1> -> vector<16xi32>
          %swap3A_679 = arith.index_cast %while3A_669 : i32 to index
          %swap3A_680 = tpu.vector_load %arg10[%swap3A_679] masked %and3A_678 {strides = array<i32>} : memref<4112xi32, #tpu.memory_space<vmem>>, vector<16xi32>, vector<16xi1>
          tpu.vector_store %arg10[%swap3A_679], %get3A_672 masked %and3A_678 {strides = array<i32>} : memref<4112xi32, #tpu.memory_space<vmem>>, vector<16xi32>, vector<16xi1>
          %slice3A = vector.extract_strided_slice %all_reduce_population_count3A {offsets = [0], sizes = [1], strides = [1]} : vector<16xi32> to vector<1xi32>
          %squeeze3A = vector.extract %slice3A[0] : i32 from vector<1xi32>
          %add3A_681 = arith.addi %while3A_669, %squeeze3A : i32
          scf.yield %add3A_681 : i32
        }
        %dma_wait3A_569 = arith.constant 0 : i32
        %dma_wait3A_570 = arith.constant 0 : i32
        %dma_wait3A_571 = arith.constant 0 : i32
        %dma_wait3A_572 = tpu.memref_slice %arg7[%dma_wait3A_569, %dma_wait3A_570, %dma_wait3A_571] : memref<3x64x512xf32, #tpu.memory_space<vmem>> -> memref<1x64x512xf32, #tpu.memory_space<vmem>>
        %dma_wait3A_573 = tpu.memref_squeeze %dma_wait3A_572 : memref<1x64x512xf32, #tpu.memory_space<vmem>> -> memref<64x512xf32, #tpu.memory_space<vmem>>
        %dma_wait3A_574 = arith.constant 0 : i32
        %dma_wait3A_575 = tpu.memref_slice %arg3[%div3A_27, %dma_wait3A_574, %min3A_431] : memref<26x64x100000xf32, #tpu.memory_space<hbm>> -> memref<1x64x512xf32, #tpu.memory_space<hbm>>
        %dma_wait3A_576 = tpu.memref_squeeze %dma_wait3A_575 : memref<1x64x512xf32, #tpu.memory_space<hbm>> -> memref<64x512xf32, #tpu.memory_space<hbm>>
        %dma_wait3A_577 = arith.constant 0 : i32
        %dma_wait3A_578 = arith.constant 0 : i32
        %dma_wait3A_579 = tpu.memref_slice %arg7[%dma_wait3A_569, %dma_wait3A_577, %dma_wait3A_578] : memref<3x64x512xf32, #tpu.memory_space<vmem>> -> memref<1x64x512xf32, #tpu.memory_space<vmem>>
        %dma_wait3A_580 = tpu.memref_squeeze %dma_wait3A_579 : memref<1x64x512xf32, #tpu.memory_space<vmem>> -> memref<64x512xf32, #tpu.memory_space<vmem>>
        %dma_wait3A_581 = arith.constant 0 : i32
        %dma_wait3A_582 = tpu.memref_slice %arg3[%div3A_27, %dma_wait3A_581, %min3A_431] : memref<26x64x100000xf32, #tpu.memory_space<hbm>> -> memref<1x64x512xf32, #tpu.memory_space<hbm>>
        %dma_wait3A_583 = tpu.memref_squeeze %dma_wait3A_582 : memref<1x64x512xf32, #tpu.memory_space<hbm>> -> memref<64x512xf32, #tpu.memory_space<hbm>>
        tpu.wait_dma2 semaphore(%arg12 : memref<!tpu.dma_semaphore, #tpu.memory_space<semaphore_mem>>) src(%dma_wait3A_583 : memref<64x512xf32, #tpu.memory_space<hbm>>) dst(%dma_wait3A_580 : memref<64x512xf32, #tpu.memory_space<vmem>>)
        %while3A_584 = arith.constant 0 : i32
        %while3A_585 = arith.constant 0 : i32
        %while3A_586 = arith.subi %while3A_568, %while3A_585 : i32
        %while3A_587 = arith.addi %while3A_585, %while3A_586 : i32
        %while3A_588 = arith.constant 1 : i32
        %while3A_589 = arith.divsi %while3A_586, %while3A_588 : i32
        %while3A_590 = arith.muli %while3A_589, %while3A_588 : i32
        %while3A_591 = arith.addi %while3A_585, %while3A_590 : i32
        %while3A_592 = arith.constant 1 : i32
        scf.for %while3A_668 = %while3A_585 to %while3A_591 step %while3A_592  : i32 {
          %get3A = arith.index_cast %while3A_668 : i32 to index
          %get3A_669 = tpu.vector_load %arg10[%get3A] {strides = array<i32>} : memref<4112xi32, #tpu.memory_space<vmem>>, vector<16xi32>,
          %slice3A = vector.extract_strided_slice %get3A_669 {offsets = [0], sizes = [1], strides = [1]} : vector<16xi32> to vector<1xi32>
          %squeeze3A = vector.extract %slice3A[0] : i32 from vector<1xi32>
          %and3A = arith.constant 131071 : i32
          %and3A_670 = arith.andi %squeeze3A, %and3A : i32
          %shift_right_logical3A = arith.constant 17 : i32
          %shift_right_logical3A_671 = arith.shrui %squeeze3A, %shift_right_logical3A : i32
          %rem3A_672 = arith.constant 64 : i32
          %rem3A_673 = arith.remsi %while3A_668, %rem3A_672 : i32
          %mul3A_674 = arith.constant 64 : i32
          %mul3A_675 = arith.muli %rem3A_673, %mul3A_674 : i32
          %broadcast_in_dim3A_676 = vector.broadcast %and3A_670 : i32 to vector<16xi32>
          %sub3A = vector.broadcast %min3A_431 : i32 to vector<16xi32>
          %sub3A_677 = arith.subi %broadcast_in_dim3A_676, %sub3A : vector<16xi32>
          %gather3A = arith.constant 0 : i32
          %gather3A_678 = arith.constant 0 : i32
          %gather3A_679 = arith.constant 0 : i32
          %gather3A_680 = tpu.memref_slice %arg7[%gather3A, %gather3A_678, %gather3A_679] : memref<3x64x512xf32, #tpu.memory_space<vmem>> -> memref<1x64x512xf32, #tpu.memory_space<vmem>>
          %gather3A_681 = tpu.memref_squeeze %gather3A_680 : memref<1x64x512xf32, #tpu.memory_space<vmem>> -> memref<64x512xf32, #tpu.memory_space<vmem>>
          %gather3A_682 = tpu.vector_load_idx %gather3A_681[%add3A_3, %sub3A_677] : memref<64x512xf32, #tpu.memory_space<vmem>>[vector<16xi32>, vector<16xi32>], vector<16xf32>,
          %add3A_683 = arith.constant 0 : i32
          %add3A_684 = arith.addi %mul3A_675, %add3A_683 : i32
          %swap3A_685 = arith.index_cast %add3A_684 : i32 to index
          %swap3A_686 = tpu.vector_load %arg11[%swap3A_685] {strides = array<i32>} : memref<4096xf32, #tpu.memory_space<vmem>>, vector<16xf32>,
          tpu.vector_store %arg11[%swap3A_685], %gather3A_682 {strides = array<i32>} : memref<4096xf32, #tpu.memory_space<vmem>>, vector<16xf32>,
          %broadcast_in_dim3A_687 = vector.broadcast %and3A_670 : i32 to vector<16xi32>
          %sub3A_688 = vector.broadcast %min3A_431 : i32 to vector<16xi32>
          %sub3A_689 = arith.subi %broadcast_in_dim3A_687, %sub3A_688 : vector<16xi32>
          %gather3A_690 = arith.constant 0 : i32
          %gather3A_691 = arith.constant 0 : i32
          %gather3A_692 = arith.constant 0 : i32
          %gather3A_693 = tpu.memref_slice %arg7[%gather3A_690, %gather3A_691, %gather3A_692] : memref<3x64x512xf32, #tpu.memory_space<vmem>> -> memref<1x64x512xf32, #tpu.memory_space<vmem>>
          %gather3A_694 = tpu.memref_squeeze %gather3A_693 : memref<1x64x512xf32, #tpu.memory_space<vmem>> -> memref<64x512xf32, #tpu.memory_space<vmem>>
          %gather3A_695 = tpu.vector_load_idx %gather3A_694[%add3A_6, %sub3A_689] : memref<64x512xf32, #tpu.memory_space<vmem>>[vector<16xi32>, vector<16xi32>], vector<16xf32>,
          %add3A_696 = arith.constant 16 : i32
          %add3A_697 = arith.addi %mul3A_675, %add3A_696 : i32
          %swap3A_698 = arith.index_cast %add3A_697 : i32 to index
          %swap3A_699 = tpu.vector_load %arg11[%swap3A_698] {strides = array<i32>} : memref<4096xf32, #tpu.memory_space<vmem>>, vector<16xf32>,
          tpu.vector_store %arg11[%swap3A_698], %gather3A_695 {strides = array<i32>} : memref<4096xf32, #tpu.memory_space<vmem>>, vector<16xf32>,
          %broadcast_in_dim3A_700 = vector.broadcast %and3A_670 : i32 to vector<16xi32>
          %sub3A_701 = vector.broadcast %min3A_431 : i32 to vector<16xi32>
          %sub3A_702 = arith.subi %broadcast_in_dim3A_700, %sub3A_701 : vector<16xi32>
          %gather3A_703 = arith.constant 0 : i32
          %gather3A_704 = arith.constant 0 : i32
          %gather3A_705 = arith.constant 0 : i32
          %gather3A_706 = tpu.memref_slice %arg7[%gather3A_703, %gather3A_704, %gather3A_705] : memref<3x64x512xf32, #tpu.memory_space<vmem>> -> memref<1x64x512xf32, #tpu.memory_space<vmem>>
          %gather3A_707 = tpu.memref_squeeze %gather3A_706 : memref<1x64x512xf32, #tpu.memory_space<vmem>> -> memref<64x512xf32, #tpu.memory_space<vmem>>
          %gather3A_708 = tpu.vector_load_idx %gather3A_707[%add3A_9, %sub3A_702] : memref<64x512xf32, #tpu.memory_space<vmem>>[vector<16xi32>, vector<16xi32>], vector<16xf32>,
          %add3A_709 = arith.constant 32 : i32
          %add3A_710 = arith.addi %mul3A_675, %add3A_709 : i32
          %swap3A_711 = arith.index_cast %add3A_710 : i32 to index
          %swap3A_712 = tpu.vector_load %arg11[%swap3A_711] {strides = array<i32>} : memref<4096xf32, #tpu.memory_space<vmem>>, vector<16xf32>,
          tpu.vector_store %arg11[%swap3A_711], %gather3A_708 {strides = array<i32>} : memref<4096xf32, #tpu.memory_space<vmem>>, vector<16xf32>,
          %broadcast_in_dim3A_713 = vector.broadcast %and3A_670 : i32 to vector<16xi32>
          %sub3A_714 = vector.broadcast %min3A_431 : i32 to vector<16xi32>
          %sub3A_715 = arith.subi %broadcast_in_dim3A_713, %sub3A_714 : vector<16xi32>
          %gather3A_716 = arith.constant 0 : i32
          %gather3A_717 = arith.constant 0 : i32
          %gather3A_718 = arith.constant 0 : i32
          %gather3A_719 = tpu.memref_slice %arg7[%gather3A_716, %gather3A_717, %gather3A_718] : memref<3x64x512xf32, #tpu.memory_space<vmem>> -> memref<1x64x512xf32, #tpu.memory_space<vmem>>
          %gather3A_720 = tpu.memref_squeeze %gather3A_719 : memref<1x64x512xf32, #tpu.memory_space<vmem>> -> memref<64x512xf32, #tpu.memory_space<vmem>>
          %gather3A_721 = tpu.vector_load_idx %gather3A_720[%add3A_12, %sub3A_715] : memref<64x512xf32, #tpu.memory_space<vmem>>[vector<16xi32>, vector<16xi32>], vector<16xf32>,
          %add3A_722 = arith.constant 48 : i32
          %add3A_723 = arith.addi %mul3A_675, %add3A_722 : i32
          %swap3A_724 = arith.index_cast %add3A_723 : i32 to index
          %swap3A_725 = tpu.vector_load %arg11[%swap3A_724] {strides = array<i32>} : memref<4096xf32, #tpu.memory_space<vmem>>, vector<16xf32>,
          tpu.vector_store %arg11[%swap3A_724], %gather3A_721 {strides = array<i32>} : memref<4096xf32, #tpu.memory_space<vmem>>, vector<16xf32>,
          %mul3A_726 = arith.constant 64 : i32
          %mul3A_727 = arith.muli %shift_right_logical3A_671, %mul3A_726 : i32
          %add3A_728 = arith.addi %mul3A_32, %mul3A_727 : i32
          %dma_start3A_729 = tpu.memref_slice %arg11[%mul3A_675] : memref<4096xf32, #tpu.memory_space<vmem>> -> memref<64xf32, #tpu.memory_space<vmem>>
          %dma_start3A_730 = tpu.memref_slice %arg5[%add3A_728] : memref<6815744xf32, #tpu.memory_space<hbm>> -> memref<64xf32, #tpu.memory_space<hbm>>
          %dma_start3A_731 = tpu.memref_slice %arg5[%add3A_728] : memref<6815744xf32, #tpu.memory_space<hbm>> -> memref<64xf32, #tpu.memory_space<hbm>>
          %dma_start3A_732 = tpu.memref_slice %arg11[%mul3A_675] : memref<4096xf32, #tpu.memory_space<vmem>> -> memref<64xf32, #tpu.memory_space<vmem>>
          tpu.enqueue_dma source(%dma_start3A_732 : memref<64xf32, #tpu.memory_space<vmem>>) target(%dma_start3A_731 : memref<64xf32, #tpu.memory_space<hbm>>) target_semaphore(%arg15 : memref<!tpu.dma_semaphore, #tpu.memory_space<semaphore_mem>>)
          %eq3A_733 = arith.constant 63 : i32
          %eq3A_734 = arith.cmpi eq, %rem3A_673, %eq3A_733 : i32
          %convert_element_type3A_735 = arith.extui %eq3A_734 : i1 to i32
          %cond3A_736 = arith.constant 0 : i32
          %cond3A_737 = arith.cmpi ne, %convert_element_type3A_735, %cond3A_736 : i32
          scf.if %cond3A_737 {
            %scan3A_738 = arith.constant 0 : i32
            %scan3A_739 = arith.constant 0 : i32
            %scan3A_740 = arith.constant 64 : i32
            %scan3A_741 = arith.addi %scan3A_739, %scan3A_740 : i32
            %scan3A_742 = arith.constant 1 : i32
            scf.for %scan3A_744 = %scan3A_739 to %scan3A_741 step %scan3A_742  : i32 {
              %dma_wait3A_745 = arith.constant 0 : i32
              %dma_wait3A_746 = tpu.memref_slice %arg11[%dma_wait3A_745] : memref<4096xf32, #tpu.memory_space<vmem>> -> memref<64xf32, #tpu.memory_space<vmem>>
              %dma_wait3A_747 = arith.constant 0 : i32
              %dma_wait3A_748 = tpu.memref_slice %arg5[%dma_wait3A_747] : memref<6815744xf32, #tpu.memory_space<hbm>> -> memref<64xf32, #tpu.memory_space<hbm>>
              %dma_wait3A_749 = arith.constant 0 : i32
              %dma_wait3A_750 = tpu.memref_slice %arg5[%dma_wait3A_749] : memref<6815744xf32, #tpu.memory_space<hbm>> -> memref<64xf32, #tpu.memory_space<hbm>>
              %dma_wait3A_751 = arith.constant 0 : i32
              %dma_wait3A_752 = tpu.memref_slice %arg11[%dma_wait3A_751] : memref<4096xf32, #tpu.memory_space<vmem>> -> memref<64xf32, #tpu.memory_space<vmem>>
              tpu.wait_dma2 semaphore(%arg15 : memref<!tpu.dma_semaphore, #tpu.memory_space<semaphore_mem>>) src(%dma_wait3A_752 : memref<64xf32, #tpu.memory_space<vmem>>) dst(%dma_wait3A_750 : memref<64xf32, #tpu.memory_space<hbm>>)
            }
            %scan3A_743 = arith.constant 64 : i32
          } else {
          }
        }
        %while3A_593 = arith.constant 1 : i32
        scf.for %while3A_668 = %while3A_591 to %while3A_587 step %while3A_593  : i32 {
          %get3A = arith.index_cast %while3A_668 : i32 to index
          %get3A_669 = tpu.vector_load %arg10[%get3A] {strides = array<i32>} : memref<4112xi32, #tpu.memory_space<vmem>>, vector<16xi32>,
          %slice3A = vector.extract_strided_slice %get3A_669 {offsets = [0], sizes = [1], strides = [1]} : vector<16xi32> to vector<1xi32>
          %squeeze3A = vector.extract %slice3A[0] : i32 from vector<1xi32>
          %and3A = arith.constant 131071 : i32
          %and3A_670 = arith.andi %squeeze3A, %and3A : i32
          %shift_right_logical3A = arith.constant 17 : i32
          %shift_right_logical3A_671 = arith.shrui %squeeze3A, %shift_right_logical3A : i32
          %rem3A_672 = arith.constant 64 : i32
          %rem3A_673 = arith.remsi %while3A_668, %rem3A_672 : i32
          %mul3A_674 = arith.constant 64 : i32
          %mul3A_675 = arith.muli %rem3A_673, %mul3A_674 : i32
          %broadcast_in_dim3A_676 = vector.broadcast %and3A_670 : i32 to vector<16xi32>
          %sub3A = vector.broadcast %min3A_431 : i32 to vector<16xi32>
          %sub3A_677 = arith.subi %broadcast_in_dim3A_676, %sub3A : vector<16xi32>
          %gather3A = arith.constant 0 : i32
          %gather3A_678 = arith.constant 0 : i32
          %gather3A_679 = arith.constant 0 : i32
          %gather3A_680 = tpu.memref_slice %arg7[%gather3A, %gather3A_678, %gather3A_679] : memref<3x64x512xf32, #tpu.memory_space<vmem>> -> memref<1x64x512xf32, #tpu.memory_space<vmem>>
          %gather3A_681 = tpu.memref_squeeze %gather3A_680 : memref<1x64x512xf32, #tpu.memory_space<vmem>> -> memref<64x512xf32, #tpu.memory_space<vmem>>
          %gather3A_682 = tpu.vector_load_idx %gather3A_681[%add3A_3, %sub3A_677] : memref<64x512xf32, #tpu.memory_space<vmem>>[vector<16xi32>, vector<16xi32>], vector<16xf32>,
          %add3A_683 = arith.constant 0 : i32
          %add3A_684 = arith.addi %mul3A_675, %add3A_683 : i32
          %swap3A_685 = arith.index_cast %add3A_684 : i32 to index
          %swap3A_686 = tpu.vector_load %arg11[%swap3A_685] {strides = array<i32>} : memref<4096xf32, #tpu.memory_space<vmem>>, vector<16xf32>,
          tpu.vector_store %arg11[%swap3A_685], %gather3A_682 {strides = array<i32>} : memref<4096xf32, #tpu.memory_space<vmem>>, vector<16xf32>,
          %broadcast_in_dim3A_687 = vector.broadcast %and3A_670 : i32 to vector<16xi32>
          %sub3A_688 = vector.broadcast %min3A_431 : i32 to vector<16xi32>
          %sub3A_689 = arith.subi %broadcast_in_dim3A_687, %sub3A_688 : vector<16xi32>
          %gather3A_690 = arith.constant 0 : i32
          %gather3A_691 = arith.constant 0 : i32
          %gather3A_692 = arith.constant 0 : i32
          %gather3A_693 = tpu.memref_slice %arg7[%gather3A_690, %gather3A_691, %gather3A_692] : memref<3x64x512xf32, #tpu.memory_space<vmem>> -> memref<1x64x512xf32, #tpu.memory_space<vmem>>
          %gather3A_694 = tpu.memref_squeeze %gather3A_693 : memref<1x64x512xf32, #tpu.memory_space<vmem>> -> memref<64x512xf32, #tpu.memory_space<vmem>>
          %gather3A_695 = tpu.vector_load_idx %gather3A_694[%add3A_6, %sub3A_689] : memref<64x512xf32, #tpu.memory_space<vmem>>[vector<16xi32>, vector<16xi32>], vector<16xf32>,
          %add3A_696 = arith.constant 16 : i32
          %add3A_697 = arith.addi %mul3A_675, %add3A_696 : i32
          %swap3A_698 = arith.index_cast %add3A_697 : i32 to index
          %swap3A_699 = tpu.vector_load %arg11[%swap3A_698] {strides = array<i32>} : memref<4096xf32, #tpu.memory_space<vmem>>, vector<16xf32>,
          tpu.vector_store %arg11[%swap3A_698], %gather3A_695 {strides = array<i32>} : memref<4096xf32, #tpu.memory_space<vmem>>, vector<16xf32>,
          %broadcast_in_dim3A_700 = vector.broadcast %and3A_670 : i32 to vector<16xi32>
          %sub3A_701 = vector.broadcast %min3A_431 : i32 to vector<16xi32>
          %sub3A_702 = arith.subi %broadcast_in_dim3A_700, %sub3A_701 : vector<16xi32>
          %gather3A_703 = arith.constant 0 : i32
          %gather3A_704 = arith.constant 0 : i32
          %gather3A_705 = arith.constant 0 : i32
          %gather3A_706 = tpu.memref_slice %arg7[%gather3A_703, %gather3A_704, %gather3A_705] : memref<3x64x512xf32, #tpu.memory_space<vmem>> -> memref<1x64x512xf32, #tpu.memory_space<vmem>>
          %gather3A_707 = tpu.memref_squeeze %gather3A_706 : memref<1x64x512xf32, #tpu.memory_space<vmem>> -> memref<64x512xf32, #tpu.memory_space<vmem>>
          %gather3A_708 = tpu.vector_load_idx %gather3A_707[%add3A_9, %sub3A_702] : memref<64x512xf32, #tpu.memory_space<vmem>>[vector<16xi32>, vector<16xi32>], vector<16xf32>,
          %add3A_709 = arith.constant 32 : i32
          %add3A_710 = arith.addi %mul3A_675, %add3A_709 : i32
          %swap3A_711 = arith.index_cast %add3A_710 : i32 to index
          %swap3A_712 = tpu.vector_load %arg11[%swap3A_711] {strides = array<i32>} : memref<4096xf32, #tpu.memory_space<vmem>>, vector<16xf32>,
          tpu.vector_store %arg11[%swap3A_711], %gather3A_708 {strides = array<i32>} : memref<4096xf32, #tpu.memory_space<vmem>>, vector<16xf32>,
          %broadcast_in_dim3A_713 = vector.broadcast %and3A_670 : i32 to vector<16xi32>
          %sub3A_714 = vector.broadcast %min3A_431 : i32 to vector<16xi32>
          %sub3A_715 = arith.subi %broadcast_in_dim3A_713, %sub3A_714 : vector<16xi32>
          %gather3A_716 = arith.constant 0 : i32
          %gather3A_717 = arith.constant 0 : i32
          %gather3A_718 = arith.constant 0 : i32
          %gather3A_719 = tpu.memref_slice %arg7[%gather3A_716, %gather3A_717, %gather3A_718] : memref<3x64x512xf32, #tpu.memory_space<vmem>> -> memref<1x64x512xf32, #tpu.memory_space<vmem>>
          %gather3A_720 = tpu.memref_squeeze %gather3A_719 : memref<1x64x512xf32, #tpu.memory_space<vmem>> -> memref<64x512xf32, #tpu.memory_space<vmem>>
          %gather3A_721 = tpu.vector_load_idx %gather3A_720[%add3A_12, %sub3A_715] : memref<64x512xf32, #tpu.memory_space<vmem>>[vector<16xi32>, vector<16xi32>], vector<16xf32>,
          %add3A_722 = arith.constant 48 : i32
          %add3A_723 = arith.addi %mul3A_675, %add3A_722 : i32
          %swap3A_724 = arith.index_cast %add3A_723 : i32 to index
          %swap3A_725 = tpu.vector_load %arg11[%swap3A_724] {strides = array<i32>} : memref<4096xf32, #tpu.memory_space<vmem>>, vector<16xf32>,
          tpu.vector_store %arg11[%swap3A_724], %gather3A_721 {strides = array<i32>} : memref<4096xf32, #tpu.memory_space<vmem>>, vector<16xf32>,
          %mul3A_726 = arith.constant 64 : i32
          %mul3A_727 = arith.muli %shift_right_logical3A_671, %mul3A_726 : i32
          %add3A_728 = arith.addi %mul3A_32, %mul3A_727 : i32
          %dma_start3A_729 = tpu.memref_slice %arg11[%mul3A_675] : memref<4096xf32, #tpu.memory_space<vmem>> -> memref<64xf32, #tpu.memory_space<vmem>>
          %dma_start3A_730 = tpu.memref_slice %arg5[%add3A_728] : memref<6815744xf32, #tpu.memory_space<hbm>> -> memref<64xf32, #tpu.memory_space<hbm>>
          %dma_start3A_731 = tpu.memref_slice %arg5[%add3A_728] : memref<6815744xf32, #tpu.memory_space<hbm>> -> memref<64xf32, #tpu.memory_space<hbm>>
          %dma_start3A_732 = tpu.memref_slice %arg11[%mul3A_675] : memref<4096xf32, #tpu.memory_space<vmem>> -> memref<64xf32, #tpu.memory_space<vmem>>
          tpu.enqueue_dma source(%dma_start3A_732 : memref<64xf32, #tpu.memory_space<vmem>>) target(%dma_start3A_731 : memref<64xf32, #tpu.memory_space<hbm>>) target_semaphore(%arg15 : memref<!tpu.dma_semaphore, #tpu.memory_space<semaphore_mem>>)
          %eq3A_733 = arith.constant 63 : i32
          %eq3A_734 = arith.cmpi eq, %rem3A_673, %eq3A_733 : i32
          %convert_element_type3A_735 = arith.extui %eq3A_734 : i1 to i32
          %cond3A_736 = arith.constant 0 : i32
          %cond3A_737 = arith.cmpi ne, %convert_element_type3A_735, %cond3A_736 : i32
          scf.if %cond3A_737 {
            %scan3A_738 = arith.constant 0 : i32
            %scan3A_739 = arith.constant 0 : i32
            %scan3A_740 = arith.constant 64 : i32
            %scan3A_741 = arith.addi %scan3A_739, %scan3A_740 : i32
            %scan3A_742 = arith.constant 1 : i32
            scf.for %scan3A_744 = %scan3A_739 to %scan3A_741 step %scan3A_742  : i32 {
              %dma_wait3A_745 = arith.constant 0 : i32
              %dma_wait3A_746 = tpu.memref_slice %arg11[%dma_wait3A_745] : memref<4096xf32, #tpu.memory_space<vmem>> -> memref<64xf32, #tpu.memory_space<vmem>>
              %dma_wait3A_747 = arith.constant 0 : i32
              %dma_wait3A_748 = tpu.memref_slice %arg5[%dma_wait3A_747] : memref<6815744xf32, #tpu.memory_space<hbm>> -> memref<64xf32, #tpu.memory_space<hbm>>
              %dma_wait3A_749 = arith.constant 0 : i32
              %dma_wait3A_750 = tpu.memref_slice %arg5[%dma_wait3A_749] : memref<6815744xf32, #tpu.memory_space<hbm>> -> memref<64xf32, #tpu.memory_space<hbm>>
              %dma_wait3A_751 = arith.constant 0 : i32
              %dma_wait3A_752 = tpu.memref_slice %arg11[%dma_wait3A_751] : memref<4096xf32, #tpu.memory_space<vmem>> -> memref<64xf32, #tpu.memory_space<vmem>>
              tpu.wait_dma2 semaphore(%arg15 : memref<!tpu.dma_semaphore, #tpu.memory_space<semaphore_mem>>) src(%dma_wait3A_752 : memref<64xf32, #tpu.memory_space<vmem>>) dst(%dma_wait3A_750 : memref<64xf32, #tpu.memory_space<hbm>>)
            }
            %scan3A_743 = arith.constant 64 : i32
          } else {
          }
        }
        %rem3A_594 = arith.constant 64 : i32
        %rem3A_595 = arith.remsi %while3A_568, %rem3A_594 : i32
        %while3A_596 = arith.constant 0 : i32
        %while3A_597 = arith.constant 0 : i32
        %while3A_598 = arith.subi %rem3A_595, %while3A_597 : i32
        %while3A_599 = arith.addi %while3A_597, %while3A_598 : i32
        %while3A_600 = arith.constant 1 : i32
        %while3A_601 = arith.divsi %while3A_598, %while3A_600 : i32
        %while3A_602 = arith.muli %while3A_601, %while3A_600 : i32
        %while3A_603 = arith.addi %while3A_597, %while3A_602 : i32
        %while3A_604 = arith.constant 1 : i32
        scf.for %while3A_668 = %while3A_597 to %while3A_603 step %while3A_604  : i32 {
          %dma_wait3A_669 = arith.constant 0 : i32
          %dma_wait3A_670 = tpu.memref_slice %arg11[%dma_wait3A_669] : memref<4096xf32, #tpu.memory_space<vmem>> -> memref<64xf32, #tpu.memory_space<vmem>>
          %dma_wait3A_671 = arith.constant 0 : i32
          %dma_wait3A_672 = tpu.memref_slice %arg5[%dma_wait3A_671] : memref<6815744xf32, #tpu.memory_space<hbm>> -> memref<64xf32, #tpu.memory_space<hbm>>
          %dma_wait3A_673 = arith.constant 0 : i32
          %dma_wait3A_674 = tpu.memref_slice %arg5[%dma_wait3A_673] : memref<6815744xf32, #tpu.memory_space<hbm>> -> memref<64xf32, #tpu.memory_space<hbm>>
          %dma_wait3A_675 = arith.constant 0 : i32
          %dma_wait3A_676 = tpu.memref_slice %arg11[%dma_wait3A_675] : memref<4096xf32, #tpu.memory_space<vmem>> -> memref<64xf32, #tpu.memory_space<vmem>>
          tpu.wait_dma2 semaphore(%arg15 : memref<!tpu.dma_semaphore, #tpu.memory_space<semaphore_mem>>) src(%dma_wait3A_676 : memref<64xf32, #tpu.memory_space<vmem>>) dst(%dma_wait3A_674 : memref<64xf32, #tpu.memory_space<hbm>>)
        }
        %while3A_605 = arith.constant 1 : i32
        scf.for %while3A_668 = %while3A_603 to %while3A_599 step %while3A_605  : i32 {
          %dma_wait3A_669 = arith.constant 0 : i32
          %dma_wait3A_670 = tpu.memref_slice %arg11[%dma_wait3A_669] : memref<4096xf32, #tpu.memory_space<vmem>> -> memref<64xf32, #tpu.memory_space<vmem>>
          %dma_wait3A_671 = arith.constant 0 : i32
          %dma_wait3A_672 = tpu.memref_slice %arg5[%dma_wait3A_671] : memref<6815744xf32, #tpu.memory_space<hbm>> -> memref<64xf32, #tpu.memory_space<hbm>>
          %dma_wait3A_673 = arith.constant 0 : i32
          %dma_wait3A_674 = tpu.memref_slice %arg5[%dma_wait3A_673] : memref<6815744xf32, #tpu.memory_space<hbm>> -> memref<64xf32, #tpu.memory_space<hbm>>
          %dma_wait3A_675 = arith.constant 0 : i32
          %dma_wait3A_676 = tpu.memref_slice %arg11[%dma_wait3A_675] : memref<4096xf32, #tpu.memory_space<vmem>> -> memref<64xf32, #tpu.memory_space<vmem>>
          tpu.wait_dma2 semaphore(%arg15 : memref<!tpu.dma_semaphore, #tpu.memory_space<semaphore_mem>>) src(%dma_wait3A_676 : memref<64xf32, #tpu.memory_space<vmem>>) dst(%dma_wait3A_674 : memref<64xf32, #tpu.memory_space<hbm>>)
        }
        %add3A_606 = arith.constant 3584 : i32
        %add3A_607 = arith.addi %mul3A_30, %add3A_606 : i32
        %add3A_608 = arith.constant 512 : i32
        %add3A_609 = arith.addi %add3A_607, %add3A_608 : i32
        %min3A_610 = arith.constant 99968 : i32
        %min3A_611 = arith.minsi %add3A_609, %min3A_610 : i32
        %add3A_612 = arith.constant 15 : i32
        %add3A_613 = arith.addi %scan3A_77, %add3A_612 : i32
        %div3A_614 = arith.constant 16 : i32
        %div3A_615 = arith.divsi %add3A_613, %div3A_614 : i32
        %while3A_616 = arith.constant 0 : i32
        %while3A_617 = arith.constant 0 : i32
        %while3A_618 = arith.subi %div3A_615, %while3A_616 : i32
        %while3A_619 = arith.addi %while3A_616, %while3A_618 : i32
        %while3A_620 = arith.constant 1 : i32
        %while3A_621 = arith.divsi %while3A_618, %while3A_620 : i32
        %while3A_622 = arith.muli %while3A_621, %while3A_620 : i32
        %while3A_623 = arith.addi %while3A_616, %while3A_622 : i32
        %while3A_624 = arith.constant 1 : i32
        %while3A_625 = scf.for %while3A_668 = %while3A_616 to %while3A_623 step %while3A_624 iter_args(%while3A_669 = %while3A_617) -> (i32)  : i32 {
          %mul3A_670 = arith.constant 16 : i32
          %mul3A_671 = arith.muli %while3A_668, %mul3A_670 : i32
          %get3A = arith.index_cast %mul3A_671 : i32 to index
          %get3A_672 = tpu.vector_load %arg9[%get3A] {strides = array<i32>} : memref<4112xi32, #tpu.memory_space<vmem>>, vector<16xi32>,
          %and3A = arith.constant 131071 : i32
          %and3A_673 = vector.broadcast %and3A : i32 to vector<16xi32>
          %and3A_674 = arith.andi %get3A_672, %and3A_673 : vector<16xi32>
          %ge3A = vector.broadcast %add3A_607 : i32 to vector<16xi32>
          %ge3A_675 = arith.cmpi sge, %and3A_674, %ge3A : vector<16xi32>
          %lt3A_676 = vector.broadcast %min3A_611 : i32 to vector<16xi32>
          %lt3A_677 = arith.cmpi slt, %and3A_674, %lt3A_676 : vector<16xi32>
          %and3A_678 = arith.andi %ge3A_675, %lt3A_677 : vector<16xi1>
          %all_reduce_population_count3A = tpu.all_reduce %and3A_678 {dim = 0 : i64, kind = #tpu.reduction_kind<sum>} : vector<16xi1> -> vector<16xi32>
          %swap3A_679 = arith.index_cast %while3A_669 : i32 to index
          %swap3A_680 = tpu.vector_load %arg10[%swap3A_679] masked %and3A_678 {strides = array<i32>} : memref<4112xi32, #tpu.memory_space<vmem>>, vector<16xi32>, vector<16xi1>
          tpu.vector_store %arg10[%swap3A_679], %get3A_672 masked %and3A_678 {strides = array<i32>} : memref<4112xi32, #tpu.memory_space<vmem>>, vector<16xi32>, vector<16xi1>
          %slice3A = vector.extract_strided_slice %all_reduce_population_count3A {offsets = [0], sizes = [1], strides = [1]} : vector<16xi32> to vector<1xi32>
          %squeeze3A = vector.extract %slice3A[0] : i32 from vector<1xi32>
          %add3A_681 = arith.addi %while3A_669, %squeeze3A : i32
          scf.yield %add3A_681 : i32
        }
        %while3A_626 = arith.constant 1 : i32
        %while3A_627 = scf.for %while3A_668 = %while3A_623 to %while3A_619 step %while3A_626 iter_args(%while3A_669 = %while3A_625) -> (i32)  : i32 {
          %mul3A_670 = arith.constant 16 : i32
          %mul3A_671 = arith.muli %while3A_668, %mul3A_670 : i32
          %get3A = arith.index_cast %mul3A_671 : i32 to index
          %get3A_672 = tpu.vector_load %arg9[%get3A] {strides = array<i32>} : memref<4112xi32, #tpu.memory_space<vmem>>, vector<16xi32>,
          %and3A = arith.constant 131071 : i32
          %and3A_673 = vector.broadcast %and3A : i32 to vector<16xi32>
          %and3A_674 = arith.andi %get3A_672, %and3A_673 : vector<16xi32>
          %ge3A = vector.broadcast %add3A_607 : i32 to vector<16xi32>
          %ge3A_675 = arith.cmpi sge, %and3A_674, %ge3A : vector<16xi32>
          %lt3A_676 = vector.broadcast %min3A_611 : i32 to vector<16xi32>
          %lt3A_677 = arith.cmpi slt, %and3A_674, %lt3A_676 : vector<16xi32>
          %and3A_678 = arith.andi %ge3A_675, %lt3A_677 : vector<16xi1>
          %all_reduce_population_count3A = tpu.all_reduce %and3A_678 {dim = 0 : i64, kind = #tpu.reduction_kind<sum>} : vector<16xi1> -> vector<16xi32>
          %swap3A_679 = arith.index_cast %while3A_669 : i32 to index
          %swap3A_680 = tpu.vector_load %arg10[%swap3A_679] masked %and3A_678 {strides = array<i32>} : memref<4112xi32, #tpu.memory_space<vmem>>, vector<16xi32>, vector<16xi1>
          tpu.vector_store %arg10[%swap3A_679], %get3A_672 masked %and3A_678 {strides = array<i32>} : memref<4112xi32, #tpu.memory_space<vmem>>, vector<16xi32>, vector<16xi1>
          %slice3A = vector.extract_strided_slice %all_reduce_population_count3A {offsets = [0], sizes = [1], strides = [1]} : vector<16xi32> to vector<1xi32>
          %squeeze3A = vector.extract %slice3A[0] : i32 from vector<1xi32>
          %add3A_681 = arith.addi %while3A_669, %squeeze3A : i32
          scf.yield %add3A_681 : i32
        }
        %dma_wait3A_628 = arith.constant 1 : i32
        %dma_wait3A_629 = arith.constant 0 : i32
        %dma_wait3A_630 = arith.constant 0 : i32
        %dma_wait3A_631 = tpu.memref_slice %arg7[%dma_wait3A_628, %dma_wait3A_629, %dma_wait3A_630] : memref<3x64x512xf32, #tpu.memory_space<vmem>> -> memref<1x64x512xf32, #tpu.memory_space<vmem>>
        %dma_wait3A_632 = tpu.memref_squeeze %dma_wait3A_631 : memref<1x64x512xf32, #tpu.memory_space<vmem>> -> memref<64x512xf32, #tpu.memory_space<vmem>>
        %dma_wait3A_633 = arith.constant 0 : i32
        %dma_wait3A_634 = tpu.memref_slice %arg3[%div3A_27, %dma_wait3A_633, %min3A_509] : memref<26x64x100000xf32, #tpu.memory_space<hbm>> -> memref<1x64x512xf32, #tpu.memory_space<hbm>>
        %dma_wait3A_635 = tpu.memref_squeeze %dma_wait3A_634 : memref<1x64x512xf32, #tpu.memory_space<hbm>> -> memref<64x512xf32, #tpu.memory_space<hbm>>
        %dma_wait3A_636 = arith.constant 0 : i32
        %dma_wait3A_637 = arith.constant 0 : i32
        %dma_wait3A_638 = tpu.memref_slice %arg7[%dma_wait3A_628, %dma_wait3A_636, %dma_wait3A_637] : memref<3x64x512xf32, #tpu.memory_space<vmem>> -> memref<1x64x512xf32, #tpu.memory_space<vmem>>
        %dma_wait3A_639 = tpu.memref_squeeze %dma_wait3A_638 : memref<1x64x512xf32, #tpu.memory_space<vmem>> -> memref<64x512xf32, #tpu.memory_space<vmem>>
        %dma_wait3A_640 = arith.constant 0 : i32
        %dma_wait3A_641 = tpu.memref_slice %arg3[%div3A_27, %dma_wait3A_640, %min3A_509] : memref<26x64x100000xf32, #tpu.memory_space<hbm>> -> memref<1x64x512xf32, #tpu.memory_space<hbm>>
        %dma_wait3A_642 = tpu.memref_squeeze %dma_wait3A_641 : memref<1x64x512xf32, #tpu.memory_space<hbm>> -> memref<64x512xf32, #tpu.memory_space<hbm>>
        tpu.wait_dma2 semaphore(%arg13 : memref<!tpu.dma_semaphore, #tpu.memory_space<semaphore_mem>>) src(%dma_wait3A_642 : memref<64x512xf32, #tpu.memory_space<hbm>>) dst(%dma_wait3A_639 : memref<64x512xf32, #tpu.memory_space<vmem>>)
        %while3A_643 = arith.constant 0 : i32
        %while3A_644 = arith.constant 0 : i32
        %while3A_645 = arith.subi %while3A_627, %while3A_644 : i32
        %while3A_646 = arith.addi %while3A_644, %while3A_645 : i32
        %while3A_647 = arith.constant 1 : i32
        %while3A_648 = arith.divsi %while3A_645, %while3A_647 : i32
        %while3A_649 = arith.muli %while3A_648, %while3A_647 : i32
        %while3A_650 = arith.addi %while3A_644, %while3A_649 : i32
        %while3A_651 = arith.constant 1 : i32
        scf.for %while3A_668 = %while3A_644 to %while3A_650 step %while3A_651  : i32 {
          %get3A = arith.index_cast %while3A_668 : i32 to index
          %get3A_669 = tpu.vector_load %arg10[%get3A] {strides = array<i32>} : memref<4112xi32, #tpu.memory_space<vmem>>, vector<16xi32>,
          %slice3A = vector.extract_strided_slice %get3A_669 {offsets = [0], sizes = [1], strides = [1]} : vector<16xi32> to vector<1xi32>
          %squeeze3A = vector.extract %slice3A[0] : i32 from vector<1xi32>
          %and3A = arith.constant 131071 : i32
          %and3A_670 = arith.andi %squeeze3A, %and3A : i32
          %shift_right_logical3A = arith.constant 17 : i32
          %shift_right_logical3A_671 = arith.shrui %squeeze3A, %shift_right_logical3A : i32
          %rem3A_672 = arith.constant 64 : i32
          %rem3A_673 = arith.remsi %while3A_668, %rem3A_672 : i32
          %mul3A_674 = arith.constant 64 : i32
          %mul3A_675 = arith.muli %rem3A_673, %mul3A_674 : i32
          %broadcast_in_dim3A_676 = vector.broadcast %and3A_670 : i32 to vector<16xi32>
          %sub3A = vector.broadcast %min3A_509 : i32 to vector<16xi32>
          %sub3A_677 = arith.subi %broadcast_in_dim3A_676, %sub3A : vector<16xi32>
          %gather3A = arith.constant 1 : i32
          %gather3A_678 = arith.constant 0 : i32
          %gather3A_679 = arith.constant 0 : i32
          %gather3A_680 = tpu.memref_slice %arg7[%gather3A, %gather3A_678, %gather3A_679] : memref<3x64x512xf32, #tpu.memory_space<vmem>> -> memref<1x64x512xf32, #tpu.memory_space<vmem>>
          %gather3A_681 = tpu.memref_squeeze %gather3A_680 : memref<1x64x512xf32, #tpu.memory_space<vmem>> -> memref<64x512xf32, #tpu.memory_space<vmem>>
          %gather3A_682 = tpu.vector_load_idx %gather3A_681[%add3A_3, %sub3A_677] : memref<64x512xf32, #tpu.memory_space<vmem>>[vector<16xi32>, vector<16xi32>], vector<16xf32>,
          %add3A_683 = arith.constant 0 : i32
          %add3A_684 = arith.addi %mul3A_675, %add3A_683 : i32
          %swap3A_685 = arith.index_cast %add3A_684 : i32 to index
          %swap3A_686 = tpu.vector_load %arg11[%swap3A_685] {strides = array<i32>} : memref<4096xf32, #tpu.memory_space<vmem>>, vector<16xf32>,
          tpu.vector_store %arg11[%swap3A_685], %gather3A_682 {strides = array<i32>} : memref<4096xf32, #tpu.memory_space<vmem>>, vector<16xf32>,
          %broadcast_in_dim3A_687 = vector.broadcast %and3A_670 : i32 to vector<16xi32>
          %sub3A_688 = vector.broadcast %min3A_509 : i32 to vector<16xi32>
          %sub3A_689 = arith.subi %broadcast_in_dim3A_687, %sub3A_688 : vector<16xi32>
          %gather3A_690 = arith.constant 1 : i32
          %gather3A_691 = arith.constant 0 : i32
          %gather3A_692 = arith.constant 0 : i32
          %gather3A_693 = tpu.memref_slice %arg7[%gather3A_690, %gather3A_691, %gather3A_692] : memref<3x64x512xf32, #tpu.memory_space<vmem>> -> memref<1x64x512xf32, #tpu.memory_space<vmem>>
          %gather3A_694 = tpu.memref_squeeze %gather3A_693 : memref<1x64x512xf32, #tpu.memory_space<vmem>> -> memref<64x512xf32, #tpu.memory_space<vmem>>
          %gather3A_695 = tpu.vector_load_idx %gather3A_694[%add3A_6, %sub3A_689] : memref<64x512xf32, #tpu.memory_space<vmem>>[vector<16xi32>, vector<16xi32>], vector<16xf32>,
          %add3A_696 = arith.constant 16 : i32
          %add3A_697 = arith.addi %mul3A_675, %add3A_696 : i32
          %swap3A_698 = arith.index_cast %add3A_697 : i32 to index
          %swap3A_699 = tpu.vector_load %arg11[%swap3A_698] {strides = array<i32>} : memref<4096xf32, #tpu.memory_space<vmem>>, vector<16xf32>,
          tpu.vector_store %arg11[%swap3A_698], %gather3A_695 {strides = array<i32>} : memref<4096xf32, #tpu.memory_space<vmem>>, vector<16xf32>,
          %broadcast_in_dim3A_700 = vector.broadcast %and3A_670 : i32 to vector<16xi32>
          %sub3A_701 = vector.broadcast %min3A_509 : i32 to vector<16xi32>
          %sub3A_702 = arith.subi %broadcast_in_dim3A_700, %sub3A_701 : vector<16xi32>
          %gather3A_703 = arith.constant 1 : i32
          %gather3A_704 = arith.constant 0 : i32
          %gather3A_705 = arith.constant 0 : i32
          %gather3A_706 = tpu.memref_slice %arg7[%gather3A_703, %gather3A_704, %gather3A_705] : memref<3x64x512xf32, #tpu.memory_space<vmem>> -> memref<1x64x512xf32, #tpu.memory_space<vmem>>
          %gather3A_707 = tpu.memref_squeeze %gather3A_706 : memref<1x64x512xf32, #tpu.memory_space<vmem>> -> memref<64x512xf32, #tpu.memory_space<vmem>>
          %gather3A_708 = tpu.vector_load_idx %gather3A_707[%add3A_9, %sub3A_702] : memref<64x512xf32, #tpu.memory_space<vmem>>[vector<16xi32>, vector<16xi32>], vector<16xf32>,
          %add3A_709 = arith.constant 32 : i32
          %add3A_710 = arith.addi %mul3A_675, %add3A_709 : i32
          %swap3A_711 = arith.index_cast %add3A_710 : i32 to index
          %swap3A_712 = tpu.vector_load %arg11[%swap3A_711] {strides = array<i32>} : memref<4096xf32, #tpu.memory_space<vmem>>, vector<16xf32>,
          tpu.vector_store %arg11[%swap3A_711], %gather3A_708 {strides = array<i32>} : memref<4096xf32, #tpu.memory_space<vmem>>, vector<16xf32>,
          %broadcast_in_dim3A_713 = vector.broadcast %and3A_670 : i32 to vector<16xi32>
          %sub3A_714 = vector.broadcast %min3A_509 : i32 to vector<16xi32>
          %sub3A_715 = arith.subi %broadcast_in_dim3A_713, %sub3A_714 : vector<16xi32>
          %gather3A_716 = arith.constant 1 : i32
          %gather3A_717 = arith.constant 0 : i32
          %gather3A_718 = arith.constant 0 : i32
          %gather3A_719 = tpu.memref_slice %arg7[%gather3A_716, %gather3A_717, %gather3A_718] : memref<3x64x512xf32, #tpu.memory_space<vmem>> -> memref<1x64x512xf32, #tpu.memory_space<vmem>>
          %gather3A_720 = tpu.memref_squeeze %gather3A_719 : memref<1x64x512xf32, #tpu.memory_space<vmem>> -> memref<64x512xf32, #tpu.memory_space<vmem>>
          %gather3A_721 = tpu.vector_load_idx %gather3A_720[%add3A_12, %sub3A_715] : memref<64x512xf32, #tpu.memory_space<vmem>>[vector<16xi32>, vector<16xi32>], vector<16xf32>,
          %add3A_722 = arith.constant 48 : i32
          %add3A_723 = arith.addi %mul3A_675, %add3A_722 : i32
          %swap3A_724 = arith.index_cast %add3A_723 : i32 to index
          %swap3A_725 = tpu.vector_load %arg11[%swap3A_724] {strides = array<i32>} : memref<4096xf32, #tpu.memory_space<vmem>>, vector<16xf32>,
          tpu.vector_store %arg11[%swap3A_724], %gather3A_721 {strides = array<i32>} : memref<4096xf32, #tpu.memory_space<vmem>>, vector<16xf32>,
          %mul3A_726 = arith.constant 64 : i32
          %mul3A_727 = arith.muli %shift_right_logical3A_671, %mul3A_726 : i32
          %add3A_728 = arith.addi %mul3A_32, %mul3A_727 : i32
          %dma_start3A_729 = tpu.memref_slice %arg11[%mul3A_675] : memref<4096xf32, #tpu.memory_space<vmem>> -> memref<64xf32, #tpu.memory_space<vmem>>
          %dma_start3A_730 = tpu.memref_slice %arg5[%add3A_728] : memref<6815744xf32, #tpu.memory_space<hbm>> -> memref<64xf32, #tpu.memory_space<hbm>>
          %dma_start3A_731 = tpu.memref_slice %arg5[%add3A_728] : memref<6815744xf32, #tpu.memory_space<hbm>> -> memref<64xf32, #tpu.memory_space<hbm>>
          %dma_start3A_732 = tpu.memref_slice %arg11[%mul3A_675] : memref<4096xf32, #tpu.memory_space<vmem>> -> memref<64xf32, #tpu.memory_space<vmem>>
          tpu.enqueue_dma source(%dma_start3A_732 : memref<64xf32, #tpu.memory_space<vmem>>) target(%dma_start3A_731 : memref<64xf32, #tpu.memory_space<hbm>>) target_semaphore(%arg15 : memref<!tpu.dma_semaphore, #tpu.memory_space<semaphore_mem>>)
          %eq3A_733 = arith.constant 63 : i32
          %eq3A_734 = arith.cmpi eq, %rem3A_673, %eq3A_733 : i32
          %convert_element_type3A_735 = arith.extui %eq3A_734 : i1 to i32
          %cond3A_736 = arith.constant 0 : i32
          %cond3A_737 = arith.cmpi ne, %convert_element_type3A_735, %cond3A_736 : i32
          scf.if %cond3A_737 {
            %scan3A_738 = arith.constant 0 : i32
            %scan3A_739 = arith.constant 0 : i32
            %scan3A_740 = arith.constant 64 : i32
            %scan3A_741 = arith.addi %scan3A_739, %scan3A_740 : i32
            %scan3A_742 = arith.constant 1 : i32
            scf.for %scan3A_744 = %scan3A_739 to %scan3A_741 step %scan3A_742  : i32 {
              %dma_wait3A_745 = arith.constant 0 : i32
              %dma_wait3A_746 = tpu.memref_slice %arg11[%dma_wait3A_745] : memref<4096xf32, #tpu.memory_space<vmem>> -> memref<64xf32, #tpu.memory_space<vmem>>
              %dma_wait3A_747 = arith.constant 0 : i32
              %dma_wait3A_748 = tpu.memref_slice %arg5[%dma_wait3A_747] : memref<6815744xf32, #tpu.memory_space<hbm>> -> memref<64xf32, #tpu.memory_space<hbm>>
              %dma_wait3A_749 = arith.constant 0 : i32
              %dma_wait3A_750 = tpu.memref_slice %arg5[%dma_wait3A_749] : memref<6815744xf32, #tpu.memory_space<hbm>> -> memref<64xf32, #tpu.memory_space<hbm>>
              %dma_wait3A_751 = arith.constant 0 : i32
              %dma_wait3A_752 = tpu.memref_slice %arg11[%dma_wait3A_751] : memref<4096xf32, #tpu.memory_space<vmem>> -> memref<64xf32, #tpu.memory_space<vmem>>
              tpu.wait_dma2 semaphore(%arg15 : memref<!tpu.dma_semaphore, #tpu.memory_space<semaphore_mem>>) src(%dma_wait3A_752 : memref<64xf32, #tpu.memory_space<vmem>>) dst(%dma_wait3A_750 : memref<64xf32, #tpu.memory_space<hbm>>)
            }
            %scan3A_743 = arith.constant 64 : i32
          } else {
          }
        }
        %while3A_652 = arith.constant 1 : i32
        scf.for %while3A_668 = %while3A_650 to %while3A_646 step %while3A_652  : i32 {
          %get3A = arith.index_cast %while3A_668 : i32 to index
          %get3A_669 = tpu.vector_load %arg10[%get3A] {strides = array<i32>} : memref<4112xi32, #tpu.memory_space<vmem>>, vector<16xi32>,
          %slice3A = vector.extract_strided_slice %get3A_669 {offsets = [0], sizes = [1], strides = [1]} : vector<16xi32> to vector<1xi32>
          %squeeze3A = vector.extract %slice3A[0] : i32 from vector<1xi32>
          %and3A = arith.constant 131071 : i32
          %and3A_670 = arith.andi %squeeze3A, %and3A : i32
          %shift_right_logical3A = arith.constant 17 : i32
          %shift_right_logical3A_671 = arith.shrui %squeeze3A, %shift_right_logical3A : i32
          %rem3A_672 = arith.constant 64 : i32
          %rem3A_673 = arith.remsi %while3A_668, %rem3A_672 : i32
          %mul3A_674 = arith.constant 64 : i32
          %mul3A_675 = arith.muli %rem3A_673, %mul3A_674 : i32
          %broadcast_in_dim3A_676 = vector.broadcast %and3A_670 : i32 to vector<16xi32>
          %sub3A = vector.broadcast %min3A_509 : i32 to vector<16xi32>
          %sub3A_677 = arith.subi %broadcast_in_dim3A_676, %sub3A : vector<16xi32>
          %gather3A = arith.constant 1 : i32
          %gather3A_678 = arith.constant 0 : i32
          %gather3A_679 = arith.constant 0 : i32
          %gather3A_680 = tpu.memref_slice %arg7[%gather3A, %gather3A_678, %gather3A_679] : memref<3x64x512xf32, #tpu.memory_space<vmem>> -> memref<1x64x512xf32, #tpu.memory_space<vmem>>
          %gather3A_681 = tpu.memref_squeeze %gather3A_680 : memref<1x64x512xf32, #tpu.memory_space<vmem>> -> memref<64x512xf32, #tpu.memory_space<vmem>>
          %gather3A_682 = tpu.vector_load_idx %gather3A_681[%add3A_3, %sub3A_677] : memref<64x512xf32, #tpu.memory_space<vmem>>[vector<16xi32>, vector<16xi32>], vector<16xf32>,
          %add3A_683 = arith.constant 0 : i32
          %add3A_684 = arith.addi %mul3A_675, %add3A_683 : i32
          %swap3A_685 = arith.index_cast %add3A_684 : i32 to index
          %swap3A_686 = tpu.vector_load %arg11[%swap3A_685] {strides = array<i32>} : memref<4096xf32, #tpu.memory_space<vmem>>, vector<16xf32>,
          tpu.vector_store %arg11[%swap3A_685], %gather3A_682 {strides = array<i32>} : memref<4096xf32, #tpu.memory_space<vmem>>, vector<16xf32>,
          %broadcast_in_dim3A_687 = vector.broadcast %and3A_670 : i32 to vector<16xi32>
          %sub3A_688 = vector.broadcast %min3A_509 : i32 to vector<16xi32>
          %sub3A_689 = arith.subi %broadcast_in_dim3A_687, %sub3A_688 : vector<16xi32>
          %gather3A_690 = arith.constant 1 : i32
          %gather3A_691 = arith.constant 0 : i32
          %gather3A_692 = arith.constant 0 : i32
          %gather3A_693 = tpu.memref_slice %arg7[%gather3A_690, %gather3A_691, %gather3A_692] : memref<3x64x512xf32, #tpu.memory_space<vmem>> -> memref<1x64x512xf32, #tpu.memory_space<vmem>>
          %gather3A_694 = tpu.memref_squeeze %gather3A_693 : memref<1x64x512xf32, #tpu.memory_space<vmem>> -> memref<64x512xf32, #tpu.memory_space<vmem>>
          %gather3A_695 = tpu.vector_load_idx %gather3A_694[%add3A_6, %sub3A_689] : memref<64x512xf32, #tpu.memory_space<vmem>>[vector<16xi32>, vector<16xi32>], vector<16xf32>,
          %add3A_696 = arith.constant 16 : i32
          %add3A_697 = arith.addi %mul3A_675, %add3A_696 : i32
          %swap3A_698 = arith.index_cast %add3A_697 : i32 to index
          %swap3A_699 = tpu.vector_load %arg11[%swap3A_698] {strides = array<i32>} : memref<4096xf32, #tpu.memory_space<vmem>>, vector<16xf32>,
          tpu.vector_store %arg11[%swap3A_698], %gather3A_695 {strides = array<i32>} : memref<4096xf32, #tpu.memory_space<vmem>>, vector<16xf32>,
          %broadcast_in_dim3A_700 = vector.broadcast %and3A_670 : i32 to vector<16xi32>
          %sub3A_701 = vector.broadcast %min3A_509 : i32 to vector<16xi32>
          %sub3A_702 = arith.subi %broadcast_in_dim3A_700, %sub3A_701 : vector<16xi32>
          %gather3A_703 = arith.constant 1 : i32
          %gather3A_704 = arith.constant 0 : i32
          %gather3A_705 = arith.constant 0 : i32
          %gather3A_706 = tpu.memref_slice %arg7[%gather3A_703, %gather3A_704, %gather3A_705] : memref<3x64x512xf32, #tpu.memory_space<vmem>> -> memref<1x64x512xf32, #tpu.memory_space<vmem>>
          %gather3A_707 = tpu.memref_squeeze %gather3A_706 : memref<1x64x512xf32, #tpu.memory_space<vmem>> -> memref<64x512xf32, #tpu.memory_space<vmem>>
          %gather3A_708 = tpu.vector_load_idx %gather3A_707[%add3A_9, %sub3A_702] : memref<64x512xf32, #tpu.memory_space<vmem>>[vector<16xi32>, vector<16xi32>], vector<16xf32>,
          %add3A_709 = arith.constant 32 : i32
          %add3A_710 = arith.addi %mul3A_675, %add3A_709 : i32
          %swap3A_711 = arith.index_cast %add3A_710 : i32 to index
          %swap3A_712 = tpu.vector_load %arg11[%swap3A_711] {strides = array<i32>} : memref<4096xf32, #tpu.memory_space<vmem>>, vector<16xf32>,
          tpu.vector_store %arg11[%swap3A_711], %gather3A_708 {strides = array<i32>} : memref<4096xf32, #tpu.memory_space<vmem>>, vector<16xf32>,
          %broadcast_in_dim3A_713 = vector.broadcast %and3A_670 : i32 to vector<16xi32>
          %sub3A_714 = vector.broadcast %min3A_509 : i32 to vector<16xi32>
          %sub3A_715 = arith.subi %broadcast_in_dim3A_713, %sub3A_714 : vector<16xi32>
          %gather3A_716 = arith.constant 1 : i32
          %gather3A_717 = arith.constant 0 : i32
          %gather3A_718 = arith.constant 0 : i32
          %gather3A_719 = tpu.memref_slice %arg7[%gather3A_716, %gather3A_717, %gather3A_718] : memref<3x64x512xf32, #tpu.memory_space<vmem>> -> memref<1x64x512xf32, #tpu.memory_space<vmem>>
          %gather3A_720 = tpu.memref_squeeze %gather3A_719 : memref<1x64x512xf32, #tpu.memory_space<vmem>> -> memref<64x512xf32, #tpu.memory_space<vmem>>
          %gather3A_721 = tpu.vector_load_idx %gather3A_720[%add3A_12, %sub3A_715] : memref<64x512xf32, #tpu.memory_space<vmem>>[vector<16xi32>, vector<16xi32>], vector<16xf32>,
          %add3A_722 = arith.constant 48 : i32
          %add3A_723 = arith.addi %mul3A_675, %add3A_722 : i32
          %swap3A_724 = arith.index_cast %add3A_723 : i32 to index
          %swap3A_725 = tpu.vector_load %arg11[%swap3A_724] {strides = array<i32>} : memref<4096xf32, #tpu.memory_space<vmem>>, vector<16xf32>,
          tpu.vector_store %arg11[%swap3A_724], %gather3A_721 {strides = array<i32>} : memref<4096xf32, #tpu.memory_space<vmem>>, vector<16xf32>,
          %mul3A_726 = arith.constant 64 : i32
          %mul3A_727 = arith.muli %shift_right_logical3A_671, %mul3A_726 : i32
          %add3A_728 = arith.addi %mul3A_32, %mul3A_727 : i32
          %dma_start3A_729 = tpu.memref_slice %arg11[%mul3A_675] : memref<4096xf32, #tpu.memory_space<vmem>> -> memref<64xf32, #tpu.memory_space<vmem>>
          %dma_start3A_730 = tpu.memref_slice %arg5[%add3A_728] : memref<6815744xf32, #tpu.memory_space<hbm>> -> memref<64xf32, #tpu.memory_space<hbm>>
          %dma_start3A_731 = tpu.memref_slice %arg5[%add3A_728] : memref<6815744xf32, #tpu.memory_space<hbm>> -> memref<64xf32, #tpu.memory_space<hbm>>
          %dma_start3A_732 = tpu.memref_slice %arg11[%mul3A_675] : memref<4096xf32, #tpu.memory_space<vmem>> -> memref<64xf32, #tpu.memory_space<vmem>>
          tpu.enqueue_dma source(%dma_start3A_732 : memref<64xf32, #tpu.memory_space<vmem>>) target(%dma_start3A_731 : memref<64xf32, #tpu.memory_space<hbm>>) target_semaphore(%arg15 : memref<!tpu.dma_semaphore, #tpu.memory_space<semaphore_mem>>)
          %eq3A_733 = arith.constant 63 : i32
          %eq3A_734 = arith.cmpi eq, %rem3A_673, %eq3A_733 : i32
          %convert_element_type3A_735 = arith.extui %eq3A_734 : i1 to i32
          %cond3A_736 = arith.constant 0 : i32
          %cond3A_737 = arith.cmpi ne, %convert_element_type3A_735, %cond3A_736 : i32
          scf.if %cond3A_737 {
            %scan3A_738 = arith.constant 0 : i32
            %scan3A_739 = arith.constant 0 : i32
            %scan3A_740 = arith.constant 64 : i32
            %scan3A_741 = arith.addi %scan3A_739, %scan3A_740 : i32
            %scan3A_742 = arith.constant 1 : i32
            scf.for %scan3A_744 = %scan3A_739 to %scan3A_741 step %scan3A_742  : i32 {
              %dma_wait3A_745 = arith.constant 0 : i32
              %dma_wait3A_746 = tpu.memref_slice %arg11[%dma_wait3A_745] : memref<4096xf32, #tpu.memory_space<vmem>> -> memref<64xf32, #tpu.memory_space<vmem>>
              %dma_wait3A_747 = arith.constant 0 : i32
              %dma_wait3A_748 = tpu.memref_slice %arg5[%dma_wait3A_747] : memref<6815744xf32, #tpu.memory_space<hbm>> -> memref<64xf32, #tpu.memory_space<hbm>>
              %dma_wait3A_749 = arith.constant 0 : i32
              %dma_wait3A_750 = tpu.memref_slice %arg5[%dma_wait3A_749] : memref<6815744xf32, #tpu.memory_space<hbm>> -> memref<64xf32, #tpu.memory_space<hbm>>
              %dma_wait3A_751 = arith.constant 0 : i32
              %dma_wait3A_752 = tpu.memref_slice %arg11[%dma_wait3A_751] : memref<4096xf32, #tpu.memory_space<vmem>> -> memref<64xf32, #tpu.memory_space<vmem>>
              tpu.wait_dma2 semaphore(%arg15 : memref<!tpu.dma_semaphore, #tpu.memory_space<semaphore_mem>>) src(%dma_wait3A_752 : memref<64xf32, #tpu.memory_space<vmem>>) dst(%dma_wait3A_750 : memref<64xf32, #tpu.memory_space<hbm>>)
            }
            %scan3A_743 = arith.constant 64 : i32
          } else {
          }
        }
        %rem3A_653 = arith.constant 64 : i32
        %rem3A_654 = arith.remsi %while3A_627, %rem3A_653 : i32
        %while3A_655 = arith.constant 0 : i32
        %while3A_656 = arith.constant 0 : i32
        %while3A_657 = arith.subi %rem3A_654, %while3A_656 : i32
        %while3A_658 = arith.addi %while3A_656, %while3A_657 : i32
        %while3A_659 = arith.constant 1 : i32
        %while3A_660 = arith.divsi %while3A_657, %while3A_659 : i32
        %while3A_661 = arith.muli %while3A_660, %while3A_659 : i32
        %while3A_662 = arith.addi %while3A_656, %while3A_661 : i32
        %while3A_663 = arith.constant 1 : i32
        scf.for %while3A_668 = %while3A_656 to %while3A_662 step %while3A_663  : i32 {
          %dma_wait3A_669 = arith.constant 0 : i32
          %dma_wait3A_670 = tpu.memref_slice %arg11[%dma_wait3A_669] : memref<4096xf32, #tpu.memory_space<vmem>> -> memref<64xf32, #tpu.memory_space<vmem>>
          %dma_wait3A_671 = arith.constant 0 : i32
          %dma_wait3A_672 = tpu.memref_slice %arg5[%dma_wait3A_671] : memref<6815744xf32, #tpu.memory_space<hbm>> -> memref<64xf32, #tpu.memory_space<hbm>>
          %dma_wait3A_673 = arith.constant 0 : i32
          %dma_wait3A_674 = tpu.memref_slice %arg5[%dma_wait3A_673] : memref<6815744xf32, #tpu.memory_space<hbm>> -> memref<64xf32, #tpu.memory_space<hbm>>
          %dma_wait3A_675 = arith.constant 0 : i32
          %dma_wait3A_676 = tpu.memref_slice %arg11[%dma_wait3A_675] : memref<4096xf32, #tpu.memory_space<vmem>> -> memref<64xf32, #tpu.memory_space<vmem>>
          tpu.wait_dma2 semaphore(%arg15 : memref<!tpu.dma_semaphore, #tpu.memory_space<semaphore_mem>>) src(%dma_wait3A_676 : memref<64xf32, #tpu.memory_space<vmem>>) dst(%dma_wait3A_674 : memref<64xf32, #tpu.memory_space<hbm>>)
        }
        %while3A_664 = arith.constant 1 : i32
        scf.for %while3A_668 = %while3A_662 to %while3A_658 step %while3A_664  : i32 {
          %dma_wait3A_669 = arith.constant 0 : i32
          %dma_wait3A_670 = tpu.memref_slice %arg11[%dma_wait3A_669] : memref<4096xf32, #tpu.memory_space<vmem>> -> memref<64xf32, #tpu.memory_space<vmem>>
          %dma_wait3A_671 = arith.constant 0 : i32
          %dma_wait3A_672 = tpu.memref_slice %arg5[%dma_wait3A_671] : memref<6815744xf32, #tpu.memory_space<hbm>> -> memref<64xf32, #tpu.memory_space<hbm>>
          %dma_wait3A_673 = arith.constant 0 : i32
          %dma_wait3A_674 = tpu.memref_slice %arg5[%dma_wait3A_673] : memref<6815744xf32, #tpu.memory_space<hbm>> -> memref<64xf32, #tpu.memory_space<hbm>>
          %dma_wait3A_675 = arith.constant 0 : i32
          %dma_wait3A_676 = tpu.memref_slice %arg11[%dma_wait3A_675] : memref<4096xf32, #tpu.memory_space<vmem>> -> memref<64xf32, #tpu.memory_space<vmem>>
          tpu.wait_dma2 semaphore(%arg15 : memref<!tpu.dma_semaphore, #tpu.memory_space<semaphore_mem>>) src(%dma_wait3A_676 : memref<64xf32, #tpu.memory_space<vmem>>) dst(%dma_wait3A_674 : memref<64xf32, #tpu.memory_space<hbm>>)
        }
        %convert_element_type3A_665 = arith.extui %eq3A_33 : i1 to i32
        %cond3A_666 = arith.constant 0 : i32
        %cond3A_667 = arith.cmpi ne, %convert_element_type3A_665, %cond3A_666 : i32
        scf.if %cond3A_667 {
          %mul3A_668 = arith.constant 2048 : i32
          %mul3A_669 = arith.muli %div3A_27, %mul3A_668 : i32
          "tpu.region"() ({
            %run_scoped3A = tpu.sem_alloc : memref<!tpu.dma_semaphore, #tpu.memory_space<semaphore_mem>>
            %dma_start3A_708 = tpu.memref_slice %arg4[%mul3A_669] : memref<53248xf32, #tpu.memory_space<hbm>> -> memref<2048xf32, #tpu.memory_space<hbm>>
            %dma_start3A_709 = tpu.memref_slice %arg4[%mul3A_669] : memref<53248xf32, #tpu.memory_space<hbm>> -> memref<2048xf32, #tpu.memory_space<hbm>>
            tpu.enqueue_dma source(%dma_start3A_709 : memref<2048xf32, #tpu.memory_space<hbm>>) target(%arg8 : memref<2048xf32, #tpu.memory_space<vmem>>) target_semaphore(%run_scoped3A : memref<!tpu.dma_semaphore, #tpu.memory_space<semaphore_mem>>)
            %dma_wait3A_710 = tpu.memref_slice %arg4[%mul3A_669] : memref<53248xf32, #tpu.memory_space<hbm>> -> memref<2048xf32, #tpu.memory_space<hbm>>
            %dma_wait3A_711 = tpu.memref_slice %arg4[%mul3A_669] : memref<53248xf32, #tpu.memory_space<hbm>> -> memref<2048xf32, #tpu.memory_space<hbm>>
            tpu.wait_dma2 semaphore(%run_scoped3A : memref<!tpu.dma_semaphore, #tpu.memory_space<semaphore_mem>>) src(%dma_wait3A_711 : memref<2048xf32, #tpu.memory_space<hbm>>) dst(%arg8 : memref<2048xf32, #tpu.memory_space<vmem>>)
            tpu.yield
          }) : () -> ()
          %add3A_670 = arith.constant 15 : i32
          %add3A_671 = arith.addi %scan3A_77, %add3A_670 : i32
          %div3A_672 = arith.constant 16 : i32
          %div3A_673 = arith.divsi %add3A_671, %div3A_672 : i32
          %while3A_674 = arith.constant 0 : i32
          %while3A_675 = arith.constant 0 : i32
          %while3A_676 = arith.subi %div3A_673, %while3A_674 : i32
          %while3A_677 = arith.addi %while3A_674, %while3A_676 : i32
          %while3A_678 = arith.constant 1 : i32
          %while3A_679 = arith.divsi %while3A_676, %while3A_678 : i32
          %while3A_680 = arith.muli %while3A_679, %while3A_678 : i32
          %while3A_681 = arith.addi %while3A_674, %while3A_680 : i32
          %while3A_682 = arith.constant 1 : i32
          %while3A_683 = scf.for %while3A_708 = %while3A_674 to %while3A_681 step %while3A_682 iter_args(%while3A_709 = %while3A_675) -> (i32)  : i32 {
            %mul3A_710 = arith.constant 16 : i32
            %mul3A_711 = arith.muli %while3A_708, %mul3A_710 : i32
            %get3A = arith.index_cast %mul3A_711 : i32 to index
            %get3A_712 = tpu.vector_load %arg9[%get3A] {strides = array<i32>} : memref<4112xi32, #tpu.memory_space<vmem>>, vector<16xi32>,
            %and3A = arith.constant 131071 : i32
            %and3A_713 = vector.broadcast %and3A : i32 to vector<16xi32>
            %and3A_714 = arith.andi %get3A_712, %and3A_713 : vector<16xi32>
            %ge3A = arith.constant 99968 : i32
            %ge3A_715 = vector.broadcast %ge3A : i32 to vector<16xi32>
            %ge3A_716 = arith.cmpi sge, %and3A_714, %ge3A_715 : vector<16xi32>
            %lt3A_717 = arith.constant 100000 : i32
            %lt3A_718 = vector.broadcast %lt3A_717 : i32 to vector<16xi32>
            %lt3A_719 = arith.cmpi slt, %and3A_714, %lt3A_718 : vector<16xi32>
            %and3A_720 = arith.andi %ge3A_716, %lt3A_719 : vector<16xi1>
            %all_reduce_population_count3A = tpu.all_reduce %and3A_720 {dim = 0 : i64, kind = #tpu.reduction_kind<sum>} : vector<16xi1> -> vector<16xi32>
            %swap3A_721 = arith.index_cast %while3A_709 : i32 to index
            %swap3A_722 = tpu.vector_load %arg10[%swap3A_721] masked %and3A_720 {strides = array<i32>} : memref<4112xi32, #tpu.memory_space<vmem>>, vector<16xi32>, vector<16xi1>
            tpu.vector_store %arg10[%swap3A_721], %get3A_712 masked %and3A_720 {strides = array<i32>} : memref<4112xi32, #tpu.memory_space<vmem>>, vector<16xi32>, vector<16xi1>
            %slice3A = vector.extract_strided_slice %all_reduce_population_count3A {offsets = [0], sizes = [1], strides = [1]} : vector<16xi32> to vector<1xi32>
            %squeeze3A = vector.extract %slice3A[0] : i32 from vector<1xi32>
            %add3A_723 = arith.addi %while3A_709, %squeeze3A : i32
            scf.yield %add3A_723 : i32
          }
          %while3A_684 = arith.constant 1 : i32
          %while3A_685 = scf.for %while3A_708 = %while3A_681 to %while3A_677 step %while3A_684 iter_args(%while3A_709 = %while3A_683) -> (i32)  : i32 {
            %mul3A_710 = arith.constant 16 : i32
            %mul3A_711 = arith.muli %while3A_708, %mul3A_710 : i32
            %get3A = arith.index_cast %mul3A_711 : i32 to index
            %get3A_712 = tpu.vector_load %arg9[%get3A] {strides = array<i32>} : memref<4112xi32, #tpu.memory_space<vmem>>, vector<16xi32>,
            %and3A = arith.constant 131071 : i32
            %and3A_713 = vector.broadcast %and3A : i32 to vector<16xi32>
            %and3A_714 = arith.andi %get3A_712, %and3A_713 : vector<16xi32>
            %ge3A = arith.constant 99968 : i32
            %ge3A_715 = vector.broadcast %ge3A : i32 to vector<16xi32>
            %ge3A_716 = arith.cmpi sge, %and3A_714, %ge3A_715 : vector<16xi32>
            %lt3A_717 = arith.constant 100000 : i32
            %lt3A_718 = vector.broadcast %lt3A_717 : i32 to vector<16xi32>
            %lt3A_719 = arith.cmpi slt, %and3A_714, %lt3A_718 : vector<16xi32>
            %and3A_720 = arith.andi %ge3A_716, %lt3A_719 : vector<16xi1>
            %all_reduce_population_count3A = tpu.all_reduce %and3A_720 {dim = 0 : i64, kind = #tpu.reduction_kind<sum>} : vector<16xi1> -> vector<16xi32>
            %swap3A_721 = arith.index_cast %while3A_709 : i32 to index
            %swap3A_722 = tpu.vector_load %arg10[%swap3A_721] masked %and3A_720 {strides = array<i32>} : memref<4112xi32, #tpu.memory_space<vmem>>, vector<16xi32>, vector<16xi1>
            tpu.vector_store %arg10[%swap3A_721], %get3A_712 masked %and3A_720 {strides = array<i32>} : memref<4112xi32, #tpu.memory_space<vmem>>, vector<16xi32>, vector<16xi1>
            %slice3A = vector.extract_strided_slice %all_reduce_population_count3A {offsets = [0], sizes = [1], strides = [1]} : vector<16xi32> to vector<1xi32>
            %squeeze3A = vector.extract %slice3A[0] : i32 from vector<1xi32>
            %add3A_723 = arith.addi %while3A_709, %squeeze3A : i32
            scf.yield %add3A_723 : i32
          }
          %while3A_686 = arith.constant 0 : i32
          %while3A_687 = arith.constant 0 : i32
          %while3A_688 = arith.subi %while3A_685, %while3A_687 : i32
          %while3A_689 = arith.addi %while3A_687, %while3A_688 : i32
          %while3A_690 = arith.constant 1 : i32
          %while3A_691 = arith.divsi %while3A_688, %while3A_690 : i32
          %while3A_692 = arith.muli %while3A_691, %while3A_690 : i32
          %while3A_693 = arith.addi %while3A_687, %while3A_692 : i32
          %while3A_694 = arith.constant 1 : i32
          scf.for %while3A_708 = %while3A_687 to %while3A_693 step %while3A_694  : i32 {
            %get3A = arith.index_cast %while3A_708 : i32 to index
            %get3A_709 = tpu.vector_load %arg10[%get3A] {strides = array<i32>} : memref<4112xi32, #tpu.memory_space<vmem>>, vector<16xi32>,
            %slice3A = vector.extract_strided_slice %get3A_709 {offsets = [0], sizes = [1], strides = [1]} : vector<16xi32> to vector<1xi32>
            %squeeze3A = vector.extract %slice3A[0] : i32 from vector<1xi32>
            %and3A = arith.constant 131071 : i32
            %and3A_710 = arith.andi %squeeze3A, %and3A : i32
            %shift_right_logical3A = arith.constant 17 : i32
            %shift_right_logical3A_711 = arith.shrui %squeeze3A, %shift_right_logical3A : i32
            %rem3A_712 = arith.constant 64 : i32
            %rem3A_713 = arith.remsi %while3A_708, %rem3A_712 : i32
            %mul3A_714 = arith.constant 64 : i32
            %mul3A_715 = arith.muli %rem3A_713, %mul3A_714 : i32
            %sub3A = arith.constant 99968 : i32
            %sub3A_716 = arith.subi %and3A_710, %sub3A : i32
            %mul3A_717 = arith.constant 64 : i32
            %mul3A_718 = arith.muli %sub3A_716, %mul3A_717 : i32
            %add3A_719 = vector.broadcast %mul3A_718 : i32 to vector<16xi32>
            %add3A_720 = arith.addi %add3A_719, %add3A_3 : vector<16xi32>
            %gather3A = tpu.vector_load_idx %arg8[%add3A_720] : memref<2048xf32, #tpu.memory_space<vmem>>[vector<16xi32>], vector<16xf32>,
            %add3A_721 = arith.constant 0 : i32
            %add3A_722 = arith.addi %mul3A_715, %add3A_721 : i32
            %swap3A_723 = arith.index_cast %add3A_722 : i32 to index
            %swap3A_724 = tpu.vector_load %arg11[%swap3A_723] {strides = array<i32>} : memref<4096xf32, #tpu.memory_space<vmem>>, vector<16xf32>,
            tpu.vector_store %arg11[%swap3A_723], %gather3A {strides = array<i32>} : memref<4096xf32, #tpu.memory_space<vmem>>, vector<16xf32>,
            %sub3A_725 = arith.constant 99968 : i32
            %sub3A_726 = arith.subi %and3A_710, %sub3A_725 : i32
            %mul3A_727 = arith.constant 64 : i32
            %mul3A_728 = arith.muli %sub3A_726, %mul3A_727 : i32
            %add3A_729 = vector.broadcast %mul3A_728 : i32 to vector<16xi32>
            %add3A_730 = arith.addi %add3A_729, %add3A_6 : vector<16xi32>
            %gather3A_731 = tpu.vector_load_idx %arg8[%add3A_730] : memref<2048xf32, #tpu.memory_space<vmem>>[vector<16xi32>], vector<16xf32>,
            %add3A_732 = arith.constant 16 : i32
            %add3A_733 = arith.addi %mul3A_715, %add3A_732 : i32
            %swap3A_734 = arith.index_cast %add3A_733 : i32 to index
            %swap3A_735 = tpu.vector_load %arg11[%swap3A_734] {strides = array<i32>} : memref<4096xf32, #tpu.memory_space<vmem>>, vector<16xf32>,
            tpu.vector_store %arg11[%swap3A_734], %gather3A_731 {strides = array<i32>} : memref<4096xf32, #tpu.memory_space<vmem>>, vector<16xf32>,
            %sub3A_736 = arith.constant 99968 : i32
            %sub3A_737 = arith.subi %and3A_710, %sub3A_736 : i32
            %mul3A_738 = arith.constant 64 : i32
            %mul3A_739 = arith.muli %sub3A_737, %mul3A_738 : i32
            %add3A_740 = vector.broadcast %mul3A_739 : i32 to vector<16xi32>
            %add3A_741 = arith.addi %add3A_740, %add3A_9 : vector<16xi32>
            %gather3A_742 = tpu.vector_load_idx %arg8[%add3A_741] : memref<2048xf32, #tpu.memory_space<vmem>>[vector<16xi32>], vector<16xf32>,
            %add3A_743 = arith.constant 32 : i32
            %add3A_744 = arith.addi %mul3A_715, %add3A_743 : i32
            %swap3A_745 = arith.index_cast %add3A_744 : i32 to index
            %swap3A_746 = tpu.vector_load %arg11[%swap3A_745] {strides = array<i32>} : memref<4096xf32, #tpu.memory_space<vmem>>, vector<16xf32>,
            tpu.vector_store %arg11[%swap3A_745], %gather3A_742 {strides = array<i32>} : memref<4096xf32, #tpu.memory_space<vmem>>, vector<16xf32>,
            %sub3A_747 = arith.constant 99968 : i32
            %sub3A_748 = arith.subi %and3A_710, %sub3A_747 : i32
            %mul3A_749 = arith.constant 64 : i32
            %mul3A_750 = arith.muli %sub3A_748, %mul3A_749 : i32
            %add3A_751 = vector.broadcast %mul3A_750 : i32 to vector<16xi32>
            %add3A_752 = arith.addi %add3A_751, %add3A_12 : vector<16xi32>
            %gather3A_753 = tpu.vector_load_idx %arg8[%add3A_752] : memref<2048xf32, #tpu.memory_space<vmem>>[vector<16xi32>], vector<16xf32>,
            %add3A_754 = arith.constant 48 : i32
            %add3A_755 = arith.addi %mul3A_715, %add3A_754 : i32
            %swap3A_756 = arith.index_cast %add3A_755 : i32 to index
            %swap3A_757 = tpu.vector_load %arg11[%swap3A_756] {strides = array<i32>} : memref<4096xf32, #tpu.memory_space<vmem>>, vector<16xf32>,
            tpu.vector_store %arg11[%swap3A_756], %gather3A_753 {strides = array<i32>} : memref<4096xf32, #tpu.memory_space<vmem>>, vector<16xf32>,
            %mul3A_758 = arith.constant 64 : i32
            %mul3A_759 = arith.muli %shift_right_logical3A_711, %mul3A_758 : i32
            %add3A_760 = arith.addi %mul3A_32, %mul3A_759 : i32
            %dma_start3A_761 = tpu.memref_slice %arg11[%mul3A_715] : memref<4096xf32, #tpu.memory_space<vmem>> -> memref<64xf32, #tpu.memory_space<vmem>>
            %dma_start3A_762 = tpu.memref_slice %arg5[%add3A_760] : memref<6815744xf32, #tpu.memory_space<hbm>> -> memref<64xf32, #tpu.memory_space<hbm>>
            %dma_start3A_763 = tpu.memref_slice %arg5[%add3A_760] : memref<6815744xf32, #tpu.memory_space<hbm>> -> memref<64xf32, #tpu.memory_space<hbm>>
            %dma_start3A_764 = tpu.memref_slice %arg11[%mul3A_715] : memref<4096xf32, #tpu.memory_space<vmem>> -> memref<64xf32, #tpu.memory_space<vmem>>
            tpu.enqueue_dma source(%dma_start3A_764 : memref<64xf32, #tpu.memory_space<vmem>>) target(%dma_start3A_763 : memref<64xf32, #tpu.memory_space<hbm>>) target_semaphore(%arg15 : memref<!tpu.dma_semaphore, #tpu.memory_space<semaphore_mem>>)
            %eq3A_765 = arith.constant 63 : i32
            %eq3A_766 = arith.cmpi eq, %rem3A_713, %eq3A_765 : i32
            %convert_element_type3A_767 = arith.extui %eq3A_766 : i1 to i32
            %cond3A_768 = arith.constant 0 : i32
            %cond3A_769 = arith.cmpi ne, %convert_element_type3A_767, %cond3A_768 : i32
            scf.if %cond3A_769 {
              %scan3A_770 = arith.constant 0 : i32
              %scan3A_771 = arith.constant 0 : i32
              %scan3A_772 = arith.constant 64 : i32
              %scan3A_773 = arith.addi %scan3A_771, %scan3A_772 : i32
              %scan3A_774 = arith.constant 1 : i32
              scf.for %scan3A_776 = %scan3A_771 to %scan3A_773 step %scan3A_774  : i32 {
                %dma_wait3A_777 = arith.constant 0 : i32
                %dma_wait3A_778 = tpu.memref_slice %arg11[%dma_wait3A_777] : memref<4096xf32, #tpu.memory_space<vmem>> -> memref<64xf32, #tpu.memory_space<vmem>>
                %dma_wait3A_779 = arith.constant 0 : i32
                %dma_wait3A_780 = tpu.memref_slice %arg5[%dma_wait3A_779] : memref<6815744xf32, #tpu.memory_space<hbm>> -> memref<64xf32, #tpu.memory_space<hbm>>
                %dma_wait3A_781 = arith.constant 0 : i32
                %dma_wait3A_782 = tpu.memref_slice %arg5[%dma_wait3A_781] : memref<6815744xf32, #tpu.memory_space<hbm>> -> memref<64xf32, #tpu.memory_space<hbm>>
                %dma_wait3A_783 = arith.constant 0 : i32
                %dma_wait3A_784 = tpu.memref_slice %arg11[%dma_wait3A_783] : memref<4096xf32, #tpu.memory_space<vmem>> -> memref<64xf32, #tpu.memory_space<vmem>>
                tpu.wait_dma2 semaphore(%arg15 : memref<!tpu.dma_semaphore, #tpu.memory_space<semaphore_mem>>) src(%dma_wait3A_784 : memref<64xf32, #tpu.memory_space<vmem>>) dst(%dma_wait3A_782 : memref<64xf32, #tpu.memory_space<hbm>>)
              }
              %scan3A_775 = arith.constant 64 : i32
            } else {
            }
          }
          %while3A_695 = arith.constant 1 : i32
          scf.for %while3A_708 = %while3A_693 to %while3A_689 step %while3A_695  : i32 {
            %get3A = arith.index_cast %while3A_708 : i32 to index
            %get3A_709 = tpu.vector_load %arg10[%get3A] {strides = array<i32>} : memref<4112xi32, #tpu.memory_space<vmem>>, vector<16xi32>,
            %slice3A = vector.extract_strided_slice %get3A_709 {offsets = [0], sizes = [1], strides = [1]} : vector<16xi32> to vector<1xi32>
            %squeeze3A = vector.extract %slice3A[0] : i32 from vector<1xi32>
            %and3A = arith.constant 131071 : i32
            %and3A_710 = arith.andi %squeeze3A, %and3A : i32
            %shift_right_logical3A = arith.constant 17 : i32
            %shift_right_logical3A_711 = arith.shrui %squeeze3A, %shift_right_logical3A : i32
            %rem3A_712 = arith.constant 64 : i32
            %rem3A_713 = arith.remsi %while3A_708, %rem3A_712 : i32
            %mul3A_714 = arith.constant 64 : i32
            %mul3A_715 = arith.muli %rem3A_713, %mul3A_714 : i32
            %sub3A = arith.constant 99968 : i32
            %sub3A_716 = arith.subi %and3A_710, %sub3A : i32
            %mul3A_717 = arith.constant 64 : i32
            %mul3A_718 = arith.muli %sub3A_716, %mul3A_717 : i32
            %add3A_719 = vector.broadcast %mul3A_718 : i32 to vector<16xi32>
            %add3A_720 = arith.addi %add3A_719, %add3A_3 : vector<16xi32>
            %gather3A = tpu.vector_load_idx %arg8[%add3A_720] : memref<2048xf32, #tpu.memory_space<vmem>>[vector<16xi32>], vector<16xf32>,
            %add3A_721 = arith.constant 0 : i32
            %add3A_722 = arith.addi %mul3A_715, %add3A_721 : i32
            %swap3A_723 = arith.index_cast %add3A_722 : i32 to index
            %swap3A_724 = tpu.vector_load %arg11[%swap3A_723] {strides = array<i32>} : memref<4096xf32, #tpu.memory_space<vmem>>, vector<16xf32>,
            tpu.vector_store %arg11[%swap3A_723], %gather3A {strides = array<i32>} : memref<4096xf32, #tpu.memory_space<vmem>>, vector<16xf32>,
            %sub3A_725 = arith.constant 99968 : i32
            %sub3A_726 = arith.subi %and3A_710, %sub3A_725 : i32
            %mul3A_727 = arith.constant 64 : i32
            %mul3A_728 = arith.muli %sub3A_726, %mul3A_727 : i32
            %add3A_729 = vector.broadcast %mul3A_728 : i32 to vector<16xi32>
            %add3A_730 = arith.addi %add3A_729, %add3A_6 : vector<16xi32>
            %gather3A_731 = tpu.vector_load_idx %arg8[%add3A_730] : memref<2048xf32, #tpu.memory_space<vmem>>[vector<16xi32>], vector<16xf32>,
            %add3A_732 = arith.constant 16 : i32
            %add3A_733 = arith.addi %mul3A_715, %add3A_732 : i32
            %swap3A_734 = arith.index_cast %add3A_733 : i32 to index
            %swap3A_735 = tpu.vector_load %arg11[%swap3A_734] {strides = array<i32>} : memref<4096xf32, #tpu.memory_space<vmem>>, vector<16xf32>,
            tpu.vector_store %arg11[%swap3A_734], %gather3A_731 {strides = array<i32>} : memref<4096xf32, #tpu.memory_space<vmem>>, vector<16xf32>,
            %sub3A_736 = arith.constant 99968 : i32
            %sub3A_737 = arith.subi %and3A_710, %sub3A_736 : i32
            %mul3A_738 = arith.constant 64 : i32
            %mul3A_739 = arith.muli %sub3A_737, %mul3A_738 : i32
            %add3A_740 = vector.broadcast %mul3A_739 : i32 to vector<16xi32>
            %add3A_741 = arith.addi %add3A_740, %add3A_9 : vector<16xi32>
            %gather3A_742 = tpu.vector_load_idx %arg8[%add3A_741] : memref<2048xf32, #tpu.memory_space<vmem>>[vector<16xi32>], vector<16xf32>,
            %add3A_743 = arith.constant 32 : i32
            %add3A_744 = arith.addi %mul3A_715, %add3A_743 : i32
            %swap3A_745 = arith.index_cast %add3A_744 : i32 to index
            %swap3A_746 = tpu.vector_load %arg11[%swap3A_745] {strides = array<i32>} : memref<4096xf32, #tpu.memory_space<vmem>>, vector<16xf32>,
            tpu.vector_store %arg11[%swap3A_745], %gather3A_742 {strides = array<i32>} : memref<4096xf32, #tpu.memory_space<vmem>>, vector<16xf32>,
            %sub3A_747 = arith.constant 99968 : i32
            %sub3A_748 = arith.subi %and3A_710, %sub3A_747 : i32
            %mul3A_749 = arith.constant 64 : i32
            %mul3A_750 = arith.muli %sub3A_748, %mul3A_749 : i32
            %add3A_751 = vector.broadcast %mul3A_750 : i32 to vector<16xi32>
            %add3A_752 = arith.addi %add3A_751, %add3A_12 : vector<16xi32>
            %gather3A_753 = tpu.vector_load_idx %arg8[%add3A_752] : memref<2048xf32, #tpu.memory_space<vmem>>[vector<16xi32>], vector<16xf32>,
            %add3A_754 = arith.constant 48 : i32
            %add3A_755 = arith.addi %mul3A_715, %add3A_754 : i32
            %swap3A_756 = arith.index_cast %add3A_755 : i32 to index
            %swap3A_757 = tpu.vector_load %arg11[%swap3A_756] {strides = array<i32>} : memref<4096xf32, #tpu.memory_space<vmem>>, vector<16xf32>,
            tpu.vector_store %arg11[%swap3A_756], %gather3A_753 {strides = array<i32>} : memref<4096xf32, #tpu.memory_space<vmem>>, vector<16xf32>,
            %mul3A_758 = arith.constant 64 : i32
            %mul3A_759 = arith.muli %shift_right_logical3A_711, %mul3A_758 : i32
            %add3A_760 = arith.addi %mul3A_32, %mul3A_759 : i32
            %dma_start3A_761 = tpu.memref_slice %arg11[%mul3A_715] : memref<4096xf32, #tpu.memory_space<vmem>> -> memref<64xf32, #tpu.memory_space<vmem>>
            %dma_start3A_762 = tpu.memref_slice %arg5[%add3A_760] : memref<6815744xf32, #tpu.memory_space<hbm>> -> memref<64xf32, #tpu.memory_space<hbm>>
            %dma_start3A_763 = tpu.memref_slice %arg5[%add3A_760] : memref<6815744xf32, #tpu.memory_space<hbm>> -> memref<64xf32, #tpu.memory_space<hbm>>
            %dma_start3A_764 = tpu.memref_slice %arg11[%mul3A_715] : memref<4096xf32, #tpu.memory_space<vmem>> -> memref<64xf32, #tpu.memory_space<vmem>>
            tpu.enqueue_dma source(%dma_start3A_764 : memref<64xf32, #tpu.memory_space<vmem>>) target(%dma_start3A_763 : memref<64xf32, #tpu.memory_space<hbm>>) target_semaphore(%arg15 : memref<!tpu.dma_semaphore, #tpu.memory_space<semaphore_mem>>)
            %eq3A_765 = arith.constant 63 : i32
            %eq3A_766 = arith.cmpi eq, %rem3A_713, %eq3A_765 : i32
            %convert_element_type3A_767 = arith.extui %eq3A_766 : i1 to i32
            %cond3A_768 = arith.constant 0 : i32
            %cond3A_769 = arith.cmpi ne, %convert_element_type3A_767, %cond3A_768 : i32
            scf.if %cond3A_769 {
              %scan3A_770 = arith.constant 0 : i32
              %scan3A_771 = arith.constant 0 : i32
              %scan3A_772 = arith.constant 64 : i32
              %scan3A_773 = arith.addi %scan3A_771, %scan3A_772 : i32
              %scan3A_774 = arith.constant 1 : i32
              scf.for %scan3A_776 = %scan3A_771 to %scan3A_773 step %scan3A_774  : i32 {
                %dma_wait3A_777 = arith.constant 0 : i32
                %dma_wait3A_778 = tpu.memref_slice %arg11[%dma_wait3A_777] : memref<4096xf32, #tpu.memory_space<vmem>> -> memref<64xf32, #tpu.memory_space<vmem>>
                %dma_wait3A_779 = arith.constant 0 : i32
                %dma_wait3A_780 = tpu.memref_slice %arg5[%dma_wait3A_779] : memref<6815744xf32, #tpu.memory_space<hbm>> -> memref<64xf32, #tpu.memory_space<hbm>>
                %dma_wait3A_781 = arith.constant 0 : i32
                %dma_wait3A_782 = tpu.memref_slice %arg5[%dma_wait3A_781] : memref<6815744xf32, #tpu.memory_space<hbm>> -> memref<64xf32, #tpu.memory_space<hbm>>
                %dma_wait3A_783 = arith.constant 0 : i32
                %dma_wait3A_784 = tpu.memref_slice %arg11[%dma_wait3A_783] : memref<4096xf32, #tpu.memory_space<vmem>> -> memref<64xf32, #tpu.memory_space<vmem>>
                tpu.wait_dma2 semaphore(%arg15 : memref<!tpu.dma_semaphore, #tpu.memory_space<semaphore_mem>>) src(%dma_wait3A_784 : memref<64xf32, #tpu.memory_space<vmem>>) dst(%dma_wait3A_782 : memref<64xf32, #tpu.memory_space<hbm>>)
              }
              %scan3A_775 = arith.constant 64 : i32
            } else {
            }
          }
          %rem3A_696 = arith.constant 64 : i32
          %rem3A_697 = arith.remsi %while3A_685, %rem3A_696 : i32
          %while3A_698 = arith.constant 0 : i32
          %while3A_699 = arith.constant 0 : i32
          %while3A_700 = arith.subi %rem3A_697, %while3A_699 : i32
          %while3A_701 = arith.addi %while3A_699, %while3A_700 : i32
          %while3A_702 = arith.constant 1 : i32
          %while3A_703 = arith.divsi %while3A_700, %while3A_702 : i32
          %while3A_704 = arith.muli %while3A_703, %while3A_702 : i32
          %while3A_705 = arith.addi %while3A_699, %while3A_704 : i32
          %while3A_706 = arith.constant 1 : i32
          scf.for %while3A_708 = %while3A_699 to %while3A_705 step %while3A_706  : i32 {
            %dma_wait3A_709 = arith.constant 0 : i32
            %dma_wait3A_710 = tpu.memref_slice %arg11[%dma_wait3A_709] : memref<4096xf32, #tpu.memory_space<vmem>> -> memref<64xf32, #tpu.memory_space<vmem>>
            %dma_wait3A_711 = arith.constant 0 : i32
            %dma_wait3A_712 = tpu.memref_slice %arg5[%dma_wait3A_711] : memref<6815744xf32, #tpu.memory_space<hbm>> -> memref<64xf32, #tpu.memory_space<hbm>>
            %dma_wait3A_713 = arith.constant 0 : i32
            %dma_wait3A_714 = tpu.memref_slice %arg5[%dma_wait3A_713] : memref<6815744xf32, #tpu.memory_space<hbm>> -> memref<64xf32, #tpu.memory_space<hbm>>
            %dma_wait3A_715 = arith.constant 0 : i32
            %dma_wait3A_716 = tpu.memref_slice %arg11[%dma_wait3A_715] : memref<4096xf32, #tpu.memory_space<vmem>> -> memref<64xf32, #tpu.memory_space<vmem>>
            tpu.wait_dma2 semaphore(%arg15 : memref<!tpu.dma_semaphore, #tpu.memory_space<semaphore_mem>>) src(%dma_wait3A_716 : memref<64xf32, #tpu.memory_space<vmem>>) dst(%dma_wait3A_714 : memref<64xf32, #tpu.memory_space<hbm>>)
          }
          %while3A_707 = arith.constant 1 : i32
          scf.for %while3A_708 = %while3A_705 to %while3A_701 step %while3A_707  : i32 {
            %dma_wait3A_709 = arith.constant 0 : i32
            %dma_wait3A_710 = tpu.memref_slice %arg11[%dma_wait3A_709] : memref<4096xf32, #tpu.memory_space<vmem>> -> memref<64xf32, #tpu.memory_space<vmem>>
            %dma_wait3A_711 = arith.constant 0 : i32
            %dma_wait3A_712 = tpu.memref_slice %arg5[%dma_wait3A_711] : memref<6815744xf32, #tpu.memory_space<hbm>> -> memref<64xf32, #tpu.memory_space<hbm>>
            %dma_wait3A_713 = arith.constant 0 : i32
            %dma_wait3A_714 = tpu.memref_slice %arg5[%dma_wait3A_713] : memref<6815744xf32, #tpu.memory_space<hbm>> -> memref<64xf32, #tpu.memory_space<hbm>>
            %dma_wait3A_715 = arith.constant 0 : i32
            %dma_wait3A_716 = tpu.memref_slice %arg11[%dma_wait3A_715] : memref<4096xf32, #tpu.memory_space<vmem>> -> memref<64xf32, #tpu.memory_space<vmem>>
            tpu.wait_dma2 semaphore(%arg15 : memref<!tpu.dma_semaphore, #tpu.memory_space<semaphore_mem>>) src(%dma_wait3A_716 : memref<64xf32, #tpu.memory_space<vmem>>) dst(%dma_wait3A_714 : memref<64xf32, #tpu.memory_space<hbm>>)
          }
        } else {
        }
      } else {
      }
    }
    %scan3A_20 = arith.constant 21 : i32
    return
  }
}

</mosaic_0001>

<sc_bundles>
// kernel: kernel.3.cloned.1.call-start
scs
__scs_entry_jumppad:
0x0: {  	(pc) =	sbr.rel $0x88, $3  }
0x1: {  	(tag) =	ssettag $0x0;
	lr =	simm.s32 $0x1  }
0x2: {  	[smem:$0x3F9F] =	sst lr;
	_ =	strace $0xD0000000  }
0x3: {  	_ = 	snop  }
0x4: {  	_ = 	snop  }
0x5: {  	_ = 	snop  }
0x6: {  	_ = 	snop  }
0x7: {  	_ = 	snop  }
__scs_overlays_trampoline_lowered:
0x8: {  	[smem:$0x3FAE] =	sst s0  }
0x9: {  	[smem:$0x3FAF] =	sst s1  }
0xa: {  	[smem:$0x3FB0] =	sst s2  }
0xb: {  	[smem:$0x3FB1] =	sst s3  }
0xc: {  	[smem:$0x3FB2] =	sst s4  }
0xd: {  	[smem:$0x3FB3] =	sst s5  }
0xe: {  	[smem:$0x3FB4] =	sst s6  }
0xf: {  	[smem:$0x3FB5] =	sst s7  }
0x10: {  	[smem:$0x3FB6] =	sst s8  }
0x11: {  	[smem:$0x3FB7] =	sst s9;
	s0 =	simm.s32 @!p0 $0x0  }
0x12: {  	s1 =	sld [smem:$0x3F9D];
	s0 =	simm.s32 @p0 $0x1  }
0x13: {  	[smem:$0x3FB8] =	sst s0;
	s0 =	simm.s32 @!p1 $0x0  }
0x14: {  	s2 =	sld [smem:$0x3F9C];
	s0 =	simm.s32 @p1 $0x1  }
0x15: {  	[smem:$0x3FB9] =	sst s0;
	s0 =	simm.s32 @!p2 $0x0  }
0x16: {  	s3 =	sld [smem:$0x3FDB];
	s0 =	simm.s32 @p2 $0x1  }
0x17: {  	s4 =	simm.s32 $0x1BF5;
	[smem:$0x3FBB] =	sst s0  }
0x18: {  	s0 =	sld [smem:$0x3F9E];
	_ =	swait.ge [sflag:s4], $0x0  }
0x19: {  	s7 =	sld [smem:$0x3F9F]  }
0x1a: {  	s8 =	sadd.s32 $0xFFFFE003, lr  }
0x1b: {  	s9 =	sadd.s32 $0xFFFFFEF7, lr;
	s5 =	simm.s32 $0xFFFFFFFF;
	p2 =	slt.u32 s8, $0xFFFFF086  }
0x1c: {  	p1 =	slt.u32 s9, $0xF7A;
	s5 =	simm.s32 @!p2 $0x0  }
0x1d: {  	s5 =	simm.s32 @p1 $0x1;
	p0 =	seq.s32 s7, s2  }
0x1e: {  	s7 =	smul.u32 @!p0 $0xF7A, s2;
	p2 =	seq.s32 @!p0 s5, $0x0  }
0x1f: {  	s9 =	smul.u32 $0xF7A, s1;
	s8 =	simm.s32 @!p0 $0x1BF5;
	p2 =	por !p2, p0  }
0x20: {  	[sflag:s8] =	ssyncset.s32 @!p0 $0xFFFFF086;
	s6 =	sadd.s32 @!p0 s3, s7;
	s7 =	simm.s32 @!p0 $0x108  }
0x21: {  	s3 =	sadd.s32 s3, s9;
	s6 =	sadd.s32 @!p0 $0x88, s6;
	s7 =	simm.s32 @p2 $0x1082  }
0x22: {  	[simem:s7], [sflag:s8] =	dma.local @!p0 [hbm:s6], $0xF7A  }
0x23: {  	s9 =	sor.u32 $0xD0000000, s2;
	s6 =	simm.s32 $0x108;
	_ =	swait.ge @!p0 [sflag:s8], $0x0  }
0x24: {  	s3 =	sadd.s32 $0x88, s3;
	s6 =	simm.s32 @!p1 $0x1082;
	[sflag:s4] =	ssyncset.s32 $0xFFFFF086  }
0x25: {  	[simem:s6], [sflag:s4] =	dma.local [hbm:s3], $0xF7A  }
0x26: {  	[smem:$0x3F9F] =	sst s1;
	(tag) =	ssettag s2;
	_ =	strace s9  }
0x27: {  	s1 =	sld [smem:$0x3FAF]  }
0x28: {  	s2 =	sld [smem:$0x3FB0]  }
0x29: {  	s4 =	sld [smem:$0x3FB2]  }
0x2a: {  	p0 =	seq.s32 s5, $0x0;
	s5 =	sld [smem:$0x3FB3]  }
0x2b: {  	s6 =	sld [smem:$0x3FB4]  }
0x2c: {  	s7 =	sld [smem:$0x3FB5]  }
0x2d: {  	s3 =	simm.s32 $0x108;
	s8 =	sld [smem:$0x3FB6]  }
0x2e: {  	s3 =	simm.s32 @!p0 $0x1082;
	s9 =	sld [smem:$0x3FB7]  }
0x2f: {  	lr =	sadd.s32 s0, s3;
	s0 =	sld [smem:$0x3FAE]  }
0x30: {  	s3 =	sld [smem:$0x3FB1]  }
0x31: {  	[smem:$0x3FBA] =	sst s10  }
0x32: {  	s10 =	sld [smem:$0x3FB8];
	_ =	sdelay $0x3  }
0x33: {  	p0 =	seq.s32 s10, $0x1;
	s10 =	sld [smem:$0x3FBA];
	_ =	sdelay $0x3  }
0x34: {  	[smem:$0x3FBA] =	sst s10  }
0x35: {  	s10 =	sld [smem:$0x3FB9];
	_ =	sdelay $0x3  }
0x36: {  	p1 =	seq.s32 s10, $0x1;
	s10 =	sld [smem:$0x3FBA];
	_ =	sdelay $0x3  }
0x37: {  	[smem:$0x3FBA] =	sst s10  }
0x38: {  	s10 =	sld [smem:$0x3FBB]  }
0x39: {  	_ = 	snop;
	(pc) =	sbr.ind lr, $3  }
0x3a: {  	_ = 	snop  }
0x3b: {  	_ = 	snop  }
0x3c: {  	p2 =	seq.s32 s10, $0x1;
	s10 =	sld [smem:$0x3FBA]  }
0x3d: {  	_ =	shalt  }
0x3e: {  	_ =	shalt  }
0x3f: {  	_ =	shalt  }
0x40: {  	_ =	shalt  }
0x41: {  	_ =	shalt  }
0x42: {  	_ =	shalt  }
0x43: {  	_ =	shalt  }
0x44: {  	_ =	shalt  }
0x45: {  	_ =	shalt  }
0x46: {  	_ =	shalt  }
0x47: {  	_ =	shalt  }
0x48: {  	_ =	shalt  }
0x49: {  	_ =	shalt  }
0x4a: {  	_ =	shalt  }
0x4b: {  	_ =	shalt  }
0x4c: {  	_ =	shalt  }
0x4d: {  	_ =	shalt  }
0x4e: {  	_ =	shalt  }
0x4f: {  	_ =	shalt  }
0x50: {  	_ =	shalt  }
0x51: {  	_ =	shalt  }
0x52: {  	_ =	shalt  }
0x53: {  	_ =	shalt  }
0x54: {  	_ =	shalt  }
0x55: {  	_ =	shalt  }
0x56: {  	_ =	shalt  }
0x57: {  	_ =	shalt  }
0x58: {  	_ =	shalt  }
0x59: {  	_ =	shalt  }
0x5a: {  	_ =	shalt  }
0x5b: {  	_ =	shalt  }
0x5c: {  	_ =	shalt  }
0x5d: {  	_ =	shalt  }
0x5e: {  	_ =	shalt  }
0x5f: {  	_ =	shalt  }
0x60: {  	_ =	shalt  }
0x61: {  	_ =	shalt  }
0x62: {  	_ =	shalt  }
0x63: {  	_ =	shalt  }
0x64: {  	_ =	shalt  }
0x65: {  	_ =	shalt  }
0x66: {  	_ =	shalt  }
0x67: {  	_ =	shalt  }
0x68: {  	_ =	shalt  }
0x69: {  	_ =	shalt  }
0x6a: {  	_ =	shalt  }
0x6b: {  	_ =	shalt  }
0x6c: {  	_ =	shalt  }
0x6d: {  	_ =	shalt  }
0x6e: {  	_ =	shalt  }
0x6f: {  	_ =	shalt  }
0x70: {  	_ =	shalt  }
0x71: {  	_ =	shalt  }
0x72: {  	_ =	shalt  }
0x73: {  	_ =	shalt  }
0x74: {  	_ =	shalt  }
0x75: {  	_ =	shalt  }
0x76: {  	_ =	shalt  }
0x77: {  	_ =	shalt  }
0x78: {  	_ =	shalt  }
0x79: {  	_ =	shalt  }
0x7a: {  	_ =	shalt  }
0x7b: {  	_ =	shalt  }
0x7c: {  	_ =	shalt  }
0x7d: {  	_ =	shalt  }
0x7e: {  	_ =	shalt  }
0x7f: {  	_ =	shalt  }
0x80: {  	_ =	shalt  }
0x81: {  	_ =	shalt  }
0x82: {  	_ =	shalt  }
0x83: {  	_ =	shalt  }
0x84: {  	_ =	shalt  }
0x85: {  	_ =	shalt  }
0x86: {  	_ =	shalt  }
0x87: {  	_ =	shalt  }
.Lfunc_end0:
.L_simem_size_0:
called_computation_lowered:
.L_overlay_start_0:
0x88: {  	s2 =	sld [smem:$0x3FD9]  }
0x89: {  	s3 =	sld [smem:$0x3FFE];
	_ =	sdelay $0x1  }
0x8a: {  	s1 =	srdreg.scid  }
0x8b: {  	s0 =	sand.u32 $0x1, s1  }
0x8c: {  	s17 =	sshll.u32 s0, $0xA;
	s2 =	sadd.s32 s3, s2  }
0x8d: {  	s2 =	sadd.s32 s2, s17  }
0x8e: {  	[smem:$0x3FC6] =	sst s2  }
0x8f: {  	_ = 	snop  }
0x90: {  	s2 =	sld [smem:$0x3FC8]  }
0x91: {  	s18 =	sld [smem:$0x3FD0];
	(tm) =	ssettm $0x1  }
0x92: {  	s4 =	sld [smem:$0x3FFB];
	_ =	sdelay $0x3  }
0x93: {  	_ =	strace s4  }
0x94: {  	s4 =	sld [smem:$0x3FFC];
	_ =	sdelay $0x3  }
0x95: {  	_ =	strace s4  }
0x96: {  	s4 =	sld [smem:$0x3FFD];
	_ =	sdelay $0x3  }
0x97: {  	_ =	strace s4  }
0x98: {  	_ =	strace $0x8FFFFFFF  }
0x99: {  	s19 =	sld [smem:$0x3FDB];
	_ =	sdelay $0x1  }
0x9a: {  	s5 =	simm.s32 $_scs_section_size  }
0x9b: {  	s6 =	simm.s32 $_size__tile_overlayer_lowered;
	s7 =	simm.s32 $_tile_overlayer_lowered  }
0x9c: {  	s22 =	simm.s32 $0x1BFF;
	s21 =	sshll.u32 s7, $0x1;
	s4 =	sadd.s32 s5, s19  }
0x9d: {  	s8 =	simm.s32 $0x0;
	s20 =	sshll.u32 s6, $0x1;
	s6 =	sadd.s32 s21, s4  }
0x9e: {  	[timem:s8], [sflag:s22] =	dma.local [hbm:s6], s20  }
0x9f: {  	_ =	swait.ge [sflag:s22], s20  }
0xa0: {  	s5 =	ssub.s32 $0x0, s20;
	[sflag:s22] =	ssyncset.done $0x0  }
0xa1: {  	[sflag:s22] =	ssyncadd.s32 s5;
	_ =	sdelay $0x1  }
0xa2: {  	s23 =	simm.s32 $0x1B8B  }
0xa3: {  	_ =	swait.ge [sflag:s23], $0x1  }
0xa4: {  	[sflag:s23] =	ssyncset.done $0x0  }
0xa5: {  	s25 =	simm.s32 $0x1B8E;
	s24 =	sld [smem:$0x3FFE];
	[sflag:s23] =	ssyncadd.s32 $0xFFFFFFFF  }
0xa6: {  	s26 =	simm.s32 $execute0_lowered;
	[smem:$0x3FD2] =	sst s25  }
0xa7: {  	s6 =	sshll.u32 s26, $0x1;
	_ =	strace $0x80000046;
	[dreg:$0x1] =	wrdreg $0xFFFFFFFF  }
0xa8: {  	s28 =	simm.s32 $_size_execute0_lowered;
	s4 =	sadd.s32 s4, s6;
	[dreg:$0x0] =	wrdreg $0x0  }
0xa9: {  	s6 =	sshll.u32 s28, $0x1;
	[dreg:$0x2] =	wrdreg s4  }
0xaa: {  	[dreg:$0x3] =	wrdreg s6  }
0xab: {  	[dreg:$0x4] =	wrdreg $0xC0  }
0xac: {  	_ =	task [dreg:s8], $0x5FFFF  }
0xad: {  	[dreg:$0x1] =	wrdreg $0xFFFFFFFF  }
0xae: {  	[dreg:$0x0] =	wrdreg $0x60  }
0xaf: {  	[dreg:$0x2] =	wrdreg s24  }
0xb0: {  	[dreg:$0x3] =	wrdreg s2  }
0xb1: {  	[dreg:$0x4] =	wrdreg s18  }
0xb2: {  	[dreg:$0x5] =	wrdreg $0x9  }
0xb3: {  	_ =	task.clear_ibuf [dreg:s8], $0x6FFFF;
	_ =	strace $0x90000046  }
0xb4: {  	s29 =	simm.s32 $0x9;
	_ =	strace $0x80000048  }
0xb5: {  	_ =	swait.ge [sflag:s29], $0x1  }
0xb6: {  	[sflag:s29] =	ssyncadd.s32 $0xFFFFFFFF  }
0xb7: {  	_ =	strace $0x90000048  }
0xb8: {  	_ =	sfence  }
0xb9: {  	s30 =	sld [smem:$0x0];
	_ =	sdelay $0x2  }
0xba: {  	s31 =	sshll.u32 s1, $0xD;
	s1 =	sshrl.u32 s1, $0x2  }
0xbb: {  	s3 =	sand.u32 $0x4000, s31;
	s1 =	sadd.s32 s1, s30  }
0xbc: {  	s0 =	sor.u32 s3, s0;
	s1 =	sshll.u32 s1, $0x11  }
0xbd: {  	s0 =	sor.u32 s1, s0  }
0xbe: {  	s0 =	sadd.s32 $0x8F2B, s0  }
0xbf: {  	[sflag:s0] =	ssyncadd.remote.s32 $0x1  }
0xc0: {  	_ =	sfence.sel $0xFFFF  }
0xc1: {  	[dreg:$0x0] =	wrdreg $0xFFFFFFFF;
	(pc) =	sbr.abs _section_cstart, $3  }
0xc2: {  	[dreg:$0x1] =	wrdreg $0xFFFFFFFF  }
0xc3: {  	_ =	task.clear_ibuf [dreg:s8], $0x2FFFF;
	_ =	strace $0x9FFFFFFF  }
0xc4: {  	(tm) =	ssettm $0x7FFFFFFF  }
0xc5: {  	_ =	shalt  }
tec
execute0_lowered:
.L_overlay_start_1:
0x0: {  	(tag) =	ssettag $0x1  }
0x1: {  	v0 =	vimm.s32 $0x1380  }
0x2: {  	vm14 =	vcmask $0x300;
	vm13 =	vcmask $0x704;
	vm12 =	vcmask $0xB08  }
0x3: {  	vm11 =	vcmask $0xF0C;
	vm10 =	vcmask $0x1310;
	vm9 =	vcmask $0x1714  }
0x4: {  	vm8 =	vcmask $0x1B18;
	vm7 =	vcmask $0x1F1C;
	vm6 =	vcmask $0x2320  }
0x5: {  	vm5 =	vcmask $0x2724;
	vm4 =	vcmask $0x2B28;
	vm3 =	vcmask $0x2F2C  }
0x6: {  	vm2 =	vcmask $0x3330;
	vm1 =	vcmask $0x3734;
	vm0 =	vcmask $0x3B38  }
0x7: {  	v2 =	vimm.s32 $0x1FFFF;
	v4 =	vimm.s32 $0x3380;
	v5 =	vimm.s32 $0x5380  }
0x8: {  	v6 =	vimm.s32 $0x7380;
	v0 =	vsel vm14, $0x0, v0;
	v4 =	vsel vm14, $0x2000, v4  }
0x9: {  	v5 =	vsel vm14, $0x4000, v5;
	v6 =	vsel vm14, $0x6000, v6;
	v0 =	vsel vm13, $0x80, v0  }
0xa: {  	v4 =	vsel vm13, $0x2080, v4;
	v5 =	vsel vm13, $0x4080, v5;
	v6 =	vsel vm13, $0x6080, v6  }
0xb: {  	v0 =	vsel vm12, $0x100, v0;
	v4 =	vsel vm12, $0x2100, v4;
	v5 =	vsel vm12, $0x4100, v5  }
0xc: {  	v6 =	vsel vm12, $0x6100, v6;
	v0 =	vsel vm11, $0x180, v0;
	v4 =	vsel vm11, $0x2180, v4  }
0xd: {  	v5 =	vsel vm11, $0x4180, v5;
	v6 =	vsel vm11, $0x6180, v6;
	v0 =	vsel vm10, $0x200, v0  }
0xe: {  	v4 =	vsel vm10, $0x2200, v4;
	v5 =	vsel vm10, $0x4200, v5;
	v6 =	vsel vm10, $0x6200, v6  }
0xf: {  	v0 =	vsel vm9, $0x280, v0;
	v4 =	vsel vm9, $0x2280, v4;
	v5 =	vsel vm9, $0x4280, v5  }
0x10: {  	v6 =	vsel vm9, $0x6280, v6;
	v0 =	vsel vm8, $0x300, v0;
	v4 =	vsel vm8, $0x2300, v4  }
0x11: {  	v5 =	vsel vm8, $0x4300, v5;
	v6 =	vsel vm8, $0x6300, v6;
	v0 =	vsel vm7, $0x380, v0  }
0x12: {  	v4 =	vsel vm7, $0x2380, v4;
	v5 =	vsel vm7, $0x4380, v5;
	v6 =	vsel vm7, $0x6380, v6  }
0x13: {  	s0 =	rddreg [dreg:$0x0];
	v0 =	vsel vm6, $0x1000, v0;
	v4 =	vsel vm6, $0x3000, v4;
	v5 =	vsel vm6, $0x5000, v5  }
0x14: {  	s2 =	rddreg [dreg:$0x2];
	s3 =	simm.s32 $0x0;
	v6 =	vsel vm6, $0x7000, v6;
	v0 =	vsel vm5, $0x1080, v0;
	v4 =	vsel vm5, $0x3080, v4  }
0x15: {  	s1 =	srdreg.scid;
	s5 =	stileid.u32;
	s11 =	simm.s32 $0xC3800;
	v5 =	vsel vm5, $0x5080, v5;
	v6 =	vsel vm5, $0x7080, v6;
	v0 =	vsel vm4, $0x1100, v0  }
0x16: {  	s12 =	simm.s32 $0x1000;
	s13 =	simm.s32 $0x9000;
	s14 =	simm.s32 $0x1;
	v4 =	vsel vm4, $0x3100, v4;
	v5 =	vsel vm4, $0x5100, v5;
	v6 =	vsel vm4, $0x7100, v6  }
0x17: {  	s15 =	simm.s32 $0x11000;
	s16 =	simm.s32 $0x4;
	[smem:$0x7FF] =	sst s3;
	v0 =	vsel vm3, $0x1180, v0;
	v4 =	vsel vm3, $0x3180, v4;
	v5 =	vsel vm3, $0x5180, v5  }
0x18: {  	s17 =	simm.s32 $0x2;
	s1 =	sand.u32 $0x1, s1;
	_ =	strace $0x80000047;
	v6 =	vsel vm3, $0x7180, v6;
	v1 =	vsel vm2, $0x1200, v0;
	v0 =	vlaneseq.u32  }
.Ltmp0:
0x19: {  	[dreg:$0x4] =	wrdreg s1;
	s1 =	ssub.s32 $0x2, s1;
	v4 =	vsel vm2, $0x3200, v4;
	v5 =	vsel vm2, $0x5200, v5;
	v6 =	vsel vm2, $0x7200, v6;
	(pc) =	sbr.rel .LBB2_1-.Ltmp0, $4  }
0x1a: {  	s18 =	simm.s32 $0x3;
	s4 =	sadd.s32 $0x400, s0;
	s30 =	sshrl.u32 s1, $0x1;
	v3 =	vsel vm1, $0x1280, v1;
	v1 =	vmul.u32 $0x20000, v0;
	v4 =	vsel vm1, $0x3280, v4  }
0x1b: {  	s0 =	sadd.s32 $0x3800, s0;
	[dreg:$0x5] =	wrdreg s4;
	s31 =	ssub.s32 s1, s30;
	v5 =	vsel vm1, $0x5280, v5;
	v6 =	vsel vm1, $0x7280, v6;
	v7 =	vor.u32 $0x10, v0  }
0x1c: {  	s19 =	simm.s32 $0x19000;
	[dreg:$0x6] =	wrdreg s0;
	s0 =	smax.u32 s31, $0x1;
	v8 =	vor.u32 $0x20, v0;
	v9 =	vor.u32 $0x30, v0;
	v3 =	vsel vm0, $0x1300, v3  }
0x1d: {  	s8 =	sshll.u32 s5, $0x1;
	s1 =	simm.s32 $0x0;
	[dreg:$0x7] =	wrdreg s0;
	v4 =	vsel vm0, $0x3300, v4;
	v5 =	vsel vm0, $0x5300, v5;
	v6 =	vsel vm0, $0x7300, v6  }
.LBB2_165:
0x1e: {  	s1 =	rddreg [dreg:$0x8]  }
0x1f: {  	s0 =	rddreg [dreg:$0x7];
	s1 =	sadd.s32 $0x1, s1  }
0x20: {  	p0 =	sne.s32 s1, s0  }
.Ltmp1:
0x21: {  	_ = 	snop;
	(pc) =	sbr.rel @!p0 .LBB2_166-.Ltmp1, $1  }
0x22: {  	_ =	sdelay $0x3  }
.LBB2_1:
.Ltmp2:
0x23: {  	(pc) =	sbr.rel .LBB2_2-.Ltmp2, $2  }
0x24: {  	_ =	sdelay $0x2  }
0x25: {  	[dreg:$0x8] =	wrdreg s1;
	s21 =	simm.s32 $0x0  }
.LBB2_163:
0x26: {  	[sflag:s16] =	ssyncadd.s32 $0xFFFFFFC0  }
.LBB2_164:
0x27: {  	s21 =	sadd.s32 $0x1, s21  }
0x28: {  	p0 =	sne.s32 s21, $0x15  }
.Ltmp3:
0x29: {  	_ = 	snop;
	(pc) =	sbr.rel @!p0 .LBB2_165-.Ltmp3, $1  }
0x2a: {  	_ =	sdelay $0x3  }
.LBB2_2:
0x2b: {  	s0 =	sshll.u32 s21, $0x5  }
0x2c: {  	s0 =	sor.u32 s8, s0  }
0x2d: {  	p0 =	sgt.u32 s0, $0x289  }
.Ltmp4:
0x2e: {  	_ = 	snop;
	(pc) =	sbr.rel @p0 .LBB2_164-.Ltmp4, $1  }
0x2f: {  	_ =	sdelay $0x3  }
0x30: {  	s1 =	rddreg [dreg:$0x4]  }
0x31: {  	s0 =	sor.u32 s1, s0  }
0x32: {  	s1 =	smulhi.u32 $0x51EB851F, s0;
	_ =	sdelay $0x1  }
0x33: {  	s22 =	sshrl.u32 s1, $0x3  }
0x34: {  	s5 =	rddreg [dreg:$0x5];
	s1 =	sshll.u32 s22, $0x9  }
0x35: {  	s25 =	simm.s32 $0x5;
	s5 =	sadd.s32 s5, s1;
	s1 =	simm.s32 $0x0  }
0x36: {  	[tilespmem:s1], [sflag:$0x5] =	stream.linear.gather [hbm4b:s5+s1], $0x1000, $0x38;
	[tilespmem:$0x1C900] =	vst v63  }
0x37: {  	s4 =	smul.u32 $0x19, s22;
	_ =	swait.ge [sflag:s25], $0x1000  }
0x38: {  	s24 =	smul.u32 $0xC3800, s22;
	[sflag:s25] =	ssyncset.done $0x0  }
0x39: {  	s23 =	ssub.s32 s0, s4;
	s26 =	rddreg [dreg:$0x1]  }
0x3a: {  	s28 =	sshll.u32 s23, $0xC;
	s29 =	sadd.s32 s26, s24  }
0x3b: {  	s31 =	sor.u32 $0x200, s28;
	[sflag:s25] =	ssyncadd.s32 $0xFFFFF000;
	s0 =	sadd.s32 s28, s29  }
0x3c: {  	[tilespmem:s12], [sflag:$0x1] =	stream.strided.gather [hbm4b:s0+s12], $0x8000, s11, s12, $0x38;
	[tilespmem:$0x1C900] =	vst v63  }
0x3d: {  	s30 =	sadd.s32 s31, s29  }
0x3e: {  	[tilespmem:s13], [sflag:$0x2] =	stream.strided.gather [hbm4b:s30+s12], $0x8000, s11, s12, $0x38;
	[tilespmem:$0x1C900] =	vst v63  }
0x3f: {  	v11 =	vld [tilespmem:s1+$0x0];
	_ =	sdelay $0x3  }
0x40: {  	v10 =	vmov s28  }
0x41: {  	v12 =	vsub.s32 v11, v10  }
0x42: {  	vm0 =	vlt.u32 v12, $0x1000  }
0x43: {  	v12 =	vmpcnt.ones.xlane vm0;
	_ =	sdelay $0x1  }
0x44: {  	(v2sf) =	vpush v12, $0x0;
	_ =	sdelay $0x3  }
0x45: {  	v11 =	vadd.s32 s1, v11  }
0x46: {  	v11 =	vadd.s32 v1, v11  }
0x47: {  	s5 =	simm.s32 $0x10;
	[tilespmem:s1+$0x19800] =	vst.msk vm0, v11  }
0x48: {  	s9 =	simm.s32 $0x400000;
	s0 =	simm.s32 $0x200000;
	v11 =	vld [tilespmem:s5+$0x0]  }
.LBB2_4:
0x49: {  	p0 =	sne.s32 s9, $0x1FE00000;
	_ =	sdelay $0x3  }
0x4a: {  	v12 =	vsub.s32 v11, v10;
	v11 =	vadd.s32 s0, v11;
	s0 =	smov.u32 s9  }
0x4b: {  	vm0 =	vlt.u32 v12, $0x1000  }
0x4c: {  	v12 =	vmpcnt.ones.xlane vm0  }
0x4d: {  	s4 =	spop (v2sf)  }
0x4e: {  	v11 =	vadd.s32 v1, v11;
	(v2sf) =	vpush v12, $0x0;
	s1 =	sadd.s32 s1, s4  }
0x4f: {  	[tilespmem:s1+$0x19800] =	vst.msk vm0, v11;
	_ =	sdelay $0x1  }
.Ltmp5:
0x50: {  	(pc) =	sbr.rel @p0 .LBB2_4-.Ltmp5, $3  }
0x51: {  	_ =	sdelay $0x1  }
0x52: {  	s5 =	sadd.s32 $0x10, s5  }
0x53: {  	s9 =	sadd.s32 $0x200000, s9;
	v11 =	vld [tilespmem:s5+$0x0]  }
0x54: {  	_ =	sdelay $0x3  }
0x55: {  	v12 =	vsub.s32 v11, v10  }
0x56: {  	vm0 =	vlt.u32 v12, $0x1000  }
0x57: {  	v12 =	vmpcnt.ones.xlane vm0;
	_ =	sdelay $0x1  }
0x58: {  	(v2sf) =	vpush v12, $0x0;
	_ =	sdelay $0xd  }
0x59: {  	s4 =	spop (v2sf)  }
0x5a: {  	s1 =	sadd.s32 s1, s4;
	s26 =	spop (v2sf)  }
0x5b: {  	s4 =	sadd.s32 s1, s26  }
0x5c: {  	s26 =	sadd.s32 $0xF, s4  }
0x5d: {  	p0 =	slt.s32 s26, $0x10  }
.Ltmp6:
0x5e: {  	_ = 	snop;
	(pc) =	sbr.rel @p0 .LBB2_12-.Ltmp6, $4  }
0x5f: {  	v11 =	vadd.s32 s0, v11;
	s30 =	sshra.s32 s26, $0x1F  }
0x60: {  	v11 =	vadd.s32 v1, v11;
	s0 =	sshrl.u32 s30, $0x1C  }
0x61: {  	[tilespmem:s1+$0x19800] =	vst.msk vm0, v11;
	s0 =	sadd.s32 s0, s26  }
0x62: {  	s5 =	simm.s32 $0x0;
	s20 =	simm.s32 $0x0;
	[tilespmem:s4+$0x19800] =	vst v2;
	s25 =	sshra.s32 s0, $0x4  }
0x63: {  	p2 =	sne.s32 s25, $0x1  }
.Ltmp7:
0x64: {  	_ = 	snop;
	(pc) =	sbr.rel @!p2 .LBB2_7-.Ltmp7, $3  }
0x65: {  	_ =	sdelay $0x1  }
0x66: {  	s0 =	simm.s32 $0x19800  }
0x67: {  	v11 =	vmov s31;
	s1 =	simm.s32 $0x0;
	p1 =	por $0x0, $0x0;
	v12 =	vld [tilespmem:s0+$0x0];
	s0 =	sadd.s32 $0xFFFFFFFF, s25  }
0x68: {  	_ =	sdelay $0x3  }
0x69: {  	v13 =	vand.u32 $0x1FFFF, v12  }
0x6a: {  	vm0 =	vge.u32 v13, v10;
	vm1 =	vlt.u32 v13, v11  }
0x6b: {  	vm0 =	vmand vm0, vm1  }
0x6c: {  	v13 =	vmpcnt.ones.xlane vm0;
	_ =	sdelay $0x1  }
0x6d: {  	(v2sf) =	vpush v13, $0x0  }
0x6e: {  	p2 =	sne.s32 s0, $0x1  }
.Ltmp8:
0x6f: {  	_ = 	snop;
	(pc) =	sbr.rel @!p2 .LBB2_9-.Ltmp8, $3  }
0x70: {  	_ =	sdelay $0x1  }
0x71: {  	s9 =	simm.s32 $0x19810;
	[tilespmem:s1+$0x1A880] =	vst.msk vm0, v12  }
0x72: {  	s20 =	sadd.s32 $0xFFFFFFFF, s0;
	p1 =	por $0x1, $0x1;
	s0 =	simm.s32 $0x0;
	v12 =	vld [tilespmem:s9+$0x0]  }
.LBB2_10:
0x73: {  	p2 =	sne.s32 s20, $0x1;
	_ =	sdelay $0x3  }
0x74: {  	v13 =	vand.u32 $0x1FFFF, v12  }
0x75: {  	vm0 =	vge.u32 v13, v10;
	vm1 =	vlt.u32 v13, v11  }
0x76: {  	vm0 =	vmand vm0, vm1  }
0x77: {  	v13 =	vmpcnt.ones.xlane vm0  }
0x78: {  	s4 =	spop (v2sf)  }
0x79: {  	(v2sf) =	vpush v13, $0x0;
	s0 =	sadd.s32 s0, s4  }
0x7a: {  	[tilespmem:s0+$0x1A880] =	vst.msk vm0, v12  }
.Ltmp9:
0x7b: {  	(pc) =	sbr.rel @p2 .LBB2_10-.Ltmp9, $3  }
0x7c: {  	_ =	sdelay $0x1  }
0x7d: {  	s9 =	sadd.s32 $0x10, s9  }
0x7e: {  	s20 =	sadd.s32 $0xFFFFFFFF, s20;
	v12 =	vld [tilespmem:s9+$0x0]  }
.LBB2_11:
0x7f: {  	_ =	sdelay $0x3  }
0x80: {  	v13 =	vand.u32 $0x1FFFF, v12  }
0x81: {  	vm0 =	vge.u32 v13, v10;
	vm1 =	vlt.u32 v13, v11  }
0x82: {  	vm0 =	vmand vm0, vm1  }
0x83: {  	v10 =	vmpcnt.ones.xlane vm0;
	_ =	sdelay $0x1  }
0x84: {  	(v2sf) =	vpush v10, $0x0;
	_ =	sdelay $0xc  }
0x85: {  	s4 =	spop @p1 (v2sf)  }
0x86: {  	s0 =	sadd.s32 @p1 s0, s4  }
0x87: {  	s1 =	smov.u32 @p1 s0;
	s30 =	spop (v2sf)  }
0x88: {  	[tilespmem:s1+$0x1A880] =	vst.msk vm0, v12;
	s20 =	sadd.s32 s1, s30  }
.LBB2_12:
0x89: {  	p1 =	slt.s32 s20, $0x1  }
.Ltmp10:
0x8a: {  	_ = 	snop;
	(pc) =	sbr.rel @!p1 .LBB2_13-.Ltmp10, $4  }
0x8b: {  	_ =	swait.ge [sflag:s14], $0x8000;
	s9 =	sor.u32 $0x400, s28  }
0x8c: {  	[sflag:s14] =	ssyncset.done $0x0;
	s1 =	smin.u32 s9, $0x18480  }
0x8d: {  	s24 =	sshll.u32 s22, $0x12;
	[sflag:s14] =	ssyncadd.s32 $0xFFFF8000;
	s0 =	sadd.s32 s1, s29  }
0x8e: {  	[tilespmem:s15], [sflag:$0x3] =	stream.strided.gather [hbm4b:s0+s12], $0x8000, s11, s12, $0x38;
	[tilespmem:$0x1C900] =	vst v63  }
.LBB2_18:
0x8f: {  	s0 =	sshra.s32 s20, $0x1F  }
0x90: {  	s0 =	sshrl.u32 s0, $0x1A  }
0x91: {  	s0 =	sadd.s32 s0, s20  }
0x92: {  	s0 =	sand.u32 $0xFFFFFFC0, s0  }
0x93: {  	s0 =	ssub.s32 s20, s0  }
0x94: {  	p1 =	slt.s32 s0, $0x1  }
.Ltmp11:
0x95: {  	_ = 	snop;
	(pc) =	sbr.rel @p1 .LBB2_22-.Ltmp11, $1  }
0x96: {  	_ =	sdelay $0x3  }
0x97: {  	p1 =	sne.s32 s0, $0x1  }
.Ltmp12:
0x98: {  	_ = 	snop;
	(pc) =	sbr.rel @!p1 .LBB2_21-.Ltmp12, $3  }
0x99: {  	_ =	sdelay $0x1  }
0x9a: {  	_ =	swait.ge [sflag:s16], $0x40  }
0x9b: {  	s0 =	sadd.s32 $0xFFFFFFFF, s0;
	[sflag:s16] =	ssyncset.done $0x0  }
.LBB2_20:
0x9c: {  	p1 =	sne.s32 s0, $0x1;
	s0 =	sadd.s32 $0xFFFFFFFF, s0;
	[sflag:s16] =	ssyncadd.s32 $0xFFFFFFC0  }
.Ltmp13:
0x9d: {  	(pc) =	sbr.rel @p1 .LBB2_20-.Ltmp13, $3  }
0x9e: {  	_ =	sdelay $0x1  }
0x9f: {  	_ =	swait.ge [sflag:s16], $0x40  }
0xa0: {  	[sflag:s16] =	ssyncset.done $0x0  }
.LBB2_21:
0xa1: {  	[sflag:s16] =	ssyncadd.s32 $0xFFFFFFC0  }
.LBB2_22:
.Ltmp14:
0xa2: {  	(pc) =	sbr.rel @p0 .LBB2_29-.Ltmp14, $2  }
0xa3: {  	_ =	sdelay $0x2  }
0xa4: {  	s20 =	simm.s32 $0x0  }
0xa5: {  	p2 =	sne.s32 s25, $0x1  }
.Ltmp15:
0xa6: {  	_ = 	snop;
	(pc) =	sbr.rel @!p2 .LBB2_24-.Ltmp15, $3  }
0xa7: {  	_ =	sdelay $0x1  }
0xa8: {  	s0 =	smin.u32 s9, $0x18680;
	s4 =	simm.s32 $0x19800  }
0xa9: {  	v10 =	vmov s31;
	s5 =	simm.s32 $0x0;
	p1 =	por $0x0, $0x0;
	v11 =	vmov s0;
	v12 =	vld [tilespmem:s4+$0x0];
	s0 =	sadd.s32 $0xFFFFFFFF, s25  }
0xaa: {  	_ =	sdelay $0x3  }
0xab: {  	v13 =	vand.u32 $0x1FFFF, v12  }
0xac: {  	vm0 =	vge.u32 v13, v10;
	vm1 =	vlt.u32 v13, v11  }
0xad: {  	vm0 =	vmand vm0, vm1  }
0xae: {  	v13 =	vmpcnt.ones.xlane vm0;
	_ =	sdelay $0x1  }
0xaf: {  	(v2sf) =	vpush v13, $0x0  }
0xb0: {  	p2 =	sne.s32 s0, $0x1  }
.Ltmp16:
0xb1: {  	_ = 	snop;
	(pc) =	sbr.rel @!p2 .LBB2_26-.Ltmp16, $3  }
0xb2: {  	_ =	sdelay $0x1  }
0xb3: {  	s20 =	simm.s32 $0x19810;
	[tilespmem:s5+$0x1A880] =	vst.msk vm0, v12  }
0xb4: {  	s30 =	sadd.s32 $0xFFFFFFFF, s0;
	p1 =	por $0x1, $0x1;
	s0 =	simm.s32 $0x0;
	v12 =	vld [tilespmem:s20+$0x0]  }
.LBB2_27:
0xb5: {  	p2 =	sne.s32 s30, $0x1;
	_ =	sdelay $0x3  }
0xb6: {  	v13 =	vand.u32 $0x1FFFF, v12  }
0xb7: {  	vm0 =	vge.u32 v13, v10;
	vm1 =	vlt.u32 v13, v11  }
0xb8: {  	vm0 =	vmand vm0, vm1  }
0xb9: {  	v13 =	vmpcnt.ones.xlane vm0  }
0xba: {  	s4 =	spop (v2sf)  }
0xbb: {  	(v2sf) =	vpush v13, $0x0;
	s0 =	sadd.s32 s0, s4  }
0xbc: {  	[tilespmem:s0+$0x1A880] =	vst.msk vm0, v12  }
.Ltmp17:
0xbd: {  	(pc) =	sbr.rel @p2 .LBB2_27-.Ltmp17, $3  }
0xbe: {  	_ =	sdelay $0x1  }
0xbf: {  	s20 =	sadd.s32 $0x10, s20  }
0xc0: {  	s30 =	sadd.s32 $0xFFFFFFFF, s30;
	v12 =	vld [tilespmem:s20+$0x0]  }
.LBB2_28:
0xc1: {  	_ =	sdelay $0x3  }
0xc2: {  	v13 =	vand.u32 $0x1FFFF, v12  }
0xc3: {  	vm0 =	vge.u32 v13, v10;
	vm1 =	vlt.u32 v13, v11  }
0xc4: {  	vm0 =	vmand vm0, vm1  }
0xc5: {  	v10 =	vmpcnt.ones.xlane vm0;
	_ =	sdelay $0x1  }
0xc6: {  	(v2sf) =	vpush v10, $0x0;
	_ =	sdelay $0xc  }
0xc7: {  	s4 =	spop @p1 (v2sf)  }
0xc8: {  	s0 =	sadd.s32 @p1 s0, s4  }
0xc9: {  	s5 =	smov.u32 @p1 s0;
	s30 =	spop (v2sf)  }
0xca: {  	[tilespmem:s5+$0x1A880] =	vst.msk vm0, v12;
	s20 =	sadd.s32 s5, s30  }
.LBB2_29:
0xcb: {  	p1 =	slt.s32 s20, $0x1  }
.Ltmp18:
0xcc: {  	_ = 	snop;
	(pc) =	sbr.rel @p1 .LBB2_36-.Ltmp18, $4  }
0xcd: {  	_ =	swait.ge [sflag:s17], $0x8000;
	s5 =	sor.u32 $0x600, s28  }
0xce: {  	[sflag:s17] =	ssyncset.done $0x0;
	s30 =	smin.u32 s5, $0x18480  }
0xcf: {  	[sflag:s17] =	ssyncadd.s32 $0xFFFF8000;
	s0 =	sadd.s32 s30, s29  }
0xd0: {  	[tilespmem:s12], [sflag:$0x1] =	stream.strided.gather [hbm4b:s0+s12], $0x8000, s11, s12, $0x38;
	[tilespmem:$0x1C900] =	vst v63  }
.Ltmp19:
0xd1: {  	(pc) =	sbr.rel .LBB2_31-.Ltmp19, $2  }
0xd2: {  	_ =	sdelay $0x2  }
0xd3: {  	s0 =	simm.s32 $0x0  }
.LBB2_16:
0xd4: {  	[sflag:s16] =	ssyncadd.s32 $0xFFFFFFC0  }
.LBB2_17:
0xd5: {  	s5 =	sadd.s32 $0x1, s5  }
0xd6: {  	p1 =	sne.s32 s5, s20  }
.Ltmp20:
0xd7: {  	_ = 	snop;
	(pc) =	sbr.rel @!p1 .LBB2_18-.Ltmp20, $1  }
0xd8: {  	_ =	sdelay $0x3  }
.LBB2_13:
0xd9: {  	v10 =	vld [tilespmem:s5+$0x1A880];
	_ =	sdelay $0x4  }
0xda: {  	(v2sf) =	vpush v10, $0x0;
	_ =	sdelay $0xe  }
0xdb: {  	s0 =	spop (v2sf)  }
0xdc: {  	s4 =	sand.u32 $0x1FFFF, s0  }
0xdd: {  	s4 =	ssub.s32 s4, s28  }
0xde: {  	v10 =	vmov s4  }
0xdf: {  	v11 =	vshll.u32 v10, $0x3  }
0xe0: {  	v10 =	vand.u32 $0x7F, v10;
	v11 =	vand.u32 $0xFFFFFC00, v11  }
0xe1: {  	v10 =	vor.u32 v10, v11  }
0xe2: {  	v11 =	vadd.s32 v3, v10;
	_ =	sdelay $0x4  }
0xe3: {  	v11 =	vld.idx.msk [tilespmem:v11+s12+$0x0], $0xffff  }
0xe4: {  	v12 =	vadd.s32 v4, v10;
	_ =	sdelay $0x1  }
0xe5: {  	s10 =	sand.u32 $0x3F, s5  }
0xe6: {  	s30 =	sshll.u32 s10, $0x6  }
0xe7: {  	[tilespmem:s30+$0x1B900] =	vst v11  }
0xe8: {  	v11 =	vld.idx.msk [tilespmem:v12+s12+$0x0], $0xffff  }
0xe9: {  	v63 =	vadd.s32 v5, v10;
	_ =	sdelay $0x3  }
0xea: {  	[tilespmem:s30+$0x1B910] =	vst v11  }
0xeb: {  	v11 =	vld.idx.msk [tilespmem:v63+s12+$0x0], $0xffff  }
0xec: {  	v10 =	vadd.s32 v6, v10;
	_ =	sdelay $0x3  }
0xed: {  	[tilespmem:s30+$0x1B920] =	vst v11  }
0xee: {  	v10 =	vld.idx.msk [tilespmem:v10+s12+$0x0], $0xffff  }
0xef: {  	s0 =	sshrl.u32 s0, $0xB  }
0xf0: {  	p1 =	sne.s32 s10, $0x3F;
	s0 =	sand.u32 $0x1FFFC0, s0  }
.Ltmp21:
0xf1: {  	s0 =	sadd.s32 s24, s0;
	(pc) =	sbr.rel @p1 .LBB2_17-.Ltmp21, $4  }
0xf2: {  	s0 =	sshrl.u32 s0, $0x3  }
0xf3: {  	s6 =	sadd.s32 $0x1B900, s30;
	s0 =	sadd.s32 s2, s0;
	[tilespmem:s30+$0x1B930] =	vst v10  }
0xf4: {  	[hbm4b:s0+s3] =	stream.linear.scatter [tilespmem:s6], [sflag:$0x4], $0x40, $0x38;
	[tilespmem:$0x1C900] =	vst v63  }
0xf5: {  	s0 =	simm.s32 $0x40  }
0xf6: {  	_ =	swait.ge [sflag:s16], $0x40  }
0xf7: {  	s0 =	sadd.s32 $0xFFFFFFFF, s0;
	[sflag:s16] =	ssyncset.done $0x0  }
.LBB2_15:
0xf8: {  	p1 =	sne.s32 s0, $0x1;
	s0 =	sadd.s32 $0xFFFFFFFF, s0;
	[sflag:s16] =	ssyncadd.s32 $0xFFFFFFC0  }
.Ltmp22:
0xf9: {  	(pc) =	sbr.rel @p1 .LBB2_15-.Ltmp22, $3  }
0xfa: {  	_ =	sdelay $0x1  }
0xfb: {  	_ =	swait.ge [sflag:s16], $0x40  }
0xfc: {  	[sflag:s16] =	ssyncset.done $0x0  }
.Ltmp23:
0xfd: {  	_ = 	snop;
	(pc) =	sbr.rel .LBB2_16-.Ltmp23, $1  }
0xfe: {  	_ =	sdelay $0x3  }
.LBB2_34:
0xff: {  	[sflag:s16] =	ssyncadd.s32 $0xFFFFFFC0  }
.LBB2_35:
0x100: {  	s0 =	sadd.s32 $0x1, s0  }
0x101: {  	p1 =	sne.s32 s0, s20  }
.Ltmp24:
0x102: {  	_ = 	snop;
	(pc) =	sbr.rel @!p1 .LBB2_36-.Ltmp24, $1  }
0x103: {  	_ =	sdelay $0x3  }
.LBB2_31:
0x104: {  	v10 =	vld [tilespmem:s0+$0x1A880];
	_ =	sdelay $0x4  }
0x105: {  	(v2sf) =	vpush v10, $0x0;
	_ =	sdelay $0xe  }
0x106: {  	s4 =	spop (v2sf)  }
0x107: {  	s6 =	sand.u32 $0x1FFFF, s4  }
0x108: {  	s6 =	ssub.s32 s6, s31  }
0x109: {  	v10 =	vmov s6  }
0x10a: {  	v11 =	vshll.u32 v10, $0x3  }
0x10b: {  	v10 =	vand.u32 $0x7F, v10;
	v11 =	vand.u32 $0xFFFFFC00, v11  }
0x10c: {  	v10 =	vor.u32 v10, v11  }
0x10d: {  	v11 =	vadd.s32 v3, v10;
	_ =	sdelay $0x4  }
0x10e: {  	v11 =	vld.idx.msk [tilespmem:v11+s13+$0x0], $0xffff  }
0x10f: {  	v12 =	vadd.s32 v4, v10;
	_ =	sdelay $0x1  }
0x110: {  	s6 =	sand.u32 $0x3F, s0  }
0x111: {  	s7 =	sshll.u32 s6, $0x6  }
0x112: {  	[tilespmem:s7+$0x1B900] =	vst v11  }
0x113: {  	v11 =	vld.idx.msk [tilespmem:v12+s13+$0x0], $0xffff  }
0x114: {  	v63 =	vadd.s32 v5, v10;
	_ =	sdelay $0x3  }
0x115: {  	[tilespmem:s7+$0x1B910] =	vst v11  }
0x116: {  	v11 =	vld.idx.msk [tilespmem:v63+s13+$0x0], $0xffff  }
0x117: {  	v10 =	vadd.s32 v6, v10;
	_ =	sdelay $0x3  }
0x118: {  	[tilespmem:s7+$0x1B920] =	vst v11  }
0x119: {  	v10 =	vld.idx.msk [tilespmem:v10+s13+$0x0], $0xffff  }
0x11a: {  	s4 =	sshrl.u32 s4, $0xB  }
0x11b: {  	s4 =	sand.u32 $0x1FFFC0, s4;
	p1 =	sne.s32 s6, $0x3F  }
.Ltmp25:
0x11c: {  	s4 =	sadd.s32 s24, s4;
	(pc) =	sbr.rel @p1 .LBB2_35-.Ltmp25, $4  }
0x11d: {  	s4 =	sshrl.u32 s4, $0x3  }
0x11e: {  	s10 =	sadd.s32 $0x1B900, s7;
	s4 =	sadd.s32 s2, s4;
	[tilespmem:s7+$0x1B930] =	vst v10  }
0x11f: {  	[hbm4b:s4+s3] =	stream.linear.scatter [tilespmem:s10], [sflag:$0x4], $0x40, $0x38;
	[tilespmem:$0x1C900] =	vst v63  }
0x120: {  	s4 =	simm.s32 $0x40  }
0x121: {  	_ =	swait.ge [sflag:s16], $0x40  }
0x122: {  	s4 =	sadd.s32 $0xFFFFFFFF, s4;
	[sflag:s16] =	ssyncset.done $0x0  }
.LBB2_33:
0x123: {  	p1 =	sne.s32 s4, $0x1;
	s4 =	sadd.s32 $0xFFFFFFFF, s4;
	[sflag:s16] =	ssyncadd.s32 $0xFFFFFFC0  }
.Ltmp26:
0x124: {  	(pc) =	sbr.rel @p1 .LBB2_33-.Ltmp26, $3  }
0x125: {  	_ =	sdelay $0x1  }
0x126: {  	_ =	swait.ge [sflag:s16], $0x40  }
0x127: {  	[sflag:s16] =	ssyncset.done $0x0  }
.Ltmp27:
0x128: {  	_ = 	snop;
	(pc) =	sbr.rel .LBB2_34-.Ltmp27, $1  }
0x129: {  	_ =	sdelay $0x3  }
.LBB2_36:
0x12a: {  	s0 =	sshra.s32 s20, $0x1F  }
0x12b: {  	s0 =	sshrl.u32 s0, $0x1A  }
0x12c: {  	s0 =	sadd.s32 s0, s20  }
0x12d: {  	s0 =	sand.u32 $0xFFFFFFC0, s0  }
0x12e: {  	s0 =	ssub.s32 s20, s0  }
0x12f: {  	p1 =	slt.s32 s0, $0x1  }
.Ltmp28:
0x130: {  	_ = 	snop;
	(pc) =	sbr.rel @p1 .LBB2_40-.Ltmp28, $1  }
0x131: {  	_ =	sdelay $0x3  }
0x132: {  	p1 =	sne.s32 s0, $0x1  }
.Ltmp29:
0x133: {  	_ = 	snop;
	(pc) =	sbr.rel @!p1 .LBB2_39-.Ltmp29, $3  }
0x134: {  	_ =	sdelay $0x1  }
0x135: {  	_ =	swait.ge [sflag:s16], $0x40  }
0x136: {  	s0 =	sadd.s32 $0xFFFFFFFF, s0;
	[sflag:s16] =	ssyncset.done $0x0  }
.LBB2_38:
0x137: {  	p1 =	sne.s32 s0, $0x1;
	s0 =	sadd.s32 $0xFFFFFFFF, s0;
	[sflag:s16] =	ssyncadd.s32 $0xFFFFFFC0  }
.Ltmp30:
0x138: {  	(pc) =	sbr.rel @p1 .LBB2_38-.Ltmp30, $3  }
0x139: {  	_ =	sdelay $0x1  }
0x13a: {  	_ =	swait.ge [sflag:s16], $0x40  }
0x13b: {  	[sflag:s16] =	ssyncset.done $0x0  }
.LBB2_39:
0x13c: {  	[sflag:s16] =	ssyncadd.s32 $0xFFFFFFC0  }
.LBB2_40:
.Ltmp31:
0x13d: {  	(pc) =	sbr.rel @p0 .LBB2_47-.Ltmp31, $2  }
0x13e: {  	_ =	sdelay $0x2  }
0x13f: {  	s20 =	simm.s32 $0x0  }
0x140: {  	p2 =	sne.s32 s25, $0x1  }
.Ltmp32:
0x141: {  	_ = 	snop;
	(pc) =	sbr.rel @!p2 .LBB2_42-.Ltmp32, $3  }
0x142: {  	_ =	sdelay $0x1  }
0x143: {  	s0 =	smin.u32 s5, $0x18680;
	s4 =	simm.s32 $0x19800  }
0x144: {  	v10 =	vmov s9;
	s9 =	simm.s32 $0x0;
	p1 =	por $0x0, $0x0;
	v11 =	vmov s0;
	v12 =	vld [tilespmem:s4+$0x0];
	s0 =	sadd.s32 $0xFFFFFFFF, s25  }
0x145: {  	_ =	sdelay $0x3  }
0x146: {  	v13 =	vand.u32 $0x1FFFF, v12  }
0x147: {  	vm0 =	vge.u32 v13, v10;
	vm1 =	vlt.u32 v13, v11  }
0x148: {  	vm0 =	vmand vm0, vm1  }
0x149: {  	v13 =	vmpcnt.ones.xlane vm0;
	_ =	sdelay $0x1  }
0x14a: {  	(v2sf) =	vpush v13, $0x0  }
0x14b: {  	p2 =	sne.s32 s0, $0x1  }
.Ltmp33:
0x14c: {  	_ = 	snop;
	(pc) =	sbr.rel @!p2 .LBB2_44-.Ltmp33, $3  }
0x14d: {  	_ =	sdelay $0x1  }
0x14e: {  	s20 =	simm.s32 $0x19810;
	[tilespmem:s9+$0x1A880] =	vst.msk vm0, v12  }
0x14f: {  	s31 =	sadd.s32 $0xFFFFFFFF, s0;
	p1 =	por $0x1, $0x1;
	s0 =	simm.s32 $0x0;
	v12 =	vld [tilespmem:s20+$0x0]  }
.LBB2_45:
0x150: {  	p2 =	sne.s32 s31, $0x1;
	_ =	sdelay $0x3  }
0x151: {  	v13 =	vand.u32 $0x1FFFF, v12  }
0x152: {  	vm0 =	vge.u32 v13, v10;
	vm1 =	vlt.u32 v13, v11  }
0x153: {  	vm0 =	vmand vm0, vm1  }
0x154: {  	v13 =	vmpcnt.ones.xlane vm0  }
0x155: {  	s4 =	spop (v2sf)  }
0x156: {  	(v2sf) =	vpush v13, $0x0;
	s0 =	sadd.s32 s0, s4  }
0x157: {  	[tilespmem:s0+$0x1A880] =	vst.msk vm0, v12  }
.Ltmp34:
0x158: {  	(pc) =	sbr.rel @p2 .LBB2_45-.Ltmp34, $3  }
0x159: {  	_ =	sdelay $0x1  }
0x15a: {  	s20 =	sadd.s32 $0x10, s20  }
0x15b: {  	s31 =	sadd.s32 $0xFFFFFFFF, s31;
	v12 =	vld [tilespmem:s20+$0x0]  }
.LBB2_46:
0x15c: {  	_ =	sdelay $0x3  }
0x15d: {  	v13 =	vand.u32 $0x1FFFF, v12  }
0x15e: {  	vm0 =	vge.u32 v13, v10;
	vm1 =	vlt.u32 v13, v11  }
0x15f: {  	vm0 =	vmand vm0, vm1  }
0x160: {  	v10 =	vmpcnt.ones.xlane vm0;
	_ =	sdelay $0x1  }
0x161: {  	(v2sf) =	vpush v10, $0x0;
	_ =	sdelay $0xc  }
0x162: {  	s4 =	spop @p1 (v2sf)  }
0x163: {  	s0 =	sadd.s32 @p1 s0, s4  }
0x164: {  	s9 =	smov.u32 @p1 s0;
	s31 =	spop (v2sf)  }
0x165: {  	[tilespmem:s9+$0x1A880] =	vst.msk vm0, v12;
	s20 =	sadd.s32 s9, s31  }
.LBB2_47:
0x166: {  	p1 =	slt.s32 s20, $0x1  }
.Ltmp35:
0x167: {  	_ = 	snop;
	(pc) =	sbr.rel @p1 .LBB2_54-.Ltmp35, $4  }
0x168: {  	_ =	swait.ge [sflag:s18], $0x8000;
	s9 =	sor.u32 $0x800, s28  }
0x169: {  	[sflag:s18] =	ssyncset.done $0x0;
	s31 =	smin.u32 s9, $0x18480  }
0x16a: {  	[sflag:s18] =	ssyncadd.s32 $0xFFFF8000;
	s0 =	sadd.s32 s31, s29  }
0x16b: {  	[tilespmem:s13], [sflag:$0x2] =	stream.strided.gather [hbm4b:s0+s12], $0x8000, s11, s12, $0x38;
	[tilespmem:$0x1C900] =	vst v63  }
.Ltmp36:
0x16c: {  	(pc) =	sbr.rel .LBB2_49-.Ltmp36, $2  }
0x16d: {  	_ =	sdelay $0x2  }
0x16e: {  	s0 =	simm.s32 $0x0  }
.LBB2_52:
0x16f: {  	[sflag:s16] =	ssyncadd.s32 $0xFFFFFFC0  }
.LBB2_53:
0x170: {  	s0 =	sadd.s32 $0x1, s0  }
0x171: {  	p1 =	sne.s32 s0, s20  }
.Ltmp37:
0x172: {  	_ = 	snop;
	(pc) =	sbr.rel @!p1 .LBB2_54-.Ltmp37, $1  }
0x173: {  	_ =	sdelay $0x3  }
.LBB2_49:
0x174: {  	v10 =	vld [tilespmem:s0+$0x1A880];
	_ =	sdelay $0x4  }
0x175: {  	(v2sf) =	vpush v10, $0x0;
	_ =	sdelay $0xe  }
0x176: {  	s4 =	spop (v2sf)  }
0x177: {  	s6 =	sand.u32 $0x1FFFF, s4  }
0x178: {  	s6 =	ssub.s32 s6, s1  }
0x179: {  	v10 =	vmov s6  }
0x17a: {  	v11 =	vshll.u32 v10, $0x3  }
0x17b: {  	v10 =	vand.u32 $0x7F, v10;
	v11 =	vand.u32 $0xFFFFFC00, v11  }
0x17c: {  	v10 =	vor.u32 v10, v11  }
0x17d: {  	v11 =	vadd.s32 v3, v10;
	_ =	sdelay $0x4  }
0x17e: {  	v11 =	vld.idx.msk [tilespmem:v11+s15+$0x0], $0xffff  }
0x17f: {  	v12 =	vadd.s32 v4, v10;
	_ =	sdelay $0x1  }
0x180: {  	s6 =	sand.u32 $0x3F, s0  }
0x181: {  	s7 =	sshll.u32 s6, $0x6  }
0x182: {  	[tilespmem:s7+$0x1B900] =	vst v11  }
0x183: {  	v11 =	vld.idx.msk [tilespmem:v12+s15+$0x0], $0xffff  }
0x184: {  	v63 =	vadd.s32 v5, v10;
	_ =	sdelay $0x3  }
0x185: {  	[tilespmem:s7+$0x1B910] =	vst v11  }
0x186: {  	v11 =	vld.idx.msk [tilespmem:v63+s15+$0x0], $0xffff  }
0x187: {  	v10 =	vadd.s32 v6, v10;
	_ =	sdelay $0x3  }
0x188: {  	[tilespmem:s7+$0x1B920] =	vst v11  }
0x189: {  	v10 =	vld.idx.msk [tilespmem:v10+s15+$0x0], $0xffff  }
0x18a: {  	s4 =	sshrl.u32 s4, $0xB  }
0x18b: {  	s4 =	sand.u32 $0x1FFFC0, s4;
	p1 =	sne.s32 s6, $0x3F  }
.Ltmp38:
0x18c: {  	s4 =	sadd.s32 s24, s4;
	(pc) =	sbr.rel @p1 .LBB2_53-.Ltmp38, $4  }
0x18d: {  	s4 =	sshrl.u32 s4, $0x3  }
0x18e: {  	s10 =	sadd.s32 $0x1B900, s7;
	s4 =	sadd.s32 s2, s4;
	[tilespmem:s7+$0x1B930] =	vst v10  }
0x18f: {  	[hbm4b:s4+s3] =	stream.linear.scatter [tilespmem:s10], [sflag:$0x4], $0x40, $0x38;
	[tilespmem:$0x1C900] =	vst v63  }
0x190: {  	s4 =	simm.s32 $0x40  }
0x191: {  	_ =	swait.ge [sflag:s16], $0x40  }
0x192: {  	s4 =	sadd.s32 $0xFFFFFFFF, s4;
	[sflag:s16] =	ssyncset.done $0x0  }
.LBB2_51:
0x193: {  	p1 =	sne.s32 s4, $0x1;
	s4 =	sadd.s32 $0xFFFFFFFF, s4;
	[sflag:s16] =	ssyncadd.s32 $0xFFFFFFC0  }
.Ltmp39:
0x194: {  	(pc) =	sbr.rel @p1 .LBB2_51-.Ltmp39, $3  }
0x195: {  	_ =	sdelay $0x1  }
0x196: {  	_ =	swait.ge [sflag:s16], $0x40  }
0x197: {  	[sflag:s16] =	ssyncset.done $0x0  }
.Ltmp40:
0x198: {  	_ = 	snop;
	(pc) =	sbr.rel .LBB2_52-.Ltmp40, $1  }
0x199: {  	_ =	sdelay $0x3  }
.LBB2_54:
0x19a: {  	s0 =	sshra.s32 s20, $0x1F  }
0x19b: {  	s0 =	sshrl.u32 s0, $0x1A  }
0x19c: {  	s0 =	sadd.s32 s0, s20  }
0x19d: {  	s0 =	sand.u32 $0xFFFFFFC0, s0  }
0x19e: {  	s0 =	ssub.s32 s20, s0  }
0x19f: {  	p1 =	slt.s32 s0, $0x1  }
.Ltmp41:
0x1a0: {  	_ = 	snop;
	(pc) =	sbr.rel @p1 .LBB2_58-.Ltmp41, $1  }
0x1a1: {  	_ =	sdelay $0x3  }
0x1a2: {  	p1 =	sne.s32 s0, $0x1  }
.Ltmp42:
0x1a3: {  	_ = 	snop;
	(pc) =	sbr.rel @!p1 .LBB2_57-.Ltmp42, $3  }
0x1a4: {  	_ =	sdelay $0x1  }
0x1a5: {  	_ =	swait.ge [sflag:s16], $0x40  }
0x1a6: {  	s0 =	sadd.s32 $0xFFFFFFFF, s0;
	[sflag:s16] =	ssyncset.done $0x0  }
.LBB2_56:
0x1a7: {  	p1 =	sne.s32 s0, $0x1;
	s0 =	sadd.s32 $0xFFFFFFFF, s0;
	[sflag:s16] =	ssyncadd.s32 $0xFFFFFFC0  }
.Ltmp43:
0x1a8: {  	(pc) =	sbr.rel @p1 .LBB2_56-.Ltmp43, $3  }
0x1a9: {  	_ =	sdelay $0x1  }
0x1aa: {  	_ =	swait.ge [sflag:s16], $0x40  }
0x1ab: {  	[sflag:s16] =	ssyncset.done $0x0  }
.LBB2_57:
0x1ac: {  	[sflag:s16] =	ssyncadd.s32 $0xFFFFFFC0  }
.LBB2_58:
.Ltmp44:
0x1ad: {  	(pc) =	sbr.rel @p0 .LBB2_65-.Ltmp44, $2  }
0x1ae: {  	_ =	sdelay $0x2  }
0x1af: {  	s20 =	simm.s32 $0x0  }
0x1b0: {  	p2 =	sne.s32 s25, $0x1  }
.Ltmp45:
0x1b1: {  	_ = 	snop;
	(pc) =	sbr.rel @!p2 .LBB2_60-.Ltmp45, $3  }
0x1b2: {  	_ =	sdelay $0x1  }
0x1b3: {  	s0 =	smin.u32 s9, $0x18680;
	s4 =	simm.s32 $0x19800  }
0x1b4: {  	v10 =	vmov s5;
	s1 =	simm.s32 $0x0;
	p1 =	por $0x0, $0x0;
	v11 =	vmov s0;
	v12 =	vld [tilespmem:s4+$0x0];
	s0 =	sadd.s32 $0xFFFFFFFF, s25  }
0x1b5: {  	_ =	sdelay $0x3  }
0x1b6: {  	v13 =	vand.u32 $0x1FFFF, v12  }
0x1b7: {  	vm0 =	vge.u32 v13, v10;
	vm1 =	vlt.u32 v13, v11  }
0x1b8: {  	vm0 =	vmand vm0, vm1  }
0x1b9: {  	v13 =	vmpcnt.ones.xlane vm0;
	_ =	sdelay $0x1  }
0x1ba: {  	(v2sf) =	vpush v13, $0x0  }
0x1bb: {  	p2 =	sne.s32 s0, $0x1  }
.Ltmp46:
0x1bc: {  	_ = 	snop;
	(pc) =	sbr.rel @!p2 .LBB2_62-.Ltmp46, $3  }
0x1bd: {  	_ =	sdelay $0x1  }
0x1be: {  	s5 =	simm.s32 $0x19810;
	[tilespmem:s1+$0x1A880] =	vst.msk vm0, v12  }
0x1bf: {  	s20 =	sadd.s32 $0xFFFFFFFF, s0;
	p1 =	por $0x1, $0x1;
	s0 =	simm.s32 $0x0;
	v12 =	vld [tilespmem:s5+$0x0]  }
.LBB2_63:
0x1c0: {  	p2 =	sne.s32 s20, $0x1;
	_ =	sdelay $0x3  }
0x1c1: {  	v13 =	vand.u32 $0x1FFFF, v12  }
0x1c2: {  	vm0 =	vge.u32 v13, v10;
	vm1 =	vlt.u32 v13, v11  }
0x1c3: {  	vm0 =	vmand vm0, vm1  }
0x1c4: {  	v13 =	vmpcnt.ones.xlane vm0  }
0x1c5: {  	s4 =	spop (v2sf)  }
0x1c6: {  	(v2sf) =	vpush v13, $0x0;
	s0 =	sadd.s32 s0, s4  }
0x1c7: {  	[tilespmem:s0+$0x1A880] =	vst.msk vm0, v12  }
.Ltmp47:
0x1c8: {  	(pc) =	sbr.rel @p2 .LBB2_63-.Ltmp47, $3  }
0x1c9: {  	_ =	sdelay $0x1  }
0x1ca: {  	s5 =	sadd.s32 $0x10, s5  }
0x1cb: {  	s20 =	sadd.s32 $0xFFFFFFFF, s20;
	v12 =	vld [tilespmem:s5+$0x0]  }
.LBB2_64:
0x1cc: {  	_ =	sdelay $0x3  }
0x1cd: {  	v13 =	vand.u32 $0x1FFFF, v12  }
0x1ce: {  	vm0 =	vge.u32 v13, v10;
	vm1 =	vlt.u32 v13, v11  }
0x1cf: {  	vm0 =	vmand vm0, vm1  }
0x1d0: {  	v10 =	vmpcnt.ones.xlane vm0;
	_ =	sdelay $0x1  }
0x1d1: {  	(v2sf) =	vpush v10, $0x0;
	_ =	sdelay $0xc  }
0x1d2: {  	s4 =	spop @p1 (v2sf)  }
0x1d3: {  	s0 =	sadd.s32 @p1 s0, s4  }
0x1d4: {  	s1 =	smov.u32 @p1 s0;
	s20 =	spop (v2sf)  }
0x1d5: {  	[tilespmem:s1+$0x1A880] =	vst.msk vm0, v12;
	s20 =	sadd.s32 s1, s20  }
.LBB2_65:
0x1d6: {  	p1 =	slt.s32 s20, $0x1  }
.Ltmp48:
0x1d7: {  	_ = 	snop;
	(pc) =	sbr.rel @p1 .LBB2_72-.Ltmp48, $4  }
0x1d8: {  	_ =	swait.ge [sflag:s14], $0x8000;
	s5 =	sor.u32 $0xA00, s28  }
0x1d9: {  	[sflag:s14] =	ssyncset.done $0x0;
	s1 =	smin.u32 s5, $0x18480  }
0x1da: {  	[sflag:s14] =	ssyncadd.s32 $0xFFFF8000;
	s0 =	sadd.s32 s1, s29  }
0x1db: {  	[tilespmem:s15], [sflag:$0x3] =	stream.strided.gather [hbm4b:s0+s12], $0x8000, s11, s12, $0x38;
	[tilespmem:$0x1C900] =	vst v63  }
.Ltmp49:
0x1dc: {  	(pc) =	sbr.rel .LBB2_67-.Ltmp49, $2  }
0x1dd: {  	_ =	sdelay $0x2  }
0x1de: {  	s0 =	simm.s32 $0x0  }
.LBB2_70:
0x1df: {  	[sflag:s16] =	ssyncadd.s32 $0xFFFFFFC0  }
.LBB2_71:
0x1e0: {  	s0 =	sadd.s32 $0x1, s0  }
0x1e1: {  	p1 =	sne.s32 s0, s20  }
.Ltmp50:
0x1e2: {  	_ = 	snop;
	(pc) =	sbr.rel @!p1 .LBB2_72-.Ltmp50, $1  }
0x1e3: {  	_ =	sdelay $0x3  }
.LBB2_67:
0x1e4: {  	v10 =	vld [tilespmem:s0+$0x1A880];
	_ =	sdelay $0x4  }
0x1e5: {  	(v2sf) =	vpush v10, $0x0;
	_ =	sdelay $0xe  }
0x1e6: {  	s4 =	spop (v2sf)  }
0x1e7: {  	s6 =	sand.u32 $0x1FFFF, s4  }
0x1e8: {  	s6 =	ssub.s32 s6, s30  }
0x1e9: {  	v10 =	vmov s6  }
0x1ea: {  	v11 =	vshll.u32 v10, $0x3  }
0x1eb: {  	v10 =	vand.u32 $0x7F, v10;
	v11 =	vand.u32 $0xFFFFFC00, v11  }
0x1ec: {  	v10 =	vor.u32 v10, v11  }
0x1ed: {  	v11 =	vadd.s32 v3, v10;
	_ =	sdelay $0x4  }
0x1ee: {  	v11 =	vld.idx.msk [tilespmem:v11+s12+$0x0], $0xffff  }
0x1ef: {  	v12 =	vadd.s32 v4, v10;
	_ =	sdelay $0x1  }
0x1f0: {  	s6 =	sand.u32 $0x3F, s0  }
0x1f1: {  	s7 =	sshll.u32 s6, $0x6  }
0x1f2: {  	[tilespmem:s7+$0x1B900] =	vst v11  }
0x1f3: {  	v11 =	vld.idx.msk [tilespmem:v12+s12+$0x0], $0xffff  }
0x1f4: {  	v63 =	vadd.s32 v5, v10;
	_ =	sdelay $0x3  }
0x1f5: {  	[tilespmem:s7+$0x1B910] =	vst v11  }
0x1f6: {  	v11 =	vld.idx.msk [tilespmem:v63+s12+$0x0], $0xffff  }
0x1f7: {  	v10 =	vadd.s32 v6, v10;
	_ =	sdelay $0x3  }
0x1f8: {  	[tilespmem:s7+$0x1B920] =	vst v11  }
0x1f9: {  	v10 =	vld.idx.msk [tilespmem:v10+s12+$0x0], $0xffff  }
0x1fa: {  	s4 =	sshrl.u32 s4, $0xB  }
0x1fb: {  	s4 =	sand.u32 $0x1FFFC0, s4;
	p1 =	sne.s32 s6, $0x3F  }
.Ltmp51:
0x1fc: {  	s4 =	sadd.s32 s24, s4;
	(pc) =	sbr.rel @p1 .LBB2_71-.Ltmp51, $4  }
0x1fd: {  	s4 =	sshrl.u32 s4, $0x3  }
0x1fe: {  	s10 =	sadd.s32 $0x1B900, s7;
	s4 =	sadd.s32 s2, s4;
	[tilespmem:s7+$0x1B930] =	vst v10  }
0x1ff: {  	[hbm4b:s4+s3] =	stream.linear.scatter [tilespmem:s10], [sflag:$0x4], $0x40, $0x38;
	[tilespmem:$0x1C900] =	vst v63  }
0x200: {  	s4 =	simm.s32 $0x40  }
0x201: {  	_ =	swait.ge [sflag:s16], $0x40  }
0x202: {  	s4 =	sadd.s32 $0xFFFFFFFF, s4;
	[sflag:s16] =	ssyncset.done $0x0  }
.LBB2_69:
0x203: {  	p1 =	sne.s32 s4, $0x1;
	s4 =	sadd.s32 $0xFFFFFFFF, s4;
	[sflag:s16] =	ssyncadd.s32 $0xFFFFFFC0  }
.Ltmp52:
0x204: {  	(pc) =	sbr.rel @p1 .LBB2_69-.Ltmp52, $3  }
0x205: {  	_ =	sdelay $0x1  }
0x206: {  	_ =	swait.ge [sflag:s16], $0x40  }
0x207: {  	[sflag:s16] =	ssyncset.done $0x0  }
.Ltmp53:
0x208: {  	_ = 	snop;
	(pc) =	sbr.rel .LBB2_70-.Ltmp53, $1  }
0x209: {  	_ =	sdelay $0x3  }
.LBB2_72:
0x20a: {  	s0 =	sshra.s32 s20, $0x1F  }
0x20b: {  	s0 =	sshrl.u32 s0, $0x1A  }
0x20c: {  	s0 =	sadd.s32 s0, s20  }
0x20d: {  	s0 =	sand.u32 $0xFFFFFFC0, s0  }
0x20e: {  	s0 =	ssub.s32 s20, s0  }
0x20f: {  	p1 =	slt.s32 s0, $0x1  }
.Ltmp54:
0x210: {  	_ = 	snop;
	(pc) =	sbr.rel @p1 .LBB2_76-.Ltmp54, $1  }
0x211: {  	_ =	sdelay $0x3  }
0x212: {  	p1 =	sne.s32 s0, $0x1  }
.Ltmp55:
0x213: {  	_ = 	snop;
	(pc) =	sbr.rel @!p1 .LBB2_75-.Ltmp55, $3  }
0x214: {  	_ =	sdelay $0x1  }
0x215: {  	_ =	swait.ge [sflag:s16], $0x40  }
0x216: {  	s0 =	sadd.s32 $0xFFFFFFFF, s0;
	[sflag:s16] =	ssyncset.done $0x0  }
.LBB2_74:
0x217: {  	p1 =	sne.s32 s0, $0x1;
	s0 =	sadd.s32 $0xFFFFFFFF, s0;
	[sflag:s16] =	ssyncadd.s32 $0xFFFFFFC0  }
.Ltmp56:
0x218: {  	(pc) =	sbr.rel @p1 .LBB2_74-.Ltmp56, $3  }
0x219: {  	_ =	sdelay $0x1  }
0x21a: {  	_ =	swait.ge [sflag:s16], $0x40  }
0x21b: {  	[sflag:s16] =	ssyncset.done $0x0  }
.LBB2_75:
0x21c: {  	[sflag:s16] =	ssyncadd.s32 $0xFFFFFFC0  }
.LBB2_76:
.Ltmp57:
0x21d: {  	(pc) =	sbr.rel @p0 .LBB2_83-.Ltmp57, $2  }
0x21e: {  	_ =	sdelay $0x2  }
0x21f: {  	s20 =	simm.s32 $0x0  }
0x220: {  	p2 =	sne.s32 s25, $0x1  }
.Ltmp58:
0x221: {  	_ = 	snop;
	(pc) =	sbr.rel @!p2 .LBB2_78-.Ltmp58, $3  }
0x222: {  	_ =	sdelay $0x1  }
0x223: {  	s0 =	smin.u32 s5, $0x18680;
	s4 =	simm.s32 $0x19800  }
0x224: {  	v10 =	vmov s9;
	s9 =	simm.s32 $0x0;
	p1 =	por $0x0, $0x0;
	v11 =	vmov s0;
	v12 =	vld [tilespmem:s4+$0x0];
	s0 =	sadd.s32 $0xFFFFFFFF, s25  }
0x225: {  	_ =	sdelay $0x3  }
0x226: {  	v13 =	vand.u32 $0x1FFFF, v12  }
0x227: {  	vm0 =	vge.u32 v13, v10;
	vm1 =	vlt.u32 v13, v11  }
0x228: {  	vm0 =	vmand vm0, vm1  }
0x229: {  	v13 =	vmpcnt.ones.xlane vm0;
	_ =	sdelay $0x1  }
0x22a: {  	(v2sf) =	vpush v13, $0x0  }
0x22b: {  	p2 =	sne.s32 s0, $0x1  }
.Ltmp59:
0x22c: {  	_ = 	snop;
	(pc) =	sbr.rel @!p2 .LBB2_80-.Ltmp59, $3  }
0x22d: {  	_ =	sdelay $0x1  }
0x22e: {  	s20 =	simm.s32 $0x19810;
	[tilespmem:s9+$0x1A880] =	vst.msk vm0, v12  }
0x22f: {  	s30 =	sadd.s32 $0xFFFFFFFF, s0;
	p1 =	por $0x1, $0x1;
	s0 =	simm.s32 $0x0;
	v12 =	vld [tilespmem:s20+$0x0]  }
.LBB2_81:
0x230: {  	p2 =	sne.s32 s30, $0x1;
	_ =	sdelay $0x3  }
0x231: {  	v13 =	vand.u32 $0x1FFFF, v12  }
0x232: {  	vm0 =	vge.u32 v13, v10;
	vm1 =	vlt.u32 v13, v11  }
0x233: {  	vm0 =	vmand vm0, vm1  }
0x234: {  	v13 =	vmpcnt.ones.xlane vm0  }
0x235: {  	s4 =	spop (v2sf)  }
0x236: {  	(v2sf) =	vpush v13, $0x0;
	s0 =	sadd.s32 s0, s4  }
0x237: {  	[tilespmem:s0+$0x1A880] =	vst.msk vm0, v12  }
.Ltmp60:
0x238: {  	(pc) =	sbr.rel @p2 .LBB2_81-.Ltmp60, $3  }
0x239: {  	_ =	sdelay $0x1  }
0x23a: {  	s20 =	sadd.s32 $0x10, s20  }
0x23b: {  	s30 =	sadd.s32 $0xFFFFFFFF, s30;
	v12 =	vld [tilespmem:s20+$0x0]  }
.LBB2_82:
0x23c: {  	_ =	sdelay $0x3  }
0x23d: {  	v13 =	vand.u32 $0x1FFFF, v12  }
0x23e: {  	vm0 =	vge.u32 v13, v10;
	vm1 =	vlt.u32 v13, v11  }
0x23f: {  	vm0 =	vmand vm0, vm1  }
0x240: {  	v10 =	vmpcnt.ones.xlane vm0;
	_ =	sdelay $0x1  }
0x241: {  	(v2sf) =	vpush v10, $0x0;
	_ =	sdelay $0xc  }
0x242: {  	s4 =	spop @p1 (v2sf)  }
0x243: {  	s0 =	sadd.s32 @p1 s0, s4  }
0x244: {  	s9 =	smov.u32 @p1 s0;
	s30 =	spop (v2sf)  }
0x245: {  	[tilespmem:s9+$0x1A880] =	vst.msk vm0, v12;
	s20 =	sadd.s32 s9, s30  }
.LBB2_83:
0x246: {  	p1 =	slt.s32 s20, $0x1  }
.Ltmp61:
0x247: {  	_ = 	snop;
	(pc) =	sbr.rel @p1 .LBB2_90-.Ltmp61, $4  }
0x248: {  	_ =	swait.ge [sflag:s17], $0x8000;
	s9 =	sor.u32 $0xC00, s28  }
0x249: {  	[sflag:s17] =	ssyncset.done $0x0;
	s30 =	smin.u32 s9, $0x18480  }
0x24a: {  	[sflag:s17] =	ssyncadd.s32 $0xFFFF8000;
	s0 =	sadd.s32 s30, s29  }
0x24b: {  	[tilespmem:s12], [sflag:$0x1] =	stream.strided.gather [hbm4b:s0+s12], $0x8000, s11, s12, $0x38;
	[tilespmem:$0x1C900] =	vst v63  }
.Ltmp62:
0x24c: {  	(pc) =	sbr.rel .LBB2_85-.Ltmp62, $2  }
0x24d: {  	_ =	sdelay $0x2  }
0x24e: {  	s0 =	simm.s32 $0x0  }
.LBB2_88:
0x24f: {  	[sflag:s16] =	ssyncadd.s32 $0xFFFFFFC0  }
.LBB2_89:
0x250: {  	s0 =	sadd.s32 $0x1, s0  }
0x251: {  	p1 =	sne.s32 s0, s20  }
.Ltmp63:
0x252: {  	_ = 	snop;
	(pc) =	sbr.rel @!p1 .LBB2_90-.Ltmp63, $1  }
0x253: {  	_ =	sdelay $0x3  }
.LBB2_85:
0x254: {  	v10 =	vld [tilespmem:s0+$0x1A880];
	_ =	sdelay $0x4  }
0x255: {  	(v2sf) =	vpush v10, $0x0;
	_ =	sdelay $0xe  }
0x256: {  	s4 =	spop (v2sf)  }
0x257: {  	s6 =	sand.u32 $0x1FFFF, s4  }
0x258: {  	s6 =	ssub.s32 s6, s31  }
0x259: {  	v10 =	vmov s6  }
0x25a: {  	v11 =	vshll.u32 v10, $0x3  }
0x25b: {  	v10 =	vand.u32 $0x7F, v10;
	v11 =	vand.u32 $0xFFFFFC00, v11  }
0x25c: {  	v10 =	vor.u32 v10, v11  }
0x25d: {  	v11 =	vadd.s32 v3, v10;
	_ =	sdelay $0x4  }
0x25e: {  	v11 =	vld.idx.msk [tilespmem:v11+s13+$0x0], $0xffff  }
0x25f: {  	v12 =	vadd.s32 v4, v10;
	_ =	sdelay $0x1  }
0x260: {  	s6 =	sand.u32 $0x3F, s0  }
0x261: {  	s7 =	sshll.u32 s6, $0x6  }
0x262: {  	[tilespmem:s7+$0x1B900] =	vst v11  }
0x263: {  	v11 =	vld.idx.msk [tilespmem:v12+s13+$0x0], $0xffff  }
0x264: {  	v63 =	vadd.s32 v5, v10;
	_ =	sdelay $0x3  }
0x265: {  	[tilespmem:s7+$0x1B910] =	vst v11  }
0x266: {  	v11 =	vld.idx.msk [tilespmem:v63+s13+$0x0], $0xffff  }
0x267: {  	v10 =	vadd.s32 v6, v10;
	_ =	sdelay $0x3  }
0x268: {  	[tilespmem:s7+$0x1B920] =	vst v11  }
0x269: {  	v10 =	vld.idx.msk [tilespmem:v10+s13+$0x0], $0xffff  }
0x26a: {  	s4 =	sshrl.u32 s4, $0xB  }
0x26b: {  	s4 =	sand.u32 $0x1FFFC0, s4;
	p1 =	sne.s32 s6, $0x3F  }
.Ltmp64:
0x26c: {  	s4 =	sadd.s32 s24, s4;
	(pc) =	sbr.rel @p1 .LBB2_89-.Ltmp64, $4  }
0x26d: {  	s4 =	sshrl.u32 s4, $0x3  }
0x26e: {  	s10 =	sadd.s32 $0x1B900, s7;
	s4 =	sadd.s32 s2, s4;
	[tilespmem:s7+$0x1B930] =	vst v10  }
0x26f: {  	[hbm4b:s4+s3] =	stream.linear.scatter [tilespmem:s10], [sflag:$0x4], $0x40, $0x38;
	[tilespmem:$0x1C900] =	vst v63  }
0x270: {  	s4 =	simm.s32 $0x40  }
0x271: {  	_ =	swait.ge [sflag:s16], $0x40  }
0x272: {  	s4 =	sadd.s32 $0xFFFFFFFF, s4;
	[sflag:s16] =	ssyncset.done $0x0  }
.LBB2_87:
0x273: {  	p1 =	sne.s32 s4, $0x1;
	s4 =	sadd.s32 $0xFFFFFFFF, s4;
	[sflag:s16] =	ssyncadd.s32 $0xFFFFFFC0  }
.Ltmp65:
0x274: {  	(pc) =	sbr.rel @p1 .LBB2_87-.Ltmp65, $3  }
0x275: {  	_ =	sdelay $0x1  }
0x276: {  	_ =	swait.ge [sflag:s16], $0x40  }
0x277: {  	[sflag:s16] =	ssyncset.done $0x0  }
.Ltmp66:
0x278: {  	_ = 	snop;
	(pc) =	sbr.rel .LBB2_88-.Ltmp66, $1  }
0x279: {  	_ =	sdelay $0x3  }
.LBB2_90:
0x27a: {  	s0 =	sshra.s32 s20, $0x1F  }
0x27b: {  	s0 =	sshrl.u32 s0, $0x1A  }
0x27c: {  	s0 =	sadd.s32 s0, s20  }
0x27d: {  	s0 =	sand.u32 $0xFFFFFFC0, s0  }
0x27e: {  	s0 =	ssub.s32 s20, s0  }
0x27f: {  	p1 =	slt.s32 s0, $0x1  }
.Ltmp67:
0x280: {  	_ = 	snop;
	(pc) =	sbr.rel @p1 .LBB2_94-.Ltmp67, $1  }
0x281: {  	_ =	sdelay $0x3  }
0x282: {  	p1 =	sne.s32 s0, $0x1  }
.Ltmp68:
0x283: {  	_ = 	snop;
	(pc) =	sbr.rel @!p1 .LBB2_93-.Ltmp68, $3  }
0x284: {  	_ =	sdelay $0x1  }
0x285: {  	_ =	swait.ge [sflag:s16], $0x40  }
0x286: {  	s0 =	sadd.s32 $0xFFFFFFFF, s0;
	[sflag:s16] =	ssyncset.done $0x0  }
.LBB2_92:
0x287: {  	p1 =	sne.s32 s0, $0x1;
	s0 =	sadd.s32 $0xFFFFFFFF, s0;
	[sflag:s16] =	ssyncadd.s32 $0xFFFFFFC0  }
.Ltmp69:
0x288: {  	(pc) =	sbr.rel @p1 .LBB2_92-.Ltmp69, $3  }
0x289: {  	_ =	sdelay $0x1  }
0x28a: {  	_ =	swait.ge [sflag:s16], $0x40  }
0x28b: {  	[sflag:s16] =	ssyncset.done $0x0  }
.LBB2_93:
0x28c: {  	[sflag:s16] =	ssyncadd.s32 $0xFFFFFFC0  }
.LBB2_94:
.Ltmp70:
0x28d: {  	(pc) =	sbr.rel @p0 .LBB2_101-.Ltmp70, $2  }
0x28e: {  	_ =	sdelay $0x2  }
0x28f: {  	s20 =	simm.s32 $0x0  }
0x290: {  	p2 =	sne.s32 s25, $0x1  }
.Ltmp71:
0x291: {  	_ = 	snop;
	(pc) =	sbr.rel @!p2 .LBB2_96-.Ltmp71, $3  }
0x292: {  	_ =	sdelay $0x1  }
0x293: {  	s0 =	smin.u32 s9, $0x18680;
	s4 =	simm.s32 $0x19800  }
0x294: {  	v10 =	vmov s5;
	s5 =	simm.s32 $0x0;
	p1 =	por $0x0, $0x0;
	v11 =	vmov s0;
	v12 =	vld [tilespmem:s4+$0x0];
	s0 =	sadd.s32 $0xFFFFFFFF, s25  }
0x295: {  	_ =	sdelay $0x3  }
0x296: {  	v13 =	vand.u32 $0x1FFFF, v12  }
0x297: {  	vm0 =	vge.u32 v13, v10;
	vm1 =	vlt.u32 v13, v11  }
0x298: {  	vm0 =	vmand vm0, vm1  }
0x299: {  	v13 =	vmpcnt.ones.xlane vm0;
	_ =	sdelay $0x1  }
0x29a: {  	(v2sf) =	vpush v13, $0x0  }
0x29b: {  	p2 =	sne.s32 s0, $0x1  }
.Ltmp72:
0x29c: {  	_ = 	snop;
	(pc) =	sbr.rel @!p2 .LBB2_98-.Ltmp72, $3  }
0x29d: {  	_ =	sdelay $0x1  }
0x29e: {  	s20 =	simm.s32 $0x19810;
	[tilespmem:s5+$0x1A880] =	vst.msk vm0, v12  }
0x29f: {  	s31 =	sadd.s32 $0xFFFFFFFF, s0;
	p1 =	por $0x1, $0x1;
	s0 =	simm.s32 $0x0;
	v12 =	vld [tilespmem:s20+$0x0]  }
.LBB2_99:
0x2a0: {  	p2 =	sne.s32 s31, $0x1;
	_ =	sdelay $0x3  }
0x2a1: {  	v13 =	vand.u32 $0x1FFFF, v12  }
0x2a2: {  	vm0 =	vge.u32 v13, v10;
	vm1 =	vlt.u32 v13, v11  }
0x2a3: {  	vm0 =	vmand vm0, vm1  }
0x2a4: {  	v13 =	vmpcnt.ones.xlane vm0  }
0x2a5: {  	s4 =	spop (v2sf)  }
0x2a6: {  	(v2sf) =	vpush v13, $0x0;
	s0 =	sadd.s32 s0, s4  }
0x2a7: {  	[tilespmem:s0+$0x1A880] =	vst.msk vm0, v12  }
.Ltmp73:
0x2a8: {  	(pc) =	sbr.rel @p2 .LBB2_99-.Ltmp73, $3  }
0x2a9: {  	_ =	sdelay $0x1  }
0x2aa: {  	s20 =	sadd.s32 $0x10, s20  }
0x2ab: {  	s31 =	sadd.s32 $0xFFFFFFFF, s31;
	v12 =	vld [tilespmem:s20+$0x0]  }
.LBB2_100:
0x2ac: {  	_ =	sdelay $0x3  }
0x2ad: {  	v13 =	vand.u32 $0x1FFFF, v12  }
0x2ae: {  	vm0 =	vge.u32 v13, v10;
	vm1 =	vlt.u32 v13, v11  }
0x2af: {  	vm0 =	vmand vm0, vm1  }
0x2b0: {  	v10 =	vmpcnt.ones.xlane vm0;
	_ =	sdelay $0x1  }
0x2b1: {  	(v2sf) =	vpush v10, $0x0;
	_ =	sdelay $0xc  }
0x2b2: {  	s4 =	spop @p1 (v2sf)  }
0x2b3: {  	s0 =	sadd.s32 @p1 s0, s4  }
0x2b4: {  	s5 =	smov.u32 @p1 s0;
	s31 =	spop (v2sf)  }
0x2b5: {  	[tilespmem:s5+$0x1A880] =	vst.msk vm0, v12;
	s20 =	sadd.s32 s5, s31  }
.LBB2_101:
0x2b6: {  	p1 =	slt.s32 s20, $0x1  }
.Ltmp74:
0x2b7: {  	_ = 	snop;
	(pc) =	sbr.rel @p1 .LBB2_108-.Ltmp74, $4  }
0x2b8: {  	_ =	swait.ge [sflag:s18], $0x8000;
	s5 =	sor.u32 $0xE00, s28  }
0x2b9: {  	[sflag:s18] =	ssyncset.done $0x0;
	s31 =	smin.u32 s5, $0x18480  }
0x2ba: {  	[sflag:s18] =	ssyncadd.s32 $0xFFFF8000;
	s0 =	sadd.s32 s31, s29  }
0x2bb: {  	[tilespmem:s13], [sflag:$0x2] =	stream.strided.gather [hbm4b:s0+s12], $0x8000, s11, s12, $0x38;
	[tilespmem:$0x1C900] =	vst v63  }
.Ltmp75:
0x2bc: {  	(pc) =	sbr.rel .LBB2_103-.Ltmp75, $2  }
0x2bd: {  	_ =	sdelay $0x2  }
0x2be: {  	s0 =	simm.s32 $0x0  }
.LBB2_106:
0x2bf: {  	[sflag:s16] =	ssyncadd.s32 $0xFFFFFFC0  }
.LBB2_107:
0x2c0: {  	s0 =	sadd.s32 $0x1, s0  }
0x2c1: {  	p1 =	sne.s32 s0, s20  }
.Ltmp76:
0x2c2: {  	_ = 	snop;
	(pc) =	sbr.rel @!p1 .LBB2_108-.Ltmp76, $1  }
0x2c3: {  	_ =	sdelay $0x3  }
.LBB2_103:
0x2c4: {  	v10 =	vld [tilespmem:s0+$0x1A880];
	_ =	sdelay $0x4  }
0x2c5: {  	(v2sf) =	vpush v10, $0x0;
	_ =	sdelay $0xe  }
0x2c6: {  	s4 =	spop (v2sf)  }
0x2c7: {  	s6 =	sand.u32 $0x1FFFF, s4  }
0x2c8: {  	s6 =	ssub.s32 s6, s1  }
0x2c9: {  	v10 =	vmov s6  }
0x2ca: {  	v11 =	vshll.u32 v10, $0x3  }
0x2cb: {  	v10 =	vand.u32 $0x7F, v10;
	v11 =	vand.u32 $0xFFFFFC00, v11  }
0x2cc: {  	v10 =	vor.u32 v10, v11  }
0x2cd: {  	v11 =	vadd.s32 v3, v10;
	_ =	sdelay $0x4  }
0x2ce: {  	v11 =	vld.idx.msk [tilespmem:v11+s15+$0x0], $0xffff  }
0x2cf: {  	v12 =	vadd.s32 v4, v10;
	_ =	sdelay $0x1  }
0x2d0: {  	s29 =	sand.u32 $0x3F, s0  }
0x2d1: {  	s7 =	sshll.u32 s29, $0x6  }
0x2d2: {  	[tilespmem:s7+$0x1B900] =	vst v11  }
0x2d3: {  	v11 =	vld.idx.msk [tilespmem:v12+s15+$0x0], $0xffff  }
0x2d4: {  	v63 =	vadd.s32 v5, v10;
	_ =	sdelay $0x3  }
0x2d5: {  	[tilespmem:s7+$0x1B910] =	vst v11  }
0x2d6: {  	v11 =	vld.idx.msk [tilespmem:v63+s15+$0x0], $0xffff  }
0x2d7: {  	v10 =	vadd.s32 v6, v10;
	_ =	sdelay $0x3  }
0x2d8: {  	[tilespmem:s7+$0x1B920] =	vst v11  }
0x2d9: {  	v10 =	vld.idx.msk [tilespmem:v10+s15+$0x0], $0xffff  }
0x2da: {  	s4 =	sshrl.u32 s4, $0xB  }
0x2db: {  	p1 =	sne.s32 s29, $0x3F;
	s4 =	sand.u32 $0x1FFFC0, s4  }
.Ltmp77:
0x2dc: {  	s4 =	sadd.s32 s24, s4;
	(pc) =	sbr.rel @p1 .LBB2_107-.Ltmp77, $4  }
0x2dd: {  	s4 =	sshrl.u32 s4, $0x3  }
0x2de: {  	s10 =	sadd.s32 $0x1B900, s7;
	s4 =	sadd.s32 s2, s4;
	[tilespmem:s7+$0x1B930] =	vst v10  }
0x2df: {  	[hbm4b:s4+s3] =	stream.linear.scatter [tilespmem:s10], [sflag:$0x4], $0x40, $0x38;
	[tilespmem:$0x1C900] =	vst v63  }
0x2e0: {  	s4 =	simm.s32 $0x40  }
0x2e1: {  	_ =	swait.ge [sflag:s16], $0x40  }
0x2e2: {  	s4 =	sadd.s32 $0xFFFFFFFF, s4;
	[sflag:s16] =	ssyncset.done $0x0  }
.LBB2_105:
0x2e3: {  	p1 =	sne.s32 s4, $0x1;
	s4 =	sadd.s32 $0xFFFFFFFF, s4;
	[sflag:s16] =	ssyncadd.s32 $0xFFFFFFC0  }
.Ltmp78:
0x2e4: {  	(pc) =	sbr.rel @p1 .LBB2_105-.Ltmp78, $3  }
0x2e5: {  	_ =	sdelay $0x1  }
0x2e6: {  	_ =	swait.ge [sflag:s16], $0x40  }
0x2e7: {  	[sflag:s16] =	ssyncset.done $0x0  }
.Ltmp79:
0x2e8: {  	_ = 	snop;
	(pc) =	sbr.rel .LBB2_106-.Ltmp79, $1  }
0x2e9: {  	_ =	sdelay $0x3  }
.LBB2_108:
0x2ea: {  	s0 =	sshra.s32 s20, $0x1F  }
0x2eb: {  	s0 =	sshrl.u32 s0, $0x1A  }
0x2ec: {  	s0 =	sadd.s32 s0, s20  }
0x2ed: {  	s0 =	sand.u32 $0xFFFFFFC0, s0  }
0x2ee: {  	s0 =	ssub.s32 s20, s0  }
0x2ef: {  	p1 =	slt.s32 s0, $0x1  }
.Ltmp80:
0x2f0: {  	_ = 	snop;
	(pc) =	sbr.rel @p1 .LBB2_112-.Ltmp80, $1  }
0x2f1: {  	_ =	sdelay $0x3  }
0x2f2: {  	p1 =	sne.s32 s0, $0x1  }
.Ltmp81:
0x2f3: {  	_ = 	snop;
	(pc) =	sbr.rel @!p1 .LBB2_111-.Ltmp81, $3  }
0x2f4: {  	_ =	sdelay $0x1  }
0x2f5: {  	_ =	swait.ge [sflag:s16], $0x40  }
0x2f6: {  	s0 =	sadd.s32 $0xFFFFFFFF, s0;
	[sflag:s16] =	ssyncset.done $0x0  }
.LBB2_110:
0x2f7: {  	p1 =	sne.s32 s0, $0x1;
	s0 =	sadd.s32 $0xFFFFFFFF, s0;
	[sflag:s16] =	ssyncadd.s32 $0xFFFFFFC0  }
.Ltmp82:
0x2f8: {  	(pc) =	sbr.rel @p1 .LBB2_110-.Ltmp82, $3  }
0x2f9: {  	_ =	sdelay $0x1  }
0x2fa: {  	_ =	swait.ge [sflag:s16], $0x40  }
0x2fb: {  	[sflag:s16] =	ssyncset.done $0x0  }
.LBB2_111:
0x2fc: {  	[sflag:s16] =	ssyncadd.s32 $0xFFFFFFC0  }
.LBB2_112:
.Ltmp83:
0x2fd: {  	(pc) =	sbr.rel @p0 .LBB2_119-.Ltmp83, $2  }
0x2fe: {  	_ =	sdelay $0x2  }
0x2ff: {  	s1 =	simm.s32 $0x0  }
0x300: {  	p2 =	sne.s32 s25, $0x1  }
.Ltmp84:
0x301: {  	_ = 	snop;
	(pc) =	sbr.rel @!p2 .LBB2_114-.Ltmp84, $3  }
0x302: {  	_ =	sdelay $0x1  }
0x303: {  	s0 =	smin.u32 s5, $0x18680;
	s4 =	simm.s32 $0x19800  }
0x304: {  	v10 =	vmov s9;
	s1 =	simm.s32 $0x0;
	p1 =	por $0x0, $0x0;
	v11 =	vmov s0;
	v12 =	vld [tilespmem:s4+$0x0];
	s0 =	sadd.s32 $0xFFFFFFFF, s25  }
0x305: {  	_ =	sdelay $0x3  }
0x306: {  	v13 =	vand.u32 $0x1FFFF, v12  }
0x307: {  	vm0 =	vge.u32 v13, v10;
	vm1 =	vlt.u32 v13, v11  }
0x308: {  	vm0 =	vmand vm0, vm1  }
0x309: {  	v13 =	vmpcnt.ones.xlane vm0;
	_ =	sdelay $0x1  }
0x30a: {  	(v2sf) =	vpush v13, $0x0  }
0x30b: {  	p2 =	sne.s32 s0, $0x1  }
.Ltmp85:
0x30c: {  	_ = 	snop;
	(pc) =	sbr.rel @!p2 .LBB2_116-.Ltmp85, $3  }
0x30d: {  	_ =	sdelay $0x1  }
0x30e: {  	s9 =	simm.s32 $0x19810;
	[tilespmem:s1+$0x1A880] =	vst.msk vm0, v12  }
0x30f: {  	s20 =	sadd.s32 $0xFFFFFFFF, s0;
	p1 =	por $0x1, $0x1;
	s0 =	simm.s32 $0x0;
	v12 =	vld [tilespmem:s9+$0x0]  }
.LBB2_117:
0x310: {  	p2 =	sne.s32 s20, $0x1;
	_ =	sdelay $0x3  }
0x311: {  	v13 =	vand.u32 $0x1FFFF, v12  }
0x312: {  	vm0 =	vge.u32 v13, v10;
	vm1 =	vlt.u32 v13, v11  }
0x313: {  	vm0 =	vmand vm0, vm1  }
0x314: {  	v13 =	vmpcnt.ones.xlane vm0  }
0x315: {  	s4 =	spop (v2sf)  }
0x316: {  	(v2sf) =	vpush v13, $0x0;
	s0 =	sadd.s32 s0, s4  }
0x317: {  	[tilespmem:s0+$0x1A880] =	vst.msk vm0, v12  }
.Ltmp86:
0x318: {  	(pc) =	sbr.rel @p2 .LBB2_117-.Ltmp86, $3  }
0x319: {  	_ =	sdelay $0x1  }
0x31a: {  	s9 =	sadd.s32 $0x10, s9  }
0x31b: {  	s20 =	sadd.s32 $0xFFFFFFFF, s20;
	v12 =	vld [tilespmem:s9+$0x0]  }
.LBB2_118:
0x31c: {  	_ =	sdelay $0x3  }
0x31d: {  	v13 =	vand.u32 $0x1FFFF, v12  }
0x31e: {  	vm0 =	vge.u32 v13, v10;
	vm1 =	vlt.u32 v13, v11  }
0x31f: {  	vm0 =	vmand vm0, vm1  }
0x320: {  	v10 =	vmpcnt.ones.xlane vm0;
	_ =	sdelay $0x1  }
0x321: {  	(v2sf) =	vpush v10, $0x0;
	_ =	sdelay $0xc  }
0x322: {  	s4 =	spop @p1 (v2sf)  }
0x323: {  	s0 =	sadd.s32 @p1 s0, s4  }
0x324: {  	s1 =	smov.u32 @p1 s0;
	s29 =	spop (v2sf)  }
0x325: {  	[tilespmem:s1+$0x1A880] =	vst.msk vm0, v12;
	s1 =	sadd.s32 s1, s29  }
.LBB2_119:
0x326: {  	p1 =	slt.s32 s1, $0x1  }
.Ltmp87:
0x327: {  	_ = 	snop;
	(pc) =	sbr.rel @p1 .LBB2_126-.Ltmp87, $4  }
0x328: {  	_ = 	snop  }
0x329: {  	_ =	swait.ge [sflag:s14], $0x8000  }
0x32a: {  	[sflag:s14] =	ssyncset.done $0x0  }
0x32b: {  	[sflag:s14] =	ssyncadd.s32 $0xFFFF8000  }
.Ltmp88:
0x32c: {  	(pc) =	sbr.rel .LBB2_121-.Ltmp88, $2  }
0x32d: {  	_ =	sdelay $0x2  }
0x32e: {  	s0 =	simm.s32 $0x0  }
.LBB2_124:
0x32f: {  	[sflag:s16] =	ssyncadd.s32 $0xFFFFFFC0  }
.LBB2_125:
0x330: {  	s0 =	sadd.s32 $0x1, s0  }
0x331: {  	p1 =	sne.s32 s0, s1  }
.Ltmp89:
0x332: {  	_ = 	snop;
	(pc) =	sbr.rel @!p1 .LBB2_126-.Ltmp89, $1  }
0x333: {  	_ =	sdelay $0x3  }
.LBB2_121:
0x334: {  	v10 =	vld [tilespmem:s0+$0x1A880];
	_ =	sdelay $0x4  }
0x335: {  	(v2sf) =	vpush v10, $0x0;
	_ =	sdelay $0xe  }
0x336: {  	s4 =	spop (v2sf)  }
0x337: {  	s6 =	sand.u32 $0x1FFFF, s4  }
0x338: {  	s6 =	ssub.s32 s6, s30  }
0x339: {  	v10 =	vmov s6  }
0x33a: {  	v11 =	vshll.u32 v10, $0x3  }
0x33b: {  	v10 =	vand.u32 $0x7F, v10;
	v11 =	vand.u32 $0xFFFFFC00, v11  }
0x33c: {  	v10 =	vor.u32 v10, v11  }
0x33d: {  	v11 =	vadd.s32 v3, v10;
	_ =	sdelay $0x4  }
0x33e: {  	v11 =	vld.idx.msk [tilespmem:v11+s12+$0x0], $0xffff  }
0x33f: {  	v12 =	vadd.s32 v4, v10;
	_ =	sdelay $0x1  }
0x340: {  	s29 =	sand.u32 $0x3F, s0  }
0x341: {  	s7 =	sshll.u32 s29, $0x6  }
0x342: {  	[tilespmem:s7+$0x1B900] =	vst v11  }
0x343: {  	v11 =	vld.idx.msk [tilespmem:v12+s12+$0x0], $0xffff  }
0x344: {  	v63 =	vadd.s32 v5, v10;
	_ =	sdelay $0x3  }
0x345: {  	[tilespmem:s7+$0x1B910] =	vst v11  }
0x346: {  	v11 =	vld.idx.msk [tilespmem:v63+s12+$0x0], $0xffff  }
0x347: {  	v10 =	vadd.s32 v6, v10;
	_ =	sdelay $0x3  }
0x348: {  	[tilespmem:s7+$0x1B920] =	vst v11  }
0x349: {  	v10 =	vld.idx.msk [tilespmem:v10+s12+$0x0], $0xffff  }
0x34a: {  	s4 =	sshrl.u32 s4, $0xB  }
0x34b: {  	p1 =	sne.s32 s29, $0x3F;
	s4 =	sand.u32 $0x1FFFC0, s4  }
.Ltmp90:
0x34c: {  	s4 =	sadd.s32 s24, s4;
	(pc) =	sbr.rel @p1 .LBB2_125-.Ltmp90, $4  }
0x34d: {  	s4 =	sshrl.u32 s4, $0x3  }
0x34e: {  	s9 =	sadd.s32 $0x1B900, s7;
	s4 =	sadd.s32 s2, s4;
	[tilespmem:s7+$0x1B930] =	vst v10  }
0x34f: {  	[hbm4b:s4+s3] =	stream.linear.scatter [tilespmem:s9], [sflag:$0x4], $0x40, $0x38;
	[tilespmem:$0x1C900] =	vst v63  }
0x350: {  	s4 =	simm.s32 $0x40  }
0x351: {  	_ =	swait.ge [sflag:s16], $0x40  }
0x352: {  	s4 =	sadd.s32 $0xFFFFFFFF, s4;
	[sflag:s16] =	ssyncset.done $0x0  }
.LBB2_123:
0x353: {  	p1 =	sne.s32 s4, $0x1;
	s4 =	sadd.s32 $0xFFFFFFFF, s4;
	[sflag:s16] =	ssyncadd.s32 $0xFFFFFFC0  }
.Ltmp91:
0x354: {  	(pc) =	sbr.rel @p1 .LBB2_123-.Ltmp91, $3  }
0x355: {  	_ =	sdelay $0x1  }
0x356: {  	_ =	swait.ge [sflag:s16], $0x40  }
0x357: {  	[sflag:s16] =	ssyncset.done $0x0  }
.Ltmp92:
0x358: {  	_ = 	snop;
	(pc) =	sbr.rel .LBB2_124-.Ltmp92, $1  }
0x359: {  	_ =	sdelay $0x3  }
.LBB2_126:
0x35a: {  	s0 =	sshra.s32 s1, $0x1F  }
0x35b: {  	s0 =	sshrl.u32 s0, $0x1A  }
0x35c: {  	s0 =	sadd.s32 s0, s1  }
0x35d: {  	s0 =	sand.u32 $0xFFFFFFC0, s0  }
0x35e: {  	s0 =	ssub.s32 s1, s0  }
0x35f: {  	p1 =	slt.s32 s0, $0x1  }
.Ltmp93:
0x360: {  	_ = 	snop;
	(pc) =	sbr.rel @p1 .LBB2_130-.Ltmp93, $1  }
0x361: {  	_ =	sdelay $0x3  }
0x362: {  	p1 =	sne.s32 s0, $0x1  }
.Ltmp94:
0x363: {  	_ = 	snop;
	(pc) =	sbr.rel @!p1 .LBB2_129-.Ltmp94, $3  }
0x364: {  	_ =	sdelay $0x1  }
0x365: {  	_ =	swait.ge [sflag:s16], $0x40  }
0x366: {  	s0 =	sadd.s32 $0xFFFFFFFF, s0;
	[sflag:s16] =	ssyncset.done $0x0  }
.LBB2_128:
0x367: {  	p1 =	sne.s32 s0, $0x1;
	s0 =	sadd.s32 $0xFFFFFFFF, s0;
	[sflag:s16] =	ssyncadd.s32 $0xFFFFFFC0  }
.Ltmp95:
0x368: {  	(pc) =	sbr.rel @p1 .LBB2_128-.Ltmp95, $3  }
0x369: {  	_ =	sdelay $0x1  }
0x36a: {  	_ =	swait.ge [sflag:s16], $0x40  }
0x36b: {  	[sflag:s16] =	ssyncset.done $0x0  }
.LBB2_129:
0x36c: {  	[sflag:s16] =	ssyncadd.s32 $0xFFFFFFC0  }
.LBB2_130:
.Ltmp96:
0x36d: {  	(pc) =	sbr.rel @p0 .LBB2_137-.Ltmp96, $2  }
0x36e: {  	_ =	sdelay $0x2  }
0x36f: {  	s1 =	simm.s32 $0x0  }
0x370: {  	p1 =	sne.s32 s25, $0x1  }
.Ltmp97:
0x371: {  	_ = 	snop;
	(pc) =	sbr.rel @!p1 .LBB2_132-.Ltmp97, $4  }
0x372: {  	_ = 	snop  }
0x373: {  	s0 =	smin.u32 s28, $0x17680  }
0x374: {  	s4 =	simm.s32 $0x19800;
	s0 =	sadd.s32 $0x1000, s0  }
0x375: {  	v10 =	vmov s5;
	s1 =	simm.s32 $0x0;
	p0 =	por $0x0, $0x0;
	v12 =	vld [tilespmem:s4+$0x0];
	v11 =	vmov s0;
	s0 =	sadd.s32 $0xFFFFFFFF, s25  }
0x376: {  	_ =	sdelay $0x3  }
0x377: {  	v13 =	vand.u32 $0x1FFFF, v12  }
0x378: {  	vm0 =	vge.u32 v13, v10;
	vm1 =	vlt.u32 v13, v11  }
0x379: {  	vm0 =	vmand vm0, vm1  }
0x37a: {  	v13 =	vmpcnt.ones.xlane vm0;
	_ =	sdelay $0x1  }
0x37b: {  	(v2sf) =	vpush v13, $0x0  }
0x37c: {  	p1 =	sne.s32 s0, $0x1  }
.Ltmp98:
0x37d: {  	_ = 	snop;
	(pc) =	sbr.rel @!p1 .LBB2_134-.Ltmp98, $3  }
0x37e: {  	_ =	sdelay $0x1  }
0x37f: {  	s5 =	simm.s32 $0x19810;
	[tilespmem:s1+$0x1A880] =	vst.msk vm0, v12  }
0x380: {  	s9 =	sadd.s32 $0xFFFFFFFF, s0;
	p0 =	por $0x1, $0x1;
	s0 =	simm.s32 $0x0;
	v12 =	vld [tilespmem:s5+$0x0]  }
.LBB2_135:
0x381: {  	p1 =	sne.s32 s9, $0x1;
	_ =	sdelay $0x3  }
0x382: {  	v13 =	vand.u32 $0x1FFFF, v12  }
0x383: {  	vm0 =	vge.u32 v13, v10;
	vm1 =	vlt.u32 v13, v11  }
0x384: {  	vm0 =	vmand vm0, vm1  }
0x385: {  	v13 =	vmpcnt.ones.xlane vm0  }
0x386: {  	s4 =	spop (v2sf)  }
0x387: {  	(v2sf) =	vpush v13, $0x0;
	s0 =	sadd.s32 s0, s4  }
0x388: {  	[tilespmem:s0+$0x1A880] =	vst.msk vm0, v12  }
.Ltmp99:
0x389: {  	(pc) =	sbr.rel @p1 .LBB2_135-.Ltmp99, $3  }
0x38a: {  	_ =	sdelay $0x1  }
0x38b: {  	s5 =	sadd.s32 $0x10, s5  }
0x38c: {  	s9 =	sadd.s32 $0xFFFFFFFF, s9;
	v12 =	vld [tilespmem:s5+$0x0]  }
.LBB2_136:
0x38d: {  	_ =	sdelay $0x3  }
0x38e: {  	v13 =	vand.u32 $0x1FFFF, v12  }
0x38f: {  	vm0 =	vge.u32 v13, v10;
	vm1 =	vlt.u32 v13, v11  }
0x390: {  	vm0 =	vmand vm0, vm1  }
0x391: {  	v10 =	vmpcnt.ones.xlane vm0;
	_ =	sdelay $0x1  }
0x392: {  	(v2sf) =	vpush v10, $0x0;
	_ =	sdelay $0xc  }
0x393: {  	s4 =	spop @p0 (v2sf)  }
0x394: {  	s0 =	sadd.s32 @p0 s0, s4  }
0x395: {  	s1 =	smov.u32 @p0 s0;
	s30 =	spop (v2sf)  }
0x396: {  	[tilespmem:s1+$0x1A880] =	vst.msk vm0, v12;
	s1 =	sadd.s32 s1, s30  }
.LBB2_137:
0x397: {  	p0 =	slt.s32 s1, $0x1  }
.Ltmp100:
0x398: {  	_ = 	snop;
	(pc) =	sbr.rel @p0 .LBB2_144-.Ltmp100, $4  }
0x399: {  	_ = 	snop  }
0x39a: {  	_ =	swait.ge [sflag:s17], $0x8000  }
0x39b: {  	[sflag:s17] =	ssyncset.done $0x0  }
0x39c: {  	[sflag:s17] =	ssyncadd.s32 $0xFFFF8000  }
.Ltmp101:
0x39d: {  	(pc) =	sbr.rel .LBB2_139-.Ltmp101, $2  }
0x39e: {  	_ =	sdelay $0x2  }
0x39f: {  	s0 =	simm.s32 $0x0  }
.LBB2_142:
0x3a0: {  	[sflag:s16] =	ssyncadd.s32 $0xFFFFFFC0  }
.LBB2_143:
0x3a1: {  	s0 =	sadd.s32 $0x1, s0  }
0x3a2: {  	p0 =	sne.s32 s0, s1  }
.Ltmp102:
0x3a3: {  	_ = 	snop;
	(pc) =	sbr.rel @!p0 .LBB2_144-.Ltmp102, $1  }
0x3a4: {  	_ =	sdelay $0x3  }
.LBB2_139:
0x3a5: {  	v10 =	vld [tilespmem:s0+$0x1A880];
	_ =	sdelay $0x4  }
0x3a6: {  	(v2sf) =	vpush v10, $0x0;
	_ =	sdelay $0xe  }
0x3a7: {  	s4 =	spop (v2sf)  }
0x3a8: {  	s5 =	sand.u32 $0x1FFFF, s4  }
0x3a9: {  	s5 =	ssub.s32 s5, s31  }
0x3aa: {  	v10 =	vmov s5  }
0x3ab: {  	v11 =	vshll.u32 v10, $0x3  }
0x3ac: {  	v10 =	vand.u32 $0x7F, v10;
	v11 =	vand.u32 $0xFFFFFC00, v11  }
0x3ad: {  	v10 =	vor.u32 v10, v11  }
0x3ae: {  	v11 =	vadd.s32 v3, v10;
	_ =	sdelay $0x4  }
0x3af: {  	v11 =	vld.idx.msk [tilespmem:v11+s13+$0x0], $0xffff  }
0x3b0: {  	v12 =	vadd.s32 v4, v10;
	_ =	sdelay $0x1  }
0x3b1: {  	s30 =	sand.u32 $0x3F, s0  }
0x3b2: {  	s6 =	sshll.u32 s30, $0x6  }
0x3b3: {  	[tilespmem:s6+$0x1B900] =	vst v11  }
0x3b4: {  	v11 =	vld.idx.msk [tilespmem:v12+s13+$0x0], $0xffff  }
0x3b5: {  	v63 =	vadd.s32 v5, v10;
	_ =	sdelay $0x3  }
0x3b6: {  	[tilespmem:s6+$0x1B910] =	vst v11  }
0x3b7: {  	v11 =	vld.idx.msk [tilespmem:v63+s13+$0x0], $0xffff  }
0x3b8: {  	v10 =	vadd.s32 v6, v10;
	_ =	sdelay $0x3  }
0x3b9: {  	[tilespmem:s6+$0x1B920] =	vst v11  }
0x3ba: {  	v10 =	vld.idx.msk [tilespmem:v10+s13+$0x0], $0xffff  }
0x3bb: {  	s4 =	sshrl.u32 s4, $0xB  }
0x3bc: {  	p0 =	sne.s32 s30, $0x3F;
	s4 =	sand.u32 $0x1FFFC0, s4  }
.Ltmp103:
0x3bd: {  	s4 =	sadd.s32 s24, s4;
	(pc) =	sbr.rel @p0 .LBB2_143-.Ltmp103, $4  }
0x3be: {  	s4 =	sshrl.u32 s4, $0x3  }
0x3bf: {  	s7 =	sadd.s32 $0x1B900, s6;
	s4 =	sadd.s32 s2, s4;
	[tilespmem:s6+$0x1B930] =	vst v10  }
0x3c0: {  	[hbm4b:s4+s3] =	stream.linear.scatter [tilespmem:s7], [sflag:$0x4], $0x40, $0x38;
	[tilespmem:$0x1C900] =	vst v63  }
0x3c1: {  	s4 =	simm.s32 $0x40  }
0x3c2: {  	_ =	swait.ge [sflag:s16], $0x40  }
0x3c3: {  	s4 =	sadd.s32 $0xFFFFFFFF, s4;
	[sflag:s16] =	ssyncset.done $0x0  }
.LBB2_141:
0x3c4: {  	p0 =	sne.s32 s4, $0x1;
	s4 =	sadd.s32 $0xFFFFFFFF, s4;
	[sflag:s16] =	ssyncadd.s32 $0xFFFFFFC0  }
.Ltmp104:
0x3c5: {  	(pc) =	sbr.rel @p0 .LBB2_141-.Ltmp104, $3  }
0x3c6: {  	_ =	sdelay $0x1  }
0x3c7: {  	_ =	swait.ge [sflag:s16], $0x40  }
0x3c8: {  	[sflag:s16] =	ssyncset.done $0x0  }
.Ltmp105:
0x3c9: {  	_ = 	snop;
	(pc) =	sbr.rel .LBB2_142-.Ltmp105, $1  }
0x3ca: {  	_ =	sdelay $0x3  }
.LBB2_144:
0x3cb: {  	s0 =	sshra.s32 s1, $0x1F  }
0x3cc: {  	s0 =	sshrl.u32 s0, $0x1A  }
0x3cd: {  	s0 =	sadd.s32 s0, s1  }
0x3ce: {  	s0 =	sand.u32 $0xFFFFFFC0, s0  }
0x3cf: {  	s0 =	ssub.s32 s1, s0  }
0x3d0: {  	p0 =	slt.s32 s0, $0x1  }
.Ltmp106:
0x3d1: {  	_ = 	snop;
	(pc) =	sbr.rel @p0 .LBB2_148-.Ltmp106, $1  }
0x3d2: {  	_ =	sdelay $0x3  }
0x3d3: {  	p0 =	sne.s32 s0, $0x1  }
.Ltmp107:
0x3d4: {  	_ = 	snop;
	(pc) =	sbr.rel @!p0 .LBB2_147-.Ltmp107, $3  }
0x3d5: {  	_ =	sdelay $0x1  }
0x3d6: {  	_ =	swait.ge [sflag:s16], $0x40  }
0x3d7: {  	s0 =	sadd.s32 $0xFFFFFFFF, s0;
	[sflag:s16] =	ssyncset.done $0x0  }
.LBB2_146:
0x3d8: {  	p0 =	sne.s32 s0, $0x1;
	s0 =	sadd.s32 $0xFFFFFFFF, s0;
	[sflag:s16] =	ssyncadd.s32 $0xFFFFFFC0  }
.Ltmp108:
0x3d9: {  	(pc) =	sbr.rel @p0 .LBB2_146-.Ltmp108, $3  }
0x3da: {  	_ =	sdelay $0x1  }
0x3db: {  	_ =	swait.ge [sflag:s16], $0x40  }
0x3dc: {  	[sflag:s16] =	ssyncset.done $0x0  }
.LBB2_147:
0x3dd: {  	[sflag:s16] =	ssyncadd.s32 $0xFFFFFFC0  }
.LBB2_148:
0x3de: {  	p0 =	sne.s32 s23, $0x18;
	s1 =	rddreg [dreg:$0x6]  }
0x3df: {  	s0 =	sshll.u32 @!p0 s22, $0x8;
	s4 =	simm.s32 @!p0 $0x19000;
	p1 =	sgt.s32 @!p0 s26, $0xF  }
0x3e0: {  	s0 =	sadd.s32 @!p0 s1, s0;
	s1 =	simm.s32 @!p0 $0x0;
	p1 =	por p0, !p1  }
0x3e1: {  	[tilespmem:s4], [sflag:$0x5] =	stream.linear.gather @!p0 [hbm4b:s0+s1], $0x800, $0x38;
	[tilespmem:$0x1C900] =	vst v63  }
.Ltmp109:
0x3e2: {  	_ = 	snop;
	(pc) =	sbr.rel @p1 .LBB2_164-.Ltmp109, $4  }
0x3e3: {  	s0 =	simm.s32 @!p0 $0x5  }
0x3e4: {  	_ =	swait.ge @!p0 [sflag:s0], $0x800  }
0x3e5: {  	[sflag:s0] =	ssyncset.done @!p0 $0x0  }
0x3e6: {  	[sflag:s0] =	ssyncadd.s32 @!p0 $0xFFFFF800;
	s0 =	simm.s32 @!p0 $0x19800  }
0x3e7: {  	p1 =	seq.s32 s25, $0x1  }
.Ltmp110:
0x3e8: {  	_ = 	snop;
	(pc) =	sbr.rel @p1 .LBB2_150-.Ltmp110, $2  }
0x3e9: {  	_ =	sdelay $0x2  }
0x3ea: {  	v10 =	vld [tilespmem:s0+$0x0];
	s4 =	sadd.s32 $0xFFFFFFFF, s25;
	p0 =	por $0x0, $0x0  }
0x3eb: {  	_ =	sdelay $0x3  }
0x3ec: {  	v11 =	vand.u32 $0x1FFE0, v10  }
0x3ed: {  	vm0 =	veq.s32 v11, $0x18680  }
0x3ee: {  	v11 =	vmpcnt.ones.xlane vm0;
	_ =	sdelay $0x1  }
0x3ef: {  	(v2sf) =	vpush v11, $0x0;
	_ =	sdelay $0x1  }
0x3f0: {  	p1 =	seq.s32 s4, $0x1  }
.Ltmp111:
0x3f1: {  	_ = 	snop;
	(pc) =	sbr.rel @p1 .LBB2_152-.Ltmp111, $3  }
0x3f2: {  	_ =	sdelay $0x1  }
0x3f3: {  	s5 =	sadd.s32 $0x10, s0;
	[tilespmem:s1+$0x1A880] =	vst.msk vm0, v10  }
0x3f4: {  	s9 =	sadd.s32 $0xFFFFFFFF, s4;
	p0 =	por $0x1, $0x1;
	s0 =	smov.u32 s1;
	v10 =	vld [tilespmem:s5+$0x0]  }
.LBB2_153:
0x3f5: {  	p1 =	seq.s32 s9, $0x1;
	_ =	sdelay $0x3  }
0x3f6: {  	v11 =	vand.u32 $0x1FFE0, v10  }
0x3f7: {  	vm0 =	veq.s32 v11, $0x18680  }
0x3f8: {  	v11 =	vmpcnt.ones.xlane vm0  }
0x3f9: {  	s4 =	spop (v2sf)  }
0x3fa: {  	(v2sf) =	vpush v11, $0x0;
	s0 =	sadd.s32 s0, s4  }
0x3fb: {  	[tilespmem:s0+$0x1A880] =	vst.msk vm0, v10;
	_ =	sdelay $0x1  }
.Ltmp112:
0x3fc: {  	(pc) =	sbr.rel @!p1 .LBB2_153-.Ltmp112, $3  }
0x3fd: {  	_ =	sdelay $0x1  }
0x3fe: {  	s5 =	sadd.s32 $0x10, s5  }
0x3ff: {  	s9 =	sadd.s32 $0xFFFFFFFF, s9;
	v10 =	vld [tilespmem:s5+$0x0]  }
.LBB2_154:
0x400: {  	_ =	sdelay $0x3  }
0x401: {  	v11 =	vand.u32 $0x1FFE0, v10  }
0x402: {  	vm0 =	veq.s32 v11, $0x18680  }
0x403: {  	v11 =	vmpcnt.ones.xlane vm0;
	_ =	sdelay $0x1  }
0x404: {  	(v2sf) =	vpush v11, $0x0;
	_ =	sdelay $0xc  }
0x405: {  	s4 =	spop @p0 (v2sf)  }
0x406: {  	s0 =	sadd.s32 @p0 s0, s4  }
0x407: {  	s1 =	smov.u32 @p0 s0;
	s31 =	spop (v2sf)  }
0x408: {  	[tilespmem:s1+$0x1A880] =	vst.msk vm0, v10;
	s1 =	sadd.s32 s1, s31  }
0x409: {  	p0 =	sgt.s32 s1, $0x0  }
.Ltmp113:
0x40a: {  	_ = 	snop;
	(pc) =	sbr.rel @p0 .LBB2_155-.Ltmp113, $2  }
0x40b: {  	_ =	sdelay $0x2  }
0x40c: {  	s0 =	simm.s32 $0x0  }
.LBB2_160:
0x40d: {  	s0 =	sshra.s32 s1, $0x1F  }
0x40e: {  	s0 =	sshrl.u32 s0, $0x1A  }
0x40f: {  	s0 =	sadd.s32 s0, s1  }
0x410: {  	s0 =	sand.u32 $0xFFFFFFC0, s0  }
0x411: {  	s0 =	ssub.s32 s1, s0  }
0x412: {  	p0 =	slt.s32 s0, $0x1  }
.Ltmp114:
0x413: {  	_ = 	snop;
	(pc) =	sbr.rel @p0 .LBB2_164-.Ltmp114, $1  }
0x414: {  	_ =	sdelay $0x3  }
0x415: {  	p0 =	sne.s32 s0, $0x1  }
.Ltmp115:
0x416: {  	_ = 	snop;
	(pc) =	sbr.rel @!p0 .LBB2_163-.Ltmp115, $3  }
0x417: {  	_ =	sdelay $0x1  }
0x418: {  	_ =	swait.ge [sflag:s16], $0x40  }
0x419: {  	s0 =	sadd.s32 $0xFFFFFFFF, s0;
	[sflag:s16] =	ssyncset.done $0x0  }
.LBB2_162:
0x41a: {  	p0 =	sne.s32 s0, $0x1;
	s0 =	sadd.s32 $0xFFFFFFFF, s0;
	[sflag:s16] =	ssyncadd.s32 $0xFFFFFFC0  }
.Ltmp116:
0x41b: {  	(pc) =	sbr.rel @p0 .LBB2_162-.Ltmp116, $3  }
0x41c: {  	_ =	sdelay $0x1  }
0x41d: {  	_ =	swait.ge [sflag:s16], $0x40  }
0x41e: {  	[sflag:s16] =	ssyncset.done $0x0  }
.Ltmp117:
0x41f: {  	_ = 	snop;
	(pc) =	sbr.rel .LBB2_163-.Ltmp117, $1  }
0x420: {  	_ =	sdelay $0x3  }
.LBB2_158:
0x421: {  	[sflag:s16] =	ssyncadd.s32 $0xFFFFFFC0  }
.LBB2_159:
0x422: {  	s0 =	sadd.s32 $0x1, s0  }
0x423: {  	p0 =	sne.s32 s0, s1  }
.Ltmp118:
0x424: {  	_ = 	snop;
	(pc) =	sbr.rel @!p0 .LBB2_160-.Ltmp118, $1  }
0x425: {  	_ =	sdelay $0x3  }
.LBB2_155:
0x426: {  	v10 =	vld [tilespmem:s0+$0x1A880];
	_ =	sdelay $0x4  }
0x427: {  	(v2sf) =	vpush v10, $0x0;
	_ =	sdelay $0xe  }
0x428: {  	s4 =	spop (v2sf)  }
0x429: {  	s5 =	sshll.u32 s4, $0x6  }
0x42a: {  	s5 =	sand.u32 $0x7FFFC0, s5  }
0x42b: {  	s5 =	sadd.s32 $0xFF9E6000, s5  }
0x42c: {  	v10 =	vor.u32 s5, v0;
	_ =	sdelay $0x4  }
0x42d: {  	v10 =	vld.idx.msk [tilespmem:v10+s19+$0x0], $0xffff  }
0x42e: {  	v11 =	vor.u32 s5, v7;
	_ =	sdelay $0x1  }
0x42f: {  	s6 =	sand.u32 $0x3F, s0  }
0x430: {  	s7 =	sshll.u32 s6, $0x6  }
0x431: {  	[tilespmem:s7+$0x1B900] =	vst v10  }
0x432: {  	v10 =	vld.idx.msk [tilespmem:v11+s19+$0x0], $0xffff  }
0x433: {  	v11 =	vor.u32 s5, v8;
	_ =	sdelay $0x3  }
0x434: {  	[tilespmem:s7+$0x1B910] =	vst v10  }
0x435: {  	v10 =	vld.idx.msk [tilespmem:v11+s19+$0x0], $0xffff  }
0x436: {  	v11 =	vor.u32 s5, v9;
	_ =	sdelay $0x3  }
0x437: {  	[tilespmem:s7+$0x1B920] =	vst v10  }
0x438: {  	v10 =	vld.idx.msk [tilespmem:v11+s19+$0x0], $0xffff  }
0x439: {  	s4 =	sshrl.u32 s4, $0xB  }
0x43a: {  	p0 =	sne.s32 s6, $0x3F;
	s4 =	sand.u32 $0x1FFFC0, s4  }
.Ltmp119:
0x43b: {  	s4 =	sadd.s32 s24, s4;
	(pc) =	sbr.rel @p0 .LBB2_159-.Ltmp119, $4  }
0x43c: {  	s4 =	sshrl.u32 s4, $0x3  }
0x43d: {  	s31 =	sadd.s32 $0x1B900, s7;
	s4 =	sadd.s32 s2, s4;
	[tilespmem:s7+$0x1B930] =	vst v10  }
0x43e: {  	[hbm4b:s4+s3] =	stream.linear.scatter [tilespmem:s31], [sflag:$0x4], $0x40, $0x38;
	[tilespmem:$0x1C900] =	vst v63  }
0x43f: {  	s4 =	simm.s32 $0x40  }
0x440: {  	_ =	swait.ge [sflag:s16], $0x40  }
0x441: {  	s4 =	sadd.s32 $0xFFFFFFFF, s4;
	[sflag:s16] =	ssyncset.done $0x0  }
.LBB2_157:
0x442: {  	p0 =	sne.s32 s4, $0x1;
	s4 =	sadd.s32 $0xFFFFFFFF, s4;
	[sflag:s16] =	ssyncadd.s32 $0xFFFFFFC0  }
.Ltmp120:
0x443: {  	(pc) =	sbr.rel @p0 .LBB2_157-.Ltmp120, $3  }
0x444: {  	_ =	sdelay $0x1  }
0x445: {  	_ =	swait.ge [sflag:s16], $0x40  }
0x446: {  	[sflag:s16] =	ssyncset.done $0x0  }
.Ltmp121:
0x447: {  	_ = 	snop;
	(pc) =	sbr.rel .LBB2_158-.Ltmp121, $1  }
0x448: {  	_ =	sdelay $0x3  }
.LBB2_7:
.Ltmp122:
0x449: {  	(pc) =	sbr.rel .LBB2_11-.Ltmp122, $2  }
0x44a: {  	_ =	sdelay $0x2  }
0x44b: {  	s0 =	simm.s32 $0x0  }
.LBB2_24:
.Ltmp123:
0x44c: {  	(pc) =	sbr.rel .LBB2_28-.Ltmp123, $2  }
0x44d: {  	_ =	sdelay $0x2  }
0x44e: {  	s0 =	simm.s32 $0x0  }
.LBB2_42:
.Ltmp124:
0x44f: {  	(pc) =	sbr.rel .LBB2_46-.Ltmp124, $2  }
0x450: {  	_ =	sdelay $0x2  }
0x451: {  	s0 =	simm.s32 $0x0  }
.LBB2_60:
.Ltmp125:
0x452: {  	(pc) =	sbr.rel .LBB2_64-.Ltmp125, $2  }
0x453: {  	_ =	sdelay $0x2  }
0x454: {  	s0 =	simm.s32 $0x0  }
.LBB2_78:
.Ltmp126:
0x455: {  	(pc) =	sbr.rel .LBB2_82-.Ltmp126, $2  }
0x456: {  	_ =	sdelay $0x2  }
0x457: {  	s0 =	simm.s32 $0x0  }
.LBB2_96:
.Ltmp127:
0x458: {  	(pc) =	sbr.rel .LBB2_100-.Ltmp127, $2  }
0x459: {  	_ =	sdelay $0x2  }
0x45a: {  	s0 =	simm.s32 $0x0  }
.LBB2_114:
.Ltmp128:
0x45b: {  	(pc) =	sbr.rel .LBB2_118-.Ltmp128, $2  }
0x45c: {  	_ =	sdelay $0x2  }
0x45d: {  	s0 =	simm.s32 $0x0  }
.LBB2_132:
.Ltmp129:
0x45e: {  	(pc) =	sbr.rel .LBB2_136-.Ltmp129, $2  }
0x45f: {  	_ =	sdelay $0x2  }
0x460: {  	s0 =	simm.s32 $0x0  }
.LBB2_150:
.Ltmp130:
0x461: {  	(pc) =	sbr.rel .LBB2_154-.Ltmp130, $2  }
0x462: {  	_ =	sdelay $0x2  }
0x463: {  	s0 =	smov.u32 s1  }
.LBB2_9:
.Ltmp131:
0x464: {  	(pc) =	sbr.rel .LBB2_11-.Ltmp131, $2  }
0x465: {  	_ =	sdelay $0x2  }
0x466: {  	s0 =	simm.s32 $0x0  }
.LBB2_26:
.Ltmp132:
0x467: {  	(pc) =	sbr.rel .LBB2_28-.Ltmp132, $2  }
0x468: {  	_ =	sdelay $0x2  }
0x469: {  	s0 =	simm.s32 $0x0  }
.LBB2_44:
.Ltmp133:
0x46a: {  	(pc) =	sbr.rel .LBB2_46-.Ltmp133, $2  }
0x46b: {  	_ =	sdelay $0x2  }
0x46c: {  	s0 =	simm.s32 $0x0  }
.LBB2_62:
.Ltmp134:
0x46d: {  	(pc) =	sbr.rel .LBB2_64-.Ltmp134, $2  }
0x46e: {  	_ =	sdelay $0x2  }
0x46f: {  	s0 =	simm.s32 $0x0  }
.LBB2_80:
.Ltmp135:
0x470: {  	(pc) =	sbr.rel .LBB2_82-.Ltmp135, $2  }
0x471: {  	_ =	sdelay $0x2  }
0x472: {  	s0 =	simm.s32 $0x0  }
.LBB2_98:
.Ltmp136:
0x473: {  	(pc) =	sbr.rel .LBB2_100-.Ltmp136, $2  }
0x474: {  	_ =	sdelay $0x2  }
0x475: {  	s0 =	simm.s32 $0x0  }
.LBB2_116:
.Ltmp137:
0x476: {  	(pc) =	sbr.rel .LBB2_118-.Ltmp137, $2  }
0x477: {  	_ =	sdelay $0x2  }
0x478: {  	s0 =	simm.s32 $0x0  }
.LBB2_134:
.Ltmp138:
0x479: {  	(pc) =	sbr.rel .LBB2_136-.Ltmp138, $2  }
0x47a: {  	_ =	sdelay $0x2  }
0x47b: {  	s0 =	simm.s32 $0x0  }
.LBB2_152:
.Ltmp139:
0x47c: {  	(pc) =	sbr.rel .LBB2_154-.Ltmp139, $2  }
0x47d: {  	_ =	sdelay $0x2  }
0x47e: {  	s0 =	smov.u32 s1  }
.LBB2_166:
0x47f: {  	_ =	sfence.sel $0x180000  }
0x480: {  	[bflag:$0x0] =	sbarrier.arrive $0xFFFF  }
0x481: {  	_ =	strace $0x90000047  }
0x482: {  	s0 =	stileid.u32;
	[bflag:$0x2] =	sbarrier.arrive $0xFFFF  }
0x483: {  	p0 =	sne.s32 s0, $0x0;
	s0 =	rddreg [dreg:$0x3]  }
0x484: {  	s0 =	sadd.s32 @!p0 $0x100000, s0  }
0x485: {  	[sflag:s0] =	ssyncadd.tile.s32 @!p0 $0x1;
	_ =	shalt  }
.Lfunc_end2:
_tile_overlayer_lowered:
.L_overlay_start_2:
0x486: {  	(tag) =	ssettag $0x2  }
0x487: {  	s0 =	rddreg [dreg:$0x0];
	s2 =	stileid.u32  }
0x488: {  	s1 =	rddreg [dreg:$0x1];
	p0 =	sne.s32 s2, $0x0  }
0x489: {  	s3 =	rddreg [dreg:$0x2];
	[bflag:$0x3] =	sbarrier.arrive $0xFFFF;
	s2 =	simm.s32 @!p0 $0x1C05  }
0x48a: {  	[timem:s3], [sflag:s2] =	dma.local @!p0 [hbm:s0], s1  }
0x48b: {  	s0 =	simm.s32 @!p0 $0x5  }
0x48c: {  	_ =	swait.ge @!p0 [sflag:s0], s1  }
0x48d: {  	s1 =	ssub.s32 @!p0 $0x0, s1;
	[sflag:s0] =	ssyncset.done @!p0 $0x0  }
0x48e: {  	[sflag:s0] =	ssyncadd.s32 @!p0 s1  }
0x48f: {  	[bflag:$0x3] =	sbarrier.arrive $0xFFFF  }
0x490: {  	_ =	shalt  }

</sc_bundles>
